<compile_context>
chip_gen: v7x
topology: tpu7x:2x2x1
jax: 0.10.2.dev20260603
libtpu: 0.0.44.dev20260713+nightly
codegen_flags: <defaults>
</compile_context>

<pallas_src>
import functools

import jax
import jax.numpy as jnp
from jax import lax
from jax.experimental import pallas as pl
from jax.experimental.pallas import tpu as pltpu
from jax.experimental.pallas import tpu_sc as plsc

H = 128
NC = 2
NS = 16
NW = NC * NS
EPS = 1e-5


def _ln(t, g, b):
    m = jnp.mean(t, axis=-1, keepdims=True)
    v = jnp.mean((t - m) * (t - m), axis=-1, keepdims=True)
    return (t - m) * lax.rsqrt(v + EPS) * g + b



def _full(block):
    return pl.BlockSpec(block, lambda i: tuple(0 for _ in block))


def _enc_body(x_ref, w1_ref, b1_ref, w2_ref, b2_ref, g_ref, bb_ref, o_ref):
    r = jnp.maximum(
        jnp.dot(x_ref[...], w1_ref[...], preferred_element_type=jnp.float32)
        + b1_ref[...], 0.0)
    t = jnp.dot(r, w2_ref[...], preferred_element_type=jnp.float32) + b2_ref[...]
    o_ref[...] = _ln(t, g_ref[...], bb_ref[...])


def _encoder(xin, W1, b1, W2, b2, g, bb, R):
    M, K = xin.shape
    return pl.pallas_call(
        _enc_body,
        grid=(M // R,),
        in_specs=[
            pl.BlockSpec((R, K), lambda i: (i, 0)),
            _full((K, H)), _full((1, H)), _full((H, H)), _full((1, H)),
            _full((1, H)), _full((1, H)),
        ],
        out_specs=pl.BlockSpec((R, H), lambda i: (i, 0)),
        out_shape=jax.ShapeDtypeStruct((M, H), jnp.float32),
    )(xin, W1, b1.reshape(1, H), W2, b2.reshape(1, H),
      g.reshape(1, H), bb.reshape(1, H))


def _proj_body(h_ref, ws_ref, wd_ref, p_ref, q_ref):
    h = h_ref[...]
    p_ref[...] = jnp.dot(h, ws_ref[...], preferred_element_type=jnp.float32)
    q_ref[...] = jnp.dot(h, wd_ref[...], preferred_element_type=jnp.float32)


def _proj(h, Ws, Wd, R):
    N = h.shape[0]
    return pl.pallas_call(
        _proj_body,
        grid=(N // R,),
        in_specs=[
            pl.BlockSpec((R, H), lambda i: (i, 0)),
            _full((H, H)), _full((H, H)),
        ],
        out_specs=[
            pl.BlockSpec((R, H), lambda i: (i, 0)),
            pl.BlockSpec((R, H), lambda i: (i, 0)),
        ],
        out_shape=[
            jax.ShapeDtypeStruct((N, H), jnp.float32),
            jax.ShapeDtypeStruct((N, H), jnp.float32),
        ],
    )(h, Ws, Wd)


def _edge_body(e_ref, gs_ref, w1_ref, b1_ref, w2_ref, b2_ref, g_ref, bb_ref,
               o_ref):
    e = e_ref[...]
    r = jnp.maximum(
        jnp.dot(e, w1_ref[...], preferred_element_type=jnp.float32)
        + gs_ref[...] + b1_ref[...], 0.0)
    t = jnp.dot(r, w2_ref[...], preferred_element_type=jnp.float32) + b2_ref[...]
    o_ref[...] = e + _ln(t, g_ref[...], bb_ref[...])


def _edge_update(e, gsum, W1e, b1, W2, b2, g, bb, R):
    E = e.shape[0]
    return pl.pallas_call(
        _edge_body,
        grid=(E // R,),
        in_specs=[
            pl.BlockSpec((R, H), lambda i: (i, 0)),
            pl.BlockSpec((R, H), lambda i: (i, 0)),
            _full((H, H)), _full((1, H)), _full((H, H)), _full((1, H)),
            _full((1, H)), _full((1, H)),
        ],
        out_specs=pl.BlockSpec((R, H), lambda i: (i, 0)),
        out_shape=jax.ShapeDtypeStruct((E, H), jnp.float32),
    )(e, gsum, W1e, b1.reshape(1, H), W2, b2.reshape(1, H),
      g.reshape(1, H), bb.reshape(1, H))


def _node_body(h_ref, a0_ref, a1_ref, wh_ref, wa_ref, b1_ref, w2_ref, b2_ref,
               g_ref, bb_ref, o_ref):
    h = h_ref[...]
    agg = a0_ref[...] + a1_ref[...]
    pre = (jnp.dot(h, wh_ref[...], preferred_element_type=jnp.float32)
           + jnp.dot(agg, wa_ref[...], preferred_element_type=jnp.float32)
           + b1_ref[...])
    r = jnp.maximum(pre, 0.0)
    t = jnp.dot(r, w2_ref[...], preferred_element_type=jnp.float32) + b2_ref[...]
    o_ref[...] = h + _ln(t, g_ref[...], bb_ref[...])


def _node_update(h, agg2, Wh, Wa, b1, W2, b2, g, bb, R):
    N = h.shape[0]
    nt = N // R
    return pl.pallas_call(
        _node_body,
        grid=(nt,),
        in_specs=[
            pl.BlockSpec((R, H), lambda i: (i, 0)),
            pl.BlockSpec((R, H), lambda i: (i, 0)),
            pl.BlockSpec((R, H), lambda i: (i + nt, 0)),
            _full((H, H)), _full((H, H)), _full((1, H)), _full((H, H)),
            _full((1, H)), _full((1, H)), _full((1, H)),
        ],
        out_specs=pl.BlockSpec((R, H), lambda i: (i, 0)),
        out_shape=jax.ShapeDtypeStruct((N, H), jnp.float32),
    )(h, agg2, agg2, Wh, Wa, b1.reshape(1, H), W2, b2.reshape(1, H),
      g.reshape(1, H), bb.reshape(1, H))


def _dec_body(h_ref, w1_ref, b1_ref, w2_ref, b2_ref, xr_ref, o_ref):
    r = jnp.maximum(
        jnp.dot(h_ref[...], w1_ref[...], preferred_element_type=jnp.float32)
        + b1_ref[...], 0.0)
    t = jnp.dot(r, w2_ref[...], preferred_element_type=jnp.float32) + b2_ref[...]
    o_ref[...] = t + xr_ref[...]


def _decoder(h, W1, b1, W2p, b2p, xres, R):
    N = h.shape[0]
    return pl.pallas_call(
        _dec_body,
        grid=(N // R,),
        in_specs=[
            pl.BlockSpec((R, H), lambda i: (i, 0)),
            _full((H, H)), _full((1, H)), _full((H, H)), _full((1, H)),
            pl.BlockSpec((R, H), lambda i: (i, 0)),
        ],
        out_specs=pl.BlockSpec((R, H), lambda i: (i, 0)),
        out_shape=jax.ShapeDtypeStruct((N, H), jnp.float32),
    )(h, W1, b1.reshape(1, H), W2p, b2p.reshape(1, H), xres)



_C = 128


def _sc_gather(p, q, src, dst):
    E = src.shape[0]
    per = E // NW
    nch = per // _C
    tail = per - nch * _C
    mesh = plsc.VectorSubcoreMesh(core_axis_name="c", subcore_axis_name="s")

    @functools.partial(
        pl.kernel,
        out_type=jax.ShapeDtypeStruct((E, H), jnp.float32),
        mesh=mesh,
        scratch_types=[
            pltpu.VMEM((_C,), jnp.int32),
            pltpu.VMEM((_C,), jnp.int32),
            pltpu.VMEM((_C, H), jnp.float32),
            pltpu.VMEM((16,), jnp.int32),
            pltpu.VMEM((16,), jnp.int32),
            pltpu.VMEM((16, H), jnp.float32),
            pltpu.SemaphoreType.DMA,
        ],
    )
    def k(p_hbm, q_hbm, src_hbm, dst_hbm, out_hbm,
          idx_s, idx_d, rows, idx_st, idx_dt, rows_t, sem):
        wid = lax.axis_index("s") * NC + lax.axis_index("c")
        base = wid * per

        def body(i, carry):
            off = base + i * _C
            pltpu.sync_copy(src_hbm.at[pl.ds(off, _C)], idx_s)
            pltpu.sync_copy(dst_hbm.at[pl.ds(off, _C)], idx_d)
            pltpu.async_copy(p_hbm.at[idx_s], rows, sem).wait()
            pltpu.async_copy(q_hbm.at[idx_d], rows, sem, add=True).wait()
            pltpu.sync_copy(rows, out_hbm.at[pl.ds(off, _C)])
            return carry

        lax.fori_loop(0, nch, body, 0)
        if tail:
            off = base + nch * _C
            pltpu.sync_copy(src_hbm.at[pl.ds(off, tail)], idx_st)
            pltpu.sync_copy(dst_hbm.at[pl.ds(off, tail)], idx_dt)
            pltpu.async_copy(p_hbm.at[idx_st], rows_t, sem).wait()
            pltpu.async_copy(q_hbm.at[idx_dt], rows_t, sem, add=True).wait()
            pltpu.sync_copy(rows_t, out_hbm.at[pl.ds(off, tail)])

    return k(p, q, src, dst)


def _sc_scatter(e, dst, zeros_nh):
    E, _ = e.shape
    N = zeros_nh.shape[0]
    per = E // NW
    nch = per // _C
    tail = per - nch * _C
    stripe = (N // NS) // 8 * 8
    srem = N - stripe * NS
    mesh = plsc.VectorSubcoreMesh(core_axis_name="c", subcore_axis_name="s")

    @functools.partial(
        pl.kernel,
        out_type=jax.ShapeDtypeStruct((2 * N, H), jnp.float32),
        mesh=mesh,
        scratch_types=[
            pltpu.VMEM((_C,), jnp.int32),
            pltpu.VMEM((_C, H), jnp.float32),
            pltpu.VMEM((16,), jnp.int32),
            pltpu.VMEM((16, H), jnp.float32),
            pltpu.VMEM_SHARED((N, H), jnp.float32),
        ],
    )
    def k(e_hbm, dst_hbm, z_hbm, out_hbm, idx_d, rows, idx_t, rows_t, acc):
        cid = lax.axis_index("c")
        sid = lax.axis_index("s")
        wid = sid * NC + cid
        base = wid * per
        pltpu.sync_copy(z_hbm.at[pl.ds(sid * stripe, stripe)],
                        acc.at[pl.ds(sid * stripe, stripe)])
        if srem:
            @pl.when(sid == NS - 1)
            def _():
                pltpu.sync_copy(z_hbm.at[pl.ds(NS * stripe, srem)],
                                acc.at[pl.ds(NS * stripe, srem)])
        plsc.subcore_barrier()

        def body(i, carry):
            off = base + i * _C
            pltpu.sync_copy(dst_hbm.at[pl.ds(off, _C)], idx_d)
            pltpu.sync_copy(e_hbm.at[pl.ds(off, _C)], rows)
            pltpu.sync_copy(rows, acc.at[idx_d], add=True)
            return carry

        lax.fori_loop(0, nch, body, 0)
        if tail:
            off = base + nch * _C
            pltpu.sync_copy(dst_hbm.at[pl.ds(off, tail)], idx_t)
            pltpu.sync_copy(e_hbm.at[pl.ds(off, tail)], rows_t)
            pltpu.sync_copy(rows_t, acc.at[idx_t], add=True)
        plsc.subcore_barrier()
        pltpu.sync_copy(acc.at[pl.ds(sid * stripe, stripe)],
                        out_hbm.at[pl.ds(cid * N + sid * stripe, stripe)])
        if srem:
            @pl.when(sid == NS - 1)
            def _():
                pltpu.sync_copy(acc.at[pl.ds(NS * stripe, srem)],
                                out_hbm.at[pl.ds(cid * N + NS * stripe, srem)])

    return k(e, dst, zeros_nh)



def kernel(x, node_type, edge_index, edge_attr, params):
    N = x.shape[0]
    E = edge_attr.shape[0]

    kn = jax.random.key(1)
    k1, k2 = jax.random.split(kn)
    temp_noise = 0.5 + 0.1 * jax.random.normal(k1, (N, 1), dtype=x.dtype)
    volt_noise = 0.1 + 0.05 * jax.random.normal(k2, (N, 1), dtype=x.dtype)
    x = x.at[:, 0:1].add(temp_noise)
    x = x.at[:, 1:2].add(volt_noise)

    oh = jax.nn.one_hot(jnp.reshape(node_type, (-1,)), 3, dtype=x.dtype)
    xin = jnp.concatenate([x, oh, jnp.zeros((N, 1), x.dtype)], axis=-1)

    (We1, be1), (We2, be2) = params['node_enc']
    We1p = jnp.concatenate([We1, jnp.zeros((1, H), We1.dtype)], axis=0)
    g0, bb0 = params['node_enc_ln']
    h = _encoder(xin, We1p, be1, We2, be2, g0, bb0, R=2000)

    (Wa1, ba1), (Wa2, ba2) = params['edge_enc']
    ea = jnp.concatenate([edge_attr, jnp.zeros((E, 4), edge_attr.dtype)],
                         axis=-1)
    Wa1p = jnp.concatenate([Wa1, jnp.zeros((4, H), Wa1.dtype)], axis=0)
    ge, bbe = params['edge_enc_ln']
    e = _encoder(ea, Wa1p, ba1, Wa2, ba2, ge, bbe, R=1000)

    src = edge_index[0]
    dst = edge_index[1]
    zeros_nh = jnp.zeros((N, H), jnp.float32)

    for blk in params['blocks']:
        (W1, b1), (W2, b2) = blk['edge_mlp']
        W1e, W1s, W1d = W1[:H], W1[H:2 * H], W1[2 * H:]
        p, q = _proj(h, W1s, W1d, R=2000)
        gsum = _sc_gather(p, q, src, dst)
        eg, ebb = blk['edge_ln']
        e = _edge_update(e, gsum, W1e, b1, W2, b2, eg, ebb, R=1000)
        agg2 = _sc_scatter(e, dst, zeros_nh)
        (V1, c1), (V2, c2) = blk['node_mlp']
        Vh, Va = V1[:H], V1[H:]
        ng, nbb = blk['node_ln']
        h = _node_update(h, agg2, Vh, Va, c1, V2, c2, ng, nbb, R=2000)

    (D1, d1), (D2, d2) = params['decoder']
    D2p = jnp.concatenate([D2, jnp.zeros((H, H - 2), D2.dtype)], axis=1)
    d2p = jnp.concatenate([d2, jnp.zeros((H - 2,), d2.dtype)])
    xres = jnp.pad(x[:, :2], ((0, 0), (0, H - 2)))
    outf = _decoder(h, D1, d1, D2p, d2p, xres, R=2000)
    return outf[:, :2]

# --- scband reference (transcript-rebuilt; emitter-appended) ---
"""Pipeline reference for scband-simulator-44616120271106 (READ-ONLY COPY).

The authoritative reference and input builder live on the scoring server;
editing this copy changes nothing except your own understanding.
"""

import jax, jax.numpy as jnp
import numpy as np

HIDDEN = 128
NDIM = 2
MP = 5

def _lin(key, i, o):
    W = jax.random.normal(key, (i, o), dtype=jnp.float32) * (1.0 / np.sqrt(i))
    b = jnp.zeros((o,), dtype=jnp.float32)
    return (W, b)

def _mlp(layers, x):
    n = len(layers)
    for i, (W, b) in enumerate(layers):
        x = x @ W + b
        if i < n - 1:
            x = jax.nn.relu(x)
    return x

def _ln(x, g, b):
    m = jnp.mean(x, axis=-1, keepdims=True)
    v = jnp.var(x, axis=-1, keepdims=True)
    return (x - m) / jnp.sqrt(v + 1e-5) * g + b

def _forward(x, edge_attr, params, node_type, edge_index):
    N = x.shape[0]
    kn = jax.random.key(1)
    k1, k2 = jax.random.split(kn)
    temp_noise = 0.5 + 0.1 * jax.random.normal(k1, (N, 1), dtype=x.dtype)
    volt_noise = 0.1 + 0.05 * jax.random.normal(k2, (N, 1), dtype=x.dtype)
    x = x.at[:, 0:1].add(temp_noise)
    x = x.at[:, 1:2].add(volt_noise)
    x_last = x
    oh = jax.nn.one_hot(jnp.reshape(node_type, (-1,)), 3, dtype=x.dtype)
    xin = jnp.concatenate([x, oh], axis=-1)
    h = _ln(_mlp(params['node_enc'], xin), *params['node_enc_ln'])
    e = _ln(_mlp(params['edge_enc'], edge_attr), *params['edge_enc_ln'])
    src = edge_index[0]
    dst = edge_index[1]
    for blk in params['blocks']:
        e_in = jnp.concatenate([e, h[src], h[dst]], axis=-1)
        e = e + _ln(_mlp(blk['edge_mlp'], e_in), *blk['edge_ln'])
        agg = jax.ops.segment_sum(e, dst, num_segments=N)
        n_in = jnp.concatenate([h, agg], axis=-1)
        h = h + _ln(_mlp(blk['node_mlp'], n_in), *blk['node_ln'])
    pred = _mlp(params['decoder'], h)
    return pred[:, :NDIM] + x_last[:, :NDIM]

def setup_inputs(seed: int = 0):
    key = jax.random.key(seed)
    N, E = 10000, 320000
    x = jax.random.normal(jax.random.fold_in(key, 0), (N, 4), dtype=jnp.float32)
    node_type = jax.random.randint(jax.random.fold_in(key, 1), (N, 1), 0, 3, dtype=jnp.int32)
    edge_index = jax.random.randint(jax.random.fold_in(key, 2), (2, E), 0, N, dtype=jnp.int32)
    edge_attr = jax.random.normal(jax.random.fold_in(key, 3), (E, 4), dtype=jnp.float32)
    params = {
        'node_enc': [_lin(jax.random.fold_in(key, 10), 7, HIDDEN), _lin(jax.random.fold_in(key, 11), HIDDEN, HIDDEN)],
        'node_enc_ln': (jnp.ones((HIDDEN,), jnp.float32), jnp.zeros((HIDDEN,), jnp.float32)),
        'edge_enc': [_lin(jax.random.fold_in(key, 12), 4, HIDDEN), _lin(jax.random.fold_in(key, 13), HIDDEN, HIDDEN)],
        'edge_enc_ln': (jnp.ones((HIDDEN,), jnp.float32), jnp.zeros((HIDDEN,), jnp.float32)),
        'decoder': [_lin(jax.random.fold_in(key, 14), HIDDEN, HIDDEN), _lin(jax.random.fold_in(key, 15), HIDDEN, NDIM)],
    }
    blocks = []
    for i in range(MP):
        base = 100 + 10 * i
        blocks.append({
            'edge_mlp': [_lin(jax.random.fold_in(key, base + 0), 3 * HIDDEN, HIDDEN), _lin(jax.random.fold_in(key, base + 1), HIDDEN, HIDDEN)],
            'edge_ln': (jnp.ones((HIDDEN,), jnp.float32), jnp.zeros((HIDDEN,), jnp.float32)),
            'node_mlp': [_lin(jax.random.fold_in(key, base + 2), 2 * HIDDEN, HIDDEN), _lin(jax.random.fold_in(key, base + 3), HIDDEN, HIDDEN)],
            'node_ln': (jnp.ones((HIDDEN,), jnp.float32), jnp.zeros((HIDDEN,), jnp.float32)),
        })
    params['blocks'] = blocks
    return {'x': x, 'node_type': node_type, 'edge_index': edge_index, 'edge_attr': edge_attr, 'params': params}

def reference(x, node_type, edge_index, edge_attr, params):
    return _forward(x, edge_attr, params, node_type, edge_index)

if __name__ == "__main__":
    import jax
    _d = setup_inputs()
    print(jax.jit(kernel)(*tuple(_d.values())))

</pallas_src>

<mosaic_0001>
#map = affine_map<(d0, d1) -> (0, 0)>
#map1 = affine_map<(d0, d1) -> (0)>
module attributes {stable_mosaic.version = 14 : i64} {
  func.func @k(%arg0: i32, %arg1: i32, %arg2: memref<10000x128xf32, #tpu.memory_space<hbm>>, %arg3: memref<10000x128xf32, #tpu.memory_space<hbm>>, %arg4: memref<320000xi32, #tpu.memory_space<hbm>>, %arg5: memref<320000xi32, #tpu.memory_space<hbm>>, %arg6: memref<320000x128xf32, #tpu.memory_space<hbm>>, %arg7: memref<128xi32, #tpu.memory_space<vmem>>, %arg8: memref<128xi32, #tpu.memory_space<vmem>>, %arg9: memref<128x128xf32, #tpu.memory_space<vmem>>, %arg10: memref<16xi32, #tpu.memory_space<vmem>>, %arg11: memref<16xi32, #tpu.memory_space<vmem>>, %arg12: memref<16x128xf32, #tpu.memory_space<vmem>>, %arg13: memref<!tpu.dma_semaphore, #tpu.memory_space<semaphore_mem>>) attributes {dimension_semantics = [#tpu.dimension_semantics<core_parallel>, #tpu.dimension_semantics<subcore_parallel>], iteration_bounds = array<i64: 2, 16>, scalar_prefetch = 0 : i64, scratch_operands = 7 : i64, tpu.core_type = #tpu.core_type<sc_vector_subcore>, window_params = [{transform_indices = #map}, {transform_indices = #map}, {transform_indices = #map1}, {transform_indices = #map1}, {transform_indices = #map}]} {
    %mul3A = arith.constant 2 : i32
    %mul3A_0 = arith.muli %arg1, %mul3A : i32
    %add3A = arith.addi %mul3A_0, %arg0 : i32
    %mul3A_1 = arith.constant 10000 : i32
    %mul3A_2 = arith.muli %add3A, %mul3A_1 : i32
    %scan3A = arith.constant 0 : i32
    %scan3A_3 = arith.constant 0 : i32
    %scan3A_4 = arith.constant 78 : i32
    %scan3A_5 = arith.addi %scan3A_3, %scan3A_4 : i32
    %scan3A_6 = arith.constant 1 : i32
    scf.for %scan3A_20 = %scan3A_3 to %scan3A_5 step %scan3A_6  : i32 {
      %mul3A_21 = arith.constant 128 : i32
      %mul3A_22 = arith.muli %scan3A_20, %mul3A_21 : i32
      %add3A_23 = arith.addi %mul3A_2, %mul3A_22 : i32
      "tpu.region"() ({
        %run_scoped3A = tpu.sem_alloc : memref<!tpu.dma_semaphore, #tpu.memory_space<semaphore_mem>>
        %dma_start3A_36 = tpu.memref_slice %arg4[%add3A_23] : memref<320000xi32, #tpu.memory_space<hbm>> -> memref<128xi32, #tpu.memory_space<hbm>>
        %dma_start3A_37 = tpu.memref_slice %arg4[%add3A_23] : memref<320000xi32, #tpu.memory_space<hbm>> -> memref<128xi32, #tpu.memory_space<hbm>>
        tpu.enqueue_dma source(%dma_start3A_37 : memref<128xi32, #tpu.memory_space<hbm>>) target(%arg7 : memref<128xi32, #tpu.memory_space<vmem>>) target_semaphore(%run_scoped3A : memref<!tpu.dma_semaphore, #tpu.memory_space<semaphore_mem>>)
        %dma_wait3A_38 = tpu.memref_slice %arg4[%add3A_23] : memref<320000xi32, #tpu.memory_space<hbm>> -> memref<128xi32, #tpu.memory_space<hbm>>
        %dma_wait3A_39 = tpu.memref_slice %arg4[%add3A_23] : memref<320000xi32, #tpu.memory_space<hbm>> -> memref<128xi32, #tpu.memory_space<hbm>>
        tpu.wait_dma2 semaphore(%run_scoped3A : memref<!tpu.dma_semaphore, #tpu.memory_space<semaphore_mem>>) src(%dma_wait3A_39 : memref<128xi32, #tpu.memory_space<hbm>>) dst(%arg7 : memref<128xi32, #tpu.memory_space<vmem>>)
        tpu.yield
      }) : () -> ()
      "tpu.region"() ({
        %run_scoped3A = tpu.sem_alloc : memref<!tpu.dma_semaphore, #tpu.memory_space<semaphore_mem>>
        %dma_start3A_36 = tpu.memref_slice %arg5[%add3A_23] : memref<320000xi32, #tpu.memory_space<hbm>> -> memref<128xi32, #tpu.memory_space<hbm>>
        %dma_start3A_37 = tpu.memref_slice %arg5[%add3A_23] : memref<320000xi32, #tpu.memory_space<hbm>> -> memref<128xi32, #tpu.memory_space<hbm>>
        tpu.enqueue_dma source(%dma_start3A_37 : memref<128xi32, #tpu.memory_space<hbm>>) target(%arg8 : memref<128xi32, #tpu.memory_space<vmem>>) target_semaphore(%run_scoped3A : memref<!tpu.dma_semaphore, #tpu.memory_space<semaphore_mem>>)
        %dma_wait3A_38 = tpu.memref_slice %arg5[%add3A_23] : memref<320000xi32, #tpu.memory_space<hbm>> -> memref<128xi32, #tpu.memory_space<hbm>>
        %dma_wait3A_39 = tpu.memref_slice %arg5[%add3A_23] : memref<320000xi32, #tpu.memory_space<hbm>> -> memref<128xi32, #tpu.memory_space<hbm>>
        tpu.wait_dma2 semaphore(%run_scoped3A : memref<!tpu.dma_semaphore, #tpu.memory_space<semaphore_mem>>) src(%dma_wait3A_39 : memref<128xi32, #tpu.memory_space<hbm>>) dst(%arg8 : memref<128xi32, #tpu.memory_space<vmem>>)
        tpu.yield
      }) : () -> ()
      %dma_start3A_24 = arith.constant 0 : i32
      %dma_start3A_25 = arith.constant 0 : i32
      %dma_start3A_26 = tpu.memref_slice %arg2[%dma_start3A_24, %dma_start3A_25] : memref<10000x128xf32, #tpu.memory_space<hbm>> -> memref<10000x128xf32, #tpu.memory_space<hbm>>
      tpu.enqueue_indirect_dma source(%dma_start3A_26 : memref<10000x128xf32, #tpu.memory_space<hbm>>) target(%arg9 : memref<128x128xf32, #tpu.memory_space<vmem>>) offsets(%arg7 : memref<128xi32, #tpu.memory_space<vmem>>) semaphore(%arg13 : memref<!tpu.dma_semaphore, #tpu.memory_space<semaphore_mem>>)
      %dma_wait3A_27 = arith.constant 0 : i32
      %dma_wait3A_28 = arith.constant 0 : i32
      %dma_wait3A_29 = tpu.memref_slice %arg2[%dma_wait3A_27, %dma_wait3A_28] : memref<10000x128xf32, #tpu.memory_space<hbm>> -> memref<10000x128xf32, #tpu.memory_space<hbm>>
      tpu.wait_indirect_dma semaphore(%arg13 : memref<!tpu.dma_semaphore, #tpu.memory_space<semaphore_mem>>) src(%dma_wait3A_29 : memref<10000x128xf32, #tpu.memory_space<hbm>>) dst(%arg9 : memref<128x128xf32, #tpu.memory_space<vmem>>)
      %dma_start3A_30 = arith.constant 0 : i32
      %dma_start3A_31 = arith.constant 0 : i32
      %dma_start3A_32 = tpu.memref_slice %arg3[%dma_start3A_30, %dma_start3A_31] : memref<10000x128xf32, #tpu.memory_space<hbm>> -> memref<10000x128xf32, #tpu.memory_space<hbm>>
      tpu.enqueue_indirect_dma source(%dma_start3A_32 : memref<10000x128xf32, #tpu.memory_space<hbm>>) target(%arg9 : memref<128x128xf32, #tpu.memory_space<vmem>>) offsets(%arg8 : memref<128xi32, #tpu.memory_space<vmem>>) semaphore(%arg13 : memref<!tpu.dma_semaphore, #tpu.memory_space<semaphore_mem>>) {add = true}
      %dma_wait3A_33 = arith.constant 0 : i32
      %dma_wait3A_34 = arith.constant 0 : i32
      %dma_wait3A_35 = tpu.memref_slice %arg3[%dma_wait3A_33, %dma_wait3A_34] : memref<10000x128xf32, #tpu.memory_space<hbm>> -> memref<10000x128xf32, #tpu.memory_space<hbm>>
      tpu.wait_indirect_dma semaphore(%arg13 : memref<!tpu.dma_semaphore, #tpu.memory_space<semaphore_mem>>) src(%dma_wait3A_35 : memref<10000x128xf32, #tpu.memory_space<hbm>>) dst(%arg9 : memref<128x128xf32, #tpu.memory_space<vmem>>)
      "tpu.region"() ({
        %run_scoped3A = tpu.sem_alloc : memref<!tpu.dma_semaphore, #tpu.memory_space<semaphore_mem>>
        %dma_start3A_36 = arith.constant 0 : i32
        %dma_start3A_37 = tpu.memref_slice %arg6[%add3A_23, %dma_start3A_36] : memref<320000x128xf32, #tpu.memory_space<hbm>> -> memref<128x128xf32, #tpu.memory_space<hbm>>
        %dma_start3A_38 = arith.constant 0 : i32
        %dma_start3A_39 = tpu.memref_slice %arg6[%add3A_23, %dma_start3A_38] : memref<320000x128xf32, #tpu.memory_space<hbm>> -> memref<128x128xf32, #tpu.memory_space<hbm>>
        tpu.enqueue_dma source(%arg9 : memref<128x128xf32, #tpu.memory_space<vmem>>) target(%dma_start3A_39 : memref<128x128xf32, #tpu.memory_space<hbm>>) target_semaphore(%run_scoped3A : memref<!tpu.dma_semaphore, #tpu.memory_space<semaphore_mem>>)
        %dma_wait3A_40 = arith.constant 0 : i32
        %dma_wait3A_41 = tpu.memref_slice %arg6[%add3A_23, %dma_wait3A_40] : memref<320000x128xf32, #tpu.memory_space<hbm>> -> memref<128x128xf32, #tpu.memory_space<hbm>>
        %dma_wait3A_42 = arith.constant 0 : i32
        %dma_wait3A_43 = tpu.memref_slice %arg6[%add3A_23, %dma_wait3A_42] : memref<320000x128xf32, #tpu.memory_space<hbm>> -> memref<128x128xf32, #tpu.memory_space<hbm>>
        tpu.wait_dma2 semaphore(%run_scoped3A : memref<!tpu.dma_semaphore, #tpu.memory_space<semaphore_mem>>) src(%arg9 : memref<128x128xf32, #tpu.memory_space<vmem>>) dst(%dma_wait3A_43 : memref<128x128xf32, #tpu.memory_space<hbm>>)
        tpu.yield
      }) : () -> ()
    }
    %scan3A_7 = arith.constant 78 : i32
    %add3A_8 = arith.constant 9984 : i32
    %add3A_9 = arith.addi %mul3A_2, %add3A_8 : i32
    "tpu.region"() ({
      %run_scoped3A = tpu.sem_alloc : memref<!tpu.dma_semaphore, #tpu.memory_space<semaphore_mem>>
      %dma_start3A_20 = tpu.memref_slice %arg4[%add3A_9] : memref<320000xi32, #tpu.memory_space<hbm>> -> memref<16xi32, #tpu.memory_space<hbm>>
      %dma_start3A_21 = tpu.memref_slice %arg4[%add3A_9] : memref<320000xi32, #tpu.memory_space<hbm>> -> memref<16xi32, #tpu.memory_space<hbm>>
      tpu.enqueue_dma source(%dma_start3A_21 : memref<16xi32, #tpu.memory_space<hbm>>) target(%arg10 : memref<16xi32, #tpu.memory_space<vmem>>) target_semaphore(%run_scoped3A : memref<!tpu.dma_semaphore, #tpu.memory_space<semaphore_mem>>)
      %dma_wait3A_22 = tpu.memref_slice %arg4[%add3A_9] : memref<320000xi32, #tpu.memory_space<hbm>> -> memref<16xi32, #tpu.memory_space<hbm>>
      %dma_wait3A_23 = tpu.memref_slice %arg4[%add3A_9] : memref<320000xi32, #tpu.memory_space<hbm>> -> memref<16xi32, #tpu.memory_space<hbm>>
      tpu.wait_dma2 semaphore(%run_scoped3A : memref<!tpu.dma_semaphore, #tpu.memory_space<semaphore_mem>>) src(%dma_wait3A_23 : memref<16xi32, #tpu.memory_space<hbm>>) dst(%arg10 : memref<16xi32, #tpu.memory_space<vmem>>)
      tpu.yield
    }) : () -> ()
    "tpu.region"() ({
      %run_scoped3A = tpu.sem_alloc : memref<!tpu.dma_semaphore, #tpu.memory_space<semaphore_mem>>
      %dma_start3A_20 = tpu.memref_slice %arg5[%add3A_9] : memref<320000xi32, #tpu.memory_space<hbm>> -> memref<16xi32, #tpu.memory_space<hbm>>
      %dma_start3A_21 = tpu.memref_slice %arg5[%add3A_9] : memref<320000xi32, #tpu.memory_space<hbm>> -> memref<16xi32, #tpu.memory_space<hbm>>
      tpu.enqueue_dma source(%dma_start3A_21 : memref<16xi32, #tpu.memory_space<hbm>>) target(%arg11 : memref<16xi32, #tpu.memory_space<vmem>>) target_semaphore(%run_scoped3A : memref<!tpu.dma_semaphore, #tpu.memory_space<semaphore_mem>>)
      %dma_wait3A_22 = tpu.memref_slice %arg5[%add3A_9] : memref<320000xi32, #tpu.memory_space<hbm>> -> memref<16xi32, #tpu.memory_space<hbm>>
      %dma_wait3A_23 = tpu.memref_slice %arg5[%add3A_9] : memref<320000xi32, #tpu.memory_space<hbm>> -> memref<16xi32, #tpu.memory_space<hbm>>
      tpu.wait_dma2 semaphore(%run_scoped3A : memref<!tpu.dma_semaphore, #tpu.memory_space<semaphore_mem>>) src(%dma_wait3A_23 : memref<16xi32, #tpu.memory_space<hbm>>) dst(%arg11 : memref<16xi32, #tpu.memory_space<vmem>>)
      tpu.yield
    }) : () -> ()
    %dma_start3A = arith.constant 0 : i32
    %dma_start3A_10 = arith.constant 0 : i32
    %dma_start3A_11 = tpu.memref_slice %arg2[%dma_start3A, %dma_start3A_10] : memref<10000x128xf32, #tpu.memory_space<hbm>> -> memref<10000x128xf32, #tpu.memory_space<hbm>>
    tpu.enqueue_indirect_dma source(%dma_start3A_11 : memref<10000x128xf32, #tpu.memory_space<hbm>>) target(%arg12 : memref<16x128xf32, #tpu.memory_space<vmem>>) offsets(%arg10 : memref<16xi32, #tpu.memory_space<vmem>>) semaphore(%arg13 : memref<!tpu.dma_semaphore, #tpu.memory_space<semaphore_mem>>)
    %dma_wait3A = arith.constant 0 : i32
    %dma_wait3A_12 = arith.constant 0 : i32
    %dma_wait3A_13 = tpu.memref_slice %arg2[%dma_wait3A, %dma_wait3A_12] : memref<10000x128xf32, #tpu.memory_space<hbm>> -> memref<10000x128xf32, #tpu.memory_space<hbm>>
    tpu.wait_indirect_dma semaphore(%arg13 : memref<!tpu.dma_semaphore, #tpu.memory_space<semaphore_mem>>) src(%dma_wait3A_13 : memref<10000x128xf32, #tpu.memory_space<hbm>>) dst(%arg12 : memref<16x128xf32, #tpu.memory_space<vmem>>)
    %dma_start3A_14 = arith.constant 0 : i32
    %dma_start3A_15 = arith.constant 0 : i32
    %dma_start3A_16 = tpu.memref_slice %arg3[%dma_start3A_14, %dma_start3A_15] : memref<10000x128xf32, #tpu.memory_space<hbm>> -> memref<10000x128xf32, #tpu.memory_space<hbm>>
    tpu.enqueue_indirect_dma source(%dma_start3A_16 : memref<10000x128xf32, #tpu.memory_space<hbm>>) target(%arg12 : memref<16x128xf32, #tpu.memory_space<vmem>>) offsets(%arg11 : memref<16xi32, #tpu.memory_space<vmem>>) semaphore(%arg13 : memref<!tpu.dma_semaphore, #tpu.memory_space<semaphore_mem>>) {add = true}
    %dma_wait3A_17 = arith.constant 0 : i32
    %dma_wait3A_18 = arith.constant 0 : i32
    %dma_wait3A_19 = tpu.memref_slice %arg3[%dma_wait3A_17, %dma_wait3A_18] : memref<10000x128xf32, #tpu.memory_space<hbm>> -> memref<10000x128xf32, #tpu.memory_space<hbm>>
    tpu.wait_indirect_dma semaphore(%arg13 : memref<!tpu.dma_semaphore, #tpu.memory_space<semaphore_mem>>) src(%dma_wait3A_19 : memref<10000x128xf32, #tpu.memory_space<hbm>>) dst(%arg12 : memref<16x128xf32, #tpu.memory_space<vmem>>)
    "tpu.region"() ({
      %run_scoped3A = tpu.sem_alloc : memref<!tpu.dma_semaphore, #tpu.memory_space<semaphore_mem>>
      %dma_start3A_20 = arith.constant 0 : i32
      %dma_start3A_21 = tpu.memref_slice %arg6[%add3A_9, %dma_start3A_20] : memref<320000x128xf32, #tpu.memory_space<hbm>> -> memref<16x128xf32, #tpu.memory_space<hbm>>
      %dma_start3A_22 = arith.constant 0 : i32
      %dma_start3A_23 = tpu.memref_slice %arg6[%add3A_9, %dma_start3A_22] : memref<320000x128xf32, #tpu.memory_space<hbm>> -> memref<16x128xf32, #tpu.memory_space<hbm>>
      tpu.enqueue_dma source(%arg12 : memref<16x128xf32, #tpu.memory_space<vmem>>) target(%dma_start3A_23 : memref<16x128xf32, #tpu.memory_space<hbm>>) target_semaphore(%run_scoped3A : memref<!tpu.dma_semaphore, #tpu.memory_space<semaphore_mem>>)
      %dma_wait3A_24 = arith.constant 0 : i32
      %dma_wait3A_25 = tpu.memref_slice %arg6[%add3A_9, %dma_wait3A_24] : memref<320000x128xf32, #tpu.memory_space<hbm>> -> memref<16x128xf32, #tpu.memory_space<hbm>>
      %dma_wait3A_26 = arith.constant 0 : i32
      %dma_wait3A_27 = tpu.memref_slice %arg6[%add3A_9, %dma_wait3A_26] : memref<320000x128xf32, #tpu.memory_space<hbm>> -> memref<16x128xf32, #tpu.memory_space<hbm>>
      tpu.wait_dma2 semaphore(%run_scoped3A : memref<!tpu.dma_semaphore, #tpu.memory_space<semaphore_mem>>) src(%arg12 : memref<16x128xf32, #tpu.memory_space<vmem>>) dst(%dma_wait3A_27 : memref<16x128xf32, #tpu.memory_space<hbm>>)
      tpu.yield
    }) : () -> ()
    return
  }
}

#map = affine_map<(d0, d1) -> (0, 0)>
#map1 = affine_map<(d0, d1) -> (0)>
module attributes {stable_mosaic.version = 14 : i64} {
  func.func @k(%arg0: i32, %arg1: i32, %arg2: memref<320000x128xf32, #tpu.memory_space<hbm>>, %arg3: memref<320000xi32, #tpu.memory_space<hbm>>, %arg4: memref<10000x128xf32, #tpu.memory_space<hbm>>, %arg5: memref<20000x128xf32, #tpu.memory_space<hbm>>, %arg6: memref<128xi32, #tpu.memory_space<vmem>>, %arg7: memref<128x128xf32, #tpu.memory_space<vmem>>, %arg8: memref<16xi32, #tpu.memory_space<vmem>>, %arg9: memref<16x128xf32, #tpu.memory_space<vmem>>, %arg10: memref<10000x128xf32, #tpu.memory_space<vmem_shared>>) attributes {dimension_semantics = [#tpu.dimension_semantics<core_parallel>, #tpu.dimension_semantics<subcore_parallel>], iteration_bounds = array<i64: 2, 16>, scalar_prefetch = 0 : i64, scratch_operands = 5 : i64, tpu.core_type = #tpu.core_type<sc_vector_subcore>, window_params = [{transform_indices = #map}, {transform_indices = #map1}, {transform_indices = #map}, {transform_indices = #map}]} {
    %mul3A = arith.constant 2 : i32
    %mul3A_0 = arith.muli %arg1, %mul3A : i32
    %add3A = arith.addi %mul3A_0, %arg0 : i32
    %mul3A_1 = arith.constant 10000 : i32
    %mul3A_2 = arith.muli %add3A, %mul3A_1 : i32
    %mul3A_3 = arith.constant 624 : i32
    %mul3A_4 = arith.muli %arg1, %mul3A_3 : i32
    %mul3A_5 = arith.constant 624 : i32
    %mul3A_6 = arith.muli %arg1, %mul3A_5 : i32
    "tpu.region"() ({
      %run_scoped3A = tpu.sem_alloc : memref<!tpu.dma_semaphore, #tpu.memory_space<semaphore_mem>>
      %dma_start3A = arith.constant 0 : i32
      %dma_start3A_29 = tpu.memref_slice %arg10[%mul3A_6, %dma_start3A] : memref<10000x128xf32, #tpu.memory_space<vmem_shared>> -> memref<624x128xf32, #tpu.memory_space<vmem_shared>>
      %dma_start3A_30 = arith.constant 0 : i32
      %dma_start3A_31 = tpu.memref_slice %arg4[%mul3A_4, %dma_start3A_30] : memref<10000x128xf32, #tpu.memory_space<hbm>> -> memref<624x128xf32, #tpu.memory_space<hbm>>
      tpu.enqueue_dma source(%dma_start3A_31 : memref<624x128xf32, #tpu.memory_space<hbm>>) target(%dma_start3A_29 : memref<624x128xf32, #tpu.memory_space<vmem_shared>>) target_semaphore(%run_scoped3A : memref<!tpu.dma_semaphore, #tpu.memory_space<semaphore_mem>>)
      %dma_wait3A = arith.constant 0 : i32
      %dma_wait3A_32 = tpu.memref_slice %arg10[%mul3A_6, %dma_wait3A] : memref<10000x128xf32, #tpu.memory_space<vmem_shared>> -> memref<624x128xf32, #tpu.memory_space<vmem_shared>>
      %dma_wait3A_33 = arith.constant 0 : i32
      %dma_wait3A_34 = tpu.memref_slice %arg4[%mul3A_4, %dma_wait3A_33] : memref<10000x128xf32, #tpu.memory_space<hbm>> -> memref<624x128xf32, #tpu.memory_space<hbm>>
      tpu.wait_dma2 semaphore(%run_scoped3A : memref<!tpu.dma_semaphore, #tpu.memory_space<semaphore_mem>>) src(%dma_wait3A_34 : memref<624x128xf32, #tpu.memory_space<hbm>>) dst(%dma_wait3A_32 : memref<624x128xf32, #tpu.memory_space<vmem_shared>>)
      tpu.yield
    }) : () -> ()
    %eq3A = arith.constant 15 : i32
    %eq3A_7 = arith.cmpi eq, %arg1, %eq3A : i32
    %convert_element_type3A = arith.extui %eq3A_7 : i1 to i32
    %cond3A = arith.constant 0 : i32
    %cond3A_8 = arith.cmpi ne, %convert_element_type3A, %cond3A : i32
    scf.if %cond3A_8 {
      "tpu.region"() ({
        %run_scoped3A = tpu.sem_alloc : memref<!tpu.dma_semaphore, #tpu.memory_space<semaphore_mem>>
        %dma_start3A = arith.constant 9984 : i32
        %dma_start3A_29 = arith.constant 0 : i32
        %dma_start3A_30 = tpu.memref_slice %arg10[%dma_start3A, %dma_start3A_29] : memref<10000x128xf32, #tpu.memory_space<vmem_shared>> -> memref<16x128xf32, #tpu.memory_space<vmem_shared>>
        %dma_start3A_31 = arith.constant 9984 : i32
        %dma_start3A_32 = arith.constant 0 : i32
        %dma_start3A_33 = tpu.memref_slice %arg4[%dma_start3A_31, %dma_start3A_32] : memref<10000x128xf32, #tpu.memory_space<hbm>> -> memref<16x128xf32, #tpu.memory_space<hbm>>
        tpu.enqueue_dma source(%dma_start3A_33 : memref<16x128xf32, #tpu.memory_space<hbm>>) target(%dma_start3A_30 : memref<16x128xf32, #tpu.memory_space<vmem_shared>>) target_semaphore(%run_scoped3A : memref<!tpu.dma_semaphore, #tpu.memory_space<semaphore_mem>>)
        %dma_wait3A = arith.constant 9984 : i32
        %dma_wait3A_34 = arith.constant 0 : i32
        %dma_wait3A_35 = tpu.memref_slice %arg10[%dma_wait3A, %dma_wait3A_34] : memref<10000x128xf32, #tpu.memory_space<vmem_shared>> -> memref<16x128xf32, #tpu.memory_space<vmem_shared>>
        %dma_wait3A_36 = arith.constant 9984 : i32
        %dma_wait3A_37 = arith.constant 0 : i32
        %dma_wait3A_38 = tpu.memref_slice %arg4[%dma_wait3A_36, %dma_wait3A_37] : memref<10000x128xf32, #tpu.memory_space<hbm>> -> memref<16x128xf32, #tpu.memory_space<hbm>>
        tpu.wait_dma2 semaphore(%run_scoped3A : memref<!tpu.dma_semaphore, #tpu.memory_space<semaphore_mem>>) src(%dma_wait3A_38 : memref<16x128xf32, #tpu.memory_space<hbm>>) dst(%dma_wait3A_35 : memref<16x128xf32, #tpu.memory_space<vmem_shared>>)
        tpu.yield
      }) : () -> ()
    } else {
    }
    %barrier3A = arith.constant 0 : index
    tpu.barrier barrier_id(%barrier3A)
    %scan3A = arith.constant 0 : i32
    %scan3A_9 = arith.constant 0 : i32
    %scan3A_10 = arith.constant 78 : i32
    %scan3A_11 = arith.addi %scan3A_9, %scan3A_10 : i32
    %scan3A_12 = arith.constant 1 : i32
    scf.for %scan3A_29 = %scan3A_9 to %scan3A_11 step %scan3A_12  : i32 {
      %mul3A_30 = arith.constant 128 : i32
      %mul3A_31 = arith.muli %scan3A_29, %mul3A_30 : i32
      %add3A_32 = arith.addi %mul3A_2, %mul3A_31 : i32
      "tpu.region"() ({
        %run_scoped3A = tpu.sem_alloc : memref<!tpu.dma_semaphore, #tpu.memory_space<semaphore_mem>>
        %dma_start3A = tpu.memref_slice %arg3[%add3A_32] : memref<320000xi32, #tpu.memory_space<hbm>> -> memref<128xi32, #tpu.memory_space<hbm>>
        %dma_start3A_33 = tpu.memref_slice %arg3[%add3A_32] : memref<320000xi32, #tpu.memory_space<hbm>> -> memref<128xi32, #tpu.memory_space<hbm>>
        tpu.enqueue_dma source(%dma_start3A_33 : memref<128xi32, #tpu.memory_space<hbm>>) target(%arg6 : memref<128xi32, #tpu.memory_space<vmem>>) target_semaphore(%run_scoped3A : memref<!tpu.dma_semaphore, #tpu.memory_space<semaphore_mem>>)
        %dma_wait3A = tpu.memref_slice %arg3[%add3A_32] : memref<320000xi32, #tpu.memory_space<hbm>> -> memref<128xi32, #tpu.memory_space<hbm>>
        %dma_wait3A_34 = tpu.memref_slice %arg3[%add3A_32] : memref<320000xi32, #tpu.memory_space<hbm>> -> memref<128xi32, #tpu.memory_space<hbm>>
        tpu.wait_dma2 semaphore(%run_scoped3A : memref<!tpu.dma_semaphore, #tpu.memory_space<semaphore_mem>>) src(%dma_wait3A_34 : memref<128xi32, #tpu.memory_space<hbm>>) dst(%arg6 : memref<128xi32, #tpu.memory_space<vmem>>)
        tpu.yield
      }) : () -> ()
      "tpu.region"() ({
        %run_scoped3A = tpu.sem_alloc : memref<!tpu.dma_semaphore, #tpu.memory_space<semaphore_mem>>
        %dma_start3A = arith.constant 0 : i32
        %dma_start3A_33 = tpu.memref_slice %arg2[%add3A_32, %dma_start3A] : memref<320000x128xf32, #tpu.memory_space<hbm>> -> memref<128x128xf32, #tpu.memory_space<hbm>>
        %dma_start3A_34 = arith.constant 0 : i32
        %dma_start3A_35 = tpu.memref_slice %arg2[%add3A_32, %dma_start3A_34] : memref<320000x128xf32, #tpu.memory_space<hbm>> -> memref<128x128xf32, #tpu.memory_space<hbm>>
        tpu.enqueue_dma source(%dma_start3A_35 : memref<128x128xf32, #tpu.memory_space<hbm>>) target(%arg7 : memref<128x128xf32, #tpu.memory_space<vmem>>) target_semaphore(%run_scoped3A : memref<!tpu.dma_semaphore, #tpu.memory_space<semaphore_mem>>)
        %dma_wait3A = arith.constant 0 : i32
        %dma_wait3A_36 = tpu.memref_slice %arg2[%add3A_32, %dma_wait3A] : memref<320000x128xf32, #tpu.memory_space<hbm>> -> memref<128x128xf32, #tpu.memory_space<hbm>>
        %dma_wait3A_37 = arith.constant 0 : i32
        %dma_wait3A_38 = tpu.memref_slice %arg2[%add3A_32, %dma_wait3A_37] : memref<320000x128xf32, #tpu.memory_space<hbm>> -> memref<128x128xf32, #tpu.memory_space<hbm>>
        tpu.wait_dma2 semaphore(%run_scoped3A : memref<!tpu.dma_semaphore, #tpu.memory_space<semaphore_mem>>) src(%dma_wait3A_38 : memref<128x128xf32, #tpu.memory_space<hbm>>) dst(%arg7 : memref<128x128xf32, #tpu.memory_space<vmem>>)
        tpu.yield
      }) : () -> ()
      "tpu.region"() ({
        %run_scoped3A = tpu.sem_alloc : memref<!tpu.dma_semaphore, #tpu.memory_space<semaphore_mem>>
        %dma_start3A = arith.constant 0 : i32
        %dma_start3A_33 = arith.constant 0 : i32
        %dma_start3A_34 = tpu.memref_slice %arg10[%dma_start3A, %dma_start3A_33] : memref<10000x128xf32, #tpu.memory_space<vmem_shared>> -> memref<10000x128xf32, #tpu.memory_space<vmem_shared>>
        tpu.enqueue_indirect_dma source(%arg7 : memref<128x128xf32, #tpu.memory_space<vmem>>) target(%dma_start3A_34 : memref<10000x128xf32, #tpu.memory_space<vmem_shared>>) offsets(%arg6 : memref<128xi32, #tpu.memory_space<vmem>>) semaphore(%run_scoped3A : memref<!tpu.dma_semaphore, #tpu.memory_space<semaphore_mem>>) {add = true}
        %dma_wait3A = arith.constant 0 : i32
        %dma_wait3A_35 = arith.constant 0 : i32
        %dma_wait3A_36 = tpu.memref_slice %arg10[%dma_wait3A, %dma_wait3A_35] : memref<10000x128xf32, #tpu.memory_space<vmem_shared>> -> memref<10000x128xf32, #tpu.memory_space<vmem_shared>>
        tpu.wait_indirect_dma semaphore(%run_scoped3A : memref<!tpu.dma_semaphore, #tpu.memory_space<semaphore_mem>>) src(%arg7 : memref<128x128xf32, #tpu.memory_space<vmem>>) dst(%dma_wait3A_36 : memref<10000x128xf32, #tpu.memory_space<vmem_shared>>)
        tpu.yield
      }) : () -> ()
    }
    %scan3A_13 = arith.constant 78 : i32
    %add3A_14 = arith.constant 9984 : i32
    %add3A_15 = arith.addi %mul3A_2, %add3A_14 : i32
    "tpu.region"() ({
      %run_scoped3A = tpu.sem_alloc : memref<!tpu.dma_semaphore, #tpu.memory_space<semaphore_mem>>
      %dma_start3A = tpu.memref_slice %arg3[%add3A_15] : memref<320000xi32, #tpu.memory_space<hbm>> -> memref<16xi32, #tpu.memory_space<hbm>>
      %dma_start3A_29 = tpu.memref_slice %arg3[%add3A_15] : memref<320000xi32, #tpu.memory_space<hbm>> -> memref<16xi32, #tpu.memory_space<hbm>>
      tpu.enqueue_dma source(%dma_start3A_29 : memref<16xi32, #tpu.memory_space<hbm>>) target(%arg8 : memref<16xi32, #tpu.memory_space<vmem>>) target_semaphore(%run_scoped3A : memref<!tpu.dma_semaphore, #tpu.memory_space<semaphore_mem>>)
      %dma_wait3A = tpu.memref_slice %arg3[%add3A_15] : memref<320000xi32, #tpu.memory_space<hbm>> -> memref<16xi32, #tpu.memory_space<hbm>>
      %dma_wait3A_30 = tpu.memref_slice %arg3[%add3A_15] : memref<320000xi32, #tpu.memory_space<hbm>> -> memref<16xi32, #tpu.memory_space<hbm>>
      tpu.wait_dma2 semaphore(%run_scoped3A : memref<!tpu.dma_semaphore, #tpu.memory_space<semaphore_mem>>) src(%dma_wait3A_30 : memref<16xi32, #tpu.memory_space<hbm>>) dst(%arg8 : memref<16xi32, #tpu.memory_space<vmem>>)
      tpu.yield
    }) : () -> ()
    "tpu.region"() ({
      %run_scoped3A = tpu.sem_alloc : memref<!tpu.dma_semaphore, #tpu.memory_space<semaphore_mem>>
      %dma_start3A = arith.constant 0 : i32
      %dma_start3A_29 = tpu.memref_slice %arg2[%add3A_15, %dma_start3A] : memref<320000x128xf32, #tpu.memory_space<hbm>> -> memref<16x128xf32, #tpu.memory_space<hbm>>
      %dma_start3A_30 = arith.constant 0 : i32
      %dma_start3A_31 = tpu.memref_slice %arg2[%add3A_15, %dma_start3A_30] : memref<320000x128xf32, #tpu.memory_space<hbm>> -> memref<16x128xf32, #tpu.memory_space<hbm>>
      tpu.enqueue_dma source(%dma_start3A_31 : memref<16x128xf32, #tpu.memory_space<hbm>>) target(%arg9 : memref<16x128xf32, #tpu.memory_space<vmem>>) target_semaphore(%run_scoped3A : memref<!tpu.dma_semaphore, #tpu.memory_space<semaphore_mem>>)
      %dma_wait3A = arith.constant 0 : i32
      %dma_wait3A_32 = tpu.memref_slice %arg2[%add3A_15, %dma_wait3A] : memref<320000x128xf32, #tpu.memory_space<hbm>> -> memref<16x128xf32, #tpu.memory_space<hbm>>
      %dma_wait3A_33 = arith.constant 0 : i32
      %dma_wait3A_34 = tpu.memref_slice %arg2[%add3A_15, %dma_wait3A_33] : memref<320000x128xf32, #tpu.memory_space<hbm>> -> memref<16x128xf32, #tpu.memory_space<hbm>>
      tpu.wait_dma2 semaphore(%run_scoped3A : memref<!tpu.dma_semaphore, #tpu.memory_space<semaphore_mem>>) src(%dma_wait3A_34 : memref<16x128xf32, #tpu.memory_space<hbm>>) dst(%arg9 : memref<16x128xf32, #tpu.memory_space<vmem>>)
      tpu.yield
    }) : () -> ()
    "tpu.region"() ({
      %run_scoped3A = tpu.sem_alloc : memref<!tpu.dma_semaphore, #tpu.memory_space<semaphore_mem>>
      %dma_start3A = arith.constant 0 : i32
      %dma_start3A_29 = arith.constant 0 : i32
      %dma_start3A_30 = tpu.memref_slice %arg10[%dma_start3A, %dma_start3A_29] : memref<10000x128xf32, #tpu.memory_space<vmem_shared>> -> memref<10000x128xf32, #tpu.memory_space<vmem_shared>>
      tpu.enqueue_indirect_dma source(%arg9 : memref<16x128xf32, #tpu.memory_space<vmem>>) target(%dma_start3A_30 : memref<10000x128xf32, #tpu.memory_space<vmem_shared>>) offsets(%arg8 : memref<16xi32, #tpu.memory_space<vmem>>) semaphore(%run_scoped3A : memref<!tpu.dma_semaphore, #tpu.memory_space<semaphore_mem>>) {add = true}
      %dma_wait3A = arith.constant 0 : i32
      %dma_wait3A_31 = arith.constant 0 : i32
      %dma_wait3A_32 = tpu.memref_slice %arg10[%dma_wait3A, %dma_wait3A_31] : memref<10000x128xf32, #tpu.memory_space<vmem_shared>> -> memref<10000x128xf32, #tpu.memory_space<vmem_shared>>
      tpu.wait_indirect_dma semaphore(%run_scoped3A : memref<!tpu.dma_semaphore, #tpu.memory_space<semaphore_mem>>) src(%arg9 : memref<16x128xf32, #tpu.memory_space<vmem>>) dst(%dma_wait3A_32 : memref<10000x128xf32, #tpu.memory_space<vmem_shared>>)
      tpu.yield
    }) : () -> ()
    %barrier3A_16 = arith.constant 0 : index
    tpu.barrier barrier_id(%barrier3A_16)
    %mul3A_17 = arith.constant 624 : i32
    %mul3A_18 = arith.muli %arg1, %mul3A_17 : i32
    %mul3A_19 = arith.constant 10000 : i32
    %mul3A_20 = arith.muli %arg0, %mul3A_19 : i32
    %mul3A_21 = arith.constant 624 : i32
    %mul3A_22 = arith.muli %arg1, %mul3A_21 : i32
    %add3A_23 = arith.addi %mul3A_20, %mul3A_22 : i32
    "tpu.region"() ({
      %run_scoped3A = tpu.sem_alloc : memref<!tpu.dma_semaphore, #tpu.memory_space<semaphore_mem>>
      %dma_start3A = arith.constant 0 : i32
      %dma_start3A_29 = tpu.memref_slice %arg5[%add3A_23, %dma_start3A] : memref<20000x128xf32, #tpu.memory_space<hbm>> -> memref<624x128xf32, #tpu.memory_space<hbm>>
      %dma_start3A_30 = arith.constant 0 : i32
      %dma_start3A_31 = tpu.memref_slice %arg10[%mul3A_18, %dma_start3A_30] : memref<10000x128xf32, #tpu.memory_space<vmem_shared>> -> memref<624x128xf32, #tpu.memory_space<vmem_shared>>
      tpu.enqueue_dma source(%dma_start3A_31 : memref<624x128xf32, #tpu.memory_space<vmem_shared>>) target(%dma_start3A_29 : memref<624x128xf32, #tpu.memory_space<hbm>>) target_semaphore(%run_scoped3A : memref<!tpu.dma_semaphore, #tpu.memory_space<semaphore_mem>>)
      %dma_wait3A = arith.constant 0 : i32
      %dma_wait3A_32 = tpu.memref_slice %arg5[%add3A_23, %dma_wait3A] : memref<20000x128xf32, #tpu.memory_space<hbm>> -> memref<624x128xf32, #tpu.memory_space<hbm>>
      %dma_wait3A_33 = arith.constant 0 : i32
      %dma_wait3A_34 = tpu.memref_slice %arg10[%mul3A_18, %dma_wait3A_33] : memref<10000x128xf32, #tpu.memory_space<vmem_shared>> -> memref<624x128xf32, #tpu.memory_space<vmem_shared>>
      tpu.wait_dma2 semaphore(%run_scoped3A : memref<!tpu.dma_semaphore, #tpu.memory_space<semaphore_mem>>) src(%dma_wait3A_34 : memref<624x128xf32, #tpu.memory_space<vmem_shared>>) dst(%dma_wait3A_32 : memref<624x128xf32, #tpu.memory_space<hbm>>)
      tpu.yield
    }) : () -> ()
    %eq3A_24 = arith.constant 15 : i32
    %eq3A_25 = arith.cmpi eq, %arg1, %eq3A_24 : i32
    %convert_element_type3A_26 = arith.extui %eq3A_25 : i1 to i32
    %cond3A_27 = arith.constant 0 : i32
    %cond3A_28 = arith.cmpi ne, %convert_element_type3A_26, %cond3A_27 : i32
    scf.if %cond3A_28 {
      %mul3A_29 = arith.constant 10000 : i32
      %mul3A_30 = arith.muli %arg0, %mul3A_29 : i32
      %add3A_31 = arith.constant 9984 : i32
      %add3A_32 = arith.addi %mul3A_30, %add3A_31 : i32
      "tpu.region"() ({
        %run_scoped3A = tpu.sem_alloc : memref<!tpu.dma_semaphore, #tpu.memory_space<semaphore_mem>>
        %dma_start3A = arith.constant 0 : i32
        %dma_start3A_33 = tpu.memref_slice %arg5[%add3A_32, %dma_start3A] : memref<20000x128xf32, #tpu.memory_space<hbm>> -> memref<16x128xf32, #tpu.memory_space<hbm>>
        %dma_start3A_34 = arith.constant 9984 : i32
        %dma_start3A_35 = arith.constant 0 : i32
        %dma_start3A_36 = tpu.memref_slice %arg10[%dma_start3A_34, %dma_start3A_35] : memref<10000x128xf32, #tpu.memory_space<vmem_shared>> -> memref<16x128xf32, #tpu.memory_space<vmem_shared>>
        tpu.enqueue_dma source(%dma_start3A_36 : memref<16x128xf32, #tpu.memory_space<vmem_shared>>) target(%dma_start3A_33 : memref<16x128xf32, #tpu.memory_space<hbm>>) target_semaphore(%run_scoped3A : memref<!tpu.dma_semaphore, #tpu.memory_space<semaphore_mem>>)
        %dma_wait3A = arith.constant 0 : i32
        %dma_wait3A_37 = tpu.memref_slice %arg5[%add3A_32, %dma_wait3A] : memref<20000x128xf32, #tpu.memory_space<hbm>> -> memref<16x128xf32, #tpu.memory_space<hbm>>
        %dma_wait3A_38 = arith.constant 9984 : i32
        %dma_wait3A_39 = arith.constant 0 : i32
        %dma_wait3A_40 = tpu.memref_slice %arg10[%dma_wait3A_38, %dma_wait3A_39] : memref<10000x128xf32, #tpu.memory_space<vmem_shared>> -> memref<16x128xf32, #tpu.memory_space<vmem_shared>>
        tpu.wait_dma2 semaphore(%run_scoped3A : memref<!tpu.dma_semaphore, #tpu.memory_space<semaphore_mem>>) src(%dma_wait3A_40 : memref<16x128xf32, #tpu.memory_space<vmem_shared>>) dst(%dma_wait3A_37 : memref<16x128xf32, #tpu.memory_space<hbm>>)
        tpu.yield
      }) : () -> ()
    } else {
    }
    return
  }
}

#map = affine_map<(d0, d1) -> (0, 0)>
#map1 = affine_map<(d0, d1) -> (0)>
module attributes {stable_mosaic.version = 14 : i64} {
  func.func @k(%arg0: i32, %arg1: i32, %arg2: memref<10000x128xf32, #tpu.memory_space<hbm>>, %arg3: memref<10000x128xf32, #tpu.memory_space<hbm>>, %arg4: memref<320000xi32, #tpu.memory_space<hbm>>, %arg5: memref<320000xi32, #tpu.memory_space<hbm>>, %arg6: memref<320000x128xf32, #tpu.memory_space<hbm>>, %arg7: memref<128xi32, #tpu.memory_space<vmem>>, %arg8: memref<128xi32, #tpu.memory_space<vmem>>, %arg9: memref<128x128xf32, #tpu.memory_space<vmem>>, %arg10: memref<16xi32, #tpu.memory_space<vmem>>, %arg11: memref<16xi32, #tpu.memory_space<vmem>>, %arg12: memref<16x128xf32, #tpu.memory_space<vmem>>, %arg13: memref<!tpu.dma_semaphore, #tpu.memory_space<semaphore_mem>>) attributes {dimension_semantics = [#tpu.dimension_semantics<core_parallel>, #tpu.dimension_semantics<subcore_parallel>], iteration_bounds = array<i64: 2, 16>, scalar_prefetch = 0 : i64, scratch_operands = 7 : i64, tpu.core_type = #tpu.core_type<sc_vector_subcore>, window_params = [{transform_indices = #map}, {transform_indices = #map}, {transform_indices = #map1}, {transform_indices = #map1}, {transform_indices = #map}]} {
    %mul3A = arith.constant 2 : i32
    %mul3A_0 = arith.muli %arg1, %mul3A : i32
    %add3A = arith.addi %mul3A_0, %arg0 : i32
    %mul3A_1 = arith.constant 10000 : i32
    %mul3A_2 = arith.muli %add3A, %mul3A_1 : i32
    %scan3A = arith.constant 0 : i32
    %scan3A_3 = arith.constant 0 : i32
    %scan3A_4 = arith.constant 78 : i32
    %scan3A_5 = arith.addi %scan3A_3, %scan3A_4 : i32
    %scan3A_6 = arith.constant 1 : i32
    scf.for %scan3A_20 = %scan3A_3 to %scan3A_5 step %scan3A_6  : i32 {
      %mul3A_21 = arith.constant 128 : i32
      %mul3A_22 = arith.muli %scan3A_20, %mul3A_21 : i32
      %add3A_23 = arith.addi %mul3A_2, %mul3A_22 : i32
      "tpu.region"() ({
        %run_scoped3A = tpu.sem_alloc : memref<!tpu.dma_semaphore, #tpu.memory_space<semaphore_mem>>
        %dma_start3A_36 = tpu.memref_slice %arg4[%add3A_23] : memref<320000xi32, #tpu.memory_space<hbm>> -> memref<128xi32, #tpu.memory_space<hbm>>
        %dma_start3A_37 = tpu.memref_slice %arg4[%add3A_23] : memref<320000xi32, #tpu.memory_space<hbm>> -> memref<128xi32, #tpu.memory_space<hbm>>
        tpu.enqueue_dma source(%dma_start3A_37 : memref<128xi32, #tpu.memory_space<hbm>>) target(%arg7 : memref<128xi32, #tpu.memory_space<vmem>>) target_semaphore(%run_scoped3A : memref<!tpu.dma_semaphore, #tpu.memory_space<semaphore_mem>>)
        %dma_wait3A_38 = tpu.memref_slice %arg4[%add3A_23] : memref<320000xi32, #tpu.memory_space<hbm>> -> memref<128xi32, #tpu.memory_space<hbm>>
        %dma_wait3A_39 = tpu.memref_slice %arg4[%add3A_23] : memref<320000xi32, #tpu.memory_space<hbm>> -> memref<128xi32, #tpu.memory_space<hbm>>
        tpu.wait_dma2 semaphore(%run_scoped3A : memref<!tpu.dma_semaphore, #tpu.memory_space<semaphore_mem>>) src(%dma_wait3A_39 : memref<128xi32, #tpu.memory_space<hbm>>) dst(%arg7 : memref<128xi32, #tpu.memory_space<vmem>>)
        tpu.yield
      }) : () -> ()
      "tpu.region"() ({
        %run_scoped3A = tpu.sem_alloc : memref<!tpu.dma_semaphore, #tpu.memory_space<semaphore_mem>>
        %dma_start3A_36 = tpu.memref_slice %arg5[%add3A_23] : memref<320000xi32, #tpu.memory_space<hbm>> -> memref<128xi32, #tpu.memory_space<hbm>>
        %dma_start3A_37 = tpu.memref_slice %arg5[%add3A_23] : memref<320000xi32, #tpu.memory_space<hbm>> -> memref<128xi32, #tpu.memory_space<hbm>>
        tpu.enqueue_dma source(%dma_start3A_37 : memref<128xi32, #tpu.memory_space<hbm>>) target(%arg8 : memref<128xi32, #tpu.memory_space<vmem>>) target_semaphore(%run_scoped3A : memref<!tpu.dma_semaphore, #tpu.memory_space<semaphore_mem>>)
        %dma_wait3A_38 = tpu.memref_slice %arg5[%add3A_23] : memref<320000xi32, #tpu.memory_space<hbm>> -> memref<128xi32, #tpu.memory_space<hbm>>
        %dma_wait3A_39 = tpu.memref_slice %arg5[%add3A_23] : memref<320000xi32, #tpu.memory_space<hbm>> -> memref<128xi32, #tpu.memory_space<hbm>>
        tpu.wait_dma2 semaphore(%run_scoped3A : memref<!tpu.dma_semaphore, #tpu.memory_space<semaphore_mem>>) src(%dma_wait3A_39 : memref<128xi32, #tpu.memory_space<hbm>>) dst(%arg8 : memref<128xi32, #tpu.memory_space<vmem>>)
        tpu.yield
      }) : () -> ()
      %dma_start3A_24 = arith.constant 0 : i32
      %dma_start3A_25 = arith.constant 0 : i32
      %dma_start3A_26 = tpu.memref_slice %arg2[%dma_start3A_24, %dma_start3A_25] : memref<10000x128xf32, #tpu.memory_space<hbm>> -> memref<10000x128xf32, #tpu.memory_space<hbm>>
      tpu.enqueue_indirect_dma source(%dma_start3A_26 : memref<10000x128xf32, #tpu.memory_space<hbm>>) target(%arg9 : memref<128x128xf32, #tpu.memory_space<vmem>>) offsets(%arg7 : memref<128xi32, #tpu.memory_space<vmem>>) semaphore(%arg13 : memref<!tpu.dma_semaphore, #tpu.memory_space<semaphore_mem>>)
      %dma_wait3A_27 = arith.constant 0 : i32
      %dma_wait3A_28 = arith.constant 0 : i32
      %dma_wait3A_29 = tpu.memref_slice %arg2[%dma_wait3A_27, %dma_wait3A_28] : memref<10000x128xf32, #tpu.memory_space<hbm>> -> memref<10000x128xf32, #tpu.memory_space<hbm>>
      tpu.wait_indirect_dma semaphore(%arg13 : memref<!tpu.dma_semaphore, #tpu.memory_space<semaphore_mem>>) src(%dma_wait3A_29 : memref<10000x128xf32, #tpu.memory_space<hbm>>) dst(%arg9 : memref<128x128xf32, #tpu.memory_space<vmem>>)
      %dma_start3A_30 = arith.constant 0 : i32
      %dma_start3A_31 = arith.constant 0 : i32
      %dma_start3A_32 = tpu.memref_slice %arg3[%dma_start3A_30, %dma_start3A_31] : memref<10000x128xf32, #tpu.memory_space<hbm>> -> memref<10000x128xf32, #tpu.memory_space<hbm>>
      tpu.enqueue_indirect_dma source(%dma_start3A_32 : memref<10000x128xf32, #tpu.memory_space<hbm>>) target(%arg9 : memref<128x128xf32, #tpu.memory_space<vmem>>) offsets(%arg8 : memref<128xi32, #tpu.memory_space<vmem>>) semaphore(%arg13 : memref<!tpu.dma_semaphore, #tpu.memory_space<semaphore_mem>>) {add = true}
      %dma_wait3A_33 = arith.constant 0 : i32
      %dma_wait3A_34 = arith.constant 0 : i32
      %dma_wait3A_35 = tpu.memref_slice %arg3[%dma_wait3A_33, %dma_wait3A_34] : memref<10000x128xf32, #tpu.memory_space<hbm>> -> memref<10000x128xf32, #tpu.memory_space<hbm>>
      tpu.wait_indirect_dma semaphore(%arg13 : memref<!tpu.dma_semaphore, #tpu.memory_space<semaphore_mem>>) src(%dma_wait3A_35 : memref<10000x128xf32, #tpu.memory_space<hbm>>) dst(%arg9 : memref<128x128xf32, #tpu.memory_space<vmem>>)
      "tpu.region"() ({
        %run_scoped3A = tpu.sem_alloc : memref<!tpu.dma_semaphore, #tpu.memory_space<semaphore_mem>>
        %dma_start3A_36 = arith.constant 0 : i32
        %dma_start3A_37 = tpu.memref_slice %arg6[%add3A_23, %dma_start3A_36] : memref<320000x128xf32, #tpu.memory_space<hbm>> -> memref<128x128xf32, #tpu.memory_space<hbm>>
        %dma_start3A_38 = arith.constant 0 : i32
        %dma_start3A_39 = tpu.memref_slice %arg6[%add3A_23, %dma_start3A_38] : memref<320000x128xf32, #tpu.memory_space<hbm>> -> memref<128x128xf32, #tpu.memory_space<hbm>>
        tpu.enqueue_dma source(%arg9 : memref<128x128xf32, #tpu.memory_space<vmem>>) target(%dma_start3A_39 : memref<128x128xf32, #tpu.memory_space<hbm>>) target_semaphore(%run_scoped3A : memref<!tpu.dma_semaphore, #tpu.memory_space<semaphore_mem>>)
        %dma_wait3A_40 = arith.constant 0 : i32
        %dma_wait3A_41 = tpu.memref_slice %arg6[%add3A_23, %dma_wait3A_40] : memref<320000x128xf32, #tpu.memory_space<hbm>> -> memref<128x128xf32, #tpu.memory_space<hbm>>
        %dma_wait3A_42 = arith.constant 0 : i32
        %dma_wait3A_43 = tpu.memref_slice %arg6[%add3A_23, %dma_wait3A_42] : memref<320000x128xf32, #tpu.memory_space<hbm>> -> memref<128x128xf32, #tpu.memory_space<hbm>>
        tpu.wait_dma2 semaphore(%run_scoped3A : memref<!tpu.dma_semaphore, #tpu.memory_space<semaphore_mem>>) src(%arg9 : memref<128x128xf32, #tpu.memory_space<vmem>>) dst(%dma_wait3A_43 : memref<128x128xf32, #tpu.memory_space<hbm>>)
        tpu.yield
      }) : () -> ()
    }
    %scan3A_7 = arith.constant 78 : i32
    %add3A_8 = arith.constant 9984 : i32
    %add3A_9 = arith.addi %mul3A_2, %add3A_8 : i32
    "tpu.region"() ({
      %run_scoped3A = tpu.sem_alloc : memref<!tpu.dma_semaphore, #tpu.memory_space<semaphore_mem>>
      %dma_start3A_20 = tpu.memref_slice %arg4[%add3A_9] : memref<320000xi32, #tpu.memory_space<hbm>> -> memref<16xi32, #tpu.memory_space<hbm>>
      %dma_start3A_21 = tpu.memref_slice %arg4[%add3A_9] : memref<320000xi32, #tpu.memory_space<hbm>> -> memref<16xi32, #tpu.memory_space<hbm>>
      tpu.enqueue_dma source(%dma_start3A_21 : memref<16xi32, #tpu.memory_space<hbm>>) target(%arg10 : memref<16xi32, #tpu.memory_space<vmem>>) target_semaphore(%run_scoped3A : memref<!tpu.dma_semaphore, #tpu.memory_space<semaphore_mem>>)
      %dma_wait3A_22 = tpu.memref_slice %arg4[%add3A_9] : memref<320000xi32, #tpu.memory_space<hbm>> -> memref<16xi32, #tpu.memory_space<hbm>>
      %dma_wait3A_23 = tpu.memref_slice %arg4[%add3A_9] : memref<320000xi32, #tpu.memory_space<hbm>> -> memref<16xi32, #tpu.memory_space<hbm>>
      tpu.wait_dma2 semaphore(%run_scoped3A : memref<!tpu.dma_semaphore, #tpu.memory_space<semaphore_mem>>) src(%dma_wait3A_23 : memref<16xi32, #tpu.memory_space<hbm>>) dst(%arg10 : memref<16xi32, #tpu.memory_space<vmem>>)
      tpu.yield
    }) : () -> ()
    "tpu.region"() ({
      %run_scoped3A = tpu.sem_alloc : memref<!tpu.dma_semaphore, #tpu.memory_space<semaphore_mem>>
      %dma_start3A_20 = tpu.memref_slice %arg5[%add3A_9] : memref<320000xi32, #tpu.memory_space<hbm>> -> memref<16xi32, #tpu.memory_space<hbm>>
      %dma_start3A_21 = tpu.memref_slice %arg5[%add3A_9] : memref<320000xi32, #tpu.memory_space<hbm>> -> memref<16xi32, #tpu.memory_space<hbm>>
      tpu.enqueue_dma source(%dma_start3A_21 : memref<16xi32, #tpu.memory_space<hbm>>) target(%arg11 : memref<16xi32, #tpu.memory_space<vmem>>) target_semaphore(%run_scoped3A : memref<!tpu.dma_semaphore, #tpu.memory_space<semaphore_mem>>)
      %dma_wait3A_22 = tpu.memref_slice %arg5[%add3A_9] : memref<320000xi32, #tpu.memory_space<hbm>> -> memref<16xi32, #tpu.memory_space<hbm>>
      %dma_wait3A_23 = tpu.memref_slice %arg5[%add3A_9] : memref<320000xi32, #tpu.memory_space<hbm>> -> memref<16xi32, #tpu.memory_space<hbm>>
      tpu.wait_dma2 semaphore(%run_scoped3A : memref<!tpu.dma_semaphore, #tpu.memory_space<semaphore_mem>>) src(%dma_wait3A_23 : memref<16xi32, #tpu.memory_space<hbm>>) dst(%arg11 : memref<16xi32, #tpu.memory_space<vmem>>)
      tpu.yield
    }) : () -> ()
    %dma_start3A = arith.constant 0 : i32
    %dma_start3A_10 = arith.constant 0 : i32
    %dma_start3A_11 = tpu.memref_slice %arg2[%dma_start3A, %dma_start3A_10] : memref<10000x128xf32, #tpu.memory_space<hbm>> -> memref<10000x128xf32, #tpu.memory_space<hbm>>
    tpu.enqueue_indirect_dma source(%dma_start3A_11 : memref<10000x128xf32, #tpu.memory_space<hbm>>) target(%arg12 : memref<16x128xf32, #tpu.memory_space<vmem>>) offsets(%arg10 : memref<16xi32, #tpu.memory_space<vmem>>) semaphore(%arg13 : memref<!tpu.dma_semaphore, #tpu.memory_space<semaphore_mem>>)
    %dma_wait3A = arith.constant 0 : i32
    %dma_wait3A_12 = arith.constant 0 : i32
    %dma_wait3A_13 = tpu.memref_slice %arg2[%dma_wait3A, %dma_wait3A_12] : memref<10000x128xf32, #tpu.memory_space<hbm>> -> memref<10000x128xf32, #tpu.memory_space<hbm>>
    tpu.wait_indirect_dma semaphore(%arg13 : memref<!tpu.dma_semaphore, #tpu.memory_space<semaphore_mem>>) src(%dma_wait3A_13 : memref<10000x128xf32, #tpu.memory_space<hbm>>) dst(%arg12 : memref<16x128xf32, #tpu.memory_space<vmem>>)
    %dma_start3A_14 = arith.constant 0 : i32
    %dma_start3A_15 = arith.constant 0 : i32
    %dma_start3A_16 = tpu.memref_slice %arg3[%dma_start3A_14, %dma_start3A_15] : memref<10000x128xf32, #tpu.memory_space<hbm>> -> memref<10000x128xf32, #tpu.memory_space<hbm>>
    tpu.enqueue_indirect_dma source(%dma_start3A_16 : memref<10000x128xf32, #tpu.memory_space<hbm>>) target(%arg12 : memref<16x128xf32, #tpu.memory_space<vmem>>) offsets(%arg11 : memref<16xi32, #tpu.memory_space<vmem>>) semaphore(%arg13 : memref<!tpu.dma_semaphore, #tpu.memory_space<semaphore_mem>>) {add = true}
    %dma_wait3A_17 = arith.constant 0 : i32
    %dma_wait3A_18 = arith.constant 0 : i32
    %dma_wait3A_19 = tpu.memref_slice %arg3[%dma_wait3A_17, %dma_wait3A_18] : memref<10000x128xf32, #tpu.memory_space<hbm>> -> memref<10000x128xf32, #tpu.memory_space<hbm>>
    tpu.wait_indirect_dma semaphore(%arg13 : memref<!tpu.dma_semaphore, #tpu.memory_space<semaphore_mem>>) src(%dma_wait3A_19 : memref<10000x128xf32, #tpu.memory_space<hbm>>) dst(%arg12 : memref<16x128xf32, #tpu.memory_space<vmem>>)
    "tpu.region"() ({
      %run_scoped3A = tpu.sem_alloc : memref<!tpu.dma_semaphore, #tpu.memory_space<semaphore_mem>>
      %dma_start3A_20 = arith.constant 0 : i32
      %dma_start3A_21 = tpu.memref_slice %arg6[%add3A_9, %dma_start3A_20] : memref<320000x128xf32, #tpu.memory_space<hbm>> -> memref<16x128xf32, #tpu.memory_space<hbm>>
      %dma_start3A_22 = arith.constant 0 : i32
      %dma_start3A_23 = tpu.memref_slice %arg6[%add3A_9, %dma_start3A_22] : memref<320000x128xf32, #tpu.memory_space<hbm>> -> memref<16x128xf32, #tpu.memory_space<hbm>>
      tpu.enqueue_dma source(%arg12 : memref<16x128xf32, #tpu.memory_space<vmem>>) target(%dma_start3A_23 : memref<16x128xf32, #tpu.memory_space<hbm>>) target_semaphore(%run_scoped3A : memref<!tpu.dma_semaphore, #tpu.memory_space<semaphore_mem>>)
      %dma_wait3A_24 = arith.constant 0 : i32
      %dma_wait3A_25 = tpu.memref_slice %arg6[%add3A_9, %dma_wait3A_24] : memref<320000x128xf32, #tpu.memory_space<hbm>> -> memref<16x128xf32, #tpu.memory_space<hbm>>
      %dma_wait3A_26 = arith.constant 0 : i32
      %dma_wait3A_27 = tpu.memref_slice %arg6[%add3A_9, %dma_wait3A_26] : memref<320000x128xf32, #tpu.memory_space<hbm>> -> memref<16x128xf32, #tpu.memory_space<hbm>>
      tpu.wait_dma2 semaphore(%run_scoped3A : memref<!tpu.dma_semaphore, #tpu.memory_space<semaphore_mem>>) src(%arg12 : memref<16x128xf32, #tpu.memory_space<vmem>>) dst(%dma_wait3A_27 : memref<16x128xf32, #tpu.memory_space<hbm>>)
      tpu.yield
    }) : () -> ()
    return
  }
}

#map = affine_map<(d0, d1) -> (0, 0)>
#map1 = affine_map<(d0, d1) -> (0)>
module attributes {stable_mosaic.version = 14 : i64} {
  func.func @k(%arg0: i32, %arg1: i32, %arg2: memref<320000x128xf32, #tpu.memory_space<hbm>>, %arg3: memref<320000xi32, #tpu.memory_space<hbm>>, %arg4: memref<10000x128xf32, #tpu.memory_space<hbm>>, %arg5: memref<20000x128xf32, #tpu.memory_space<hbm>>, %arg6: memref<128xi32, #tpu.memory_space<vmem>>, %arg7: memref<128x128xf32, #tpu.memory_space<vmem>>, %arg8: memref<16xi32, #tpu.memory_space<vmem>>, %arg9: memref<16x128xf32, #tpu.memory_space<vmem>>, %arg10: memref<10000x128xf32, #tpu.memory_space<vmem_shared>>) attributes {dimension_semantics = [#tpu.dimension_semantics<core_parallel>, #tpu.dimension_semantics<subcore_parallel>], iteration_bounds = array<i64: 2, 16>, scalar_prefetch = 0 : i64, scratch_operands = 5 : i64, tpu.core_type = #tpu.core_type<sc_vector_subcore>, window_params = [{transform_indices = #map}, {transform_indices = #map1}, {transform_indices = #map}, {transform_indices = #map}]} {
    %mul3A = arith.constant 2 : i32
    %mul3A_0 = arith.muli %arg1, %mul3A : i32
    %add3A = arith.addi %mul3A_0, %arg0 : i32
    %mul3A_1 = arith.constant 10000 : i32
    %mul3A_2 = arith.muli %add3A, %mul3A_1 : i32
    %mul3A_3 = arith.constant 624 : i32
    %mul3A_4 = arith.muli %arg1, %mul3A_3 : i32
    %mul3A_5 = arith.constant 624 : i32
    %mul3A_6 = arith.muli %arg1, %mul3A_5 : i32
    "tpu.region"() ({
      %run_scoped3A = tpu.sem_alloc : memref<!tpu.dma_semaphore, #tpu.memory_space<semaphore_mem>>
      %dma_start3A = arith.constant 0 : i32
      %dma_start3A_29 = tpu.memref_slice %arg10[%mul3A_6, %dma_start3A] : memref<10000x128xf32, #tpu.memory_space<vmem_shared>> -> memref<624x128xf32, #tpu.memory_space<vmem_shared>>
      %dma_start3A_30 = arith.constant 0 : i32
      %dma_start3A_31 = tpu.memref_slice %arg4[%mul3A_4, %dma_start3A_30] : memref<10000x128xf32, #tpu.memory_space<hbm>> -> memref<624x128xf32, #tpu.memory_space<hbm>>
      tpu.enqueue_dma source(%dma_start3A_31 : memref<624x128xf32, #tpu.memory_space<hbm>>) target(%dma_start3A_29 : memref<624x128xf32, #tpu.memory_space<vmem_shared>>) target_semaphore(%run_scoped3A : memref<!tpu.dma_semaphore, #tpu.memory_space<semaphore_mem>>)
      %dma_wait3A = arith.constant 0 : i32
      %dma_wait3A_32 = tpu.memref_slice %arg10[%mul3A_6, %dma_wait3A] : memref<10000x128xf32, #tpu.memory_space<vmem_shared>> -> memref<624x128xf32, #tpu.memory_space<vmem_shared>>
      %dma_wait3A_33 = arith.constant 0 : i32
      %dma_wait3A_34 = tpu.memref_slice %arg4[%mul3A_4, %dma_wait3A_33] : memref<10000x128xf32, #tpu.memory_space<hbm>> -> memref<624x128xf32, #tpu.memory_space<hbm>>
      tpu.wait_dma2 semaphore(%run_scoped3A : memref<!tpu.dma_semaphore, #tpu.memory_space<semaphore_mem>>) src(%dma_wait3A_34 : memref<624x128xf32, #tpu.memory_space<hbm>>) dst(%dma_wait3A_32 : memref<624x128xf32, #tpu.memory_space<vmem_shared>>)
      tpu.yield
    }) : () -> ()
    %eq3A = arith.constant 15 : i32
    %eq3A_7 = arith.cmpi eq, %arg1, %eq3A : i32
    %convert_element_type3A = arith.extui %eq3A_7 : i1 to i32
    %cond3A = arith.constant 0 : i32
    %cond3A_8 = arith.cmpi ne, %convert_element_type3A, %cond3A : i32
    scf.if %cond3A_8 {
      "tpu.region"() ({
        %run_scoped3A = tpu.sem_alloc : memref<!tpu.dma_semaphore, #tpu.memory_space<semaphore_mem>>
        %dma_start3A = arith.constant 9984 : i32
        %dma_start3A_29 = arith.constant 0 : i32
        %dma_start3A_30 = tpu.memref_slice %arg10[%dma_start3A, %dma_start3A_29] : memref<10000x128xf32, #tpu.memory_space<vmem_shared>> -> memref<16x128xf32, #tpu.memory_space<vmem_shared>>
        %dma_start3A_31 = arith.constant 9984 : i32
        %dma_start3A_32 = arith.constant 0 : i32
        %dma_start3A_33 = tpu.memref_slice %arg4[%dma_start3A_31, %dma_start3A_32] : memref<10000x128xf32, #tpu.memory_space<hbm>> -> memref<16x128xf32, #tpu.memory_space<hbm>>
        tpu.enqueue_dma source(%dma_start3A_33 : memref<16x128xf32, #tpu.memory_space<hbm>>) target(%dma_start3A_30 : memref<16x128xf32, #tpu.memory_space<vmem_shared>>) target_semaphore(%run_scoped3A : memref<!tpu.dma_semaphore, #tpu.memory_space<semaphore_mem>>)
        %dma_wait3A = arith.constant 9984 : i32
        %dma_wait3A_34 = arith.constant 0 : i32
        %dma_wait3A_35 = tpu.memref_slice %arg10[%dma_wait3A, %dma_wait3A_34] : memref<10000x128xf32, #tpu.memory_space<vmem_shared>> -> memref<16x128xf32, #tpu.memory_space<vmem_shared>>
        %dma_wait3A_36 = arith.constant 9984 : i32
        %dma_wait3A_37 = arith.constant 0 : i32
        %dma_wait3A_38 = tpu.memref_slice %arg4[%dma_wait3A_36, %dma_wait3A_37] : memref<10000x128xf32, #tpu.memory_space<hbm>> -> memref<16x128xf32, #tpu.memory_space<hbm>>
        tpu.wait_dma2 semaphore(%run_scoped3A : memref<!tpu.dma_semaphore, #tpu.memory_space<semaphore_mem>>) src(%dma_wait3A_38 : memref<16x128xf32, #tpu.memory_space<hbm>>) dst(%dma_wait3A_35 : memref<16x128xf32, #tpu.memory_space<vmem_shared>>)
        tpu.yield
      }) : () -> ()
    } else {
    }
    %barrier3A = arith.constant 0 : index
    tpu.barrier barrier_id(%barrier3A)
    %scan3A = arith.constant 0 : i32
    %scan3A_9 = arith.constant 0 : i32
    %scan3A_10 = arith.constant 78 : i32
    %scan3A_11 = arith.addi %scan3A_9, %scan3A_10 : i32
    %scan3A_12 = arith.constant 1 : i32
    scf.for %scan3A_29 = %scan3A_9 to %scan3A_11 step %scan3A_12  : i32 {
      %mul3A_30 = arith.constant 128 : i32
      %mul3A_31 = arith.muli %scan3A_29, %mul3A_30 : i32
      %add3A_32 = arith.addi %mul3A_2, %mul3A_31 : i32
      "tpu.region"() ({
        %run_scoped3A = tpu.sem_alloc : memref<!tpu.dma_semaphore, #tpu.memory_space<semaphore_mem>>
        %dma_start3A = tpu.memref_slice %arg3[%add3A_32] : memref<320000xi32, #tpu.memory_space<hbm>> -> memref<128xi32, #tpu.memory_space<hbm>>
        %dma_start3A_33 = tpu.memref_slice %arg3[%add3A_32] : memref<320000xi32, #tpu.memory_space<hbm>> -> memref<128xi32, #tpu.memory_space<hbm>>
        tpu.enqueue_dma source(%dma_start3A_33 : memref<128xi32, #tpu.memory_space<hbm>>) target(%arg6 : memref<128xi32, #tpu.memory_space<vmem>>) target_semaphore(%run_scoped3A : memref<!tpu.dma_semaphore, #tpu.memory_space<semaphore_mem>>)
        %dma_wait3A = tpu.memref_slice %arg3[%add3A_32] : memref<320000xi32, #tpu.memory_space<hbm>> -> memref<128xi32, #tpu.memory_space<hbm>>
        %dma_wait3A_34 = tpu.memref_slice %arg3[%add3A_32] : memref<320000xi32, #tpu.memory_space<hbm>> -> memref<128xi32, #tpu.memory_space<hbm>>
        tpu.wait_dma2 semaphore(%run_scoped3A : memref<!tpu.dma_semaphore, #tpu.memory_space<semaphore_mem>>) src(%dma_wait3A_34 : memref<128xi32, #tpu.memory_space<hbm>>) dst(%arg6 : memref<128xi32, #tpu.memory_space<vmem>>)
        tpu.yield
      }) : () -> ()
      "tpu.region"() ({
        %run_scoped3A = tpu.sem_alloc : memref<!tpu.dma_semaphore, #tpu.memory_space<semaphore_mem>>
        %dma_start3A = arith.constant 0 : i32
        %dma_start3A_33 = tpu.memref_slice %arg2[%add3A_32, %dma_start3A] : memref<320000x128xf32, #tpu.memory_space<hbm>> -> memref<128x128xf32, #tpu.memory_space<hbm>>
        %dma_start3A_34 = arith.constant 0 : i32
        %dma_start3A_35 = tpu.memref_slice %arg2[%add3A_32, %dma_start3A_34] : memref<320000x128xf32, #tpu.memory_space<hbm>> -> memref<128x128xf32, #tpu.memory_space<hbm>>
        tpu.enqueue_dma source(%dma_start3A_35 : memref<128x128xf32, #tpu.memory_space<hbm>>) target(%arg7 : memref<128x128xf32, #tpu.memory_space<vmem>>) target_semaphore(%run_scoped3A : memref<!tpu.dma_semaphore, #tpu.memory_space<semaphore_mem>>)
        %dma_wait3A = arith.constant 0 : i32
        %dma_wait3A_36 = tpu.memref_slice %arg2[%add3A_32, %dma_wait3A] : memref<320000x128xf32, #tpu.memory_space<hbm>> -> memref<128x128xf32, #tpu.memory_space<hbm>>
        %dma_wait3A_37 = arith.constant 0 : i32
        %dma_wait3A_38 = tpu.memref_slice %arg2[%add3A_32, %dma_wait3A_37] : memref<320000x128xf32, #tpu.memory_space<hbm>> -> memref<128x128xf32, #tpu.memory_space<hbm>>
        tpu.wait_dma2 semaphore(%run_scoped3A : memref<!tpu.dma_semaphore, #tpu.memory_space<semaphore_mem>>) src(%dma_wait3A_38 : memref<128x128xf32, #tpu.memory_space<hbm>>) dst(%arg7 : memref<128x128xf32, #tpu.memory_space<vmem>>)
        tpu.yield
      }) : () -> ()
      "tpu.region"() ({
        %run_scoped3A = tpu.sem_alloc : memref<!tpu.dma_semaphore, #tpu.memory_space<semaphore_mem>>
        %dma_start3A = arith.constant 0 : i32
        %dma_start3A_33 = arith.constant 0 : i32
        %dma_start3A_34 = tpu.memref_slice %arg10[%dma_start3A, %dma_start3A_33] : memref<10000x128xf32, #tpu.memory_space<vmem_shared>> -> memref<10000x128xf32, #tpu.memory_space<vmem_shared>>
        tpu.enqueue_indirect_dma source(%arg7 : memref<128x128xf32, #tpu.memory_space<vmem>>) target(%dma_start3A_34 : memref<10000x128xf32, #tpu.memory_space<vmem_shared>>) offsets(%arg6 : memref<128xi32, #tpu.memory_space<vmem>>) semaphore(%run_scoped3A : memref<!tpu.dma_semaphore, #tpu.memory_space<semaphore_mem>>) {add = true}
        %dma_wait3A = arith.constant 0 : i32
        %dma_wait3A_35 = arith.constant 0 : i32
        %dma_wait3A_36 = tpu.memref_slice %arg10[%dma_wait3A, %dma_wait3A_35] : memref<10000x128xf32, #tpu.memory_space<vmem_shared>> -> memref<10000x128xf32, #tpu.memory_space<vmem_shared>>
        tpu.wait_indirect_dma semaphore(%run_scoped3A : memref<!tpu.dma_semaphore, #tpu.memory_space<semaphore_mem>>) src(%arg7 : memref<128x128xf32, #tpu.memory_space<vmem>>) dst(%dma_wait3A_36 : memref<10000x128xf32, #tpu.memory_space<vmem_shared>>)
        tpu.yield
      }) : () -> ()
    }
    %scan3A_13 = arith.constant 78 : i32
    %add3A_14 = arith.constant 9984 : i32
    %add3A_15 = arith.addi %mul3A_2, %add3A_14 : i32
    "tpu.region"() ({
      %run_scoped3A = tpu.sem_alloc : memref<!tpu.dma_semaphore, #tpu.memory_space<semaphore_mem>>
      %dma_start3A = tpu.memref_slice %arg3[%add3A_15] : memref<320000xi32, #tpu.memory_space<hbm>> -> memref<16xi32, #tpu.memory_space<hbm>>
      %dma_start3A_29 = tpu.memref_slice %arg3[%add3A_15] : memref<320000xi32, #tpu.memory_space<hbm>> -> memref<16xi32, #tpu.memory_space<hbm>>
      tpu.enqueue_dma source(%dma_start3A_29 : memref<16xi32, #tpu.memory_space<hbm>>) target(%arg8 : memref<16xi32, #tpu.memory_space<vmem>>) target_semaphore(%run_scoped3A : memref<!tpu.dma_semaphore, #tpu.memory_space<semaphore_mem>>)
      %dma_wait3A = tpu.memref_slice %arg3[%add3A_15] : memref<320000xi32, #tpu.memory_space<hbm>> -> memref<16xi32, #tpu.memory_space<hbm>>
      %dma_wait3A_30 = tpu.memref_slice %arg3[%add3A_15] : memref<320000xi32, #tpu.memory_space<hbm>> -> memref<16xi32, #tpu.memory_space<hbm>>
      tpu.wait_dma2 semaphore(%run_scoped3A : memref<!tpu.dma_semaphore, #tpu.memory_space<semaphore_mem>>) src(%dma_wait3A_30 : memref<16xi32, #tpu.memory_space<hbm>>) dst(%arg8 : memref<16xi32, #tpu.memory_space<vmem>>)
      tpu.yield
    }) : () -> ()
    "tpu.region"() ({
      %run_scoped3A = tpu.sem_alloc : memref<!tpu.dma_semaphore, #tpu.memory_space<semaphore_mem>>
      %dma_start3A = arith.constant 0 : i32
      %dma_start3A_29 = tpu.memref_slice %arg2[%add3A_15, %dma_start3A] : memref<320000x128xf32, #tpu.memory_space<hbm>> -> memref<16x128xf32, #tpu.memory_space<hbm>>
      %dma_start3A_30 = arith.constant 0 : i32
      %dma_start3A_31 = tpu.memref_slice %arg2[%add3A_15, %dma_start3A_30] : memref<320000x128xf32, #tpu.memory_space<hbm>> -> memref<16x128xf32, #tpu.memory_space<hbm>>
      tpu.enqueue_dma source(%dma_start3A_31 : memref<16x128xf32, #tpu.memory_space<hbm>>) target(%arg9 : memref<16x128xf32, #tpu.memory_space<vmem>>) target_semaphore(%run_scoped3A : memref<!tpu.dma_semaphore, #tpu.memory_space<semaphore_mem>>)
      %dma_wait3A = arith.constant 0 : i32
      %dma_wait3A_32 = tpu.memref_slice %arg2[%add3A_15, %dma_wait3A] : memref<320000x128xf32, #tpu.memory_space<hbm>> -> memref<16x128xf32, #tpu.memory_space<hbm>>
      %dma_wait3A_33 = arith.constant 0 : i32
      %dma_wait3A_34 = tpu.memref_slice %arg2[%add3A_15, %dma_wait3A_33] : memref<320000x128xf32, #tpu.memory_space<hbm>> -> memref<16x128xf32, #tpu.memory_space<hbm>>
      tpu.wait_dma2 semaphore(%run_scoped3A : memref<!tpu.dma_semaphore, #tpu.memory_space<semaphore_mem>>) src(%dma_wait3A_34 : memref<16x128xf32, #tpu.memory_space<hbm>>) dst(%arg9 : memref<16x128xf32, #tpu.memory_space<vmem>>)
      tpu.yield
    }) : () -> ()
    "tpu.region"() ({
      %run_scoped3A = tpu.sem_alloc : memref<!tpu.dma_semaphore, #tpu.memory_space<semaphore_mem>>
      %dma_start3A = arith.constant 0 : i32
      %dma_start3A_29 = arith.constant 0 : i32
      %dma_start3A_30 = tpu.memref_slice %arg10[%dma_start3A, %dma_start3A_29] : memref<10000x128xf32, #tpu.memory_space<vmem_shared>> -> memref<10000x128xf32, #tpu.memory_space<vmem_shared>>
      tpu.enqueue_indirect_dma source(%arg9 : memref<16x128xf32, #tpu.memory_space<vmem>>) target(%dma_start3A_30 : memref<10000x128xf32, #tpu.memory_space<vmem_shared>>) offsets(%arg8 : memref<16xi32, #tpu.memory_space<vmem>>) semaphore(%run_scoped3A : memref<!tpu.dma_semaphore, #tpu.memory_space<semaphore_mem>>) {add = true}
      %dma_wait3A = arith.constant 0 : i32
      %dma_wait3A_31 = arith.constant 0 : i32
      %dma_wait3A_32 = tpu.memref_slice %arg10[%dma_wait3A, %dma_wait3A_31] : memref<10000x128xf32, #tpu.memory_space<vmem_shared>> -> memref<10000x128xf32, #tpu.memory_space<vmem_shared>>
      tpu.wait_indirect_dma semaphore(%run_scoped3A : memref<!tpu.dma_semaphore, #tpu.memory_space<semaphore_mem>>) src(%arg9 : memref<16x128xf32, #tpu.memory_space<vmem>>) dst(%dma_wait3A_32 : memref<10000x128xf32, #tpu.memory_space<vmem_shared>>)
      tpu.yield
    }) : () -> ()
    %barrier3A_16 = arith.constant 0 : index
    tpu.barrier barrier_id(%barrier3A_16)
    %mul3A_17 = arith.constant 624 : i32
    %mul3A_18 = arith.muli %arg1, %mul3A_17 : i32
    %mul3A_19 = arith.constant 10000 : i32
    %mul3A_20 = arith.muli %arg0, %mul3A_19 : i32
    %mul3A_21 = arith.constant 624 : i32
    %mul3A_22 = arith.muli %arg1, %mul3A_21 : i32
    %add3A_23 = arith.addi %mul3A_20, %mul3A_22 : i32
    "tpu.region"() ({
      %run_scoped3A = tpu.sem_alloc : memref<!tpu.dma_semaphore, #tpu.memory_space<semaphore_mem>>
      %dma_start3A = arith.constant 0 : i32
      %dma_start3A_29 = tpu.memref_slice %arg5[%add3A_23, %dma_start3A] : memref<20000x128xf32, #tpu.memory_space<hbm>> -> memref<624x128xf32, #tpu.memory_space<hbm>>
      %dma_start3A_30 = arith.constant 0 : i32
      %dma_start3A_31 = tpu.memref_slice %arg10[%mul3A_18, %dma_start3A_30] : memref<10000x128xf32, #tpu.memory_space<vmem_shared>> -> memref<624x128xf32, #tpu.memory_space<vmem_shared>>
      tpu.enqueue_dma source(%dma_start3A_31 : memref<624x128xf32, #tpu.memory_space<vmem_shared>>) target(%dma_start3A_29 : memref<624x128xf32, #tpu.memory_space<hbm>>) target_semaphore(%run_scoped3A : memref<!tpu.dma_semaphore, #tpu.memory_space<semaphore_mem>>)
      %dma_wait3A = arith.constant 0 : i32
      %dma_wait3A_32 = tpu.memref_slice %arg5[%add3A_23, %dma_wait3A] : memref<20000x128xf32, #tpu.memory_space<hbm>> -> memref<624x128xf32, #tpu.memory_space<hbm>>
      %dma_wait3A_33 = arith.constant 0 : i32
      %dma_wait3A_34 = tpu.memref_slice %arg10[%mul3A_18, %dma_wait3A_33] : memref<10000x128xf32, #tpu.memory_space<vmem_shared>> -> memref<624x128xf32, #tpu.memory_space<vmem_shared>>
      tpu.wait_dma2 semaphore(%run_scoped3A : memref<!tpu.dma_semaphore, #tpu.memory_space<semaphore_mem>>) src(%dma_wait3A_34 : memref<624x128xf32, #tpu.memory_space<vmem_shared>>) dst(%dma_wait3A_32 : memref<624x128xf32, #tpu.memory_space<hbm>>)
      tpu.yield
    }) : () -> ()
    %eq3A_24 = arith.constant 15 : i32
    %eq3A_25 = arith.cmpi eq, %arg1, %eq3A_24 : i32
    %convert_element_type3A_26 = arith.extui %eq3A_25 : i1 to i32
    %cond3A_27 = arith.constant 0 : i32
    %cond3A_28 = arith.cmpi ne, %convert_element_type3A_26, %cond3A_27 : i32
    scf.if %cond3A_28 {
      %mul3A_29 = arith.constant 10000 : i32
      %mul3A_30 = arith.muli %arg0, %mul3A_29 : i32
      %add3A_31 = arith.constant 9984 : i32
      %add3A_32 = arith.addi %mul3A_30, %add3A_31 : i32
      "tpu.region"() ({
        %run_scoped3A = tpu.sem_alloc : memref<!tpu.dma_semaphore, #tpu.memory_space<semaphore_mem>>
        %dma_start3A = arith.constant 0 : i32
        %dma_start3A_33 = tpu.memref_slice %arg5[%add3A_32, %dma_start3A] : memref<20000x128xf32, #tpu.memory_space<hbm>> -> memref<16x128xf32, #tpu.memory_space<hbm>>
        %dma_start3A_34 = arith.constant 9984 : i32
        %dma_start3A_35 = arith.constant 0 : i32
        %dma_start3A_36 = tpu.memref_slice %arg10[%dma_start3A_34, %dma_start3A_35] : memref<10000x128xf32, #tpu.memory_space<vmem_shared>> -> memref<16x128xf32, #tpu.memory_space<vmem_shared>>
        tpu.enqueue_dma source(%dma_start3A_36 : memref<16x128xf32, #tpu.memory_space<vmem_shared>>) target(%dma_start3A_33 : memref<16x128xf32, #tpu.memory_space<hbm>>) target_semaphore(%run_scoped3A : memref<!tpu.dma_semaphore, #tpu.memory_space<semaphore_mem>>)
        %dma_wait3A = arith.constant 0 : i32
        %dma_wait3A_37 = tpu.memref_slice %arg5[%add3A_32, %dma_wait3A] : memref<20000x128xf32, #tpu.memory_space<hbm>> -> memref<16x128xf32, #tpu.memory_space<hbm>>
        %dma_wait3A_38 = arith.constant 9984 : i32
        %dma_wait3A_39 = arith.constant 0 : i32
        %dma_wait3A_40 = tpu.memref_slice %arg10[%dma_wait3A_38, %dma_wait3A_39] : memref<10000x128xf32, #tpu.memory_space<vmem_shared>> -> memref<16x128xf32, #tpu.memory_space<vmem_shared>>
        tpu.wait_dma2 semaphore(%run_scoped3A : memref<!tpu.dma_semaphore, #tpu.memory_space<semaphore_mem>>) src(%dma_wait3A_40 : memref<16x128xf32, #tpu.memory_space<vmem_shared>>) dst(%dma_wait3A_37 : memref<16x128xf32, #tpu.memory_space<hbm>>)
        tpu.yield
      }) : () -> ()
    } else {
    }
    return
  }
}

#map = affine_map<(d0, d1) -> (0, 0)>
#map1 = affine_map<(d0, d1) -> (0)>
module attributes {stable_mosaic.version = 14 : i64} {
  func.func @k(%arg0: i32, %arg1: i32, %arg2: memref<10000x128xf32, #tpu.memory_space<hbm>>, %arg3: memref<10000x128xf32, #tpu.memory_space<hbm>>, %arg4: memref<320000xi32, #tpu.memory_space<hbm>>, %arg5: memref<320000xi32, #tpu.memory_space<hbm>>, %arg6: memref<320000x128xf32, #tpu.memory_space<hbm>>, %arg7: memref<128xi32, #tpu.memory_space<vmem>>, %arg8: memref<128xi32, #tpu.memory_space<vmem>>, %arg9: memref<128x128xf32, #tpu.memory_space<vmem>>, %arg10: memref<16xi32, #tpu.memory_space<vmem>>, %arg11: memref<16xi32, #tpu.memory_space<vmem>>, %arg12: memref<16x128xf32, #tpu.memory_space<vmem>>, %arg13: memref<!tpu.dma_semaphore, #tpu.memory_space<semaphore_mem>>) attributes {dimension_semantics = [#tpu.dimension_semantics<core_parallel>, #tpu.dimension_semantics<subcore_parallel>], iteration_bounds = array<i64: 2, 16>, scalar_prefetch = 0 : i64, scratch_operands = 7 : i64, tpu.core_type = #tpu.core_type<sc_vector_subcore>, window_params = [{transform_indices = #map}, {transform_indices = #map}, {transform_indices = #map1}, {transform_indices = #map1}, {transform_indices = #map}]} {
    %mul3A = arith.constant 2 : i32
    %mul3A_0 = arith.muli %arg1, %mul3A : i32
    %add3A = arith.addi %mul3A_0, %arg0 : i32
    %mul3A_1 = arith.constant 10000 : i32
    %mul3A_2 = arith.muli %add3A, %mul3A_1 : i32
    %scan3A = arith.constant 0 : i32
    %scan3A_3 = arith.constant 0 : i32
    %scan3A_4 = arith.constant 78 : i32
    %scan3A_5 = arith.addi %scan3A_3, %scan3A_4 : i32
    %scan3A_6 = arith.constant 1 : i32
    scf.for %scan3A_20 = %scan3A_3 to %scan3A_5 step %scan3A_6  : i32 {
      %mul3A_21 = arith.constant 128 : i32
      %mul3A_22 = arith.muli %scan3A_20, %mul3A_21 : i32
      %add3A_23 = arith.addi %mul3A_2, %mul3A_22 : i32
      "tpu.region"() ({
        %run_scoped3A = tpu.sem_alloc : memref<!tpu.dma_semaphore, #tpu.memory_space<semaphore_mem>>
        %dma_start3A_36 = tpu.memref_slice %arg4[%add3A_23] : memref<320000xi32, #tpu.memory_space<hbm>> -> memref<128xi32, #tpu.memory_space<hbm>>
        %dma_start3A_37 = tpu.memref_slice %arg4[%add3A_23] : memref<320000xi32, #tpu.memory_space<hbm>> -> memref<128xi32, #tpu.memory_space<hbm>>
        tpu.enqueue_dma source(%dma_start3A_37 : memref<128xi32, #tpu.memory_space<hbm>>) target(%arg7 : memref<128xi32, #tpu.memory_space<vmem>>) target_semaphore(%run_scoped3A : memref<!tpu.dma_semaphore, #tpu.memory_space<semaphore_mem>>)
        %dma_wait3A_38 = tpu.memref_slice %arg4[%add3A_23] : memref<320000xi32, #tpu.memory_space<hbm>> -> memref<128xi32, #tpu.memory_space<hbm>>
        %dma_wait3A_39 = tpu.memref_slice %arg4[%add3A_23] : memref<320000xi32, #tpu.memory_space<hbm>> -> memref<128xi32, #tpu.memory_space<hbm>>
        tpu.wait_dma2 semaphore(%run_scoped3A : memref<!tpu.dma_semaphore, #tpu.memory_space<semaphore_mem>>) src(%dma_wait3A_39 : memref<128xi32, #tpu.memory_space<hbm>>) dst(%arg7 : memref<128xi32, #tpu.memory_space<vmem>>)
        tpu.yield
      }) : () -> ()
      "tpu.region"() ({
        %run_scoped3A = tpu.sem_alloc : memref<!tpu.dma_semaphore, #tpu.memory_space<semaphore_mem>>
        %dma_start3A_36 = tpu.memref_slice %arg5[%add3A_23] : memref<320000xi32, #tpu.memory_space<hbm>> -> memref<128xi32, #tpu.memory_space<hbm>>
        %dma_start3A_37 = tpu.memref_slice %arg5[%add3A_23] : memref<320000xi32, #tpu.memory_space<hbm>> -> memref<128xi32, #tpu.memory_space<hbm>>
        tpu.enqueue_dma source(%dma_start3A_37 : memref<128xi32, #tpu.memory_space<hbm>>) target(%arg8 : memref<128xi32, #tpu.memory_space<vmem>>) target_semaphore(%run_scoped3A : memref<!tpu.dma_semaphore, #tpu.memory_space<semaphore_mem>>)
        %dma_wait3A_38 = tpu.memref_slice %arg5[%add3A_23] : memref<320000xi32, #tpu.memory_space<hbm>> -> memref<128xi32, #tpu.memory_space<hbm>>
        %dma_wait3A_39 = tpu.memref_slice %arg5[%add3A_23] : memref<320000xi32, #tpu.memory_space<hbm>> -> memref<128xi32, #tpu.memory_space<hbm>>
        tpu.wait_dma2 semaphore(%run_scoped3A : memref<!tpu.dma_semaphore, #tpu.memory_space<semaphore_mem>>) src(%dma_wait3A_39 : memref<128xi32, #tpu.memory_space<hbm>>) dst(%arg8 : memref<128xi32, #tpu.memory_space<vmem>>)
        tpu.yield
      }) : () -> ()
      %dma_start3A_24 = arith.constant 0 : i32
      %dma_start3A_25 = arith.constant 0 : i32
      %dma_start3A_26 = tpu.memref_slice %arg2[%dma_start3A_24, %dma_start3A_25] : memref<10000x128xf32, #tpu.memory_space<hbm>> -> memref<10000x128xf32, #tpu.memory_space<hbm>>
      tpu.enqueue_indirect_dma source(%dma_start3A_26 : memref<10000x128xf32, #tpu.memory_space<hbm>>) target(%arg9 : memref<128x128xf32, #tpu.memory_space<vmem>>) offsets(%arg7 : memref<128xi32, #tpu.memory_space<vmem>>) semaphore(%arg13 : memref<!tpu.dma_semaphore, #tpu.memory_space<semaphore_mem>>)
      %dma_wait3A_27 = arith.constant 0 : i32
      %dma_wait3A_28 = arith.constant 0 : i32
      %dma_wait3A_29 = tpu.memref_slice %arg2[%dma_wait3A_27, %dma_wait3A_28] : memref<10000x128xf32, #tpu.memory_space<hbm>> -> memref<10000x128xf32, #tpu.memory_space<hbm>>
      tpu.wait_indirect_dma semaphore(%arg13 : memref<!tpu.dma_semaphore, #tpu.memory_space<semaphore_mem>>) src(%dma_wait3A_29 : memref<10000x128xf32, #tpu.memory_space<hbm>>) dst(%arg9 : memref<128x128xf32, #tpu.memory_space<vmem>>)
      %dma_start3A_30 = arith.constant 0 : i32
      %dma_start3A_31 = arith.constant 0 : i32
      %dma_start3A_32 = tpu.memref_slice %arg3[%dma_start3A_30, %dma_start3A_31] : memref<10000x128xf32, #tpu.memory_space<hbm>> -> memref<10000x128xf32, #tpu.memory_space<hbm>>
      tpu.enqueue_indirect_dma source(%dma_start3A_32 : memref<10000x128xf32, #tpu.memory_space<hbm>>) target(%arg9 : memref<128x128xf32, #tpu.memory_space<vmem>>) offsets(%arg8 : memref<128xi32, #tpu.memory_space<vmem>>) semaphore(%arg13 : memref<!tpu.dma_semaphore, #tpu.memory_space<semaphore_mem>>) {add = true}
      %dma_wait3A_33 = arith.constant 0 : i32
      %dma_wait3A_34 = arith.constant 0 : i32
      %dma_wait3A_35 = tpu.memref_slice %arg3[%dma_wait3A_33, %dma_wait3A_34] : memref<10000x128xf32, #tpu.memory_space<hbm>> -> memref<10000x128xf32, #tpu.memory_space<hbm>>
      tpu.wait_indirect_dma semaphore(%arg13 : memref<!tpu.dma_semaphore, #tpu.memory_space<semaphore_mem>>) src(%dma_wait3A_35 : memref<10000x128xf32, #tpu.memory_space<hbm>>) dst(%arg9 : memref<128x128xf32, #tpu.memory_space<vmem>>)
      "tpu.region"() ({
        %run_scoped3A = tpu.sem_alloc : memref<!tpu.dma_semaphore, #tpu.memory_space<semaphore_mem>>
        %dma_start3A_36 = arith.constant 0 : i32
        %dma_start3A_37 = tpu.memref_slice %arg6[%add3A_23, %dma_start3A_36] : memref<320000x128xf32, #tpu.memory_space<hbm>> -> memref<128x128xf32, #tpu.memory_space<hbm>>
        %dma_start3A_38 = arith.constant 0 : i32
        %dma_start3A_39 = tpu.memref_slice %arg6[%add3A_23, %dma_start3A_38] : memref<320000x128xf32, #tpu.memory_space<hbm>> -> memref<128x128xf32, #tpu.memory_space<hbm>>
        tpu.enqueue_dma source(%arg9 : memref<128x128xf32, #tpu.memory_space<vmem>>) target(%dma_start3A_39 : memref<128x128xf32, #tpu.memory_space<hbm>>) target_semaphore(%run_scoped3A : memref<!tpu.dma_semaphore, #tpu.memory_space<semaphore_mem>>)
        %dma_wait3A_40 = arith.constant 0 : i32
        %dma_wait3A_41 = tpu.memref_slice %arg6[%add3A_23, %dma_wait3A_40] : memref<320000x128xf32, #tpu.memory_space<hbm>> -> memref<128x128xf32, #tpu.memory_space<hbm>>
        %dma_wait3A_42 = arith.constant 0 : i32
        %dma_wait3A_43 = tpu.memref_slice %arg6[%add3A_23, %dma_wait3A_42] : memref<320000x128xf32, #tpu.memory_space<hbm>> -> memref<128x128xf32, #tpu.memory_space<hbm>>
        tpu.wait_dma2 semaphore(%run_scoped3A : memref<!tpu.dma_semaphore, #tpu.memory_space<semaphore_mem>>) src(%arg9 : memref<128x128xf32, #tpu.memory_space<vmem>>) dst(%dma_wait3A_43 : memref<128x128xf32, #tpu.memory_space<hbm>>)
        tpu.yield
      }) : () -> ()
    }
    %scan3A_7 = arith.constant 78 : i32
    %add3A_8 = arith.constant 9984 : i32
    %add3A_9 = arith.addi %mul3A_2, %add3A_8 : i32
    "tpu.region"() ({
      %run_scoped3A = tpu.sem_alloc : memref<!tpu.dma_semaphore, #tpu.memory_space<semaphore_mem>>
      %dma_start3A_20 = tpu.memref_slice %arg4[%add3A_9] : memref<320000xi32, #tpu.memory_space<hbm>> -> memref<16xi32, #tpu.memory_space<hbm>>
      %dma_start3A_21 = tpu.memref_slice %arg4[%add3A_9] : memref<320000xi32, #tpu.memory_space<hbm>> -> memref<16xi32, #tpu.memory_space<hbm>>
      tpu.enqueue_dma source(%dma_start3A_21 : memref<16xi32, #tpu.memory_space<hbm>>) target(%arg10 : memref<16xi32, #tpu.memory_space<vmem>>) target_semaphore(%run_scoped3A : memref<!tpu.dma_semaphore, #tpu.memory_space<semaphore_mem>>)
      %dma_wait3A_22 = tpu.memref_slice %arg4[%add3A_9] : memref<320000xi32, #tpu.memory_space<hbm>> -> memref<16xi32, #tpu.memory_space<hbm>>
      %dma_wait3A_23 = tpu.memref_slice %arg4[%add3A_9] : memref<320000xi32, #tpu.memory_space<hbm>> -> memref<16xi32, #tpu.memory_space<hbm>>
      tpu.wait_dma2 semaphore(%run_scoped3A : memref<!tpu.dma_semaphore, #tpu.memory_space<semaphore_mem>>) src(%dma_wait3A_23 : memref<16xi32, #tpu.memory_space<hbm>>) dst(%arg10 : memref<16xi32, #tpu.memory_space<vmem>>)
      tpu.yield
    }) : () -> ()
    "tpu.region"() ({
      %run_scoped3A = tpu.sem_alloc : memref<!tpu.dma_semaphore, #tpu.memory_space<semaphore_mem>>
      %dma_start3A_20 = tpu.memref_slice %arg5[%add3A_9] : memref<320000xi32, #tpu.memory_space<hbm>> -> memref<16xi32, #tpu.memory_space<hbm>>
      %dma_start3A_21 = tpu.memref_slice %arg5[%add3A_9] : memref<320000xi32, #tpu.memory_space<hbm>> -> memref<16xi32, #tpu.memory_space<hbm>>
      tpu.enqueue_dma source(%dma_start3A_21 : memref<16xi32, #tpu.memory_space<hbm>>) target(%arg11 : memref<16xi32, #tpu.memory_space<vmem>>) target_semaphore(%run_scoped3A : memref<!tpu.dma_semaphore, #tpu.memory_space<semaphore_mem>>)
      %dma_wait3A_22 = tpu.memref_slice %arg5[%add3A_9] : memref<320000xi32, #tpu.memory_space<hbm>> -> memref<16xi32, #tpu.memory_space<hbm>>
      %dma_wait3A_23 = tpu.memref_slice %arg5[%add3A_9] : memref<320000xi32, #tpu.memory_space<hbm>> -> memref<16xi32, #tpu.memory_space<hbm>>
      tpu.wait_dma2 semaphore(%run_scoped3A : memref<!tpu.dma_semaphore, #tpu.memory_space<semaphore_mem>>) src(%dma_wait3A_23 : memref<16xi32, #tpu.memory_space<hbm>>) dst(%arg11 : memref<16xi32, #tpu.memory_space<vmem>>)
      tpu.yield
    }) : () -> ()
    %dma_start3A = arith.constant 0 : i32
    %dma_start3A_10 = arith.constant 0 : i32
    %dma_start3A_11 = tpu.memref_slice %arg2[%dma_start3A, %dma_start3A_10] : memref<10000x128xf32, #tpu.memory_space<hbm>> -> memref<10000x128xf32, #tpu.memory_space<hbm>>
    tpu.enqueue_indirect_dma source(%dma_start3A_11 : memref<10000x128xf32, #tpu.memory_space<hbm>>) target(%arg12 : memref<16x128xf32, #tpu.memory_space<vmem>>) offsets(%arg10 : memref<16xi32, #tpu.memory_space<vmem>>) semaphore(%arg13 : memref<!tpu.dma_semaphore, #tpu.memory_space<semaphore_mem>>)
    %dma_wait3A = arith.constant 0 : i32
    %dma_wait3A_12 = arith.constant 0 : i32
    %dma_wait3A_13 = tpu.memref_slice %arg2[%dma_wait3A, %dma_wait3A_12] : memref<10000x128xf32, #tpu.memory_space<hbm>> -> memref<10000x128xf32, #tpu.memory_space<hbm>>
    tpu.wait_indirect_dma semaphore(%arg13 : memref<!tpu.dma_semaphore, #tpu.memory_space<semaphore_mem>>) src(%dma_wait3A_13 : memref<10000x128xf32, #tpu.memory_space<hbm>>) dst(%arg12 : memref<16x128xf32, #tpu.memory_space<vmem>>)
    %dma_start3A_14 = arith.constant 0 : i32
    %dma_start3A_15 = arith.constant 0 : i32
    %dma_start3A_16 = tpu.memref_slice %arg3[%dma_start3A_14, %dma_start3A_15] : memref<10000x128xf32, #tpu.memory_space<hbm>> -> memref<10000x128xf32, #tpu.memory_space<hbm>>
    tpu.enqueue_indirect_dma source(%dma_start3A_16 : memref<10000x128xf32, #tpu.memory_space<hbm>>) target(%arg12 : memref<16x128xf32, #tpu.memory_space<vmem>>) offsets(%arg11 : memref<16xi32, #tpu.memory_space<vmem>>) semaphore(%arg13 : memref<!tpu.dma_semaphore, #tpu.memory_space<semaphore_mem>>) {add = true}
    %dma_wait3A_17 = arith.constant 0 : i32
    %dma_wait3A_18 = arith.constant 0 : i32
    %dma_wait3A_19 = tpu.memref_slice %arg3[%dma_wait3A_17, %dma_wait3A_18] : memref<10000x128xf32, #tpu.memory_space<hbm>> -> memref<10000x128xf32, #tpu.memory_space<hbm>>
    tpu.wait_indirect_dma semaphore(%arg13 : memref<!tpu.dma_semaphore, #tpu.memory_space<semaphore_mem>>) src(%dma_wait3A_19 : memref<10000x128xf32, #tpu.memory_space<hbm>>) dst(%arg12 : memref<16x128xf32, #tpu.memory_space<vmem>>)
    "tpu.region"() ({
      %run_scoped3A = tpu.sem_alloc : memref<!tpu.dma_semaphore, #tpu.memory_space<semaphore_mem>>
      %dma_start3A_20 = arith.constant 0 : i32
      %dma_start3A_21 = tpu.memref_slice %arg6[%add3A_9, %dma_start3A_20] : memref<320000x128xf32, #tpu.memory_space<hbm>> -> memref<16x128xf32, #tpu.memory_space<hbm>>
      %dma_start3A_22 = arith.constant 0 : i32
      %dma_start3A_23 = tpu.memref_slice %arg6[%add3A_9, %dma_start3A_22] : memref<320000x128xf32, #tpu.memory_space<hbm>> -> memref<16x128xf32, #tpu.memory_space<hbm>>
      tpu.enqueue_dma source(%arg12 : memref<16x128xf32, #tpu.memory_space<vmem>>) target(%dma_start3A_23 : memref<16x128xf32, #tpu.memory_space<hbm>>) target_semaphore(%run_scoped3A : memref<!tpu.dma_semaphore, #tpu.memory_space<semaphore_mem>>)
      %dma_wait3A_24 = arith.constant 0 : i32
      %dma_wait3A_25 = tpu.memref_slice %arg6[%add3A_9, %dma_wait3A_24] : memref<320000x128xf32, #tpu.memory_space<hbm>> -> memref<16x128xf32, #tpu.memory_space<hbm>>
      %dma_wait3A_26 = arith.constant 0 : i32
      %dma_wait3A_27 = tpu.memref_slice %arg6[%add3A_9, %dma_wait3A_26] : memref<320000x128xf32, #tpu.memory_space<hbm>> -> memref<16x128xf32, #tpu.memory_space<hbm>>
      tpu.wait_dma2 semaphore(%run_scoped3A : memref<!tpu.dma_semaphore, #tpu.memory_space<semaphore_mem>>) src(%arg12 : memref<16x128xf32, #tpu.memory_space<vmem>>) dst(%dma_wait3A_27 : memref<16x128xf32, #tpu.memory_space<hbm>>)
      tpu.yield
    }) : () -> ()
    return
  }
}

#map = affine_map<(d0, d1) -> (0, 0)>
#map1 = affine_map<(d0, d1) -> (0)>
module attributes {stable_mosaic.version = 14 : i64} {
  func.func @k(%arg0: i32, %arg1: i32, %arg2: memref<320000x128xf32, #tpu.memory_space<hbm>>, %arg3: memref<320000xi32, #tpu.memory_space<hbm>>, %arg4: memref<10000x128xf32, #tpu.memory_space<hbm>>, %arg5: memref<20000x128xf32, #tpu.memory_space<hbm>>, %arg6: memref<128xi32, #tpu.memory_space<vmem>>, %arg7: memref<128x128xf32, #tpu.memory_space<vmem>>, %arg8: memref<16xi32, #tpu.memory_space<vmem>>, %arg9: memref<16x128xf32, #tpu.memory_space<vmem>>, %arg10: memref<10000x128xf32, #tpu.memory_space<vmem_shared>>) attributes {dimension_semantics = [#tpu.dimension_semantics<core_parallel>, #tpu.dimension_semantics<subcore_parallel>], iteration_bounds = array<i64: 2, 16>, scalar_prefetch = 0 : i64, scratch_operands = 5 : i64, tpu.core_type = #tpu.core_type<sc_vector_subcore>, window_params = [{transform_indices = #map}, {transform_indices = #map1}, {transform_indices = #map}, {transform_indices = #map}]} {
    %mul3A = arith.constant 2 : i32
    %mul3A_0 = arith.muli %arg1, %mul3A : i32
    %add3A = arith.addi %mul3A_0, %arg0 : i32
    %mul3A_1 = arith.constant 10000 : i32
    %mul3A_2 = arith.muli %add3A, %mul3A_1 : i32
    %mul3A_3 = arith.constant 624 : i32
    %mul3A_4 = arith.muli %arg1, %mul3A_3 : i32
    %mul3A_5 = arith.constant 624 : i32
    %mul3A_6 = arith.muli %arg1, %mul3A_5 : i32
    "tpu.region"() ({
      %run_scoped3A = tpu.sem_alloc : memref<!tpu.dma_semaphore, #tpu.memory_space<semaphore_mem>>
      %dma_start3A = arith.constant 0 : i32
      %dma_start3A_29 = tpu.memref_slice %arg10[%mul3A_6, %dma_start3A] : memref<10000x128xf32, #tpu.memory_space<vmem_shared>> -> memref<624x128xf32, #tpu.memory_space<vmem_shared>>
      %dma_start3A_30 = arith.constant 0 : i32
      %dma_start3A_31 = tpu.memref_slice %arg4[%mul3A_4, %dma_start3A_30] : memref<10000x128xf32, #tpu.memory_space<hbm>> -> memref<624x128xf32, #tpu.memory_space<hbm>>
      tpu.enqueue_dma source(%dma_start3A_31 : memref<624x128xf32, #tpu.memory_space<hbm>>) target(%dma_start3A_29 : memref<624x128xf32, #tpu.memory_space<vmem_shared>>) target_semaphore(%run_scoped3A : memref<!tpu.dma_semaphore, #tpu.memory_space<semaphore_mem>>)
      %dma_wait3A = arith.constant 0 : i32
      %dma_wait3A_32 = tpu.memref_slice %arg10[%mul3A_6, %dma_wait3A] : memref<10000x128xf32, #tpu.memory_space<vmem_shared>> -> memref<624x128xf32, #tpu.memory_space<vmem_shared>>
      %dma_wait3A_33 = arith.constant 0 : i32
      %dma_wait3A_34 = tpu.memref_slice %arg4[%mul3A_4, %dma_wait3A_33] : memref<10000x128xf32, #tpu.memory_space<hbm>> -> memref<624x128xf32, #tpu.memory_space<hbm>>
      tpu.wait_dma2 semaphore(%run_scoped3A : memref<!tpu.dma_semaphore, #tpu.memory_space<semaphore_mem>>) src(%dma_wait3A_34 : memref<624x128xf32, #tpu.memory_space<hbm>>) dst(%dma_wait3A_32 : memref<624x128xf32, #tpu.memory_space<vmem_shared>>)
      tpu.yield
    }) : () -> ()
    %eq3A = arith.constant 15 : i32
    %eq3A_7 = arith.cmpi eq, %arg1, %eq3A : i32
    %convert_element_type3A = arith.extui %eq3A_7 : i1 to i32
    %cond3A = arith.constant 0 : i32
    %cond3A_8 = arith.cmpi ne, %convert_element_type3A, %cond3A : i32
    scf.if %cond3A_8 {
      "tpu.region"() ({
        %run_scoped3A = tpu.sem_alloc : memref<!tpu.dma_semaphore, #tpu.memory_space<semaphore_mem>>
        %dma_start3A = arith.constant 9984 : i32
        %dma_start3A_29 = arith.constant 0 : i32
        %dma_start3A_30 = tpu.memref_slice %arg10[%dma_start3A, %dma_start3A_29] : memref<10000x128xf32, #tpu.memory_space<vmem_shared>> -> memref<16x128xf32, #tpu.memory_space<vmem_shared>>
        %dma_start3A_31 = arith.constant 9984 : i32
        %dma_start3A_32 = arith.constant 0 : i32
        %dma_start3A_33 = tpu.memref_slice %arg4[%dma_start3A_31, %dma_start3A_32] : memref<10000x128xf32, #tpu.memory_space<hbm>> -> memref<16x128xf32, #tpu.memory_space<hbm>>
        tpu.enqueue_dma source(%dma_start3A_33 : memref<16x128xf32, #tpu.memory_space<hbm>>) target(%dma_start3A_30 : memref<16x128xf32, #tpu.memory_space<vmem_shared>>) target_semaphore(%run_scoped3A : memref<!tpu.dma_semaphore, #tpu.memory_space<semaphore_mem>>)
        %dma_wait3A = arith.constant 9984 : i32
        %dma_wait3A_34 = arith.constant 0 : i32
        %dma_wait3A_35 = tpu.memref_slice %arg10[%dma_wait3A, %dma_wait3A_34] : memref<10000x128xf32, #tpu.memory_space<vmem_shared>> -> memref<16x128xf32, #tpu.memory_space<vmem_shared>>
        %dma_wait3A_36 = arith.constant 9984 : i32
        %dma_wait3A_37 = arith.constant 0 : i32
        %dma_wait3A_38 = tpu.memref_slice %arg4[%dma_wait3A_36, %dma_wait3A_37] : memref<10000x128xf32, #tpu.memory_space<hbm>> -> memref<16x128xf32, #tpu.memory_space<hbm>>
        tpu.wait_dma2 semaphore(%run_scoped3A : memref<!tpu.dma_semaphore, #tpu.memory_space<semaphore_mem>>) src(%dma_wait3A_38 : memref<16x128xf32, #tpu.memory_space<hbm>>) dst(%dma_wait3A_35 : memref<16x128xf32, #tpu.memory_space<vmem_shared>>)
        tpu.yield
      }) : () -> ()
    } else {
    }
    %barrier3A = arith.constant 0 : index
    tpu.barrier barrier_id(%barrier3A)
    %scan3A = arith.constant 0 : i32
    %scan3A_9 = arith.constant 0 : i32
    %scan3A_10 = arith.constant 78 : i32
    %scan3A_11 = arith.addi %scan3A_9, %scan3A_10 : i32
    %scan3A_12 = arith.constant 1 : i32
    scf.for %scan3A_29 = %scan3A_9 to %scan3A_11 step %scan3A_12  : i32 {
      %mul3A_30 = arith.constant 128 : i32
      %mul3A_31 = arith.muli %scan3A_29, %mul3A_30 : i32
      %add3A_32 = arith.addi %mul3A_2, %mul3A_31 : i32
      "tpu.region"() ({
        %run_scoped3A = tpu.sem_alloc : memref<!tpu.dma_semaphore, #tpu.memory_space<semaphore_mem>>
        %dma_start3A = tpu.memref_slice %arg3[%add3A_32] : memref<320000xi32, #tpu.memory_space<hbm>> -> memref<128xi32, #tpu.memory_space<hbm>>
        %dma_start3A_33 = tpu.memref_slice %arg3[%add3A_32] : memref<320000xi32, #tpu.memory_space<hbm>> -> memref<128xi32, #tpu.memory_space<hbm>>
        tpu.enqueue_dma source(%dma_start3A_33 : memref<128xi32, #tpu.memory_space<hbm>>) target(%arg6 : memref<128xi32, #tpu.memory_space<vmem>>) target_semaphore(%run_scoped3A : memref<!tpu.dma_semaphore, #tpu.memory_space<semaphore_mem>>)
        %dma_wait3A = tpu.memref_slice %arg3[%add3A_32] : memref<320000xi32, #tpu.memory_space<hbm>> -> memref<128xi32, #tpu.memory_space<hbm>>
        %dma_wait3A_34 = tpu.memref_slice %arg3[%add3A_32] : memref<320000xi32, #tpu.memory_space<hbm>> -> memref<128xi32, #tpu.memory_space<hbm>>
        tpu.wait_dma2 semaphore(%run_scoped3A : memref<!tpu.dma_semaphore, #tpu.memory_space<semaphore_mem>>) src(%dma_wait3A_34 : memref<128xi32, #tpu.memory_space<hbm>>) dst(%arg6 : memref<128xi32, #tpu.memory_space<vmem>>)
        tpu.yield
      }) : () -> ()
      "tpu.region"() ({
        %run_scoped3A = tpu.sem_alloc : memref<!tpu.dma_semaphore, #tpu.memory_space<semaphore_mem>>
        %dma_start3A = arith.constant 0 : i32
        %dma_start3A_33 = tpu.memref_slice %arg2[%add3A_32, %dma_start3A] : memref<320000x128xf32, #tpu.memory_space<hbm>> -> memref<128x128xf32, #tpu.memory_space<hbm>>
        %dma_start3A_34 = arith.constant 0 : i32
        %dma_start3A_35 = tpu.memref_slice %arg2[%add3A_32, %dma_start3A_34] : memref<320000x128xf32, #tpu.memory_space<hbm>> -> memref<128x128xf32, #tpu.memory_space<hbm>>
        tpu.enqueue_dma source(%dma_start3A_35 : memref<128x128xf32, #tpu.memory_space<hbm>>) target(%arg7 : memref<128x128xf32, #tpu.memory_space<vmem>>) target_semaphore(%run_scoped3A : memref<!tpu.dma_semaphore, #tpu.memory_space<semaphore_mem>>)
        %dma_wait3A = arith.constant 0 : i32
        %dma_wait3A_36 = tpu.memref_slice %arg2[%add3A_32, %dma_wait3A] : memref<320000x128xf32, #tpu.memory_space<hbm>> -> memref<128x128xf32, #tpu.memory_space<hbm>>
        %dma_wait3A_37 = arith.constant 0 : i32
        %dma_wait3A_38 = tpu.memref_slice %arg2[%add3A_32, %dma_wait3A_37] : memref<320000x128xf32, #tpu.memory_space<hbm>> -> memref<128x128xf32, #tpu.memory_space<hbm>>
        tpu.wait_dma2 semaphore(%run_scoped3A : memref<!tpu.dma_semaphore, #tpu.memory_space<semaphore_mem>>) src(%dma_wait3A_38 : memref<128x128xf32, #tpu.memory_space<hbm>>) dst(%arg7 : memref<128x128xf32, #tpu.memory_space<vmem>>)
        tpu.yield
      }) : () -> ()
      "tpu.region"() ({
        %run_scoped3A = tpu.sem_alloc : memref<!tpu.dma_semaphore, #tpu.memory_space<semaphore_mem>>
        %dma_start3A = arith.constant 0 : i32
        %dma_start3A_33 = arith.constant 0 : i32
        %dma_start3A_34 = tpu.memref_slice %arg10[%dma_start3A, %dma_start3A_33] : memref<10000x128xf32, #tpu.memory_space<vmem_shared>> -> memref<10000x128xf32, #tpu.memory_space<vmem_shared>>
        tpu.enqueue_indirect_dma source(%arg7 : memref<128x128xf32, #tpu.memory_space<vmem>>) target(%dma_start3A_34 : memref<10000x128xf32, #tpu.memory_space<vmem_shared>>) offsets(%arg6 : memref<128xi32, #tpu.memory_space<vmem>>) semaphore(%run_scoped3A : memref<!tpu.dma_semaphore, #tpu.memory_space<semaphore_mem>>) {add = true}
        %dma_wait3A = arith.constant 0 : i32
        %dma_wait3A_35 = arith.constant 0 : i32
        %dma_wait3A_36 = tpu.memref_slice %arg10[%dma_wait3A, %dma_wait3A_35] : memref<10000x128xf32, #tpu.memory_space<vmem_shared>> -> memref<10000x128xf32, #tpu.memory_space<vmem_shared>>
        tpu.wait_indirect_dma semaphore(%run_scoped3A : memref<!tpu.dma_semaphore, #tpu.memory_space<semaphore_mem>>) src(%arg7 : memref<128x128xf32, #tpu.memory_space<vmem>>) dst(%dma_wait3A_36 : memref<10000x128xf32, #tpu.memory_space<vmem_shared>>)
        tpu.yield
      }) : () -> ()
    }
    %scan3A_13 = arith.constant 78 : i32
    %add3A_14 = arith.constant 9984 : i32
    %add3A_15 = arith.addi %mul3A_2, %add3A_14 : i32
    "tpu.region"() ({
      %run_scoped3A = tpu.sem_alloc : memref<!tpu.dma_semaphore, #tpu.memory_space<semaphore_mem>>
      %dma_start3A = tpu.memref_slice %arg3[%add3A_15] : memref<320000xi32, #tpu.memory_space<hbm>> -> memref<16xi32, #tpu.memory_space<hbm>>
      %dma_start3A_29 = tpu.memref_slice %arg3[%add3A_15] : memref<320000xi32, #tpu.memory_space<hbm>> -> memref<16xi32, #tpu.memory_space<hbm>>
      tpu.enqueue_dma source(%dma_start3A_29 : memref<16xi32, #tpu.memory_space<hbm>>) target(%arg8 : memref<16xi32, #tpu.memory_space<vmem>>) target_semaphore(%run_scoped3A : memref<!tpu.dma_semaphore, #tpu.memory_space<semaphore_mem>>)
      %dma_wait3A = tpu.memref_slice %arg3[%add3A_15] : memref<320000xi32, #tpu.memory_space<hbm>> -> memref<16xi32, #tpu.memory_space<hbm>>
      %dma_wait3A_30 = tpu.memref_slice %arg3[%add3A_15] : memref<320000xi32, #tpu.memory_space<hbm>> -> memref<16xi32, #tpu.memory_space<hbm>>
      tpu.wait_dma2 semaphore(%run_scoped3A : memref<!tpu.dma_semaphore, #tpu.memory_space<semaphore_mem>>) src(%dma_wait3A_30 : memref<16xi32, #tpu.memory_space<hbm>>) dst(%arg8 : memref<16xi32, #tpu.memory_space<vmem>>)
      tpu.yield
    }) : () -> ()
    "tpu.region"() ({
      %run_scoped3A = tpu.sem_alloc : memref<!tpu.dma_semaphore, #tpu.memory_space<semaphore_mem>>
      %dma_start3A = arith.constant 0 : i32
      %dma_start3A_29 = tpu.memref_slice %arg2[%add3A_15, %dma_start3A] : memref<320000x128xf32, #tpu.memory_space<hbm>> -> memref<16x128xf32, #tpu.memory_space<hbm>>
      %dma_start3A_30 = arith.constant 0 : i32
      %dma_start3A_31 = tpu.memref_slice %arg2[%add3A_15, %dma_start3A_30] : memref<320000x128xf32, #tpu.memory_space<hbm>> -> memref<16x128xf32, #tpu.memory_space<hbm>>
      tpu.enqueue_dma source(%dma_start3A_31 : memref<16x128xf32, #tpu.memory_space<hbm>>) target(%arg9 : memref<16x128xf32, #tpu.memory_space<vmem>>) target_semaphore(%run_scoped3A : memref<!tpu.dma_semaphore, #tpu.memory_space<semaphore_mem>>)
      %dma_wait3A = arith.constant 0 : i32
      %dma_wait3A_32 = tpu.memref_slice %arg2[%add3A_15, %dma_wait3A] : memref<320000x128xf32, #tpu.memory_space<hbm>> -> memref<16x128xf32, #tpu.memory_space<hbm>>
      %dma_wait3A_33 = arith.constant 0 : i32
      %dma_wait3A_34 = tpu.memref_slice %arg2[%add3A_15, %dma_wait3A_33] : memref<320000x128xf32, #tpu.memory_space<hbm>> -> memref<16x128xf32, #tpu.memory_space<hbm>>
      tpu.wait_dma2 semaphore(%run_scoped3A : memref<!tpu.dma_semaphore, #tpu.memory_space<semaphore_mem>>) src(%dma_wait3A_34 : memref<16x128xf32, #tpu.memory_space<hbm>>) dst(%arg9 : memref<16x128xf32, #tpu.memory_space<vmem>>)
      tpu.yield
    }) : () -> ()
    "tpu.region"() ({
      %run_scoped3A = tpu.sem_alloc : memref<!tpu.dma_semaphore, #tpu.memory_space<semaphore_mem>>
      %dma_start3A = arith.constant 0 : i32
      %dma_start3A_29 = arith.constant 0 : i32
      %dma_start3A_30 = tpu.memref_slice %arg10[%dma_start3A, %dma_start3A_29] : memref<10000x128xf32, #tpu.memory_space<vmem_shared>> -> memref<10000x128xf32, #tpu.memory_space<vmem_shared>>
      tpu.enqueue_indirect_dma source(%arg9 : memref<16x128xf32, #tpu.memory_space<vmem>>) target(%dma_start3A_30 : memref<10000x128xf32, #tpu.memory_space<vmem_shared>>) offsets(%arg8 : memref<16xi32, #tpu.memory_space<vmem>>) semaphore(%run_scoped3A : memref<!tpu.dma_semaphore, #tpu.memory_space<semaphore_mem>>) {add = true}
      %dma_wait3A = arith.constant 0 : i32
      %dma_wait3A_31 = arith.constant 0 : i32
      %dma_wait3A_32 = tpu.memref_slice %arg10[%dma_wait3A, %dma_wait3A_31] : memref<10000x128xf32, #tpu.memory_space<vmem_shared>> -> memref<10000x128xf32, #tpu.memory_space<vmem_shared>>
      tpu.wait_indirect_dma semaphore(%run_scoped3A : memref<!tpu.dma_semaphore, #tpu.memory_space<semaphore_mem>>) src(%arg9 : memref<16x128xf32, #tpu.memory_space<vmem>>) dst(%dma_wait3A_32 : memref<10000x128xf32, #tpu.memory_space<vmem_shared>>)
      tpu.yield
    }) : () -> ()
    %barrier3A_16 = arith.constant 0 : index
    tpu.barrier barrier_id(%barrier3A_16)
    %mul3A_17 = arith.constant 624 : i32
    %mul3A_18 = arith.muli %arg1, %mul3A_17 : i32
    %mul3A_19 = arith.constant 10000 : i32
    %mul3A_20 = arith.muli %arg0, %mul3A_19 : i32
    %mul3A_21 = arith.constant 624 : i32
    %mul3A_22 = arith.muli %arg1, %mul3A_21 : i32
    %add3A_23 = arith.addi %mul3A_20, %mul3A_22 : i32
    "tpu.region"() ({
      %run_scoped3A = tpu.sem_alloc : memref<!tpu.dma_semaphore, #tpu.memory_space<semaphore_mem>>
      %dma_start3A = arith.constant 0 : i32
      %dma_start3A_29 = tpu.memref_slice %arg5[%add3A_23, %dma_start3A] : memref<20000x128xf32, #tpu.memory_space<hbm>> -> memref<624x128xf32, #tpu.memory_space<hbm>>
      %dma_start3A_30 = arith.constant 0 : i32
      %dma_start3A_31 = tpu.memref_slice %arg10[%mul3A_18, %dma_start3A_30] : memref<10000x128xf32, #tpu.memory_space<vmem_shared>> -> memref<624x128xf32, #tpu.memory_space<vmem_shared>>
      tpu.enqueue_dma source(%dma_start3A_31 : memref<624x128xf32, #tpu.memory_space<vmem_shared>>) target(%dma_start3A_29 : memref<624x128xf32, #tpu.memory_space<hbm>>) target_semaphore(%run_scoped3A : memref<!tpu.dma_semaphore, #tpu.memory_space<semaphore_mem>>)
      %dma_wait3A = arith.constant 0 : i32
      %dma_wait3A_32 = tpu.memref_slice %arg5[%add3A_23, %dma_wait3A] : memref<20000x128xf32, #tpu.memory_space<hbm>> -> memref<624x128xf32, #tpu.memory_space<hbm>>
      %dma_wait3A_33 = arith.constant 0 : i32
      %dma_wait3A_34 = tpu.memref_slice %arg10[%mul3A_18, %dma_wait3A_33] : memref<10000x128xf32, #tpu.memory_space<vmem_shared>> -> memref<624x128xf32, #tpu.memory_space<vmem_shared>>
      tpu.wait_dma2 semaphore(%run_scoped3A : memref<!tpu.dma_semaphore, #tpu.memory_space<semaphore_mem>>) src(%dma_wait3A_34 : memref<624x128xf32, #tpu.memory_space<vmem_shared>>) dst(%dma_wait3A_32 : memref<624x128xf32, #tpu.memory_space<hbm>>)
      tpu.yield
    }) : () -> ()
    %eq3A_24 = arith.constant 15 : i32
    %eq3A_25 = arith.cmpi eq, %arg1, %eq3A_24 : i32
    %convert_element_type3A_26 = arith.extui %eq3A_25 : i1 to i32
    %cond3A_27 = arith.constant 0 : i32
    %cond3A_28 = arith.cmpi ne, %convert_element_type3A_26, %cond3A_27 : i32
    scf.if %cond3A_28 {
      %mul3A_29 = arith.constant 10000 : i32
      %mul3A_30 = arith.muli %arg0, %mul3A_29 : i32
      %add3A_31 = arith.constant 9984 : i32
      %add3A_32 = arith.addi %mul3A_30, %add3A_31 : i32
      "tpu.region"() ({
        %run_scoped3A = tpu.sem_alloc : memref<!tpu.dma_semaphore, #tpu.memory_space<semaphore_mem>>
        %dma_start3A = arith.constant 0 : i32
        %dma_start3A_33 = tpu.memref_slice %arg5[%add3A_32, %dma_start3A] : memref<20000x128xf32, #tpu.memory_space<hbm>> -> memref<16x128xf32, #tpu.memory_space<hbm>>
        %dma_start3A_34 = arith.constant 9984 : i32
        %dma_start3A_35 = arith.constant 0 : i32
        %dma_start3A_36 = tpu.memref_slice %arg10[%dma_start3A_34, %dma_start3A_35] : memref<10000x128xf32, #tpu.memory_space<vmem_shared>> -> memref<16x128xf32, #tpu.memory_space<vmem_shared>>
        tpu.enqueue_dma source(%dma_start3A_36 : memref<16x128xf32, #tpu.memory_space<vmem_shared>>) target(%dma_start3A_33 : memref<16x128xf32, #tpu.memory_space<hbm>>) target_semaphore(%run_scoped3A : memref<!tpu.dma_semaphore, #tpu.memory_space<semaphore_mem>>)
        %dma_wait3A = arith.constant 0 : i32
        %dma_wait3A_37 = tpu.memref_slice %arg5[%add3A_32, %dma_wait3A] : memref<20000x128xf32, #tpu.memory_space<hbm>> -> memref<16x128xf32, #tpu.memory_space<hbm>>
        %dma_wait3A_38 = arith.constant 9984 : i32
        %dma_wait3A_39 = arith.constant 0 : i32
        %dma_wait3A_40 = tpu.memref_slice %arg10[%dma_wait3A_38, %dma_wait3A_39] : memref<10000x128xf32, #tpu.memory_space<vmem_shared>> -> memref<16x128xf32, #tpu.memory_space<vmem_shared>>
        tpu.wait_dma2 semaphore(%run_scoped3A : memref<!tpu.dma_semaphore, #tpu.memory_space<semaphore_mem>>) src(%dma_wait3A_40 : memref<16x128xf32, #tpu.memory_space<vmem_shared>>) dst(%dma_wait3A_37 : memref<16x128xf32, #tpu.memory_space<hbm>>)
        tpu.yield
      }) : () -> ()
    } else {
    }
    return
  }
}

#map = affine_map<(d0, d1) -> (0, 0)>
#map1 = affine_map<(d0, d1) -> (0)>
module attributes {stable_mosaic.version = 14 : i64} {
  func.func @k(%arg0: i32, %arg1: i32, %arg2: memref<10000x128xf32, #tpu.memory_space<hbm>>, %arg3: memref<10000x128xf32, #tpu.memory_space<hbm>>, %arg4: memref<320000xi32, #tpu.memory_space<hbm>>, %arg5: memref<320000xi32, #tpu.memory_space<hbm>>, %arg6: memref<320000x128xf32, #tpu.memory_space<hbm>>, %arg7: memref<128xi32, #tpu.memory_space<vmem>>, %arg8: memref<128xi32, #tpu.memory_space<vmem>>, %arg9: memref<128x128xf32, #tpu.memory_space<vmem>>, %arg10: memref<16xi32, #tpu.memory_space<vmem>>, %arg11: memref<16xi32, #tpu.memory_space<vmem>>, %arg12: memref<16x128xf32, #tpu.memory_space<vmem>>, %arg13: memref<!tpu.dma_semaphore, #tpu.memory_space<semaphore_mem>>) attributes {dimension_semantics = [#tpu.dimension_semantics<core_parallel>, #tpu.dimension_semantics<subcore_parallel>], iteration_bounds = array<i64: 2, 16>, scalar_prefetch = 0 : i64, scratch_operands = 7 : i64, tpu.core_type = #tpu.core_type<sc_vector_subcore>, window_params = [{transform_indices = #map}, {transform_indices = #map}, {transform_indices = #map1}, {transform_indices = #map1}, {transform_indices = #map}]} {
    %mul3A = arith.constant 2 : i32
    %mul3A_0 = arith.muli %arg1, %mul3A : i32
    %add3A = arith.addi %mul3A_0, %arg0 : i32
    %mul3A_1 = arith.constant 10000 : i32
    %mul3A_2 = arith.muli %add3A, %mul3A_1 : i32
    %scan3A = arith.constant 0 : i32
    %scan3A_3 = arith.constant 0 : i32
    %scan3A_4 = arith.constant 78 : i32
    %scan3A_5 = arith.addi %scan3A_3, %scan3A_4 : i32
    %scan3A_6 = arith.constant 1 : i32
    scf.for %scan3A_20 = %scan3A_3 to %scan3A_5 step %scan3A_6  : i32 {
      %mul3A_21 = arith.constant 128 : i32
      %mul3A_22 = arith.muli %scan3A_20, %mul3A_21 : i32
      %add3A_23 = arith.addi %mul3A_2, %mul3A_22 : i32
      "tpu.region"() ({
        %run_scoped3A = tpu.sem_alloc : memref<!tpu.dma_semaphore, #tpu.memory_space<semaphore_mem>>
        %dma_start3A_36 = tpu.memref_slice %arg4[%add3A_23] : memref<320000xi32, #tpu.memory_space<hbm>> -> memref<128xi32, #tpu.memory_space<hbm>>
        %dma_start3A_37 = tpu.memref_slice %arg4[%add3A_23] : memref<320000xi32, #tpu.memory_space<hbm>> -> memref<128xi32, #tpu.memory_space<hbm>>
        tpu.enqueue_dma source(%dma_start3A_37 : memref<128xi32, #tpu.memory_space<hbm>>) target(%arg7 : memref<128xi32, #tpu.memory_space<vmem>>) target_semaphore(%run_scoped3A : memref<!tpu.dma_semaphore, #tpu.memory_space<semaphore_mem>>)
        %dma_wait3A_38 = tpu.memref_slice %arg4[%add3A_23] : memref<320000xi32, #tpu.memory_space<hbm>> -> memref<128xi32, #tpu.memory_space<hbm>>
        %dma_wait3A_39 = tpu.memref_slice %arg4[%add3A_23] : memref<320000xi32, #tpu.memory_space<hbm>> -> memref<128xi32, #tpu.memory_space<hbm>>
        tpu.wait_dma2 semaphore(%run_scoped3A : memref<!tpu.dma_semaphore, #tpu.memory_space<semaphore_mem>>) src(%dma_wait3A_39 : memref<128xi32, #tpu.memory_space<hbm>>) dst(%arg7 : memref<128xi32, #tpu.memory_space<vmem>>)
        tpu.yield
      }) : () -> ()
      "tpu.region"() ({
        %run_scoped3A = tpu.sem_alloc : memref<!tpu.dma_semaphore, #tpu.memory_space<semaphore_mem>>
        %dma_start3A_36 = tpu.memref_slice %arg5[%add3A_23] : memref<320000xi32, #tpu.memory_space<hbm>> -> memref<128xi32, #tpu.memory_space<hbm>>
        %dma_start3A_37 = tpu.memref_slice %arg5[%add3A_23] : memref<320000xi32, #tpu.memory_space<hbm>> -> memref<128xi32, #tpu.memory_space<hbm>>
        tpu.enqueue_dma source(%dma_start3A_37 : memref<128xi32, #tpu.memory_space<hbm>>) target(%arg8 : memref<128xi32, #tpu.memory_space<vmem>>) target_semaphore(%run_scoped3A : memref<!tpu.dma_semaphore, #tpu.memory_space<semaphore_mem>>)
        %dma_wait3A_38 = tpu.memref_slice %arg5[%add3A_23] : memref<320000xi32, #tpu.memory_space<hbm>> -> memref<128xi32, #tpu.memory_space<hbm>>
        %dma_wait3A_39 = tpu.memref_slice %arg5[%add3A_23] : memref<320000xi32, #tpu.memory_space<hbm>> -> memref<128xi32, #tpu.memory_space<hbm>>
        tpu.wait_dma2 semaphore(%run_scoped3A : memref<!tpu.dma_semaphore, #tpu.memory_space<semaphore_mem>>) src(%dma_wait3A_39 : memref<128xi32, #tpu.memory_space<hbm>>) dst(%arg8 : memref<128xi32, #tpu.memory_space<vmem>>)
        tpu.yield
      }) : () -> ()
      %dma_start3A_24 = arith.constant 0 : i32
      %dma_start3A_25 = arith.constant 0 : i32
      %dma_start3A_26 = tpu.memref_slice %arg2[%dma_start3A_24, %dma_start3A_25] : memref<10000x128xf32, #tpu.memory_space<hbm>> -> memref<10000x128xf32, #tpu.memory_space<hbm>>
      tpu.enqueue_indirect_dma source(%dma_start3A_26 : memref<10000x128xf32, #tpu.memory_space<hbm>>) target(%arg9 : memref<128x128xf32, #tpu.memory_space<vmem>>) offsets(%arg7 : memref<128xi32, #tpu.memory_space<vmem>>) semaphore(%arg13 : memref<!tpu.dma_semaphore, #tpu.memory_space<semaphore_mem>>)
      %dma_wait3A_27 = arith.constant 0 : i32
      %dma_wait3A_28 = arith.constant 0 : i32
      %dma_wait3A_29 = tpu.memref_slice %arg2[%dma_wait3A_27, %dma_wait3A_28] : memref<10000x128xf32, #tpu.memory_space<hbm>> -> memref<10000x128xf32, #tpu.memory_space<hbm>>
      tpu.wait_indirect_dma semaphore(%arg13 : memref<!tpu.dma_semaphore, #tpu.memory_space<semaphore_mem>>) src(%dma_wait3A_29 : memref<10000x128xf32, #tpu.memory_space<hbm>>) dst(%arg9 : memref<128x128xf32, #tpu.memory_space<vmem>>)
      %dma_start3A_30 = arith.constant 0 : i32
      %dma_start3A_31 = arith.constant 0 : i32
      %dma_start3A_32 = tpu.memref_slice %arg3[%dma_start3A_30, %dma_start3A_31] : memref<10000x128xf32, #tpu.memory_space<hbm>> -> memref<10000x128xf32, #tpu.memory_space<hbm>>
      tpu.enqueue_indirect_dma source(%dma_start3A_32 : memref<10000x128xf32, #tpu.memory_space<hbm>>) target(%arg9 : memref<128x128xf32, #tpu.memory_space<vmem>>) offsets(%arg8 : memref<128xi32, #tpu.memory_space<vmem>>) semaphore(%arg13 : memref<!tpu.dma_semaphore, #tpu.memory_space<semaphore_mem>>) {add = true}
      %dma_wait3A_33 = arith.constant 0 : i32
      %dma_wait3A_34 = arith.constant 0 : i32
      %dma_wait3A_35 = tpu.memref_slice %arg3[%dma_wait3A_33, %dma_wait3A_34] : memref<10000x128xf32, #tpu.memory_space<hbm>> -> memref<10000x128xf32, #tpu.memory_space<hbm>>
      tpu.wait_indirect_dma semaphore(%arg13 : memref<!tpu.dma_semaphore, #tpu.memory_space<semaphore_mem>>) src(%dma_wait3A_35 : memref<10000x128xf32, #tpu.memory_space<hbm>>) dst(%arg9 : memref<128x128xf32, #tpu.memory_space<vmem>>)
      "tpu.region"() ({
        %run_scoped3A = tpu.sem_alloc : memref<!tpu.dma_semaphore, #tpu.memory_space<semaphore_mem>>
        %dma_start3A_36 = arith.constant 0 : i32
        %dma_start3A_37 = tpu.memref_slice %arg6[%add3A_23, %dma_start3A_36] : memref<320000x128xf32, #tpu.memory_space<hbm>> -> memref<128x128xf32, #tpu.memory_space<hbm>>
        %dma_start3A_38 = arith.constant 0 : i32
        %dma_start3A_39 = tpu.memref_slice %arg6[%add3A_23, %dma_start3A_38] : memref<320000x128xf32, #tpu.memory_space<hbm>> -> memref<128x128xf32, #tpu.memory_space<hbm>>
        tpu.enqueue_dma source(%arg9 : memref<128x128xf32, #tpu.memory_space<vmem>>) target(%dma_start3A_39 : memref<128x128xf32, #tpu.memory_space<hbm>>) target_semaphore(%run_scoped3A : memref<!tpu.dma_semaphore, #tpu.memory_space<semaphore_mem>>)
        %dma_wait3A_40 = arith.constant 0 : i32
        %dma_wait3A_41 = tpu.memref_slice %arg6[%add3A_23, %dma_wait3A_40] : memref<320000x128xf32, #tpu.memory_space<hbm>> -> memref<128x128xf32, #tpu.memory_space<hbm>>
        %dma_wait3A_42 = arith.constant 0 : i32
        %dma_wait3A_43 = tpu.memref_slice %arg6[%add3A_23, %dma_wait3A_42] : memref<320000x128xf32, #tpu.memory_space<hbm>> -> memref<128x128xf32, #tpu.memory_space<hbm>>
        tpu.wait_dma2 semaphore(%run_scoped3A : memref<!tpu.dma_semaphore, #tpu.memory_space<semaphore_mem>>) src(%arg9 : memref<128x128xf32, #tpu.memory_space<vmem>>) dst(%dma_wait3A_43 : memref<128x128xf32, #tpu.memory_space<hbm>>)
        tpu.yield
      }) : () -> ()
    }
    %scan3A_7 = arith.constant 78 : i32
    %add3A_8 = arith.constant 9984 : i32
    %add3A_9 = arith.addi %mul3A_2, %add3A_8 : i32
    "tpu.region"() ({
      %run_scoped3A = tpu.sem_alloc : memref<!tpu.dma_semaphore, #tpu.memory_space<semaphore_mem>>
      %dma_start3A_20 = tpu.memref_slice %arg4[%add3A_9] : memref<320000xi32, #tpu.memory_space<hbm>> -> memref<16xi32, #tpu.memory_space<hbm>>
      %dma_start3A_21 = tpu.memref_slice %arg4[%add3A_9] : memref<320000xi32, #tpu.memory_space<hbm>> -> memref<16xi32, #tpu.memory_space<hbm>>
      tpu.enqueue_dma source(%dma_start3A_21 : memref<16xi32, #tpu.memory_space<hbm>>) target(%arg10 : memref<16xi32, #tpu.memory_space<vmem>>) target_semaphore(%run_scoped3A : memref<!tpu.dma_semaphore, #tpu.memory_space<semaphore_mem>>)
      %dma_wait3A_22 = tpu.memref_slice %arg4[%add3A_9] : memref<320000xi32, #tpu.memory_space<hbm>> -> memref<16xi32, #tpu.memory_space<hbm>>
      %dma_wait3A_23 = tpu.memref_slice %arg4[%add3A_9] : memref<320000xi32, #tpu.memory_space<hbm>> -> memref<16xi32, #tpu.memory_space<hbm>>
      tpu.wait_dma2 semaphore(%run_scoped3A : memref<!tpu.dma_semaphore, #tpu.memory_space<semaphore_mem>>) src(%dma_wait3A_23 : memref<16xi32, #tpu.memory_space<hbm>>) dst(%arg10 : memref<16xi32, #tpu.memory_space<vmem>>)
      tpu.yield
    }) : () -> ()
    "tpu.region"() ({
      %run_scoped3A = tpu.sem_alloc : memref<!tpu.dma_semaphore, #tpu.memory_space<semaphore_mem>>
      %dma_start3A_20 = tpu.memref_slice %arg5[%add3A_9] : memref<320000xi32, #tpu.memory_space<hbm>> -> memref<16xi32, #tpu.memory_space<hbm>>
      %dma_start3A_21 = tpu.memref_slice %arg5[%add3A_9] : memref<320000xi32, #tpu.memory_space<hbm>> -> memref<16xi32, #tpu.memory_space<hbm>>
      tpu.enqueue_dma source(%dma_start3A_21 : memref<16xi32, #tpu.memory_space<hbm>>) target(%arg11 : memref<16xi32, #tpu.memory_space<vmem>>) target_semaphore(%run_scoped3A : memref<!tpu.dma_semaphore, #tpu.memory_space<semaphore_mem>>)
      %dma_wait3A_22 = tpu.memref_slice %arg5[%add3A_9] : memref<320000xi32, #tpu.memory_space<hbm>> -> memref<16xi32, #tpu.memory_space<hbm>>
      %dma_wait3A_23 = tpu.memref_slice %arg5[%add3A_9] : memref<320000xi32, #tpu.memory_space<hbm>> -> memref<16xi32, #tpu.memory_space<hbm>>
      tpu.wait_dma2 semaphore(%run_scoped3A : memref<!tpu.dma_semaphore, #tpu.memory_space<semaphore_mem>>) src(%dma_wait3A_23 : memref<16xi32, #tpu.memory_space<hbm>>) dst(%arg11 : memref<16xi32, #tpu.memory_space<vmem>>)
      tpu.yield
    }) : () -> ()
    %dma_start3A = arith.constant 0 : i32
    %dma_start3A_10 = arith.constant 0 : i32
    %dma_start3A_11 = tpu.memref_slice %arg2[%dma_start3A, %dma_start3A_10] : memref<10000x128xf32, #tpu.memory_space<hbm>> -> memref<10000x128xf32, #tpu.memory_space<hbm>>
    tpu.enqueue_indirect_dma source(%dma_start3A_11 : memref<10000x128xf32, #tpu.memory_space<hbm>>) target(%arg12 : memref<16x128xf32, #tpu.memory_space<vmem>>) offsets(%arg10 : memref<16xi32, #tpu.memory_space<vmem>>) semaphore(%arg13 : memref<!tpu.dma_semaphore, #tpu.memory_space<semaphore_mem>>)
    %dma_wait3A = arith.constant 0 : i32
    %dma_wait3A_12 = arith.constant 0 : i32
    %dma_wait3A_13 = tpu.memref_slice %arg2[%dma_wait3A, %dma_wait3A_12] : memref<10000x128xf32, #tpu.memory_space<hbm>> -> memref<10000x128xf32, #tpu.memory_space<hbm>>
    tpu.wait_indirect_dma semaphore(%arg13 : memref<!tpu.dma_semaphore, #tpu.memory_space<semaphore_mem>>) src(%dma_wait3A_13 : memref<10000x128xf32, #tpu.memory_space<hbm>>) dst(%arg12 : memref<16x128xf32, #tpu.memory_space<vmem>>)
    %dma_start3A_14 = arith.constant 0 : i32
    %dma_start3A_15 = arith.constant 0 : i32
    %dma_start3A_16 = tpu.memref_slice %arg3[%dma_start3A_14, %dma_start3A_15] : memref<10000x128xf32, #tpu.memory_space<hbm>> -> memref<10000x128xf32, #tpu.memory_space<hbm>>
    tpu.enqueue_indirect_dma source(%dma_start3A_16 : memref<10000x128xf32, #tpu.memory_space<hbm>>) target(%arg12 : memref<16x128xf32, #tpu.memory_space<vmem>>) offsets(%arg11 : memref<16xi32, #tpu.memory_space<vmem>>) semaphore(%arg13 : memref<!tpu.dma_semaphore, #tpu.memory_space<semaphore_mem>>) {add = true}
    %dma_wait3A_17 = arith.constant 0 : i32
    %dma_wait3A_18 = arith.constant 0 : i32
    %dma_wait3A_19 = tpu.memref_slice %arg3[%dma_wait3A_17, %dma_wait3A_18] : memref<10000x128xf32, #tpu.memory_space<hbm>> -> memref<10000x128xf32, #tpu.memory_space<hbm>>
    tpu.wait_indirect_dma semaphore(%arg13 : memref<!tpu.dma_semaphore, #tpu.memory_space<semaphore_mem>>) src(%dma_wait3A_19 : memref<10000x128xf32, #tpu.memory_space<hbm>>) dst(%arg12 : memref<16x128xf32, #tpu.memory_space<vmem>>)
    "tpu.region"() ({
      %run_scoped3A = tpu.sem_alloc : memref<!tpu.dma_semaphore, #tpu.memory_space<semaphore_mem>>
      %dma_start3A_20 = arith.constant 0 : i32
      %dma_start3A_21 = tpu.memref_slice %arg6[%add3A_9, %dma_start3A_20] : memref<320000x128xf32, #tpu.memory_space<hbm>> -> memref<16x128xf32, #tpu.memory_space<hbm>>
      %dma_start3A_22 = arith.constant 0 : i32
      %dma_start3A_23 = tpu.memref_slice %arg6[%add3A_9, %dma_start3A_22] : memref<320000x128xf32, #tpu.memory_space<hbm>> -> memref<16x128xf32, #tpu.memory_space<hbm>>
      tpu.enqueue_dma source(%arg12 : memref<16x128xf32, #tpu.memory_space<vmem>>) target(%dma_start3A_23 : memref<16x128xf32, #tpu.memory_space<hbm>>) target_semaphore(%run_scoped3A : memref<!tpu.dma_semaphore, #tpu.memory_space<semaphore_mem>>)
      %dma_wait3A_24 = arith.constant 0 : i32
      %dma_wait3A_25 = tpu.memref_slice %arg6[%add3A_9, %dma_wait3A_24] : memref<320000x128xf32, #tpu.memory_space<hbm>> -> memref<16x128xf32, #tpu.memory_space<hbm>>
      %dma_wait3A_26 = arith.constant 0 : i32
      %dma_wait3A_27 = tpu.memref_slice %arg6[%add3A_9, %dma_wait3A_26] : memref<320000x128xf32, #tpu.memory_space<hbm>> -> memref<16x128xf32, #tpu.memory_space<hbm>>
      tpu.wait_dma2 semaphore(%run_scoped3A : memref<!tpu.dma_semaphore, #tpu.memory_space<semaphore_mem>>) src(%arg12 : memref<16x128xf32, #tpu.memory_space<vmem>>) dst(%dma_wait3A_27 : memref<16x128xf32, #tpu.memory_space<hbm>>)
      tpu.yield
    }) : () -> ()
    return
  }
}

#map = affine_map<(d0, d1) -> (0, 0)>
#map1 = affine_map<(d0, d1) -> (0)>
module attributes {stable_mosaic.version = 14 : i64} {
  func.func @k(%arg0: i32, %arg1: i32, %arg2: memref<320000x128xf32, #tpu.memory_space<hbm>>, %arg3: memref<320000xi32, #tpu.memory_space<hbm>>, %arg4: memref<10000x128xf32, #tpu.memory_space<hbm>>, %arg5: memref<20000x128xf32, #tpu.memory_space<hbm>>, %arg6: memref<128xi32, #tpu.memory_space<vmem>>, %arg7: memref<128x128xf32, #tpu.memory_space<vmem>>, %arg8: memref<16xi32, #tpu.memory_space<vmem>>, %arg9: memref<16x128xf32, #tpu.memory_space<vmem>>, %arg10: memref<10000x128xf32, #tpu.memory_space<vmem_shared>>) attributes {dimension_semantics = [#tpu.dimension_semantics<core_parallel>, #tpu.dimension_semantics<subcore_parallel>], iteration_bounds = array<i64: 2, 16>, scalar_prefetch = 0 : i64, scratch_operands = 5 : i64, tpu.core_type = #tpu.core_type<sc_vector_subcore>, window_params = [{transform_indices = #map}, {transform_indices = #map1}, {transform_indices = #map}, {transform_indices = #map}]} {
    %mul3A = arith.constant 2 : i32
    %mul3A_0 = arith.muli %arg1, %mul3A : i32
    %add3A = arith.addi %mul3A_0, %arg0 : i32
    %mul3A_1 = arith.constant 10000 : i32
    %mul3A_2 = arith.muli %add3A, %mul3A_1 : i32
    %mul3A_3 = arith.constant 624 : i32
    %mul3A_4 = arith.muli %arg1, %mul3A_3 : i32
    %mul3A_5 = arith.constant 624 : i32
    %mul3A_6 = arith.muli %arg1, %mul3A_5 : i32
    "tpu.region"() ({
      %run_scoped3A = tpu.sem_alloc : memref<!tpu.dma_semaphore, #tpu.memory_space<semaphore_mem>>
      %dma_start3A = arith.constant 0 : i32
      %dma_start3A_29 = tpu.memref_slice %arg10[%mul3A_6, %dma_start3A] : memref<10000x128xf32, #tpu.memory_space<vmem_shared>> -> memref<624x128xf32, #tpu.memory_space<vmem_shared>>
      %dma_start3A_30 = arith.constant 0 : i32
      %dma_start3A_31 = tpu.memref_slice %arg4[%mul3A_4, %dma_start3A_30] : memref<10000x128xf32, #tpu.memory_space<hbm>> -> memref<624x128xf32, #tpu.memory_space<hbm>>
      tpu.enqueue_dma source(%dma_start3A_31 : memref<624x128xf32, #tpu.memory_space<hbm>>) target(%dma_start3A_29 : memref<624x128xf32, #tpu.memory_space<vmem_shared>>) target_semaphore(%run_scoped3A : memref<!tpu.dma_semaphore, #tpu.memory_space<semaphore_mem>>)
      %dma_wait3A = arith.constant 0 : i32
      %dma_wait3A_32 = tpu.memref_slice %arg10[%mul3A_6, %dma_wait3A] : memref<10000x128xf32, #tpu.memory_space<vmem_shared>> -> memref<624x128xf32, #tpu.memory_space<vmem_shared>>
      %dma_wait3A_33 = arith.constant 0 : i32
      %dma_wait3A_34 = tpu.memref_slice %arg4[%mul3A_4, %dma_wait3A_33] : memref<10000x128xf32, #tpu.memory_space<hbm>> -> memref<624x128xf32, #tpu.memory_space<hbm>>
      tpu.wait_dma2 semaphore(%run_scoped3A : memref<!tpu.dma_semaphore, #tpu.memory_space<semaphore_mem>>) src(%dma_wait3A_34 : memref<624x128xf32, #tpu.memory_space<hbm>>) dst(%dma_wait3A_32 : memref<624x128xf32, #tpu.memory_space<vmem_shared>>)
      tpu.yield
    }) : () -> ()
    %eq3A = arith.constant 15 : i32
    %eq3A_7 = arith.cmpi eq, %arg1, %eq3A : i32
    %convert_element_type3A = arith.extui %eq3A_7 : i1 to i32
    %cond3A = arith.constant 0 : i32
    %cond3A_8 = arith.cmpi ne, %convert_element_type3A, %cond3A : i32
    scf.if %cond3A_8 {
      "tpu.region"() ({
        %run_scoped3A = tpu.sem_alloc : memref<!tpu.dma_semaphore, #tpu.memory_space<semaphore_mem>>
        %dma_start3A = arith.constant 9984 : i32
        %dma_start3A_29 = arith.constant 0 : i32
        %dma_start3A_30 = tpu.memref_slice %arg10[%dma_start3A, %dma_start3A_29] : memref<10000x128xf32, #tpu.memory_space<vmem_shared>> -> memref<16x128xf32, #tpu.memory_space<vmem_shared>>
        %dma_start3A_31 = arith.constant 9984 : i32
        %dma_start3A_32 = arith.constant 0 : i32
        %dma_start3A_33 = tpu.memref_slice %arg4[%dma_start3A_31, %dma_start3A_32] : memref<10000x128xf32, #tpu.memory_space<hbm>> -> memref<16x128xf32, #tpu.memory_space<hbm>>
        tpu.enqueue_dma source(%dma_start3A_33 : memref<16x128xf32, #tpu.memory_space<hbm>>) target(%dma_start3A_30 : memref<16x128xf32, #tpu.memory_space<vmem_shared>>) target_semaphore(%run_scoped3A : memref<!tpu.dma_semaphore, #tpu.memory_space<semaphore_mem>>)
        %dma_wait3A = arith.constant 9984 : i32
        %dma_wait3A_34 = arith.constant 0 : i32
        %dma_wait3A_35 = tpu.memref_slice %arg10[%dma_wait3A, %dma_wait3A_34] : memref<10000x128xf32, #tpu.memory_space<vmem_shared>> -> memref<16x128xf32, #tpu.memory_space<vmem_shared>>
        %dma_wait3A_36 = arith.constant 9984 : i32
        %dma_wait3A_37 = arith.constant 0 : i32
        %dma_wait3A_38 = tpu.memref_slice %arg4[%dma_wait3A_36, %dma_wait3A_37] : memref<10000x128xf32, #tpu.memory_space<hbm>> -> memref<16x128xf32, #tpu.memory_space<hbm>>
        tpu.wait_dma2 semaphore(%run_scoped3A : memref<!tpu.dma_semaphore, #tpu.memory_space<semaphore_mem>>) src(%dma_wait3A_38 : memref<16x128xf32, #tpu.memory_space<hbm>>) dst(%dma_wait3A_35 : memref<16x128xf32, #tpu.memory_space<vmem_shared>>)
        tpu.yield
      }) : () -> ()
    } else {
    }
    %barrier3A = arith.constant 0 : index
    tpu.barrier barrier_id(%barrier3A)
    %scan3A = arith.constant 0 : i32
    %scan3A_9 = arith.constant 0 : i32
    %scan3A_10 = arith.constant 78 : i32
    %scan3A_11 = arith.addi %scan3A_9, %scan3A_10 : i32
    %scan3A_12 = arith.constant 1 : i32
    scf.for %scan3A_29 = %scan3A_9 to %scan3A_11 step %scan3A_12  : i32 {
      %mul3A_30 = arith.constant 128 : i32
      %mul3A_31 = arith.muli %scan3A_29, %mul3A_30 : i32
      %add3A_32 = arith.addi %mul3A_2, %mul3A_31 : i32
      "tpu.region"() ({
        %run_scoped3A = tpu.sem_alloc : memref<!tpu.dma_semaphore, #tpu.memory_space<semaphore_mem>>
        %dma_start3A = tpu.memref_slice %arg3[%add3A_32] : memref<320000xi32, #tpu.memory_space<hbm>> -> memref<128xi32, #tpu.memory_space<hbm>>
        %dma_start3A_33 = tpu.memref_slice %arg3[%add3A_32] : memref<320000xi32, #tpu.memory_space<hbm>> -> memref<128xi32, #tpu.memory_space<hbm>>
        tpu.enqueue_dma source(%dma_start3A_33 : memref<128xi32, #tpu.memory_space<hbm>>) target(%arg6 : memref<128xi32, #tpu.memory_space<vmem>>) target_semaphore(%run_scoped3A : memref<!tpu.dma_semaphore, #tpu.memory_space<semaphore_mem>>)
        %dma_wait3A = tpu.memref_slice %arg3[%add3A_32] : memref<320000xi32, #tpu.memory_space<hbm>> -> memref<128xi32, #tpu.memory_space<hbm>>
        %dma_wait3A_34 = tpu.memref_slice %arg3[%add3A_32] : memref<320000xi32, #tpu.memory_space<hbm>> -> memref<128xi32, #tpu.memory_space<hbm>>
        tpu.wait_dma2 semaphore(%run_scoped3A : memref<!tpu.dma_semaphore, #tpu.memory_space<semaphore_mem>>) src(%dma_wait3A_34 : memref<128xi32, #tpu.memory_space<hbm>>) dst(%arg6 : memref<128xi32, #tpu.memory_space<vmem>>)
        tpu.yield
      }) : () -> ()
      "tpu.region"() ({
        %run_scoped3A = tpu.sem_alloc : memref<!tpu.dma_semaphore, #tpu.memory_space<semaphore_mem>>
        %dma_start3A = arith.constant 0 : i32
        %dma_start3A_33 = tpu.memref_slice %arg2[%add3A_32, %dma_start3A] : memref<320000x128xf32, #tpu.memory_space<hbm>> -> memref<128x128xf32, #tpu.memory_space<hbm>>
        %dma_start3A_34 = arith.constant 0 : i32
        %dma_start3A_35 = tpu.memref_slice %arg2[%add3A_32, %dma_start3A_34] : memref<320000x128xf32, #tpu.memory_space<hbm>> -> memref<128x128xf32, #tpu.memory_space<hbm>>
        tpu.enqueue_dma source(%dma_start3A_35 : memref<128x128xf32, #tpu.memory_space<hbm>>) target(%arg7 : memref<128x128xf32, #tpu.memory_space<vmem>>) target_semaphore(%run_scoped3A : memref<!tpu.dma_semaphore, #tpu.memory_space<semaphore_mem>>)
        %dma_wait3A = arith.constant 0 : i32
        %dma_wait3A_36 = tpu.memref_slice %arg2[%add3A_32, %dma_wait3A] : memref<320000x128xf32, #tpu.memory_space<hbm>> -> memref<128x128xf32, #tpu.memory_space<hbm>>
        %dma_wait3A_37 = arith.constant 0 : i32
        %dma_wait3A_38 = tpu.memref_slice %arg2[%add3A_32, %dma_wait3A_37] : memref<320000x128xf32, #tpu.memory_space<hbm>> -> memref<128x128xf32, #tpu.memory_space<hbm>>
        tpu.wait_dma2 semaphore(%run_scoped3A : memref<!tpu.dma_semaphore, #tpu.memory_space<semaphore_mem>>) src(%dma_wait3A_38 : memref<128x128xf32, #tpu.memory_space<hbm>>) dst(%arg7 : memref<128x128xf32, #tpu.memory_space<vmem>>)
        tpu.yield
      }) : () -> ()
      "tpu.region"() ({
        %run_scoped3A = tpu.sem_alloc : memref<!tpu.dma_semaphore, #tpu.memory_space<semaphore_mem>>
        %dma_start3A = arith.constant 0 : i32
        %dma_start3A_33 = arith.constant 0 : i32
        %dma_start3A_34 = tpu.memref_slice %arg10[%dma_start3A, %dma_start3A_33] : memref<10000x128xf32, #tpu.memory_space<vmem_shared>> -> memref<10000x128xf32, #tpu.memory_space<vmem_shared>>
        tpu.enqueue_indirect_dma source(%arg7 : memref<128x128xf32, #tpu.memory_space<vmem>>) target(%dma_start3A_34 : memref<10000x128xf32, #tpu.memory_space<vmem_shared>>) offsets(%arg6 : memref<128xi32, #tpu.memory_space<vmem>>) semaphore(%run_scoped3A : memref<!tpu.dma_semaphore, #tpu.memory_space<semaphore_mem>>) {add = true}
        %dma_wait3A = arith.constant 0 : i32
        %dma_wait3A_35 = arith.constant 0 : i32
        %dma_wait3A_36 = tpu.memref_slice %arg10[%dma_wait3A, %dma_wait3A_35] : memref<10000x128xf32, #tpu.memory_space<vmem_shared>> -> memref<10000x128xf32, #tpu.memory_space<vmem_shared>>
        tpu.wait_indirect_dma semaphore(%run_scoped3A : memref<!tpu.dma_semaphore, #tpu.memory_space<semaphore_mem>>) src(%arg7 : memref<128x128xf32, #tpu.memory_space<vmem>>) dst(%dma_wait3A_36 : memref<10000x128xf32, #tpu.memory_space<vmem_shared>>)
        tpu.yield
      }) : () -> ()
    }
    %scan3A_13 = arith.constant 78 : i32
    %add3A_14 = arith.constant 9984 : i32
    %add3A_15 = arith.addi %mul3A_2, %add3A_14 : i32
    "tpu.region"() ({
      %run_scoped3A = tpu.sem_alloc : memref<!tpu.dma_semaphore, #tpu.memory_space<semaphore_mem>>
      %dma_start3A = tpu.memref_slice %arg3[%add3A_15] : memref<320000xi32, #tpu.memory_space<hbm>> -> memref<16xi32, #tpu.memory_space<hbm>>
      %dma_start3A_29 = tpu.memref_slice %arg3[%add3A_15] : memref<320000xi32, #tpu.memory_space<hbm>> -> memref<16xi32, #tpu.memory_space<hbm>>
      tpu.enqueue_dma source(%dma_start3A_29 : memref<16xi32, #tpu.memory_space<hbm>>) target(%arg8 : memref<16xi32, #tpu.memory_space<vmem>>) target_semaphore(%run_scoped3A : memref<!tpu.dma_semaphore, #tpu.memory_space<semaphore_mem>>)
      %dma_wait3A = tpu.memref_slice %arg3[%add3A_15] : memref<320000xi32, #tpu.memory_space<hbm>> -> memref<16xi32, #tpu.memory_space<hbm>>
      %dma_wait3A_30 = tpu.memref_slice %arg3[%add3A_15] : memref<320000xi32, #tpu.memory_space<hbm>> -> memref<16xi32, #tpu.memory_space<hbm>>
      tpu.wait_dma2 semaphore(%run_scoped3A : memref<!tpu.dma_semaphore, #tpu.memory_space<semaphore_mem>>) src(%dma_wait3A_30 : memref<16xi32, #tpu.memory_space<hbm>>) dst(%arg8 : memref<16xi32, #tpu.memory_space<vmem>>)
      tpu.yield
    }) : () -> ()
    "tpu.region"() ({
      %run_scoped3A = tpu.sem_alloc : memref<!tpu.dma_semaphore, #tpu.memory_space<semaphore_mem>>
      %dma_start3A = arith.constant 0 : i32
      %dma_start3A_29 = tpu.memref_slice %arg2[%add3A_15, %dma_start3A] : memref<320000x128xf32, #tpu.memory_space<hbm>> -> memref<16x128xf32, #tpu.memory_space<hbm>>
      %dma_start3A_30 = arith.constant 0 : i32
      %dma_start3A_31 = tpu.memref_slice %arg2[%add3A_15, %dma_start3A_30] : memref<320000x128xf32, #tpu.memory_space<hbm>> -> memref<16x128xf32, #tpu.memory_space<hbm>>
      tpu.enqueue_dma source(%dma_start3A_31 : memref<16x128xf32, #tpu.memory_space<hbm>>) target(%arg9 : memref<16x128xf32, #tpu.memory_space<vmem>>) target_semaphore(%run_scoped3A : memref<!tpu.dma_semaphore, #tpu.memory_space<semaphore_mem>>)
      %dma_wait3A = arith.constant 0 : i32
      %dma_wait3A_32 = tpu.memref_slice %arg2[%add3A_15, %dma_wait3A] : memref<320000x128xf32, #tpu.memory_space<hbm>> -> memref<16x128xf32, #tpu.memory_space<hbm>>
      %dma_wait3A_33 = arith.constant 0 : i32
      %dma_wait3A_34 = tpu.memref_slice %arg2[%add3A_15, %dma_wait3A_33] : memref<320000x128xf32, #tpu.memory_space<hbm>> -> memref<16x128xf32, #tpu.memory_space<hbm>>
      tpu.wait_dma2 semaphore(%run_scoped3A : memref<!tpu.dma_semaphore, #tpu.memory_space<semaphore_mem>>) src(%dma_wait3A_34 : memref<16x128xf32, #tpu.memory_space<hbm>>) dst(%arg9 : memref<16x128xf32, #tpu.memory_space<vmem>>)
      tpu.yield
    }) : () -> ()
    "tpu.region"() ({
      %run_scoped3A = tpu.sem_alloc : memref<!tpu.dma_semaphore, #tpu.memory_space<semaphore_mem>>
      %dma_start3A = arith.constant 0 : i32
      %dma_start3A_29 = arith.constant 0 : i32
      %dma_start3A_30 = tpu.memref_slice %arg10[%dma_start3A, %dma_start3A_29] : memref<10000x128xf32, #tpu.memory_space<vmem_shared>> -> memref<10000x128xf32, #tpu.memory_space<vmem_shared>>
      tpu.enqueue_indirect_dma source(%arg9 : memref<16x128xf32, #tpu.memory_space<vmem>>) target(%dma_start3A_30 : memref<10000x128xf32, #tpu.memory_space<vmem_shared>>) offsets(%arg8 : memref<16xi32, #tpu.memory_space<vmem>>) semaphore(%run_scoped3A : memref<!tpu.dma_semaphore, #tpu.memory_space<semaphore_mem>>) {add = true}
      %dma_wait3A = arith.constant 0 : i32
      %dma_wait3A_31 = arith.constant 0 : i32
      %dma_wait3A_32 = tpu.memref_slice %arg10[%dma_wait3A, %dma_wait3A_31] : memref<10000x128xf32, #tpu.memory_space<vmem_shared>> -> memref<10000x128xf32, #tpu.memory_space<vmem_shared>>
      tpu.wait_indirect_dma semaphore(%run_scoped3A : memref<!tpu.dma_semaphore, #tpu.memory_space<semaphore_mem>>) src(%arg9 : memref<16x128xf32, #tpu.memory_space<vmem>>) dst(%dma_wait3A_32 : memref<10000x128xf32, #tpu.memory_space<vmem_shared>>)
      tpu.yield
    }) : () -> ()
    %barrier3A_16 = arith.constant 0 : index
    tpu.barrier barrier_id(%barrier3A_16)
    %mul3A_17 = arith.constant 624 : i32
    %mul3A_18 = arith.muli %arg1, %mul3A_17 : i32
    %mul3A_19 = arith.constant 10000 : i32
    %mul3A_20 = arith.muli %arg0, %mul3A_19 : i32
    %mul3A_21 = arith.constant 624 : i32
    %mul3A_22 = arith.muli %arg1, %mul3A_21 : i32
    %add3A_23 = arith.addi %mul3A_20, %mul3A_22 : i32
    "tpu.region"() ({
      %run_scoped3A = tpu.sem_alloc : memref<!tpu.dma_semaphore, #tpu.memory_space<semaphore_mem>>
      %dma_start3A = arith.constant 0 : i32
      %dma_start3A_29 = tpu.memref_slice %arg5[%add3A_23, %dma_start3A] : memref<20000x128xf32, #tpu.memory_space<hbm>> -> memref<624x128xf32, #tpu.memory_space<hbm>>
      %dma_start3A_30 = arith.constant 0 : i32
      %dma_start3A_31 = tpu.memref_slice %arg10[%mul3A_18, %dma_start3A_30] : memref<10000x128xf32, #tpu.memory_space<vmem_shared>> -> memref<624x128xf32, #tpu.memory_space<vmem_shared>>
      tpu.enqueue_dma source(%dma_start3A_31 : memref<624x128xf32, #tpu.memory_space<vmem_shared>>) target(%dma_start3A_29 : memref<624x128xf32, #tpu.memory_space<hbm>>) target_semaphore(%run_scoped3A : memref<!tpu.dma_semaphore, #tpu.memory_space<semaphore_mem>>)
      %dma_wait3A = arith.constant 0 : i32
      %dma_wait3A_32 = tpu.memref_slice %arg5[%add3A_23, %dma_wait3A] : memref<20000x128xf32, #tpu.memory_space<hbm>> -> memref<624x128xf32, #tpu.memory_space<hbm>>
      %dma_wait3A_33 = arith.constant 0 : i32
      %dma_wait3A_34 = tpu.memref_slice %arg10[%mul3A_18, %dma_wait3A_33] : memref<10000x128xf32, #tpu.memory_space<vmem_shared>> -> memref<624x128xf32, #tpu.memory_space<vmem_shared>>
      tpu.wait_dma2 semaphore(%run_scoped3A : memref<!tpu.dma_semaphore, #tpu.memory_space<semaphore_mem>>) src(%dma_wait3A_34 : memref<624x128xf32, #tpu.memory_space<vmem_shared>>) dst(%dma_wait3A_32 : memref<624x128xf32, #tpu.memory_space<hbm>>)
      tpu.yield
    }) : () -> ()
    %eq3A_24 = arith.constant 15 : i32
    %eq3A_25 = arith.cmpi eq, %arg1, %eq3A_24 : i32
    %convert_element_type3A_26 = arith.extui %eq3A_25 : i1 to i32
    %cond3A_27 = arith.constant 0 : i32
    %cond3A_28 = arith.cmpi ne, %convert_element_type3A_26, %cond3A_27 : i32
    scf.if %cond3A_28 {
      %mul3A_29 = arith.constant 10000 : i32
      %mul3A_30 = arith.muli %arg0, %mul3A_29 : i32
      %add3A_31 = arith.constant 9984 : i32
      %add3A_32 = arith.addi %mul3A_30, %add3A_31 : i32
      "tpu.region"() ({
        %run_scoped3A = tpu.sem_alloc : memref<!tpu.dma_semaphore, #tpu.memory_space<semaphore_mem>>
        %dma_start3A = arith.constant 0 : i32
        %dma_start3A_33 = tpu.memref_slice %arg5[%add3A_32, %dma_start3A] : memref<20000x128xf32, #tpu.memory_space<hbm>> -> memref<16x128xf32, #tpu.memory_space<hbm>>
        %dma_start3A_34 = arith.constant 9984 : i32
        %dma_start3A_35 = arith.constant 0 : i32
        %dma_start3A_36 = tpu.memref_slice %arg10[%dma_start3A_34, %dma_start3A_35] : memref<10000x128xf32, #tpu.memory_space<vmem_shared>> -> memref<16x128xf32, #tpu.memory_space<vmem_shared>>
        tpu.enqueue_dma source(%dma_start3A_36 : memref<16x128xf32, #tpu.memory_space<vmem_shared>>) target(%dma_start3A_33 : memref<16x128xf32, #tpu.memory_space<hbm>>) target_semaphore(%run_scoped3A : memref<!tpu.dma_semaphore, #tpu.memory_space<semaphore_mem>>)
        %dma_wait3A = arith.constant 0 : i32
        %dma_wait3A_37 = tpu.memref_slice %arg5[%add3A_32, %dma_wait3A] : memref<20000x128xf32, #tpu.memory_space<hbm>> -> memref<16x128xf32, #tpu.memory_space<hbm>>
        %dma_wait3A_38 = arith.constant 9984 : i32
        %dma_wait3A_39 = arith.constant 0 : i32
        %dma_wait3A_40 = tpu.memref_slice %arg10[%dma_wait3A_38, %dma_wait3A_39] : memref<10000x128xf32, #tpu.memory_space<vmem_shared>> -> memref<16x128xf32, #tpu.memory_space<vmem_shared>>
        tpu.wait_dma2 semaphore(%run_scoped3A : memref<!tpu.dma_semaphore, #tpu.memory_space<semaphore_mem>>) src(%dma_wait3A_40 : memref<16x128xf32, #tpu.memory_space<vmem_shared>>) dst(%dma_wait3A_37 : memref<16x128xf32, #tpu.memory_space<hbm>>)
        tpu.yield
      }) : () -> ()
    } else {
    }
    return
  }
}

#map = affine_map<(d0, d1) -> (0, 0)>
#map1 = affine_map<(d0, d1) -> (0)>
module attributes {stable_mosaic.version = 14 : i64} {
  func.func @k(%arg0: i32, %arg1: i32, %arg2: memref<10000x128xf32, #tpu.memory_space<hbm>>, %arg3: memref<10000x128xf32, #tpu.memory_space<hbm>>, %arg4: memref<320000xi32, #tpu.memory_space<hbm>>, %arg5: memref<320000xi32, #tpu.memory_space<hbm>>, %arg6: memref<320000x128xf32, #tpu.memory_space<hbm>>, %arg7: memref<128xi32, #tpu.memory_space<vmem>>, %arg8: memref<128xi32, #tpu.memory_space<vmem>>, %arg9: memref<128x128xf32, #tpu.memory_space<vmem>>, %arg10: memref<16xi32, #tpu.memory_space<vmem>>, %arg11: memref<16xi32, #tpu.memory_space<vmem>>, %arg12: memref<16x128xf32, #tpu.memory_space<vmem>>, %arg13: memref<!tpu.dma_semaphore, #tpu.memory_space<semaphore_mem>>) attributes {dimension_semantics = [#tpu.dimension_semantics<core_parallel>, #tpu.dimension_semantics<subcore_parallel>], iteration_bounds = array<i64: 2, 16>, scalar_prefetch = 0 : i64, scratch_operands = 7 : i64, tpu.core_type = #tpu.core_type<sc_vector_subcore>, window_params = [{transform_indices = #map}, {transform_indices = #map}, {transform_indices = #map1}, {transform_indices = #map1}, {transform_indices = #map}]} {
    %mul3A = arith.constant 2 : i32
    %mul3A_0 = arith.muli %arg1, %mul3A : i32
    %add3A = arith.addi %mul3A_0, %arg0 : i32
    %mul3A_1 = arith.constant 10000 : i32
    %mul3A_2 = arith.muli %add3A, %mul3A_1 : i32
    %scan3A = arith.constant 0 : i32
    %scan3A_3 = arith.constant 0 : i32
    %scan3A_4 = arith.constant 78 : i32
    %scan3A_5 = arith.addi %scan3A_3, %scan3A_4 : i32
    %scan3A_6 = arith.constant 1 : i32
    scf.for %scan3A_20 = %scan3A_3 to %scan3A_5 step %scan3A_6  : i32 {
      %mul3A_21 = arith.constant 128 : i32
      %mul3A_22 = arith.muli %scan3A_20, %mul3A_21 : i32
      %add3A_23 = arith.addi %mul3A_2, %mul3A_22 : i32
      "tpu.region"() ({
        %run_scoped3A = tpu.sem_alloc : memref<!tpu.dma_semaphore, #tpu.memory_space<semaphore_mem>>
        %dma_start3A_36 = tpu.memref_slice %arg4[%add3A_23] : memref<320000xi32, #tpu.memory_space<hbm>> -> memref<128xi32, #tpu.memory_space<hbm>>
        %dma_start3A_37 = tpu.memref_slice %arg4[%add3A_23] : memref<320000xi32, #tpu.memory_space<hbm>> -> memref<128xi32, #tpu.memory_space<hbm>>
        tpu.enqueue_dma source(%dma_start3A_37 : memref<128xi32, #tpu.memory_space<hbm>>) target(%arg7 : memref<128xi32, #tpu.memory_space<vmem>>) target_semaphore(%run_scoped3A : memref<!tpu.dma_semaphore, #tpu.memory_space<semaphore_mem>>)
        %dma_wait3A_38 = tpu.memref_slice %arg4[%add3A_23] : memref<320000xi32, #tpu.memory_space<hbm>> -> memref<128xi32, #tpu.memory_space<hbm>>
        %dma_wait3A_39 = tpu.memref_slice %arg4[%add3A_23] : memref<320000xi32, #tpu.memory_space<hbm>> -> memref<128xi32, #tpu.memory_space<hbm>>
        tpu.wait_dma2 semaphore(%run_scoped3A : memref<!tpu.dma_semaphore, #tpu.memory_space<semaphore_mem>>) src(%dma_wait3A_39 : memref<128xi32, #tpu.memory_space<hbm>>) dst(%arg7 : memref<128xi32, #tpu.memory_space<vmem>>)
        tpu.yield
      }) : () -> ()
      "tpu.region"() ({
        %run_scoped3A = tpu.sem_alloc : memref<!tpu.dma_semaphore, #tpu.memory_space<semaphore_mem>>
        %dma_start3A_36 = tpu.memref_slice %arg5[%add3A_23] : memref<320000xi32, #tpu.memory_space<hbm>> -> memref<128xi32, #tpu.memory_space<hbm>>
        %dma_start3A_37 = tpu.memref_slice %arg5[%add3A_23] : memref<320000xi32, #tpu.memory_space<hbm>> -> memref<128xi32, #tpu.memory_space<hbm>>
        tpu.enqueue_dma source(%dma_start3A_37 : memref<128xi32, #tpu.memory_space<hbm>>) target(%arg8 : memref<128xi32, #tpu.memory_space<vmem>>) target_semaphore(%run_scoped3A : memref<!tpu.dma_semaphore, #tpu.memory_space<semaphore_mem>>)
        %dma_wait3A_38 = tpu.memref_slice %arg5[%add3A_23] : memref<320000xi32, #tpu.memory_space<hbm>> -> memref<128xi32, #tpu.memory_space<hbm>>
        %dma_wait3A_39 = tpu.memref_slice %arg5[%add3A_23] : memref<320000xi32, #tpu.memory_space<hbm>> -> memref<128xi32, #tpu.memory_space<hbm>>
        tpu.wait_dma2 semaphore(%run_scoped3A : memref<!tpu.dma_semaphore, #tpu.memory_space<semaphore_mem>>) src(%dma_wait3A_39 : memref<128xi32, #tpu.memory_space<hbm>>) dst(%arg8 : memref<128xi32, #tpu.memory_space<vmem>>)
        tpu.yield
      }) : () -> ()
      %dma_start3A_24 = arith.constant 0 : i32
      %dma_start3A_25 = arith.constant 0 : i32
      %dma_start3A_26 = tpu.memref_slice %arg2[%dma_start3A_24, %dma_start3A_25] : memref<10000x128xf32, #tpu.memory_space<hbm>> -> memref<10000x128xf32, #tpu.memory_space<hbm>>
      tpu.enqueue_indirect_dma source(%dma_start3A_26 : memref<10000x128xf32, #tpu.memory_space<hbm>>) target(%arg9 : memref<128x128xf32, #tpu.memory_space<vmem>>) offsets(%arg7 : memref<128xi32, #tpu.memory_space<vmem>>) semaphore(%arg13 : memref<!tpu.dma_semaphore, #tpu.memory_space<semaphore_mem>>)
      %dma_wait3A_27 = arith.constant 0 : i32
      %dma_wait3A_28 = arith.constant 0 : i32
      %dma_wait3A_29 = tpu.memref_slice %arg2[%dma_wait3A_27, %dma_wait3A_28] : memref<10000x128xf32, #tpu.memory_space<hbm>> -> memref<10000x128xf32, #tpu.memory_space<hbm>>
      tpu.wait_indirect_dma semaphore(%arg13 : memref<!tpu.dma_semaphore, #tpu.memory_space<semaphore_mem>>) src(%dma_wait3A_29 : memref<10000x128xf32, #tpu.memory_space<hbm>>) dst(%arg9 : memref<128x128xf32, #tpu.memory_space<vmem>>)
      %dma_start3A_30 = arith.constant 0 : i32
      %dma_start3A_31 = arith.constant 0 : i32
      %dma_start3A_32 = tpu.memref_slice %arg3[%dma_start3A_30, %dma_start3A_31] : memref<10000x128xf32, #tpu.memory_space<hbm>> -> memref<10000x128xf32, #tpu.memory_space<hbm>>
      tpu.enqueue_indirect_dma source(%dma_start3A_32 : memref<10000x128xf32, #tpu.memory_space<hbm>>) target(%arg9 : memref<128x128xf32, #tpu.memory_space<vmem>>) offsets(%arg8 : memref<128xi32, #tpu.memory_space<vmem>>) semaphore(%arg13 : memref<!tpu.dma_semaphore, #tpu.memory_space<semaphore_mem>>) {add = true}
      %dma_wait3A_33 = arith.constant 0 : i32
      %dma_wait3A_34 = arith.constant 0 : i32
      %dma_wait3A_35 = tpu.memref_slice %arg3[%dma_wait3A_33, %dma_wait3A_34] : memref<10000x128xf32, #tpu.memory_space<hbm>> -> memref<10000x128xf32, #tpu.memory_space<hbm>>
      tpu.wait_indirect_dma semaphore(%arg13 : memref<!tpu.dma_semaphore, #tpu.memory_space<semaphore_mem>>) src(%dma_wait3A_35 : memref<10000x128xf32, #tpu.memory_space<hbm>>) dst(%arg9 : memref<128x128xf32, #tpu.memory_space<vmem>>)
      "tpu.region"() ({
        %run_scoped3A = tpu.sem_alloc : memref<!tpu.dma_semaphore, #tpu.memory_space<semaphore_mem>>
        %dma_start3A_36 = arith.constant 0 : i32
        %dma_start3A_37 = tpu.memref_slice %arg6[%add3A_23, %dma_start3A_36] : memref<320000x128xf32, #tpu.memory_space<hbm>> -> memref<128x128xf32, #tpu.memory_space<hbm>>
        %dma_start3A_38 = arith.constant 0 : i32
        %dma_start3A_39 = tpu.memref_slice %arg6[%add3A_23, %dma_start3A_38] : memref<320000x128xf32, #tpu.memory_space<hbm>> -> memref<128x128xf32, #tpu.memory_space<hbm>>
        tpu.enqueue_dma source(%arg9 : memref<128x128xf32, #tpu.memory_space<vmem>>) target(%dma_start3A_39 : memref<128x128xf32, #tpu.memory_space<hbm>>) target_semaphore(%run_scoped3A : memref<!tpu.dma_semaphore, #tpu.memory_space<semaphore_mem>>)
        %dma_wait3A_40 = arith.constant 0 : i32
        %dma_wait3A_41 = tpu.memref_slice %arg6[%add3A_23, %dma_wait3A_40] : memref<320000x128xf32, #tpu.memory_space<hbm>> -> memref<128x128xf32, #tpu.memory_space<hbm>>
        %dma_wait3A_42 = arith.constant 0 : i32
        %dma_wait3A_43 = tpu.memref_slice %arg6[%add3A_23, %dma_wait3A_42] : memref<320000x128xf32, #tpu.memory_space<hbm>> -> memref<128x128xf32, #tpu.memory_space<hbm>>
        tpu.wait_dma2 semaphore(%run_scoped3A : memref<!tpu.dma_semaphore, #tpu.memory_space<semaphore_mem>>) src(%arg9 : memref<128x128xf32, #tpu.memory_space<vmem>>) dst(%dma_wait3A_43 : memref<128x128xf32, #tpu.memory_space<hbm>>)
        tpu.yield
      }) : () -> ()
    }
    %scan3A_7 = arith.constant 78 : i32
    %add3A_8 = arith.constant 9984 : i32
    %add3A_9 = arith.addi %mul3A_2, %add3A_8 : i32
    "tpu.region"() ({
      %run_scoped3A = tpu.sem_alloc : memref<!tpu.dma_semaphore, #tpu.memory_space<semaphore_mem>>
      %dma_start3A_20 = tpu.memref_slice %arg4[%add3A_9] : memref<320000xi32, #tpu.memory_space<hbm>> -> memref<16xi32, #tpu.memory_space<hbm>>
      %dma_start3A_21 = tpu.memref_slice %arg4[%add3A_9] : memref<320000xi32, #tpu.memory_space<hbm>> -> memref<16xi32, #tpu.memory_space<hbm>>
      tpu.enqueue_dma source(%dma_start3A_21 : memref<16xi32, #tpu.memory_space<hbm>>) target(%arg10 : memref<16xi32, #tpu.memory_space<vmem>>) target_semaphore(%run_scoped3A : memref<!tpu.dma_semaphore, #tpu.memory_space<semaphore_mem>>)
      %dma_wait3A_22 = tpu.memref_slice %arg4[%add3A_9] : memref<320000xi32, #tpu.memory_space<hbm>> -> memref<16xi32, #tpu.memory_space<hbm>>
      %dma_wait3A_23 = tpu.memref_slice %arg4[%add3A_9] : memref<320000xi32, #tpu.memory_space<hbm>> -> memref<16xi32, #tpu.memory_space<hbm>>
      tpu.wait_dma2 semaphore(%run_scoped3A : memref<!tpu.dma_semaphore, #tpu.memory_space<semaphore_mem>>) src(%dma_wait3A_23 : memref<16xi32, #tpu.memory_space<hbm>>) dst(%arg10 : memref<16xi32, #tpu.memory_space<vmem>>)
      tpu.yield
    }) : () -> ()
    "tpu.region"() ({
      %run_scoped3A = tpu.sem_alloc : memref<!tpu.dma_semaphore, #tpu.memory_space<semaphore_mem>>
      %dma_start3A_20 = tpu.memref_slice %arg5[%add3A_9] : memref<320000xi32, #tpu.memory_space<hbm>> -> memref<16xi32, #tpu.memory_space<hbm>>
      %dma_start3A_21 = tpu.memref_slice %arg5[%add3A_9] : memref<320000xi32, #tpu.memory_space<hbm>> -> memref<16xi32, #tpu.memory_space<hbm>>
      tpu.enqueue_dma source(%dma_start3A_21 : memref<16xi32, #tpu.memory_space<hbm>>) target(%arg11 : memref<16xi32, #tpu.memory_space<vmem>>) target_semaphore(%run_scoped3A : memref<!tpu.dma_semaphore, #tpu.memory_space<semaphore_mem>>)
      %dma_wait3A_22 = tpu.memref_slice %arg5[%add3A_9] : memref<320000xi32, #tpu.memory_space<hbm>> -> memref<16xi32, #tpu.memory_space<hbm>>
      %dma_wait3A_23 = tpu.memref_slice %arg5[%add3A_9] : memref<320000xi32, #tpu.memory_space<hbm>> -> memref<16xi32, #tpu.memory_space<hbm>>
      tpu.wait_dma2 semaphore(%run_scoped3A : memref<!tpu.dma_semaphore, #tpu.memory_space<semaphore_mem>>) src(%dma_wait3A_23 : memref<16xi32, #tpu.memory_space<hbm>>) dst(%arg11 : memref<16xi32, #tpu.memory_space<vmem>>)
      tpu.yield
    }) : () -> ()
    %dma_start3A = arith.constant 0 : i32
    %dma_start3A_10 = arith.constant 0 : i32
    %dma_start3A_11 = tpu.memref_slice %arg2[%dma_start3A, %dma_start3A_10] : memref<10000x128xf32, #tpu.memory_space<hbm>> -> memref<10000x128xf32, #tpu.memory_space<hbm>>
    tpu.enqueue_indirect_dma source(%dma_start3A_11 : memref<10000x128xf32, #tpu.memory_space<hbm>>) target(%arg12 : memref<16x128xf32, #tpu.memory_space<vmem>>) offsets(%arg10 : memref<16xi32, #tpu.memory_space<vmem>>) semaphore(%arg13 : memref<!tpu.dma_semaphore, #tpu.memory_space<semaphore_mem>>)
    %dma_wait3A = arith.constant 0 : i32
    %dma_wait3A_12 = arith.constant 0 : i32
    %dma_wait3A_13 = tpu.memref_slice %arg2[%dma_wait3A, %dma_wait3A_12] : memref<10000x128xf32, #tpu.memory_space<hbm>> -> memref<10000x128xf32, #tpu.memory_space<hbm>>
    tpu.wait_indirect_dma semaphore(%arg13 : memref<!tpu.dma_semaphore, #tpu.memory_space<semaphore_mem>>) src(%dma_wait3A_13 : memref<10000x128xf32, #tpu.memory_space<hbm>>) dst(%arg12 : memref<16x128xf32, #tpu.memory_space<vmem>>)
    %dma_start3A_14 = arith.constant 0 : i32
    %dma_start3A_15 = arith.constant 0 : i32
    %dma_start3A_16 = tpu.memref_slice %arg3[%dma_start3A_14, %dma_start3A_15] : memref<10000x128xf32, #tpu.memory_space<hbm>> -> memref<10000x128xf32, #tpu.memory_space<hbm>>
    tpu.enqueue_indirect_dma source(%dma_start3A_16 : memref<10000x128xf32, #tpu.memory_space<hbm>>) target(%arg12 : memref<16x128xf32, #tpu.memory_space<vmem>>) offsets(%arg11 : memref<16xi32, #tpu.memory_space<vmem>>) semaphore(%arg13 : memref<!tpu.dma_semaphore, #tpu.memory_space<semaphore_mem>>) {add = true}
    %dma_wait3A_17 = arith.constant 0 : i32
    %dma_wait3A_18 = arith.constant 0 : i32
    %dma_wait3A_19 = tpu.memref_slice %arg3[%dma_wait3A_17, %dma_wait3A_18] : memref<10000x128xf32, #tpu.memory_space<hbm>> -> memref<10000x128xf32, #tpu.memory_space<hbm>>
    tpu.wait_indirect_dma semaphore(%arg13 : memref<!tpu.dma_semaphore, #tpu.memory_space<semaphore_mem>>) src(%dma_wait3A_19 : memref<10000x128xf32, #tpu.memory_space<hbm>>) dst(%arg12 : memref<16x128xf32, #tpu.memory_space<vmem>>)
    "tpu.region"() ({
      %run_scoped3A = tpu.sem_alloc : memref<!tpu.dma_semaphore, #tpu.memory_space<semaphore_mem>>
      %dma_start3A_20 = arith.constant 0 : i32
      %dma_start3A_21 = tpu.memref_slice %arg6[%add3A_9, %dma_start3A_20] : memref<320000x128xf32, #tpu.memory_space<hbm>> -> memref<16x128xf32, #tpu.memory_space<hbm>>
      %dma_start3A_22 = arith.constant 0 : i32
      %dma_start3A_23 = tpu.memref_slice %arg6[%add3A_9, %dma_start3A_22] : memref<320000x128xf32, #tpu.memory_space<hbm>> -> memref<16x128xf32, #tpu.memory_space<hbm>>
      tpu.enqueue_dma source(%arg12 : memref<16x128xf32, #tpu.memory_space<vmem>>) target(%dma_start3A_23 : memref<16x128xf32, #tpu.memory_space<hbm>>) target_semaphore(%run_scoped3A : memref<!tpu.dma_semaphore, #tpu.memory_space<semaphore_mem>>)
      %dma_wait3A_24 = arith.constant 0 : i32
      %dma_wait3A_25 = tpu.memref_slice %arg6[%add3A_9, %dma_wait3A_24] : memref<320000x128xf32, #tpu.memory_space<hbm>> -> memref<16x128xf32, #tpu.memory_space<hbm>>
      %dma_wait3A_26 = arith.constant 0 : i32
      %dma_wait3A_27 = tpu.memref_slice %arg6[%add3A_9, %dma_wait3A_26] : memref<320000x128xf32, #tpu.memory_space<hbm>> -> memref<16x128xf32, #tpu.memory_space<hbm>>
      tpu.wait_dma2 semaphore(%run_scoped3A : memref<!tpu.dma_semaphore, #tpu.memory_space<semaphore_mem>>) src(%arg12 : memref<16x128xf32, #tpu.memory_space<vmem>>) dst(%dma_wait3A_27 : memref<16x128xf32, #tpu.memory_space<hbm>>)
      tpu.yield
    }) : () -> ()
    return
  }
}

#map = affine_map<(d0, d1) -> (0, 0)>
#map1 = affine_map<(d0, d1) -> (0)>
module attributes {stable_mosaic.version = 14 : i64} {
  func.func @k(%arg0: i32, %arg1: i32, %arg2: memref<320000x128xf32, #tpu.memory_space<hbm>>, %arg3: memref<320000xi32, #tpu.memory_space<hbm>>, %arg4: memref<10000x128xf32, #tpu.memory_space<hbm>>, %arg5: memref<20000x128xf32, #tpu.memory_space<hbm>>, %arg6: memref<128xi32, #tpu.memory_space<vmem>>, %arg7: memref<128x128xf32, #tpu.memory_space<vmem>>, %arg8: memref<16xi32, #tpu.memory_space<vmem>>, %arg9: memref<16x128xf32, #tpu.memory_space<vmem>>, %arg10: memref<10000x128xf32, #tpu.memory_space<vmem_shared>>) attributes {dimension_semantics = [#tpu.dimension_semantics<core_parallel>, #tpu.dimension_semantics<subcore_parallel>], iteration_bounds = array<i64: 2, 16>, scalar_prefetch = 0 : i64, scratch_operands = 5 : i64, tpu.core_type = #tpu.core_type<sc_vector_subcore>, window_params = [{transform_indices = #map}, {transform_indices = #map1}, {transform_indices = #map}, {transform_indices = #map}]} {
    %mul3A = arith.constant 2 : i32
    %mul3A_0 = arith.muli %arg1, %mul3A : i32
    %add3A = arith.addi %mul3A_0, %arg0 : i32
    %mul3A_1 = arith.constant 10000 : i32
    %mul3A_2 = arith.muli %add3A, %mul3A_1 : i32
    %mul3A_3 = arith.constant 624 : i32
    %mul3A_4 = arith.muli %arg1, %mul3A_3 : i32
    %mul3A_5 = arith.constant 624 : i32
    %mul3A_6 = arith.muli %arg1, %mul3A_5 : i32
    "tpu.region"() ({
      %run_scoped3A = tpu.sem_alloc : memref<!tpu.dma_semaphore, #tpu.memory_space<semaphore_mem>>
      %dma_start3A = arith.constant 0 : i32
      %dma_start3A_29 = tpu.memref_slice %arg10[%mul3A_6, %dma_start3A] : memref<10000x128xf32, #tpu.memory_space<vmem_shared>> -> memref<624x128xf32, #tpu.memory_space<vmem_shared>>
      %dma_start3A_30 = arith.constant 0 : i32
      %dma_start3A_31 = tpu.memref_slice %arg4[%mul3A_4, %dma_start3A_30] : memref<10000x128xf32, #tpu.memory_space<hbm>> -> memref<624x128xf32, #tpu.memory_space<hbm>>
      tpu.enqueue_dma source(%dma_start3A_31 : memref<624x128xf32, #tpu.memory_space<hbm>>) target(%dma_start3A_29 : memref<624x128xf32, #tpu.memory_space<vmem_shared>>) target_semaphore(%run_scoped3A : memref<!tpu.dma_semaphore, #tpu.memory_space<semaphore_mem>>)
      %dma_wait3A = arith.constant 0 : i32
      %dma_wait3A_32 = tpu.memref_slice %arg10[%mul3A_6, %dma_wait3A] : memref<10000x128xf32, #tpu.memory_space<vmem_shared>> -> memref<624x128xf32, #tpu.memory_space<vmem_shared>>
      %dma_wait3A_33 = arith.constant 0 : i32
      %dma_wait3A_34 = tpu.memref_slice %arg4[%mul3A_4, %dma_wait3A_33] : memref<10000x128xf32, #tpu.memory_space<hbm>> -> memref<624x128xf32, #tpu.memory_space<hbm>>
      tpu.wait_dma2 semaphore(%run_scoped3A : memref<!tpu.dma_semaphore, #tpu.memory_space<semaphore_mem>>) src(%dma_wait3A_34 : memref<624x128xf32, #tpu.memory_space<hbm>>) dst(%dma_wait3A_32 : memref<624x128xf32, #tpu.memory_space<vmem_shared>>)
      tpu.yield
    }) : () -> ()
    %eq3A = arith.constant 15 : i32
    %eq3A_7 = arith.cmpi eq, %arg1, %eq3A : i32
    %convert_element_type3A = arith.extui %eq3A_7 : i1 to i32
    %cond3A = arith.constant 0 : i32
    %cond3A_8 = arith.cmpi ne, %convert_element_type3A, %cond3A : i32
    scf.if %cond3A_8 {
      "tpu.region"() ({
        %run_scoped3A = tpu.sem_alloc : memref<!tpu.dma_semaphore, #tpu.memory_space<semaphore_mem>>
        %dma_start3A = arith.constant 9984 : i32
        %dma_start3A_29 = arith.constant 0 : i32
        %dma_start3A_30 = tpu.memref_slice %arg10[%dma_start3A, %dma_start3A_29] : memref<10000x128xf32, #tpu.memory_space<vmem_shared>> -> memref<16x128xf32, #tpu.memory_space<vmem_shared>>
        %dma_start3A_31 = arith.constant 9984 : i32
        %dma_start3A_32 = arith.constant 0 : i32
        %dma_start3A_33 = tpu.memref_slice %arg4[%dma_start3A_31, %dma_start3A_32] : memref<10000x128xf32, #tpu.memory_space<hbm>> -> memref<16x128xf32, #tpu.memory_space<hbm>>
        tpu.enqueue_dma source(%dma_start3A_33 : memref<16x128xf32, #tpu.memory_space<hbm>>) target(%dma_start3A_30 : memref<16x128xf32, #tpu.memory_space<vmem_shared>>) target_semaphore(%run_scoped3A : memref<!tpu.dma_semaphore, #tpu.memory_space<semaphore_mem>>)
        %dma_wait3A = arith.constant 9984 : i32
        %dma_wait3A_34 = arith.constant 0 : i32
        %dma_wait3A_35 = tpu.memref_slice %arg10[%dma_wait3A, %dma_wait3A_34] : memref<10000x128xf32, #tpu.memory_space<vmem_shared>> -> memref<16x128xf32, #tpu.memory_space<vmem_shared>>
        %dma_wait3A_36 = arith.constant 9984 : i32
        %dma_wait3A_37 = arith.constant 0 : i32
        %dma_wait3A_38 = tpu.memref_slice %arg4[%dma_wait3A_36, %dma_wait3A_37] : memref<10000x128xf32, #tpu.memory_space<hbm>> -> memref<16x128xf32, #tpu.memory_space<hbm>>
        tpu.wait_dma2 semaphore(%run_scoped3A : memref<!tpu.dma_semaphore, #tpu.memory_space<semaphore_mem>>) src(%dma_wait3A_38 : memref<16x128xf32, #tpu.memory_space<hbm>>) dst(%dma_wait3A_35 : memref<16x128xf32, #tpu.memory_space<vmem_shared>>)
        tpu.yield
      }) : () -> ()
    } else {
    }
    %barrier3A = arith.constant 0 : index
    tpu.barrier barrier_id(%barrier3A)
    %scan3A = arith.constant 0 : i32
    %scan3A_9 = arith.constant 0 : i32
    %scan3A_10 = arith.constant 78 : i32
    %scan3A_11 = arith.addi %scan3A_9, %scan3A_10 : i32
    %scan3A_12 = arith.constant 1 : i32
    scf.for %scan3A_29 = %scan3A_9 to %scan3A_11 step %scan3A_12  : i32 {
      %mul3A_30 = arith.constant 128 : i32
      %mul3A_31 = arith.muli %scan3A_29, %mul3A_30 : i32
      %add3A_32 = arith.addi %mul3A_2, %mul3A_31 : i32
      "tpu.region"() ({
        %run_scoped3A = tpu.sem_alloc : memref<!tpu.dma_semaphore, #tpu.memory_space<semaphore_mem>>
        %dma_start3A = tpu.memref_slice %arg3[%add3A_32] : memref<320000xi32, #tpu.memory_space<hbm>> -> memref<128xi32, #tpu.memory_space<hbm>>
        %dma_start3A_33 = tpu.memref_slice %arg3[%add3A_32] : memref<320000xi32, #tpu.memory_space<hbm>> -> memref<128xi32, #tpu.memory_space<hbm>>
        tpu.enqueue_dma source(%dma_start3A_33 : memref<128xi32, #tpu.memory_space<hbm>>) target(%arg6 : memref<128xi32, #tpu.memory_space<vmem>>) target_semaphore(%run_scoped3A : memref<!tpu.dma_semaphore, #tpu.memory_space<semaphore_mem>>)
        %dma_wait3A = tpu.memref_slice %arg3[%add3A_32] : memref<320000xi32, #tpu.memory_space<hbm>> -> memref<128xi32, #tpu.memory_space<hbm>>
        %dma_wait3A_34 = tpu.memref_slice %arg3[%add3A_32] : memref<320000xi32, #tpu.memory_space<hbm>> -> memref<128xi32, #tpu.memory_space<hbm>>
        tpu.wait_dma2 semaphore(%run_scoped3A : memref<!tpu.dma_semaphore, #tpu.memory_space<semaphore_mem>>) src(%dma_wait3A_34 : memref<128xi32, #tpu.memory_space<hbm>>) dst(%arg6 : memref<128xi32, #tpu.memory_space<vmem>>)
        tpu.yield
      }) : () -> ()
      "tpu.region"() ({
        %run_scoped3A = tpu.sem_alloc : memref<!tpu.dma_semaphore, #tpu.memory_space<semaphore_mem>>
        %dma_start3A = arith.constant 0 : i32
        %dma_start3A_33 = tpu.memref_slice %arg2[%add3A_32, %dma_start3A] : memref<320000x128xf32, #tpu.memory_space<hbm>> -> memref<128x128xf32, #tpu.memory_space<hbm>>
        %dma_start3A_34 = arith.constant 0 : i32
        %dma_start3A_35 = tpu.memref_slice %arg2[%add3A_32, %dma_start3A_34] : memref<320000x128xf32, #tpu.memory_space<hbm>> -> memref<128x128xf32, #tpu.memory_space<hbm>>
        tpu.enqueue_dma source(%dma_start3A_35 : memref<128x128xf32, #tpu.memory_space<hbm>>) target(%arg7 : memref<128x128xf32, #tpu.memory_space<vmem>>) target_semaphore(%run_scoped3A : memref<!tpu.dma_semaphore, #tpu.memory_space<semaphore_mem>>)
        %dma_wait3A = arith.constant 0 : i32
        %dma_wait3A_36 = tpu.memref_slice %arg2[%add3A_32, %dma_wait3A] : memref<320000x128xf32, #tpu.memory_space<hbm>> -> memref<128x128xf32, #tpu.memory_space<hbm>>
        %dma_wait3A_37 = arith.constant 0 : i32
        %dma_wait3A_38 = tpu.memref_slice %arg2[%add3A_32, %dma_wait3A_37] : memref<320000x128xf32, #tpu.memory_space<hbm>> -> memref<128x128xf32, #tpu.memory_space<hbm>>
        tpu.wait_dma2 semaphore(%run_scoped3A : memref<!tpu.dma_semaphore, #tpu.memory_space<semaphore_mem>>) src(%dma_wait3A_38 : memref<128x128xf32, #tpu.memory_space<hbm>>) dst(%arg7 : memref<128x128xf32, #tpu.memory_space<vmem>>)
        tpu.yield
      }) : () -> ()
      "tpu.region"() ({
        %run_scoped3A = tpu.sem_alloc : memref<!tpu.dma_semaphore, #tpu.memory_space<semaphore_mem>>
        %dma_start3A = arith.constant 0 : i32
        %dma_start3A_33 = arith.constant 0 : i32
        %dma_start3A_34 = tpu.memref_slice %arg10[%dma_start3A, %dma_start3A_33] : memref<10000x128xf32, #tpu.memory_space<vmem_shared>> -> memref<10000x128xf32, #tpu.memory_space<vmem_shared>>
        tpu.enqueue_indirect_dma source(%arg7 : memref<128x128xf32, #tpu.memory_space<vmem>>) target(%dma_start3A_34 : memref<10000x128xf32, #tpu.memory_space<vmem_shared>>) offsets(%arg6 : memref<128xi32, #tpu.memory_space<vmem>>) semaphore(%run_scoped3A : memref<!tpu.dma_semaphore, #tpu.memory_space<semaphore_mem>>) {add = true}
        %dma_wait3A = arith.constant 0 : i32
        %dma_wait3A_35 = arith.constant 0 : i32
        %dma_wait3A_36 = tpu.memref_slice %arg10[%dma_wait3A, %dma_wait3A_35] : memref<10000x128xf32, #tpu.memory_space<vmem_shared>> -> memref<10000x128xf32, #tpu.memory_space<vmem_shared>>
        tpu.wait_indirect_dma semaphore(%run_scoped3A : memref<!tpu.dma_semaphore, #tpu.memory_space<semaphore_mem>>) src(%arg7 : memref<128x128xf32, #tpu.memory_space<vmem>>) dst(%dma_wait3A_36 : memref<10000x128xf32, #tpu.memory_space<vmem_shared>>)
        tpu.yield
      }) : () -> ()
    }
    %scan3A_13 = arith.constant 78 : i32
    %add3A_14 = arith.constant 9984 : i32
    %add3A_15 = arith.addi %mul3A_2, %add3A_14 : i32
    "tpu.region"() ({
      %run_scoped3A = tpu.sem_alloc : memref<!tpu.dma_semaphore, #tpu.memory_space<semaphore_mem>>
      %dma_start3A = tpu.memref_slice %arg3[%add3A_15] : memref<320000xi32, #tpu.memory_space<hbm>> -> memref<16xi32, #tpu.memory_space<hbm>>
      %dma_start3A_29 = tpu.memref_slice %arg3[%add3A_15] : memref<320000xi32, #tpu.memory_space<hbm>> -> memref<16xi32, #tpu.memory_space<hbm>>
      tpu.enqueue_dma source(%dma_start3A_29 : memref<16xi32, #tpu.memory_space<hbm>>) target(%arg8 : memref<16xi32, #tpu.memory_space<vmem>>) target_semaphore(%run_scoped3A : memref<!tpu.dma_semaphore, #tpu.memory_space<semaphore_mem>>)
      %dma_wait3A = tpu.memref_slice %arg3[%add3A_15] : memref<320000xi32, #tpu.memory_space<hbm>> -> memref<16xi32, #tpu.memory_space<hbm>>
      %dma_wait3A_30 = tpu.memref_slice %arg3[%add3A_15] : memref<320000xi32, #tpu.memory_space<hbm>> -> memref<16xi32, #tpu.memory_space<hbm>>
      tpu.wait_dma2 semaphore(%run_scoped3A : memref<!tpu.dma_semaphore, #tpu.memory_space<semaphore_mem>>) src(%dma_wait3A_30 : memref<16xi32, #tpu.memory_space<hbm>>) dst(%arg8 : memref<16xi32, #tpu.memory_space<vmem>>)
      tpu.yield
    }) : () -> ()
    "tpu.region"() ({
      %run_scoped3A = tpu.sem_alloc : memref<!tpu.dma_semaphore, #tpu.memory_space<semaphore_mem>>
      %dma_start3A = arith.constant 0 : i32
      %dma_start3A_29 = tpu.memref_slice %arg2[%add3A_15, %dma_start3A] : memref<320000x128xf32, #tpu.memory_space<hbm>> -> memref<16x128xf32, #tpu.memory_space<hbm>>
      %dma_start3A_30 = arith.constant 0 : i32
      %dma_start3A_31 = tpu.memref_slice %arg2[%add3A_15, %dma_start3A_30] : memref<320000x128xf32, #tpu.memory_space<hbm>> -> memref<16x128xf32, #tpu.memory_space<hbm>>
      tpu.enqueue_dma source(%dma_start3A_31 : memref<16x128xf32, #tpu.memory_space<hbm>>) target(%arg9 : memref<16x128xf32, #tpu.memory_space<vmem>>) target_semaphore(%run_scoped3A : memref<!tpu.dma_semaphore, #tpu.memory_space<semaphore_mem>>)
      %dma_wait3A = arith.constant 0 : i32
      %dma_wait3A_32 = tpu.memref_slice %arg2[%add3A_15, %dma_wait3A] : memref<320000x128xf32, #tpu.memory_space<hbm>> -> memref<16x128xf32, #tpu.memory_space<hbm>>
      %dma_wait3A_33 = arith.constant 0 : i32
      %dma_wait3A_34 = tpu.memref_slice %arg2[%add3A_15, %dma_wait3A_33] : memref<320000x128xf32, #tpu.memory_space<hbm>> -> memref<16x128xf32, #tpu.memory_space<hbm>>
      tpu.wait_dma2 semaphore(%run_scoped3A : memref<!tpu.dma_semaphore, #tpu.memory_space<semaphore_mem>>) src(%dma_wait3A_34 : memref<16x128xf32, #tpu.memory_space<hbm>>) dst(%arg9 : memref<16x128xf32, #tpu.memory_space<vmem>>)
      tpu.yield
    }) : () -> ()
    "tpu.region"() ({
      %run_scoped3A = tpu.sem_alloc : memref<!tpu.dma_semaphore, #tpu.memory_space<semaphore_mem>>
      %dma_start3A = arith.constant 0 : i32
      %dma_start3A_29 = arith.constant 0 : i32
      %dma_start3A_30 = tpu.memref_slice %arg10[%dma_start3A, %dma_start3A_29] : memref<10000x128xf32, #tpu.memory_space<vmem_shared>> -> memref<10000x128xf32, #tpu.memory_space<vmem_shared>>
      tpu.enqueue_indirect_dma source(%arg9 : memref<16x128xf32, #tpu.memory_space<vmem>>) target(%dma_start3A_30 : memref<10000x128xf32, #tpu.memory_space<vmem_shared>>) offsets(%arg8 : memref<16xi32, #tpu.memory_space<vmem>>) semaphore(%run_scoped3A : memref<!tpu.dma_semaphore, #tpu.memory_space<semaphore_mem>>) {add = true}
      %dma_wait3A = arith.constant 0 : i32
      %dma_wait3A_31 = arith.constant 0 : i32
      %dma_wait3A_32 = tpu.memref_slice %arg10[%dma_wait3A, %dma_wait3A_31] : memref<10000x128xf32, #tpu.memory_space<vmem_shared>> -> memref<10000x128xf32, #tpu.memory_space<vmem_shared>>
      tpu.wait_indirect_dma semaphore(%run_scoped3A : memref<!tpu.dma_semaphore, #tpu.memory_space<semaphore_mem>>) src(%arg9 : memref<16x128xf32, #tpu.memory_space<vmem>>) dst(%dma_wait3A_32 : memref<10000x128xf32, #tpu.memory_space<vmem_shared>>)
      tpu.yield
    }) : () -> ()
    %barrier3A_16 = arith.constant 0 : index
    tpu.barrier barrier_id(%barrier3A_16)
    %mul3A_17 = arith.constant 624 : i32
    %mul3A_18 = arith.muli %arg1, %mul3A_17 : i32
    %mul3A_19 = arith.constant 10000 : i32
    %mul3A_20 = arith.muli %arg0, %mul3A_19 : i32
    %mul3A_21 = arith.constant 624 : i32
    %mul3A_22 = arith.muli %arg1, %mul3A_21 : i32
    %add3A_23 = arith.addi %mul3A_20, %mul3A_22 : i32
    "tpu.region"() ({
      %run_scoped3A = tpu.sem_alloc : memref<!tpu.dma_semaphore, #tpu.memory_space<semaphore_mem>>
      %dma_start3A = arith.constant 0 : i32
      %dma_start3A_29 = tpu.memref_slice %arg5[%add3A_23, %dma_start3A] : memref<20000x128xf32, #tpu.memory_space<hbm>> -> memref<624x128xf32, #tpu.memory_space<hbm>>
      %dma_start3A_30 = arith.constant 0 : i32
      %dma_start3A_31 = tpu.memref_slice %arg10[%mul3A_18, %dma_start3A_30] : memref<10000x128xf32, #tpu.memory_space<vmem_shared>> -> memref<624x128xf32, #tpu.memory_space<vmem_shared>>
      tpu.enqueue_dma source(%dma_start3A_31 : memref<624x128xf32, #tpu.memory_space<vmem_shared>>) target(%dma_start3A_29 : memref<624x128xf32, #tpu.memory_space<hbm>>) target_semaphore(%run_scoped3A : memref<!tpu.dma_semaphore, #tpu.memory_space<semaphore_mem>>)
      %dma_wait3A = arith.constant 0 : i32
      %dma_wait3A_32 = tpu.memref_slice %arg5[%add3A_23, %dma_wait3A] : memref<20000x128xf32, #tpu.memory_space<hbm>> -> memref<624x128xf32, #tpu.memory_space<hbm>>
      %dma_wait3A_33 = arith.constant 0 : i32
      %dma_wait3A_34 = tpu.memref_slice %arg10[%mul3A_18, %dma_wait3A_33] : memref<10000x128xf32, #tpu.memory_space<vmem_shared>> -> memref<624x128xf32, #tpu.memory_space<vmem_shared>>
      tpu.wait_dma2 semaphore(%run_scoped3A : memref<!tpu.dma_semaphore, #tpu.memory_space<semaphore_mem>>) src(%dma_wait3A_34 : memref<624x128xf32, #tpu.memory_space<vmem_shared>>) dst(%dma_wait3A_32 : memref<624x128xf32, #tpu.memory_space<hbm>>)
      tpu.yield
    }) : () -> ()
    %eq3A_24 = arith.constant 15 : i32
    %eq3A_25 = arith.cmpi eq, %arg1, %eq3A_24 : i32
    %convert_element_type3A_26 = arith.extui %eq3A_25 : i1 to i32
    %cond3A_27 = arith.constant 0 : i32
    %cond3A_28 = arith.cmpi ne, %convert_element_type3A_26, %cond3A_27 : i32
    scf.if %cond3A_28 {
      %mul3A_29 = arith.constant 10000 : i32
      %mul3A_30 = arith.muli %arg0, %mul3A_29 : i32
      %add3A_31 = arith.constant 9984 : i32
      %add3A_32 = arith.addi %mul3A_30, %add3A_31 : i32
      "tpu.region"() ({
        %run_scoped3A = tpu.sem_alloc : memref<!tpu.dma_semaphore, #tpu.memory_space<semaphore_mem>>
        %dma_start3A = arith.constant 0 : i32
        %dma_start3A_33 = tpu.memref_slice %arg5[%add3A_32, %dma_start3A] : memref<20000x128xf32, #tpu.memory_space<hbm>> -> memref<16x128xf32, #tpu.memory_space<hbm>>
        %dma_start3A_34 = arith.constant 9984 : i32
        %dma_start3A_35 = arith.constant 0 : i32
        %dma_start3A_36 = tpu.memref_slice %arg10[%dma_start3A_34, %dma_start3A_35] : memref<10000x128xf32, #tpu.memory_space<vmem_shared>> -> memref<16x128xf32, #tpu.memory_space<vmem_shared>>
        tpu.enqueue_dma source(%dma_start3A_36 : memref<16x128xf32, #tpu.memory_space<vmem_shared>>) target(%dma_start3A_33 : memref<16x128xf32, #tpu.memory_space<hbm>>) target_semaphore(%run_scoped3A : memref<!tpu.dma_semaphore, #tpu.memory_space<semaphore_mem>>)
        %dma_wait3A = arith.constant 0 : i32
        %dma_wait3A_37 = tpu.memref_slice %arg5[%add3A_32, %dma_wait3A] : memref<20000x128xf32, #tpu.memory_space<hbm>> -> memref<16x128xf32, #tpu.memory_space<hbm>>
        %dma_wait3A_38 = arith.constant 9984 : i32
        %dma_wait3A_39 = arith.constant 0 : i32
        %dma_wait3A_40 = tpu.memref_slice %arg10[%dma_wait3A_38, %dma_wait3A_39] : memref<10000x128xf32, #tpu.memory_space<vmem_shared>> -> memref<16x128xf32, #tpu.memory_space<vmem_shared>>
        tpu.wait_dma2 semaphore(%run_scoped3A : memref<!tpu.dma_semaphore, #tpu.memory_space<semaphore_mem>>) src(%dma_wait3A_40 : memref<16x128xf32, #tpu.memory_space<vmem_shared>>) dst(%dma_wait3A_37 : memref<16x128xf32, #tpu.memory_space<hbm>>)
        tpu.yield
      }) : () -> ()
    } else {
    }
    return
  }
}

module attributes {stable_mosaic.version = 14 : i64} {
  func.func @_enc_body(%arg0: i32, %arg1: memref<2000x8xf32, #tpu.memory_space<vmem>>, %arg2: memref<8x128xf32, #tpu.memory_space<vmem>>, %arg3: memref<1x128xf32, #tpu.memory_space<vmem>>, %arg4: memref<128x128xf32, #tpu.memory_space<vmem>>, %arg5: memref<1x128xf32, #tpu.memory_space<vmem>>, %arg6: memref<1x128xf32, #tpu.memory_space<vmem>>, %arg7: memref<1x128xf32, #tpu.memory_space<vmem>>, %arg8: memref<2000x128xf32, #tpu.memory_space<vmem>>) attributes {dimension_semantics = [#tpu.dimension_semantics<arbitrary>], iteration_bounds = array<i64: 5>, scalar_prefetch = 0 : i64, scratch_operands = 0 : i64, tpu.core_type = #tpu.core_type<tc>, window_params = [{transform_indices = @transform_0, window_bounds = array<i64: 2000, 8>}, {pipeline_mode = #tpu.pipeline_mode<synchronous>, transform_indices = @transform_1, window_bounds = array<i64: 8, 128>}, {pipeline_mode = #tpu.pipeline_mode<synchronous>, transform_indices = @transform_2, window_bounds = array<i64: 1, 128>}, {pipeline_mode = #tpu.pipeline_mode<synchronous>, transform_indices = @transform_3, window_bounds = array<i64: 128, 128>}, {pipeline_mode = #tpu.pipeline_mode<synchronous>, transform_indices = @transform_4, window_bounds = array<i64: 1, 128>}, {pipeline_mode = #tpu.pipeline_mode<synchronous>, transform_indices = @transform_5, window_bounds = array<i64: 1, 128>}, {pipeline_mode = #tpu.pipeline_mode<synchronous>, transform_indices = @transform_6, window_bounds = array<i64: 1, 128>}, {transform_indices = @transform_7, window_bounds = array<i64: 2000, 128>}]} {
    %get3A = arith.constant 0 : index
    %get3A_0 = arith.constant 0 : index
    %get3A_1 = vector.load %arg1[%get3A, %get3A_0] : memref<2000x8xf32, #tpu.memory_space<vmem>>, vector<2000x8xf32>
    %get3A_2 = arith.constant 0 : index
    %get3A_3 = arith.constant 0 : index
    %get3A_4 = vector.load %arg2[%get3A_2, %get3A_3] : memref<8x128xf32, #tpu.memory_space<vmem>>, vector<8x128xf32>
    %dot_general3A = arith.constant dense<0.000000e+00> : vector<2000x128xf32>
    %dot_general3A_5 = tpu.matmul %get3A_1, %get3A_4, %dot_general3A {dimension_numbers = #tpu.dot_dimension_numbers<[1], [0], [0], [1], [0, 0, 1, 1], [], []>, transpose_lhs_hint = false} : vector<2000x8xf32>, vector<8x128xf32>, vector<2000x128xf32> -> vector<2000x128xf32>
    %get3A_6 = arith.constant 0 : index
    %get3A_7 = arith.constant 0 : index
    %get3A_8 = vector.load %arg3[%get3A_6, %get3A_7] : memref<1x128xf32, #tpu.memory_space<vmem>>, vector<1x128xf32>
    %add3A = vector.broadcast %get3A_8 : vector<1x128xf32> to vector<2000x128xf32>
    %add3A_9 = arith.addf %dot_general3A_5, %add3A : vector<2000x128xf32>
    %max3A = arith.constant 0.000000e+00 : f32
    %max3A_10 = vector.broadcast %max3A : f32 to vector<2000x128xf32>
    %max3A_11 = arith.maximumf %add3A_9, %max3A_10 : vector<2000x128xf32>
    %get3A_12 = arith.constant 0 : index
    %get3A_13 = arith.constant 0 : index
    %get3A_14 = vector.load %arg4[%get3A_12, %get3A_13] : memref<128x128xf32, #tpu.memory_space<vmem>>, vector<128x128xf32>
    %dot_general3A_15 = arith.constant dense<0.000000e+00> : vector<2000x128xf32>
    %dot_general3A_16 = tpu.matmul %max3A_11, %get3A_14, %dot_general3A_15 {dimension_numbers = #tpu.dot_dimension_numbers<[1], [0], [0], [1], [0, 0, 1, 1], [], []>, transpose_lhs_hint = false} : vector<2000x128xf32>, vector<128x128xf32>, vector<2000x128xf32> -> vector<2000x128xf32>
    %get3A_17 = arith.constant 0 : index
    %get3A_18 = arith.constant 0 : index
    %get3A_19 = vector.load %arg5[%get3A_17, %get3A_18] : memref<1x128xf32, #tpu.memory_space<vmem>>, vector<1x128xf32>
    %add3A_20 = vector.broadcast %get3A_19 : vector<1x128xf32> to vector<2000x128xf32>
    %add3A_21 = arith.addf %dot_general3A_16, %add3A_20 : vector<2000x128xf32>
    %get3A_22 = arith.constant 0 : index
    %get3A_23 = arith.constant 0 : index
    %get3A_24 = vector.load %arg6[%get3A_22, %get3A_23] : memref<1x128xf32, #tpu.memory_space<vmem>>, vector<1x128xf32>
    %get3A_25 = arith.constant 0 : index
    %get3A_26 = arith.constant 0 : index
    %get3A_27 = vector.load %arg7[%get3A_25, %get3A_26] : memref<1x128xf32, #tpu.memory_space<vmem>>, vector<1x128xf32>
    %reduce_sum3A = arith.constant dense<0.000000e+00> : vector<2000xf32>
    %reduce_sum3A_28 = vector.multi_reduction <add>, %add3A_21, %reduce_sum3A [1] : vector<2000x128xf32> to vector<2000xf32>
    %broadcast_in_dim3A = vector.shape_cast %reduce_sum3A_28 : vector<2000xf32> to vector<2000x1xf32>
    %div3A = arith.constant 1.280000e+02 : f32
    %div3A_29 = vector.broadcast %div3A : f32 to vector<2000x1xf32>
    %div3A_30 = arith.divf %broadcast_in_dim3A, %div3A_29 : vector<2000x1xf32>
    %jit3A = arith.constant 0 : i32
    %reduce_sum3A_31 = arith.constant dense<0.000000e+00> : vector<2000xf32>
    %reduce_sum3A_32 = vector.multi_reduction <add>, %add3A_21, %reduce_sum3A_31 [1] : vector<2000x128xf32> to vector<2000xf32>
    %broadcast_in_dim3A_33 = vector.shape_cast %reduce_sum3A_32 : vector<2000xf32> to vector<2000x1xf32>
    %div3A_34 = arith.constant 1.280000e+02 : f32
    %div3A_35 = vector.broadcast %div3A_34 : f32 to vector<2000x1xf32>
    %div3A_36 = arith.divf %broadcast_in_dim3A_33, %div3A_35 : vector<2000x1xf32>
    %sub3A = vector.broadcast %div3A_36 : vector<2000x1xf32> to vector<2000x128xf32>
    %sub3A_37 = arith.subf %add3A_21, %sub3A : vector<2000x128xf32>
    %square3A = arith.mulf %sub3A_37, %sub3A_37 : vector<2000x128xf32>
    %convert_element_type3A = arith.sitofp %jit3A : i32 to f32
    %sub3A_38 = arith.constant 1.280000e+02 : f32
    %sub3A_39 = arith.subf %sub3A_38, %convert_element_type3A : f32
    %reduce_sum3A_40 = arith.constant dense<0.000000e+00> : vector<2000xf32>
    %reduce_sum3A_41 = vector.multi_reduction <add>, %square3A, %reduce_sum3A_40 [1] : vector<2000x128xf32> to vector<2000xf32>
    %broadcast_in_dim3A_42 = vector.shape_cast %reduce_sum3A_41 : vector<2000xf32> to vector<2000x1xf32>
    %div3A_43 = vector.broadcast %sub3A_39 : f32 to vector<2000x1xf32>
    %div3A_44 = arith.divf %broadcast_in_dim3A_42, %div3A_43 : vector<2000x1xf32>
    %gt3A = arith.constant 0.000000e+00 : f32
    %gt3A_45 = arith.cmpf ogt, %sub3A_39, %gt3A : f32
    %jit3A_46 = arith.constant 0x7FC00000 : f32
    %broadcast_in_dim3A_47 = vector.broadcast %jit3A_46 : f32 to vector<2000x1xf32>
    %select_n3A = arith.select %gt3A_45, %div3A_44, %broadcast_in_dim3A_47 : vector<2000x1xf32>
    %sub3A_48 = vector.broadcast %div3A_30 : vector<2000x1xf32> to vector<2000x128xf32>
    %sub3A_49 = arith.subf %add3A_21, %sub3A_48 : vector<2000x128xf32>
    %add3A_50 = arith.constant 9.99999974E-6 : f32
    %add3A_51 = vector.broadcast %add3A_50 : f32 to vector<2000x1xf32>
    %add3A_52 = arith.addf %select_n3A, %add3A_51 : vector<2000x1xf32>
    %sqrt3A = math.sqrt %add3A_52 : vector<2000x1xf32>
    %div3A_53 = vector.broadcast %sqrt3A : vector<2000x1xf32> to vector<2000x128xf32>
    %div3A_54 = arith.divf %sub3A_49, %div3A_53 : vector<2000x128xf32>
    %mul3A = vector.broadcast %get3A_24 : vector<1x128xf32> to vector<2000x128xf32>
    %mul3A_55 = arith.mulf %div3A_54, %mul3A : vector<2000x128xf32>
    %add3A_56 = vector.broadcast %get3A_27 : vector<1x128xf32> to vector<2000x128xf32>
    %add3A_57 = arith.addf %mul3A_55, %add3A_56 : vector<2000x128xf32>
    %swap3A = arith.constant 0 : index
    %swap3A_58 = arith.constant 0 : index
    %swap3A_59 = vector.load %arg8[%swap3A, %swap3A_58] : memref<2000x128xf32, #tpu.memory_space<vmem>>, vector<2000x128xf32>
    tpu.vector_store %arg8[%swap3A, %swap3A_58], %add3A_57 {strides = array<i32>} : memref<2000x128xf32, #tpu.memory_space<vmem>>, vector<2000x128xf32>,
    return
  }
  func.func @transform_0(%arg0: i32) -> (i32, i32) {
    %c0_i32 = arith.constant 0 : i32
    %c0_i32_0 = arith.constant 0 : i32
    return %arg0, %c0_i32 : i32, i32
  }
  func.func @transform_1(%arg0: i32) -> (i32, i32) {
    %c0_i32 = arith.constant 0 : i32
    %c0_i32_0 = arith.constant 0 : i32
    %c0_i32_1 = arith.constant 0 : i32
    return %c0_i32, %c0_i32_0 : i32, i32
  }
  func.func @transform_2(%arg0: i32) -> (i32, i32) {
    %c0_i32 = arith.constant 0 : i32
    %c0_i32_0 = arith.constant 0 : i32
    %c0_i32_1 = arith.constant 0 : i32
    return %c0_i32, %c0_i32_0 : i32, i32
  }
  func.func @transform_3(%arg0: i32) -> (i32, i32) {
    %c0_i32 = arith.constant 0 : i32
    %c0_i32_0 = arith.constant 0 : i32
    %c0_i32_1 = arith.constant 0 : i32
    return %c0_i32, %c0_i32_0 : i32, i32
  }
  func.func @transform_4(%arg0: i32) -> (i32, i32) {
    %c0_i32 = arith.constant 0 : i32
    %c0_i32_0 = arith.constant 0 : i32
    %c0_i32_1 = arith.constant 0 : i32
    return %c0_i32, %c0_i32_0 : i32, i32
  }
  func.func @transform_5(%arg0: i32) -> (i32, i32) {
    %c0_i32 = arith.constant 0 : i32
    %c0_i32_0 = arith.constant 0 : i32
    %c0_i32_1 = arith.constant 0 : i32
    return %c0_i32, %c0_i32_0 : i32, i32
  }
  func.func @transform_6(%arg0: i32) -> (i32, i32) {
    %c0_i32 = arith.constant 0 : i32
    %c0_i32_0 = arith.constant 0 : i32
    %c0_i32_1 = arith.constant 0 : i32
    return %c0_i32, %c0_i32_0 : i32, i32
  }
  func.func @transform_7(%arg0: i32) -> (i32, i32) {
    %c0_i32 = arith.constant 0 : i32
    %c0_i32_0 = arith.constant 0 : i32
    return %arg0, %c0_i32 : i32, i32
  }
}

module attributes {stable_mosaic.version = 14 : i64} {
  func.func @_proj_body(%arg0: i32, %arg1: memref<2000x128xf32, #tpu.memory_space<vmem>>, %arg2: memref<128x128xf32, #tpu.memory_space<vmem>>, %arg3: memref<128x128xf32, #tpu.memory_space<vmem>>, %arg4: memref<2000x128xf32, #tpu.memory_space<vmem>>, %arg5: memref<2000x128xf32, #tpu.memory_space<vmem>>) attributes {dimension_semantics = [#tpu.dimension_semantics<arbitrary>], iteration_bounds = array<i64: 5>, scalar_prefetch = 0 : i64, scratch_operands = 0 : i64, tpu.core_type = #tpu.core_type<tc>, window_params = [{transform_indices = @transform_0, window_bounds = array<i64: 2000, 128>}, {pipeline_mode = #tpu.pipeline_mode<synchronous>, transform_indices = @transform_1, window_bounds = array<i64: 128, 128>}, {pipeline_mode = #tpu.pipeline_mode<synchronous>, transform_indices = @transform_2, window_bounds = array<i64: 128, 128>}, {transform_indices = @transform_3, window_bounds = array<i64: 2000, 128>}, {transform_indices = @transform_4, window_bounds = array<i64: 2000, 128>}]} {
    %get3A = arith.constant 0 : index
    %get3A_0 = arith.constant 0 : index
    %get3A_1 = vector.load %arg1[%get3A, %get3A_0] : memref<2000x128xf32, #tpu.memory_space<vmem>>, vector<2000x128xf32>
    %get3A_2 = arith.constant 0 : index
    %get3A_3 = arith.constant 0 : index
    %get3A_4 = vector.load %arg2[%get3A_2, %get3A_3] : memref<128x128xf32, #tpu.memory_space<vmem>>, vector<128x128xf32>
    %dot_general3A = arith.constant dense<0.000000e+00> : vector<2000x128xf32>
    %dot_general3A_5 = tpu.matmul %get3A_1, %get3A_4, %dot_general3A {dimension_numbers = #tpu.dot_dimension_numbers<[1], [0], [0], [1], [0, 0, 1, 1], [], []>, transpose_lhs_hint = false} : vector<2000x128xf32>, vector<128x128xf32>, vector<2000x128xf32> -> vector<2000x128xf32>
    %swap3A = arith.constant 0 : index
    %swap3A_6 = arith.constant 0 : index
    %swap3A_7 = vector.load %arg4[%swap3A, %swap3A_6] : memref<2000x128xf32, #tpu.memory_space<vmem>>, vector<2000x128xf32>
    tpu.vector_store %arg4[%swap3A, %swap3A_6], %dot_general3A_5 {strides = array<i32>} : memref<2000x128xf32, #tpu.memory_space<vmem>>, vector<2000x128xf32>,
    %get3A_8 = arith.constant 0 : index
    %get3A_9 = arith.constant 0 : index
    %get3A_10 = vector.load %arg3[%get3A_8, %get3A_9] : memref<128x128xf32, #tpu.memory_space<vmem>>, vector<128x128xf32>
    %dot_general3A_11 = arith.constant dense<0.000000e+00> : vector<2000x128xf32>
    %dot_general3A_12 = tpu.matmul %get3A_1, %get3A_10, %dot_general3A_11 {dimension_numbers = #tpu.dot_dimension_numbers<[1], [0], [0], [1], [0, 0, 1, 1], [], []>, transpose_lhs_hint = false} : vector<2000x128xf32>, vector<128x128xf32>, vector<2000x128xf32> -> vector<2000x128xf32>
    %swap3A_13 = arith.constant 0 : index
    %swap3A_14 = arith.constant 0 : index
    %swap3A_15 = vector.load %arg5[%swap3A_13, %swap3A_14] : memref<2000x128xf32, #tpu.memory_space<vmem>>, vector<2000x128xf32>
    tpu.vector_store %arg5[%swap3A_13, %swap3A_14], %dot_general3A_12 {strides = array<i32>} : memref<2000x128xf32, #tpu.memory_space<vmem>>, vector<2000x128xf32>,
    return
  }
  func.func @transform_0(%arg0: i32) -> (i32, i32) {
    %c0_i32 = arith.constant 0 : i32
    %c0_i32_0 = arith.constant 0 : i32
    return %arg0, %c0_i32 : i32, i32
  }
  func.func @transform_1(%arg0: i32) -> (i32, i32) {
    %c0_i32 = arith.constant 0 : i32
    %c0_i32_0 = arith.constant 0 : i32
    %c0_i32_1 = arith.constant 0 : i32
    return %c0_i32, %c0_i32_0 : i32, i32
  }
  func.func @transform_2(%arg0: i32) -> (i32, i32) {
    %c0_i32 = arith.constant 0 : i32
    %c0_i32_0 = arith.constant 0 : i32
    %c0_i32_1 = arith.constant 0 : i32
    return %c0_i32, %c0_i32_0 : i32, i32
  }
  func.func @transform_3(%arg0: i32) -> (i32, i32) {
    %c0_i32 = arith.constant 0 : i32
    %c0_i32_0 = arith.constant 0 : i32
    return %arg0, %c0_i32 : i32, i32
  }
  func.func @transform_4(%arg0: i32) -> (i32, i32) {
    %c0_i32 = arith.constant 0 : i32
    %c0_i32_0 = arith.constant 0 : i32
    return %arg0, %c0_i32 : i32, i32
  }
}

module attributes {stable_mosaic.version = 14 : i64} {
  func.func @_enc_body(%arg0: i32, %arg1: memref<1000x8xf32, #tpu.memory_space<vmem>>, %arg2: memref<8x128xf32, #tpu.memory_space<vmem>>, %arg3: memref<1x128xf32, #tpu.memory_space<vmem>>, %arg4: memref<128x128xf32, #tpu.memory_space<vmem>>, %arg5: memref<1x128xf32, #tpu.memory_space<vmem>>, %arg6: memref<1x128xf32, #tpu.memory_space<vmem>>, %arg7: memref<1x128xf32, #tpu.memory_space<vmem>>, %arg8: memref<1000x128xf32, #tpu.memory_space<vmem>>) attributes {dimension_semantics = [#tpu.dimension_semantics<arbitrary>], iteration_bounds = array<i64: 320>, scalar_prefetch = 0 : i64, scratch_operands = 0 : i64, tpu.core_type = #tpu.core_type<tc>, window_params = [{transform_indices = @transform_0, window_bounds = array<i64: 1000, 8>}, {pipeline_mode = #tpu.pipeline_mode<synchronous>, transform_indices = @transform_1, window_bounds = array<i64: 8, 128>}, {pipeline_mode = #tpu.pipeline_mode<synchronous>, transform_indices = @transform_2, window_bounds = array<i64: 1, 128>}, {pipeline_mode = #tpu.pipeline_mode<synchronous>, transform_indices = @transform_3, window_bounds = array<i64: 128, 128>}, {pipeline_mode = #tpu.pipeline_mode<synchronous>, transform_indices = @transform_4, window_bounds = array<i64: 1, 128>}, {pipeline_mode = #tpu.pipeline_mode<synchronous>, transform_indices = @transform_5, window_bounds = array<i64: 1, 128>}, {pipeline_mode = #tpu.pipeline_mode<synchronous>, transform_indices = @transform_6, window_bounds = array<i64: 1, 128>}, {transform_indices = @transform_7, window_bounds = array<i64: 1000, 128>}]} {
    %get3A = arith.constant 0 : index
    %get3A_0 = arith.constant 0 : index
    %get3A_1 = vector.load %arg1[%get3A, %get3A_0] : memref<1000x8xf32, #tpu.memory_space<vmem>>, vector<1000x8xf32>
    %get3A_2 = arith.constant 0 : index
    %get3A_3 = arith.constant 0 : index
    %get3A_4 = vector.load %arg2[%get3A_2, %get3A_3] : memref<8x128xf32, #tpu.memory_space<vmem>>, vector<8x128xf32>
    %dot_general3A = arith.constant dense<0.000000e+00> : vector<1000x128xf32>
    %dot_general3A_5 = tpu.matmul %get3A_1, %get3A_4, %dot_general3A {dimension_numbers = #tpu.dot_dimension_numbers<[1], [0], [0], [1], [0, 0, 1, 1], [], []>, transpose_lhs_hint = false} : vector<1000x8xf32>, vector<8x128xf32>, vector<1000x128xf32> -> vector<1000x128xf32>
    %get3A_6 = arith.constant 0 : index
    %get3A_7 = arith.constant 0 : index
    %get3A_8 = vector.load %arg3[%get3A_6, %get3A_7] : memref<1x128xf32, #tpu.memory_space<vmem>>, vector<1x128xf32>
    %add3A = vector.broadcast %get3A_8 : vector<1x128xf32> to vector<1000x128xf32>
    %add3A_9 = arith.addf %dot_general3A_5, %add3A : vector<1000x128xf32>
    %max3A = arith.constant 0.000000e+00 : f32
    %max3A_10 = vector.broadcast %max3A : f32 to vector<1000x128xf32>
    %max3A_11 = arith.maximumf %add3A_9, %max3A_10 : vector<1000x128xf32>
    %get3A_12 = arith.constant 0 : index
    %get3A_13 = arith.constant 0 : index
    %get3A_14 = vector.load %arg4[%get3A_12, %get3A_13] : memref<128x128xf32, #tpu.memory_space<vmem>>, vector<128x128xf32>
    %dot_general3A_15 = arith.constant dense<0.000000e+00> : vector<1000x128xf32>
    %dot_general3A_16 = tpu.matmul %max3A_11, %get3A_14, %dot_general3A_15 {dimension_numbers = #tpu.dot_dimension_numbers<[1], [0], [0], [1], [0, 0, 1, 1], [], []>, transpose_lhs_hint = false} : vector<1000x128xf32>, vector<128x128xf32>, vector<1000x128xf32> -> vector<1000x128xf32>
    %get3A_17 = arith.constant 0 : index
    %get3A_18 = arith.constant 0 : index
    %get3A_19 = vector.load %arg5[%get3A_17, %get3A_18] : memref<1x128xf32, #tpu.memory_space<vmem>>, vector<1x128xf32>
    %add3A_20 = vector.broadcast %get3A_19 : vector<1x128xf32> to vector<1000x128xf32>
    %add3A_21 = arith.addf %dot_general3A_16, %add3A_20 : vector<1000x128xf32>
    %get3A_22 = arith.constant 0 : index
    %get3A_23 = arith.constant 0 : index
    %get3A_24 = vector.load %arg6[%get3A_22, %get3A_23] : memref<1x128xf32, #tpu.memory_space<vmem>>, vector<1x128xf32>
    %get3A_25 = arith.constant 0 : index
    %get3A_26 = arith.constant 0 : index
    %get3A_27 = vector.load %arg7[%get3A_25, %get3A_26] : memref<1x128xf32, #tpu.memory_space<vmem>>, vector<1x128xf32>
    %reduce_sum3A = arith.constant dense<0.000000e+00> : vector<1000xf32>
    %reduce_sum3A_28 = vector.multi_reduction <add>, %add3A_21, %reduce_sum3A [1] : vector<1000x128xf32> to vector<1000xf32>
    %broadcast_in_dim3A = vector.shape_cast %reduce_sum3A_28 : vector<1000xf32> to vector<1000x1xf32>
    %div3A = arith.constant 1.280000e+02 : f32
    %div3A_29 = vector.broadcast %div3A : f32 to vector<1000x1xf32>
    %div3A_30 = arith.divf %broadcast_in_dim3A, %div3A_29 : vector<1000x1xf32>
    %jit3A = arith.constant 0 : i32
    %reduce_sum3A_31 = arith.constant dense<0.000000e+00> : vector<1000xf32>
    %reduce_sum3A_32 = vector.multi_reduction <add>, %add3A_21, %reduce_sum3A_31 [1] : vector<1000x128xf32> to vector<1000xf32>
    %broadcast_in_dim3A_33 = vector.shape_cast %reduce_sum3A_32 : vector<1000xf32> to vector<1000x1xf32>
    %div3A_34 = arith.constant 1.280000e+02 : f32
    %div3A_35 = vector.broadcast %div3A_34 : f32 to vector<1000x1xf32>
    %div3A_36 = arith.divf %broadcast_in_dim3A_33, %div3A_35 : vector<1000x1xf32>
    %sub3A = vector.broadcast %div3A_36 : vector<1000x1xf32> to vector<1000x128xf32>
    %sub3A_37 = arith.subf %add3A_21, %sub3A : vector<1000x128xf32>
    %square3A = arith.mulf %sub3A_37, %sub3A_37 : vector<1000x128xf32>
    %convert_element_type3A = arith.sitofp %jit3A : i32 to f32
    %sub3A_38 = arith.constant 1.280000e+02 : f32
    %sub3A_39 = arith.subf %sub3A_38, %convert_element_type3A : f32
    %reduce_sum3A_40 = arith.constant dense<0.000000e+00> : vector<1000xf32>
    %reduce_sum3A_41 = vector.multi_reduction <add>, %square3A, %reduce_sum3A_40 [1] : vector<1000x128xf32> to vector<1000xf32>
    %broadcast_in_dim3A_42 = vector.shape_cast %reduce_sum3A_41 : vector<1000xf32> to vector<1000x1xf32>
    %div3A_43 = vector.broadcast %sub3A_39 : f32 to vector<1000x1xf32>
    %div3A_44 = arith.divf %broadcast_in_dim3A_42, %div3A_43 : vector<1000x1xf32>
    %gt3A = arith.constant 0.000000e+00 : f32
    %gt3A_45 = arith.cmpf ogt, %sub3A_39, %gt3A : f32
    %jit3A_46 = arith.constant 0x7FC00000 : f32
    %broadcast_in_dim3A_47 = vector.broadcast %jit3A_46 : f32 to vector<1000x1xf32>
    %select_n3A = arith.select %gt3A_45, %div3A_44, %broadcast_in_dim3A_47 : vector<1000x1xf32>
    %sub3A_48 = vector.broadcast %div3A_30 : vector<1000x1xf32> to vector<1000x128xf32>
    %sub3A_49 = arith.subf %add3A_21, %sub3A_48 : vector<1000x128xf32>
    %add3A_50 = arith.constant 9.99999974E-6 : f32
    %add3A_51 = vector.broadcast %add3A_50 : f32 to vector<1000x1xf32>
    %add3A_52 = arith.addf %select_n3A, %add3A_51 : vector<1000x1xf32>
    %sqrt3A = math.sqrt %add3A_52 : vector<1000x1xf32>
    %div3A_53 = vector.broadcast %sqrt3A : vector<1000x1xf32> to vector<1000x128xf32>
    %div3A_54 = arith.divf %sub3A_49, %div3A_53 : vector<1000x128xf32>
    %mul3A = vector.broadcast %get3A_24 : vector<1x128xf32> to vector<1000x128xf32>
    %mul3A_55 = arith.mulf %div3A_54, %mul3A : vector<1000x128xf32>
    %add3A_56 = vector.broadcast %get3A_27 : vector<1x128xf32> to vector<1000x128xf32>
    %add3A_57 = arith.addf %mul3A_55, %add3A_56 : vector<1000x128xf32>
    %swap3A = arith.constant 0 : index
    %swap3A_58 = arith.constant 0 : index
    %swap3A_59 = vector.load %arg8[%swap3A, %swap3A_58] : memref<1000x128xf32, #tpu.memory_space<vmem>>, vector<1000x128xf32>
    tpu.vector_store %arg8[%swap3A, %swap3A_58], %add3A_57 {strides = array<i32>} : memref<1000x128xf32, #tpu.memory_space<vmem>>, vector<1000x128xf32>,
    return
  }
  func.func @transform_0(%arg0: i32) -> (i32, i32) {
    %c0_i32 = arith.constant 0 : i32
    %c0_i32_0 = arith.constant 0 : i32
    return %arg0, %c0_i32 : i32, i32
  }
  func.func @transform_1(%arg0: i32) -> (i32, i32) {
    %c0_i32 = arith.constant 0 : i32
    %c0_i32_0 = arith.constant 0 : i32
    %c0_i32_1 = arith.constant 0 : i32
    return %c0_i32, %c0_i32_0 : i32, i32
  }
  func.func @transform_2(%arg0: i32) -> (i32, i32) {
    %c0_i32 = arith.constant 0 : i32
    %c0_i32_0 = arith.constant 0 : i32
    %c0_i32_1 = arith.constant 0 : i32
    return %c0_i32, %c0_i32_0 : i32, i32
  }
  func.func @transform_3(%arg0: i32) -> (i32, i32) {
    %c0_i32 = arith.constant 0 : i32
    %c0_i32_0 = arith.constant 0 : i32
    %c0_i32_1 = arith.constant 0 : i32
    return %c0_i32, %c0_i32_0 : i32, i32
  }
  func.func @transform_4(%arg0: i32) -> (i32, i32) {
    %c0_i32 = arith.constant 0 : i32
    %c0_i32_0 = arith.constant 0 : i32
    %c0_i32_1 = arith.constant 0 : i32
    return %c0_i32, %c0_i32_0 : i32, i32
  }
  func.func @transform_5(%arg0: i32) -> (i32, i32) {
    %c0_i32 = arith.constant 0 : i32
    %c0_i32_0 = arith.constant 0 : i32
    %c0_i32_1 = arith.constant 0 : i32
    return %c0_i32, %c0_i32_0 : i32, i32
  }
  func.func @transform_6(%arg0: i32) -> (i32, i32) {
    %c0_i32 = arith.constant 0 : i32
    %c0_i32_0 = arith.constant 0 : i32
    %c0_i32_1 = arith.constant 0 : i32
    return %c0_i32, %c0_i32_0 : i32, i32
  }
  func.func @transform_7(%arg0: i32) -> (i32, i32) {
    %c0_i32 = arith.constant 0 : i32
    %c0_i32_0 = arith.constant 0 : i32
    return %arg0, %c0_i32 : i32, i32
  }
}

module attributes {stable_mosaic.version = 14 : i64} {
  func.func @_edge_body(%arg0: i32, %arg1: memref<1000x128xf32, #tpu.memory_space<vmem>>, %arg2: memref<1000x128xf32, #tpu.memory_space<vmem>>, %arg3: memref<128x128xf32, #tpu.memory_space<vmem>>, %arg4: memref<1x128xf32, #tpu.memory_space<vmem>>, %arg5: memref<128x128xf32, #tpu.memory_space<vmem>>, %arg6: memref<1x128xf32, #tpu.memory_space<vmem>>, %arg7: memref<1x128xf32, #tpu.memory_space<vmem>>, %arg8: memref<1x128xf32, #tpu.memory_space<vmem>>, %arg9: memref<1000x128xf32, #tpu.memory_space<vmem>>) attributes {dimension_semantics = [#tpu.dimension_semantics<arbitrary>], iteration_bounds = array<i64: 320>, scalar_prefetch = 0 : i64, scratch_operands = 0 : i64, tpu.core_type = #tpu.core_type<tc>, window_params = [{transform_indices = @transform_0, window_bounds = array<i64: 1000, 128>}, {transform_indices = @transform_1, window_bounds = array<i64: 1000, 128>}, {pipeline_mode = #tpu.pipeline_mode<synchronous>, transform_indices = @transform_2, window_bounds = array<i64: 128, 128>}, {pipeline_mode = #tpu.pipeline_mode<synchronous>, transform_indices = @transform_3, window_bounds = array<i64: 1, 128>}, {pipeline_mode = #tpu.pipeline_mode<synchronous>, transform_indices = @transform_4, window_bounds = array<i64: 128, 128>}, {pipeline_mode = #tpu.pipeline_mode<synchronous>, transform_indices = @transform_5, window_bounds = array<i64: 1, 128>}, {pipeline_mode = #tpu.pipeline_mode<synchronous>, transform_indices = @transform_6, window_bounds = array<i64: 1, 128>}, {pipeline_mode = #tpu.pipeline_mode<synchronous>, transform_indices = @transform_7, window_bounds = array<i64: 1, 128>}, {transform_indices = @transform_8, window_bounds = array<i64: 1000, 128>}]} {
    %get3A = arith.constant 0 : index
    %get3A_0 = arith.constant 0 : index
    %get3A_1 = vector.load %arg1[%get3A, %get3A_0] : memref<1000x128xf32, #tpu.memory_space<vmem>>, vector<1000x128xf32>
    %get3A_2 = arith.constant 0 : index
    %get3A_3 = arith.constant 0 : index
    %get3A_4 = vector.load %arg3[%get3A_2, %get3A_3] : memref<128x128xf32, #tpu.memory_space<vmem>>, vector<128x128xf32>
    %dot_general3A = arith.constant dense<0.000000e+00> : vector<1000x128xf32>
    %dot_general3A_5 = tpu.matmul %get3A_1, %get3A_4, %dot_general3A {dimension_numbers = #tpu.dot_dimension_numbers<[1], [0], [0], [1], [0, 0, 1, 1], [], []>, transpose_lhs_hint = false} : vector<1000x128xf32>, vector<128x128xf32>, vector<1000x128xf32> -> vector<1000x128xf32>
    %get3A_6 = arith.constant 0 : index
    %get3A_7 = arith.constant 0 : index
    %get3A_8 = vector.load %arg2[%get3A_6, %get3A_7] : memref<1000x128xf32, #tpu.memory_space<vmem>>, vector<1000x128xf32>
    %add3A = arith.addf %dot_general3A_5, %get3A_8 : vector<1000x128xf32>
    %get3A_9 = arith.constant 0 : index
    %get3A_10 = arith.constant 0 : index
    %get3A_11 = vector.load %arg4[%get3A_9, %get3A_10] : memref<1x128xf32, #tpu.memory_space<vmem>>, vector<1x128xf32>
    %add3A_12 = vector.broadcast %get3A_11 : vector<1x128xf32> to vector<1000x128xf32>
    %add3A_13 = arith.addf %add3A, %add3A_12 : vector<1000x128xf32>
    %max3A = arith.constant 0.000000e+00 : f32
    %max3A_14 = vector.broadcast %max3A : f32 to vector<1000x128xf32>
    %max3A_15 = arith.maximumf %add3A_13, %max3A_14 : vector<1000x128xf32>
    %get3A_16 = arith.constant 0 : index
    %get3A_17 = arith.constant 0 : index
    %get3A_18 = vector.load %arg5[%get3A_16, %get3A_17] : memref<128x128xf32, #tpu.memory_space<vmem>>, vector<128x128xf32>
    %dot_general3A_19 = arith.constant dense<0.000000e+00> : vector<1000x128xf32>
    %dot_general3A_20 = tpu.matmul %max3A_15, %get3A_18, %dot_general3A_19 {dimension_numbers = #tpu.dot_dimension_numbers<[1], [0], [0], [1], [0, 0, 1, 1], [], []>, transpose_lhs_hint = false} : vector<1000x128xf32>, vector<128x128xf32>, vector<1000x128xf32> -> vector<1000x128xf32>
    %get3A_21 = arith.constant 0 : index
    %get3A_22 = arith.constant 0 : index
    %get3A_23 = vector.load %arg6[%get3A_21, %get3A_22] : memref<1x128xf32, #tpu.memory_space<vmem>>, vector<1x128xf32>
    %add3A_24 = vector.broadcast %get3A_23 : vector<1x128xf32> to vector<1000x128xf32>
    %add3A_25 = arith.addf %dot_general3A_20, %add3A_24 : vector<1000x128xf32>
    %get3A_26 = arith.constant 0 : index
    %get3A_27 = arith.constant 0 : index
    %get3A_28 = vector.load %arg7[%get3A_26, %get3A_27] : memref<1x128xf32, #tpu.memory_space<vmem>>, vector<1x128xf32>
    %get3A_29 = arith.constant 0 : index
    %get3A_30 = arith.constant 0 : index
    %get3A_31 = vector.load %arg8[%get3A_29, %get3A_30] : memref<1x128xf32, #tpu.memory_space<vmem>>, vector<1x128xf32>
    %reduce_sum3A = arith.constant dense<0.000000e+00> : vector<1000xf32>
    %reduce_sum3A_32 = vector.multi_reduction <add>, %add3A_25, %reduce_sum3A [1] : vector<1000x128xf32> to vector<1000xf32>
    %broadcast_in_dim3A = vector.shape_cast %reduce_sum3A_32 : vector<1000xf32> to vector<1000x1xf32>
    %div3A = arith.constant 1.280000e+02 : f32
    %div3A_33 = vector.broadcast %div3A : f32 to vector<1000x1xf32>
    %div3A_34 = arith.divf %broadcast_in_dim3A, %div3A_33 : vector<1000x1xf32>
    %jit3A = arith.constant 0 : i32
    %reduce_sum3A_35 = arith.constant dense<0.000000e+00> : vector<1000xf32>
    %reduce_sum3A_36 = vector.multi_reduction <add>, %add3A_25, %reduce_sum3A_35 [1] : vector<1000x128xf32> to vector<1000xf32>
    %broadcast_in_dim3A_37 = vector.shape_cast %reduce_sum3A_36 : vector<1000xf32> to vector<1000x1xf32>
    %div3A_38 = arith.constant 1.280000e+02 : f32
    %div3A_39 = vector.broadcast %div3A_38 : f32 to vector<1000x1xf32>
    %div3A_40 = arith.divf %broadcast_in_dim3A_37, %div3A_39 : vector<1000x1xf32>
    %sub3A = vector.broadcast %div3A_40 : vector<1000x1xf32> to vector<1000x128xf32>
    %sub3A_41 = arith.subf %add3A_25, %sub3A : vector<1000x128xf32>
    %square3A = arith.mulf %sub3A_41, %sub3A_41 : vector<1000x128xf32>
    %convert_element_type3A = arith.sitofp %jit3A : i32 to f32
    %sub3A_42 = arith.constant 1.280000e+02 : f32
    %sub3A_43 = arith.subf %sub3A_42, %convert_element_type3A : f32
    %reduce_sum3A_44 = arith.constant dense<0.000000e+00> : vector<1000xf32>
    %reduce_sum3A_45 = vector.multi_reduction <add>, %square3A, %reduce_sum3A_44 [1] : vector<1000x128xf32> to vector<1000xf32>
    %broadcast_in_dim3A_46 = vector.shape_cast %reduce_sum3A_45 : vector<1000xf32> to vector<1000x1xf32>
    %div3A_47 = vector.broadcast %sub3A_43 : f32 to vector<1000x1xf32>
    %div3A_48 = arith.divf %broadcast_in_dim3A_46, %div3A_47 : vector<1000x1xf32>
    %gt3A = arith.constant 0.000000e+00 : f32
    %gt3A_49 = arith.cmpf ogt, %sub3A_43, %gt3A : f32
    %jit3A_50 = arith.constant 0x7FC00000 : f32
    %broadcast_in_dim3A_51 = vector.broadcast %jit3A_50 : f32 to vector<1000x1xf32>
    %select_n3A = arith.select %gt3A_49, %div3A_48, %broadcast_in_dim3A_51 : vector<1000x1xf32>
    %sub3A_52 = vector.broadcast %div3A_34 : vector<1000x1xf32> to vector<1000x128xf32>
    %sub3A_53 = arith.subf %add3A_25, %sub3A_52 : vector<1000x128xf32>
    %add3A_54 = arith.constant 9.99999974E-6 : f32
    %add3A_55 = vector.broadcast %add3A_54 : f32 to vector<1000x1xf32>
    %add3A_56 = arith.addf %select_n3A, %add3A_55 : vector<1000x1xf32>
    %sqrt3A = math.sqrt %add3A_56 : vector<1000x1xf32>
    %div3A_57 = vector.broadcast %sqrt3A : vector<1000x1xf32> to vector<1000x128xf32>
    %div3A_58 = arith.divf %sub3A_53, %div3A_57 : vector<1000x128xf32>
    %mul3A = vector.broadcast %get3A_28 : vector<1x128xf32> to vector<1000x128xf32>
    %mul3A_59 = arith.mulf %div3A_58, %mul3A : vector<1000x128xf32>
    %add3A_60 = vector.broadcast %get3A_31 : vector<1x128xf32> to vector<1000x128xf32>
    %add3A_61 = arith.addf %mul3A_59, %add3A_60 : vector<1000x128xf32>
    %add3A_62 = arith.addf %get3A_1, %add3A_61 : vector<1000x128xf32>
    %swap3A = arith.constant 0 : index
    %swap3A_63 = arith.constant 0 : index
    %swap3A_64 = vector.load %arg9[%swap3A, %swap3A_63] : memref<1000x128xf32, #tpu.memory_space<vmem>>, vector<1000x128xf32>
    tpu.vector_store %arg9[%swap3A, %swap3A_63], %add3A_62 {strides = array<i32>} : memref<1000x128xf32, #tpu.memory_space<vmem>>, vector<1000x128xf32>,
    return
  }
  func.func @transform_0(%arg0: i32) -> (i32, i32) {
    %c0_i32 = arith.constant 0 : i32
    %c0_i32_0 = arith.constant 0 : i32
    return %arg0, %c0_i32 : i32, i32
  }
  func.func @transform_1(%arg0: i32) -> (i32, i32) {
    %c0_i32 = arith.constant 0 : i32
    %c0_i32_0 = arith.constant 0 : i32
    return %arg0, %c0_i32 : i32, i32
  }
  func.func @transform_2(%arg0: i32) -> (i32, i32) {
    %c0_i32 = arith.constant 0 : i32
    %c0_i32_0 = arith.constant 0 : i32
    %c0_i32_1 = arith.constant 0 : i32
    return %c0_i32, %c0_i32_0 : i32, i32
  }
  func.func @transform_3(%arg0: i32) -> (i32, i32) {
    %c0_i32 = arith.constant 0 : i32
    %c0_i32_0 = arith.constant 0 : i32
    %c0_i32_1 = arith.constant 0 : i32
    return %c0_i32, %c0_i32_0 : i32, i32
  }
  func.func @transform_4(%arg0: i32) -> (i32, i32) {
    %c0_i32 = arith.constant 0 : i32
    %c0_i32_0 = arith.constant 0 : i32
    %c0_i32_1 = arith.constant 0 : i32
    return %c0_i32, %c0_i32_0 : i32, i32
  }
  func.func @transform_5(%arg0: i32) -> (i32, i32) {
    %c0_i32 = arith.constant 0 : i32
    %c0_i32_0 = arith.constant 0 : i32
    %c0_i32_1 = arith.constant 0 : i32
    return %c0_i32, %c0_i32_0 : i32, i32
  }
  func.func @transform_6(%arg0: i32) -> (i32, i32) {
    %c0_i32 = arith.constant 0 : i32
    %c0_i32_0 = arith.constant 0 : i32
    %c0_i32_1 = arith.constant 0 : i32
    return %c0_i32, %c0_i32_0 : i32, i32
  }
  func.func @transform_7(%arg0: i32) -> (i32, i32) {
    %c0_i32 = arith.constant 0 : i32
    %c0_i32_0 = arith.constant 0 : i32
    %c0_i32_1 = arith.constant 0 : i32
    return %c0_i32, %c0_i32_0 : i32, i32
  }
  func.func @transform_8(%arg0: i32) -> (i32, i32) {
    %c0_i32 = arith.constant 0 : i32
    %c0_i32_0 = arith.constant 0 : i32
    return %arg0, %c0_i32 : i32, i32
  }
}

module attributes {stable_mosaic.version = 14 : i64} {
  func.func @_node_body(%arg0: i32, %arg1: memref<2000x128xf32, #tpu.memory_space<vmem>>, %arg2: memref<2000x128xf32, #tpu.memory_space<vmem>>, %arg3: memref<2000x128xf32, #tpu.memory_space<vmem>>, %arg4: memref<128x128xf32, #tpu.memory_space<vmem>>, %arg5: memref<128x128xf32, #tpu.memory_space<vmem>>, %arg6: memref<1x128xf32, #tpu.memory_space<vmem>>, %arg7: memref<128x128xf32, #tpu.memory_space<vmem>>, %arg8: memref<1x128xf32, #tpu.memory_space<vmem>>, %arg9: memref<1x128xf32, #tpu.memory_space<vmem>>, %arg10: memref<1x128xf32, #tpu.memory_space<vmem>>, %arg11: memref<2000x128xf32, #tpu.memory_space<vmem>>) attributes {dimension_semantics = [#tpu.dimension_semantics<arbitrary>], iteration_bounds = array<i64: 5>, scalar_prefetch = 0 : i64, scratch_operands = 0 : i64, tpu.core_type = #tpu.core_type<tc>, window_params = [{transform_indices = @transform_0, window_bounds = array<i64: 2000, 128>}, {transform_indices = @transform_1, window_bounds = array<i64: 2000, 128>}, {transform_indices = @transform_2, window_bounds = array<i64: 2000, 128>}, {pipeline_mode = #tpu.pipeline_mode<synchronous>, transform_indices = @transform_3, window_bounds = array<i64: 128, 128>}, {pipeline_mode = #tpu.pipeline_mode<synchronous>, transform_indices = @transform_4, window_bounds = array<i64: 128, 128>}, {pipeline_mode = #tpu.pipeline_mode<synchronous>, transform_indices = @transform_5, window_bounds = array<i64: 1, 128>}, {pipeline_mode = #tpu.pipeline_mode<synchronous>, transform_indices = @transform_6, window_bounds = array<i64: 128, 128>}, {pipeline_mode = #tpu.pipeline_mode<synchronous>, transform_indices = @transform_7, window_bounds = array<i64: 1, 128>}, {pipeline_mode = #tpu.pipeline_mode<synchronous>, transform_indices = @transform_8, window_bounds = array<i64: 1, 128>}, {pipeline_mode = #tpu.pipeline_mode<synchronous>, transform_indices = @transform_9, window_bounds = array<i64: 1, 128>}, {transform_indices = @transform_10, window_bounds = array<i64: 2000, 128>}]} {
    %get3A = arith.constant 0 : index
    %get3A_0 = arith.constant 0 : index
    %get3A_1 = vector.load %arg1[%get3A, %get3A_0] : memref<2000x128xf32, #tpu.memory_space<vmem>>, vector<2000x128xf32>
    %get3A_2 = arith.constant 0 : index
    %get3A_3 = arith.constant 0 : index
    %get3A_4 = vector.load %arg2[%get3A_2, %get3A_3] : memref<2000x128xf32, #tpu.memory_space<vmem>>, vector<2000x128xf32>
    %get3A_5 = arith.constant 0 : index
    %get3A_6 = arith.constant 0 : index
    %get3A_7 = vector.load %arg3[%get3A_5, %get3A_6] : memref<2000x128xf32, #tpu.memory_space<vmem>>, vector<2000x128xf32>
    %add3A = arith.addf %get3A_4, %get3A_7 : vector<2000x128xf32>
    %get3A_8 = arith.constant 0 : index
    %get3A_9 = arith.constant 0 : index
    %get3A_10 = vector.load %arg4[%get3A_8, %get3A_9] : memref<128x128xf32, #tpu.memory_space<vmem>>, vector<128x128xf32>
    %dot_general3A = arith.constant dense<0.000000e+00> : vector<2000x128xf32>
    %dot_general3A_11 = tpu.matmul %get3A_1, %get3A_10, %dot_general3A {dimension_numbers = #tpu.dot_dimension_numbers<[1], [0], [0], [1], [0, 0, 1, 1], [], []>, transpose_lhs_hint = false} : vector<2000x128xf32>, vector<128x128xf32>, vector<2000x128xf32> -> vector<2000x128xf32>
    %get3A_12 = arith.constant 0 : index
    %get3A_13 = arith.constant 0 : index
    %get3A_14 = vector.load %arg5[%get3A_12, %get3A_13] : memref<128x128xf32, #tpu.memory_space<vmem>>, vector<128x128xf32>
    %dot_general3A_15 = arith.constant dense<0.000000e+00> : vector<2000x128xf32>
    %dot_general3A_16 = tpu.matmul %add3A, %get3A_14, %dot_general3A_15 {dimension_numbers = #tpu.dot_dimension_numbers<[1], [0], [0], [1], [0, 0, 1, 1], [], []>, transpose_lhs_hint = false} : vector<2000x128xf32>, vector<128x128xf32>, vector<2000x128xf32> -> vector<2000x128xf32>
    %add3A_17 = arith.addf %dot_general3A_11, %dot_general3A_16 : vector<2000x128xf32>
    %get3A_18 = arith.constant 0 : index
    %get3A_19 = arith.constant 0 : index
    %get3A_20 = vector.load %arg6[%get3A_18, %get3A_19] : memref<1x128xf32, #tpu.memory_space<vmem>>, vector<1x128xf32>
    %add3A_21 = vector.broadcast %get3A_20 : vector<1x128xf32> to vector<2000x128xf32>
    %add3A_22 = arith.addf %add3A_17, %add3A_21 : vector<2000x128xf32>
    %max3A = arith.constant 0.000000e+00 : f32
    %max3A_23 = vector.broadcast %max3A : f32 to vector<2000x128xf32>
    %max3A_24 = arith.maximumf %add3A_22, %max3A_23 : vector<2000x128xf32>
    %get3A_25 = arith.constant 0 : index
    %get3A_26 = arith.constant 0 : index
    %get3A_27 = vector.load %arg7[%get3A_25, %get3A_26] : memref<128x128xf32, #tpu.memory_space<vmem>>, vector<128x128xf32>
    %dot_general3A_28 = arith.constant dense<0.000000e+00> : vector<2000x128xf32>
    %dot_general3A_29 = tpu.matmul %max3A_24, %get3A_27, %dot_general3A_28 {dimension_numbers = #tpu.dot_dimension_numbers<[1], [0], [0], [1], [0, 0, 1, 1], [], []>, transpose_lhs_hint = false} : vector<2000x128xf32>, vector<128x128xf32>, vector<2000x128xf32> -> vector<2000x128xf32>
    %get3A_30 = arith.constant 0 : index
    %get3A_31 = arith.constant 0 : index
    %get3A_32 = vector.load %arg8[%get3A_30, %get3A_31] : memref<1x128xf32, #tpu.memory_space<vmem>>, vector<1x128xf32>
    %add3A_33 = vector.broadcast %get3A_32 : vector<1x128xf32> to vector<2000x128xf32>
    %add3A_34 = arith.addf %dot_general3A_29, %add3A_33 : vector<2000x128xf32>
    %get3A_35 = arith.constant 0 : index
    %get3A_36 = arith.constant 0 : index
    %get3A_37 = vector.load %arg9[%get3A_35, %get3A_36] : memref<1x128xf32, #tpu.memory_space<vmem>>, vector<1x128xf32>
    %get3A_38 = arith.constant 0 : index
    %get3A_39 = arith.constant 0 : index
    %get3A_40 = vector.load %arg10[%get3A_38, %get3A_39] : memref<1x128xf32, #tpu.memory_space<vmem>>, vector<1x128xf32>
    %reduce_sum3A = arith.constant dense<0.000000e+00> : vector<2000xf32>
    %reduce_sum3A_41 = vector.multi_reduction <add>, %add3A_34, %reduce_sum3A [1] : vector<2000x128xf32> to vector<2000xf32>
    %broadcast_in_dim3A = vector.shape_cast %reduce_sum3A_41 : vector<2000xf32> to vector<2000x1xf32>
    %div3A = arith.constant 1.280000e+02 : f32
    %div3A_42 = vector.broadcast %div3A : f32 to vector<2000x1xf32>
    %div3A_43 = arith.divf %broadcast_in_dim3A, %div3A_42 : vector<2000x1xf32>
    %jit3A = arith.constant 0 : i32
    %reduce_sum3A_44 = arith.constant dense<0.000000e+00> : vector<2000xf32>
    %reduce_sum3A_45 = vector.multi_reduction <add>, %add3A_34, %reduce_sum3A_44 [1] : vector<2000x128xf32> to vector<2000xf32>
    %broadcast_in_dim3A_46 = vector.shape_cast %reduce_sum3A_45 : vector<2000xf32> to vector<2000x1xf32>
    %div3A_47 = arith.constant 1.280000e+02 : f32
    %div3A_48 = vector.broadcast %div3A_47 : f32 to vector<2000x1xf32>
    %div3A_49 = arith.divf %broadcast_in_dim3A_46, %div3A_48 : vector<2000x1xf32>
    %sub3A = vector.broadcast %div3A_49 : vector<2000x1xf32> to vector<2000x128xf32>
    %sub3A_50 = arith.subf %add3A_34, %sub3A : vector<2000x128xf32>
    %square3A = arith.mulf %sub3A_50, %sub3A_50 : vector<2000x128xf32>
    %convert_element_type3A = arith.sitofp %jit3A : i32 to f32
    %sub3A_51 = arith.constant 1.280000e+02 : f32
    %sub3A_52 = arith.subf %sub3A_51, %convert_element_type3A : f32
    %reduce_sum3A_53 = arith.constant dense<0.000000e+00> : vector<2000xf32>
    %reduce_sum3A_54 = vector.multi_reduction <add>, %square3A, %reduce_sum3A_53 [1] : vector<2000x128xf32> to vector<2000xf32>
    %broadcast_in_dim3A_55 = vector.shape_cast %reduce_sum3A_54 : vector<2000xf32> to vector<2000x1xf32>
    %div3A_56 = vector.broadcast %sub3A_52 : f32 to vector<2000x1xf32>
    %div3A_57 = arith.divf %broadcast_in_dim3A_55, %div3A_56 : vector<2000x1xf32>
    %gt3A = arith.constant 0.000000e+00 : f32
    %gt3A_58 = arith.cmpf ogt, %sub3A_52, %gt3A : f32
    %jit3A_59 = arith.constant 0x7FC00000 : f32
    %broadcast_in_dim3A_60 = vector.broadcast %jit3A_59 : f32 to vector<2000x1xf32>
    %select_n3A = arith.select %gt3A_58, %div3A_57, %broadcast_in_dim3A_60 : vector<2000x1xf32>
    %sub3A_61 = vector.broadcast %div3A_43 : vector<2000x1xf32> to vector<2000x128xf32>
    %sub3A_62 = arith.subf %add3A_34, %sub3A_61 : vector<2000x128xf32>
    %add3A_63 = arith.constant 9.99999974E-6 : f32
    %add3A_64 = vector.broadcast %add3A_63 : f32 to vector<2000x1xf32>
    %add3A_65 = arith.addf %select_n3A, %add3A_64 : vector<2000x1xf32>
    %sqrt3A = math.sqrt %add3A_65 : vector<2000x1xf32>
    %div3A_66 = vector.broadcast %sqrt3A : vector<2000x1xf32> to vector<2000x128xf32>
    %div3A_67 = arith.divf %sub3A_62, %div3A_66 : vector<2000x128xf32>
    %mul3A = vector.broadcast %get3A_37 : vector<1x128xf32> to vector<2000x128xf32>
    %mul3A_68 = arith.mulf %div3A_67, %mul3A : vector<2000x128xf32>
    %add3A_69 = vector.broadcast %get3A_40 : vector<1x128xf32> to vector<2000x128xf32>
    %add3A_70 = arith.addf %mul3A_68, %add3A_69 : vector<2000x128xf32>
    %add3A_71 = arith.addf %get3A_1, %add3A_70 : vector<2000x128xf32>
    %swap3A = arith.constant 0 : index
    %swap3A_72 = arith.constant 0 : index
    %swap3A_73 = vector.load %arg11[%swap3A, %swap3A_72] : memref<2000x128xf32, #tpu.memory_space<vmem>>, vector<2000x128xf32>
    tpu.vector_store %arg11[%swap3A, %swap3A_72], %add3A_71 {strides = array<i32>} : memref<2000x128xf32, #tpu.memory_space<vmem>>, vector<2000x128xf32>,
    return
  }
  func.func @transform_0(%arg0: i32) -> (i32, i32) {
    %c0_i32 = arith.constant 0 : i32
    %c0_i32_0 = arith.constant 0 : i32
    return %arg0, %c0_i32 : i32, i32
  }
  func.func @transform_1(%arg0: i32) -> (i32, i32) {
    %c0_i32 = arith.constant 0 : i32
    %c0_i32_0 = arith.constant 0 : i32
    return %arg0, %c0_i32 : i32, i32
  }
  func.func @transform_2(%arg0: i32) -> (i32, i32) {
    %add3A = arith.constant 5 : i32
    %add3A_0 = arith.addi %arg0, %add3A : i32
    %c0_i32 = arith.constant 0 : i32
    %c0_i32_1 = arith.constant 0 : i32
    return %add3A_0, %c0_i32 : i32, i32
  }
  func.func @transform_3(%arg0: i32) -> (i32, i32) {
    %c0_i32 = arith.constant 0 : i32
    %c0_i32_0 = arith.constant 0 : i32
    %c0_i32_1 = arith.constant 0 : i32
    return %c0_i32, %c0_i32_0 : i32, i32
  }
  func.func @transform_4(%arg0: i32) -> (i32, i32) {
    %c0_i32 = arith.constant 0 : i32
    %c0_i32_0 = arith.constant 0 : i32
    %c0_i32_1 = arith.constant 0 : i32
    return %c0_i32, %c0_i32_0 : i32, i32
  }
  func.func @transform_5(%arg0: i32) -> (i32, i32) {
    %c0_i32 = arith.constant 0 : i32
    %c0_i32_0 = arith.constant 0 : i32
    %c0_i32_1 = arith.constant 0 : i32
    return %c0_i32, %c0_i32_0 : i32, i32
  }
  func.func @transform_6(%arg0: i32) -> (i32, i32) {
    %c0_i32 = arith.constant 0 : i32
    %c0_i32_0 = arith.constant 0 : i32
    %c0_i32_1 = arith.constant 0 : i32
    return %c0_i32, %c0_i32_0 : i32, i32
  }
  func.func @transform_7(%arg0: i32) -> (i32, i32) {
    %c0_i32 = arith.constant 0 : i32
    %c0_i32_0 = arith.constant 0 : i32
    %c0_i32_1 = arith.constant 0 : i32
    return %c0_i32, %c0_i32_0 : i32, i32
  }
  func.func @transform_8(%arg0: i32) -> (i32, i32) {
    %c0_i32 = arith.constant 0 : i32
    %c0_i32_0 = arith.constant 0 : i32
    %c0_i32_1 = arith.constant 0 : i32
    return %c0_i32, %c0_i32_0 : i32, i32
  }
  func.func @transform_9(%arg0: i32) -> (i32, i32) {
    %c0_i32 = arith.constant 0 : i32
    %c0_i32_0 = arith.constant 0 : i32
    %c0_i32_1 = arith.constant 0 : i32
    return %c0_i32, %c0_i32_0 : i32, i32
  }
  func.func @transform_10(%arg0: i32) -> (i32, i32) {
    %c0_i32 = arith.constant 0 : i32
    %c0_i32_0 = arith.constant 0 : i32
    return %arg0, %c0_i32 : i32, i32
  }
}

module attributes {stable_mosaic.version = 14 : i64} {
  func.func @_dec_body(%arg0: i32, %arg1: memref<2000x128xf32, #tpu.memory_space<vmem>>, %arg2: memref<128x128xf32, #tpu.memory_space<vmem>>, %arg3: memref<1x128xf32, #tpu.memory_space<vmem>>, %arg4: memref<128x128xf32, #tpu.memory_space<vmem>>, %arg5: memref<1x128xf32, #tpu.memory_space<vmem>>, %arg6: memref<2000x128xf32, #tpu.memory_space<vmem>>, %arg7: memref<2000x128xf32, #tpu.memory_space<vmem>>) attributes {dimension_semantics = [#tpu.dimension_semantics<arbitrary>], iteration_bounds = array<i64: 5>, scalar_prefetch = 0 : i64, scratch_operands = 0 : i64, tpu.core_type = #tpu.core_type<tc>, window_params = [{transform_indices = @transform_0, window_bounds = array<i64: 2000, 128>}, {pipeline_mode = #tpu.pipeline_mode<synchronous>, transform_indices = @transform_1, window_bounds = array<i64: 128, 128>}, {pipeline_mode = #tpu.pipeline_mode<synchronous>, transform_indices = @transform_2, window_bounds = array<i64: 1, 128>}, {pipeline_mode = #tpu.pipeline_mode<synchronous>, transform_indices = @transform_3, window_bounds = array<i64: 128, 128>}, {pipeline_mode = #tpu.pipeline_mode<synchronous>, transform_indices = @transform_4, window_bounds = array<i64: 1, 128>}, {transform_indices = @transform_5, window_bounds = array<i64: 2000, 128>}, {transform_indices = @transform_6, window_bounds = array<i64: 2000, 128>}]} {
    %get3A = arith.constant 0 : index
    %get3A_0 = arith.constant 0 : index
    %get3A_1 = vector.load %arg1[%get3A, %get3A_0] : memref<2000x128xf32, #tpu.memory_space<vmem>>, vector<2000x128xf32>
    %get3A_2 = arith.constant 0 : index
    %get3A_3 = arith.constant 0 : index
    %get3A_4 = vector.load %arg2[%get3A_2, %get3A_3] : memref<128x128xf32, #tpu.memory_space<vmem>>, vector<128x128xf32>
    %dot_general3A = arith.constant dense<0.000000e+00> : vector<2000x128xf32>
    %dot_general3A_5 = tpu.matmul %get3A_1, %get3A_4, %dot_general3A {dimension_numbers = #tpu.dot_dimension_numbers<[1], [0], [0], [1], [0, 0, 1, 1], [], []>, transpose_lhs_hint = false} : vector<2000x128xf32>, vector<128x128xf32>, vector<2000x128xf32> -> vector<2000x128xf32>
    %get3A_6 = arith.constant 0 : index
    %get3A_7 = arith.constant 0 : index
    %get3A_8 = vector.load %arg3[%get3A_6, %get3A_7] : memref<1x128xf32, #tpu.memory_space<vmem>>, vector<1x128xf32>
    %add3A = vector.broadcast %get3A_8 : vector<1x128xf32> to vector<2000x128xf32>
    %add3A_9 = arith.addf %dot_general3A_5, %add3A : vector<2000x128xf32>
    %max3A = arith.constant 0.000000e+00 : f32
    %max3A_10 = vector.broadcast %max3A : f32 to vector<2000x128xf32>
    %max3A_11 = arith.maximumf %add3A_9, %max3A_10 : vector<2000x128xf32>
    %get3A_12 = arith.constant 0 : index
    %get3A_13 = arith.constant 0 : index
    %get3A_14 = vector.load %arg4[%get3A_12, %get3A_13] : memref<128x128xf32, #tpu.memory_space<vmem>>, vector<128x128xf32>
    %dot_general3A_15 = arith.constant dense<0.000000e+00> : vector<2000x128xf32>
    %dot_general3A_16 = tpu.matmul %max3A_11, %get3A_14, %dot_general3A_15 {dimension_numbers = #tpu.dot_dimension_numbers<[1], [0], [0], [1], [0, 0, 1, 1], [], []>, transpose_lhs_hint = false} : vector<2000x128xf32>, vector<128x128xf32>, vector<2000x128xf32> -> vector<2000x128xf32>
    %get3A_17 = arith.constant 0 : index
    %get3A_18 = arith.constant 0 : index
    %get3A_19 = vector.load %arg5[%get3A_17, %get3A_18] : memref<1x128xf32, #tpu.memory_space<vmem>>, vector<1x128xf32>
    %add3A_20 = vector.broadcast %get3A_19 : vector<1x128xf32> to vector<2000x128xf32>
    %add3A_21 = arith.addf %dot_general3A_16, %add3A_20 : vector<2000x128xf32>
    %get3A_22 = arith.constant 0 : index
    %get3A_23 = arith.constant 0 : index
    %get3A_24 = vector.load %arg6[%get3A_22, %get3A_23] : memref<2000x128xf32, #tpu.memory_space<vmem>>, vector<2000x128xf32>
    %add3A_25 = arith.addf %add3A_21, %get3A_24 : vector<2000x128xf32>
    %swap3A = arith.constant 0 : index
    %swap3A_26 = arith.constant 0 : index
    %swap3A_27 = vector.load %arg7[%swap3A, %swap3A_26] : memref<2000x128xf32, #tpu.memory_space<vmem>>, vector<2000x128xf32>
    tpu.vector_store %arg7[%swap3A, %swap3A_26], %add3A_25 {strides = array<i32>} : memref<2000x128xf32, #tpu.memory_space<vmem>>, vector<2000x128xf32>,
    return
  }
  func.func @transform_0(%arg0: i32) -> (i32, i32) {
    %c0_i32 = arith.constant 0 : i32
    %c0_i32_0 = arith.constant 0 : i32
    return %arg0, %c0_i32 : i32, i32
  }
  func.func @transform_1(%arg0: i32) -> (i32, i32) {
    %c0_i32 = arith.constant 0 : i32
    %c0_i32_0 = arith.constant 0 : i32
    %c0_i32_1 = arith.constant 0 : i32
    return %c0_i32, %c0_i32_0 : i32, i32
  }
  func.func @transform_2(%arg0: i32) -> (i32, i32) {
    %c0_i32 = arith.constant 0 : i32
    %c0_i32_0 = arith.constant 0 : i32
    %c0_i32_1 = arith.constant 0 : i32
    return %c0_i32, %c0_i32_0 : i32, i32
  }
  func.func @transform_3(%arg0: i32) -> (i32, i32) {
    %c0_i32 = arith.constant 0 : i32
    %c0_i32_0 = arith.constant 0 : i32
    %c0_i32_1 = arith.constant 0 : i32
    return %c0_i32, %c0_i32_0 : i32, i32
  }
  func.func @transform_4(%arg0: i32) -> (i32, i32) {
    %c0_i32 = arith.constant 0 : i32
    %c0_i32_0 = arith.constant 0 : i32
    %c0_i32_1 = arith.constant 0 : i32
    return %c0_i32, %c0_i32_0 : i32, i32
  }
  func.func @transform_5(%arg0: i32) -> (i32, i32) {
    %c0_i32 = arith.constant 0 : i32
    %c0_i32_0 = arith.constant 0 : i32
    return %arg0, %c0_i32 : i32, i32
  }
  func.func @transform_6(%arg0: i32) -> (i32, i32) {
    %c0_i32 = arith.constant 0 : i32
    %c0_i32_0 = arith.constant 0 : i32
    return %arg0, %c0_i32 : i32, i32
  }
}

</mosaic_0001>

<sc_bundles>
// kernel: kernel.30.cloned.1.call-start
scs
__scs_entry_jumppad:
0x0: {  	(pc) =	sbr.rel $0x88, $3  }
0x1: {  	(tag) =	ssettag $0x0;
	lr =	simm.s32 $0x1  }
0x2: {  	[smem:$0x3F51] =	sst lr;
	_ =	strace $0xD0000000  }
0x3: {  	_ = 	snop  }
0x4: {  	_ = 	snop  }
0x5: {  	_ = 	snop  }
0x6: {  	_ = 	snop  }
0x7: {  	_ = 	snop  }
__scs_overlays_trampoline_lowered:
0x8: {  	[smem:$0x3F60] =	sst s0  }
0x9: {  	[smem:$0x3F61] =	sst s1  }
0xa: {  	[smem:$0x3F62] =	sst s2  }
0xb: {  	[smem:$0x3F63] =	sst s3  }
0xc: {  	[smem:$0x3F64] =	sst s4  }
0xd: {  	[smem:$0x3F65] =	sst s5  }
0xe: {  	[smem:$0x3F66] =	sst s6  }
0xf: {  	[smem:$0x3F67] =	sst s7  }
0x10: {  	[smem:$0x3F68] =	sst s8  }
0x11: {  	[smem:$0x3F69] =	sst s9;
	s0 =	simm.s32 @!p0 $0x0  }
0x12: {  	s1 =	sld [smem:$0x3F4F];
	s0 =	simm.s32 @p0 $0x1  }
0x13: {  	[smem:$0x3F6A] =	sst s0;
	s0 =	simm.s32 @!p1 $0x0  }
0x14: {  	s2 =	sld [smem:$0x3F4E];
	s0 =	simm.s32 @p1 $0x1  }
0x15: {  	[smem:$0x3F6B] =	sst s0;
	s0 =	simm.s32 @!p2 $0x0  }
0x16: {  	s3 =	sld [smem:$0x3FDB];
	s0 =	simm.s32 @p2 $0x1  }
0x17: {  	s4 =	simm.s32 $0x1BF5;
	[smem:$0x3F6D] =	sst s0  }
0x18: {  	s0 =	sld [smem:$0x3F50];
	_ =	swait.ge [sflag:s4], $0x0  }
0x19: {  	s7 =	sld [smem:$0x3F51]  }
0x1a: {  	s8 =	sadd.s32 $0xFFFFE003, lr  }
0x1b: {  	s9 =	sadd.s32 $0xFFFFFEF7, lr;
	s5 =	simm.s32 $0xFFFFFFFF;
	p2 =	slt.u32 s8, $0xFFFFF086  }
0x1c: {  	p1 =	slt.u32 s9, $0xF7A;
	s5 =	simm.s32 @!p2 $0x0  }
0x1d: {  	s5 =	simm.s32 @p1 $0x1;
	p0 =	seq.s32 s7, s2  }
0x1e: {  	s7 =	smul.u32 @!p0 $0xF7A, s2;
	p2 =	seq.s32 @!p0 s5, $0x0  }
0x1f: {  	s9 =	smul.u32 $0xF7A, s1;
	s8 =	simm.s32 @!p0 $0x1BF5;
	p2 =	por !p2, p0  }
0x20: {  	[sflag:s8] =	ssyncset.s32 @!p0 $0xFFFFF086;
	s6 =	sadd.s32 @!p0 s3, s7;
	s7 =	simm.s32 @!p0 $0x108  }
0x21: {  	s3 =	sadd.s32 s3, s9;
	s6 =	sadd.s32 @!p0 $0x88, s6;
	s7 =	simm.s32 @p2 $0x1082  }
0x22: {  	[simem:s7], [sflag:s8] =	dma.local @!p0 [hbm:s6], $0xF7A  }
0x23: {  	s9 =	sor.u32 $0xD0000000, s2;
	s6 =	simm.s32 $0x108;
	_ =	swait.ge @!p0 [sflag:s8], $0x0  }
0x24: {  	s3 =	sadd.s32 $0x88, s3;
	s6 =	simm.s32 @!p1 $0x1082;
	[sflag:s4] =	ssyncset.s32 $0xFFFFF086  }
0x25: {  	[simem:s6], [sflag:s4] =	dma.local [hbm:s3], $0xF7A  }
0x26: {  	[smem:$0x3F51] =	sst s1;
	(tag) =	ssettag s2;
	_ =	strace s9  }
0x27: {  	s1 =	sld [smem:$0x3F61]  }
0x28: {  	s2 =	sld [smem:$0x3F62]  }
0x29: {  	s4 =	sld [smem:$0x3F64]  }
0x2a: {  	p0 =	seq.s32 s5, $0x0;
	s5 =	sld [smem:$0x3F65]  }
0x2b: {  	s6 =	sld [smem:$0x3F66]  }
0x2c: {  	s7 =	sld [smem:$0x3F67]  }
0x2d: {  	s3 =	simm.s32 $0x108;
	s8 =	sld [smem:$0x3F68]  }
0x2e: {  	s3 =	simm.s32 @!p0 $0x1082;
	s9 =	sld [smem:$0x3F69]  }
0x2f: {  	lr =	sadd.s32 s0, s3;
	s0 =	sld [smem:$0x3F60]  }
0x30: {  	s3 =	sld [smem:$0x3F63]  }
0x31: {  	[smem:$0x3F6C] =	sst s10  }
0x32: {  	s10 =	sld [smem:$0x3F6A];
	_ =	sdelay $0x3  }
0x33: {  	p0 =	seq.s32 s10, $0x1;
	s10 =	sld [smem:$0x3F6C];
	_ =	sdelay $0x3  }
0x34: {  	[smem:$0x3F6C] =	sst s10  }
0x35: {  	s10 =	sld [smem:$0x3F6B];
	_ =	sdelay $0x3  }
0x36: {  	p1 =	seq.s32 s10, $0x1;
	s10 =	sld [smem:$0x3F6C];
	_ =	sdelay $0x3  }
0x37: {  	[smem:$0x3F6C] =	sst s10  }
0x38: {  	s10 =	sld [smem:$0x3F6D]  }
0x39: {  	_ = 	snop;
	(pc) =	sbr.ind lr, $3  }
0x3a: {  	_ = 	snop  }
0x3b: {  	_ = 	snop  }
0x3c: {  	p2 =	seq.s32 s10, $0x1;
	s10 =	sld [smem:$0x3F6C]  }
0x3d: {  	_ =	shalt  }
0x3e: {  	_ =	shalt  }
0x3f: {  	_ =	shalt  }
0x40: {  	_ =	shalt  }
0x41: {  	_ =	shalt  }
0x42: {  	_ =	shalt  }
0x43: {  	_ =	shalt  }
0x44: {  	_ =	shalt  }
0x45: {  	_ =	shalt  }
0x46: {  	_ =	shalt  }
0x47: {  	_ =	shalt  }
0x48: {  	_ =	shalt  }
0x49: {  	_ =	shalt  }
0x4a: {  	_ =	shalt  }
0x4b: {  	_ =	shalt  }
0x4c: {  	_ =	shalt  }
0x4d: {  	_ =	shalt  }
0x4e: {  	_ =	shalt  }
0x4f: {  	_ =	shalt  }
0x50: {  	_ =	shalt  }
0x51: {  	_ =	shalt  }
0x52: {  	_ =	shalt  }
0x53: {  	_ =	shalt  }
0x54: {  	_ =	shalt  }
0x55: {  	_ =	shalt  }
0x56: {  	_ =	shalt  }
0x57: {  	_ =	shalt  }
0x58: {  	_ =	shalt  }
0x59: {  	_ =	shalt  }
0x5a: {  	_ =	shalt  }
0x5b: {  	_ =	shalt  }
0x5c: {  	_ =	shalt  }
0x5d: {  	_ =	shalt  }
0x5e: {  	_ =	shalt  }
0x5f: {  	_ =	shalt  }
0x60: {  	_ =	shalt  }
0x61: {  	_ =	shalt  }
0x62: {  	_ =	shalt  }
0x63: {  	_ =	shalt  }
0x64: {  	_ =	shalt  }
0x65: {  	_ =	shalt  }
0x66: {  	_ =	shalt  }
0x67: {  	_ =	shalt  }
0x68: {  	_ =	shalt  }
0x69: {  	_ =	shalt  }
0x6a: {  	_ =	shalt  }
0x6b: {  	_ =	shalt  }
0x6c: {  	_ =	shalt  }
0x6d: {  	_ =	shalt  }
0x6e: {  	_ =	shalt  }
0x6f: {  	_ =	shalt  }
0x70: {  	_ =	shalt  }
0x71: {  	_ =	shalt  }
0x72: {  	_ =	shalt  }
0x73: {  	_ =	shalt  }
0x74: {  	_ =	shalt  }
0x75: {  	_ =	shalt  }
0x76: {  	_ =	shalt  }
0x77: {  	_ =	shalt  }
0x78: {  	_ =	shalt  }
0x79: {  	_ =	shalt  }
0x7a: {  	_ =	shalt  }
0x7b: {  	_ =	shalt  }
0x7c: {  	_ =	shalt  }
0x7d: {  	_ =	shalt  }
0x7e: {  	_ =	shalt  }
0x7f: {  	_ =	shalt  }
0x80: {  	_ =	shalt  }
0x81: {  	_ =	shalt  }
0x82: {  	_ =	shalt  }
0x83: {  	_ =	shalt  }
0x84: {  	_ =	shalt  }
0x85: {  	_ =	shalt  }
0x86: {  	_ =	shalt  }
0x87: {  	_ =	shalt  }
.Lfunc_end0:
.L_simem_size_0:
called_computation_lowered:
.L_overlay_start_0:
0x88: {  	s2 =	sld [smem:$0x3FD9]  }
0x89: {  	s3 =	sld [smem:$0x3FFE];
	_ =	sdelay $0x1  }
0x8a: {  	s1 =	srdreg.scid  }
0x8b: {  	s0 =	sand.u32 $0x1, s1  }
0x8c: {  	s16 =	sshll.u32 s0, $0xA;
	s2 =	sadd.s32 s3, s2  }
0x8d: {  	s2 =	sadd.s32 s2, s16  }
0x8e: {  	[smem:$0x3F78] =	sst s2  }
0x8f: {  	_ = 	snop  }
0x90: {  	(tm) =	ssettm $0x1  }
0x91: {  	s17 =	sld [smem:$0x3FFB];
	_ =	sdelay $0x3  }
0x92: {  	_ =	strace s17  }
0x93: {  	s2 =	sld [smem:$0x3FFC];
	_ =	sdelay $0x3  }
0x94: {  	_ =	strace s2  }
0x95: {  	s2 =	sld [smem:$0x3FFD];
	_ =	sdelay $0x3  }
0x96: {  	_ =	strace s2  }
0x97: {  	_ =	strace $0x8FFFFFFF  }
0x98: {  	s18 =	sld [smem:$0x3FDB];
	_ =	sdelay $0x1  }
0x99: {  	s19 =	simm.s32 $_scs_section_size  }
0x9a: {  	s4 =	simm.s32 $_size__tile_overlayer_lowered;
	s5 =	simm.s32 $_tile_overlayer_lowered  }
0x9b: {  	s22 =	simm.s32 $0x1BFF;
	s21 =	sshll.u32 s5, $0x1;
	s2 =	sadd.s32 s19, s18  }
0x9c: {  	s6 =	simm.s32 $0x0;
	s20 =	sshll.u32 s4, $0x1;
	s4 =	sadd.s32 s21, s2  }
0x9d: {  	[timem:s6], [sflag:s22] =	dma.local [hbm:s4], s20  }
0x9e: {  	_ =	swait.ge [sflag:s22], s20  }
0x9f: {  	s3 =	ssub.s32 $0x0, s20;
	[sflag:s22] =	ssyncset.done $0x0  }
0xa0: {  	[sflag:s22] =	ssyncadd.s32 s3;
	_ =	sdelay $0x1  }
0xa1: {  	s23 =	simm.s32 $0x1B8B  }
0xa2: {  	_ =	swait.ge [sflag:s23], $0x1  }
0xa3: {  	[sflag:s23] =	ssyncset.done $0x0  }
0xa4: {  	s25 =	simm.s32 $0x1B8E;
	s24 =	sld [smem:$0x3FFE];
	[sflag:s23] =	ssyncadd.s32 $0xFFFFFFFF  }
0xa5: {  	s26 =	simm.s32 $execute0_lowered;
	[smem:$0x3FD2] =	sst s25  }
0xa6: {  	s4 =	sshll.u32 s26, $0x1;
	_ =	strace $0x80000046;
	[dreg:$0x1] =	wrdreg $0xFFFFFFFF  }
0xa7: {  	s28 =	simm.s32 $_size_execute0_lowered;
	s2 =	sadd.s32 s2, s4;
	[dreg:$0x0] =	wrdreg $0x0  }
0xa8: {  	s4 =	sshll.u32 s28, $0x1;
	[dreg:$0x2] =	wrdreg s2  }
0xa9: {  	[dreg:$0x3] =	wrdreg s4  }
0xaa: {  	[dreg:$0x4] =	wrdreg $0xC0  }
0xab: {  	_ =	task [dreg:s6], $0x5FFFF  }
0xac: {  	[dreg:$0x1] =	wrdreg $0xFFFFFFFF  }
0xad: {  	[dreg:$0x0] =	wrdreg $0x60  }
0xae: {  	[dreg:$0x2] =	wrdreg s24  }
0xaf: {  	[dreg:$0x3] =	wrdreg $0x9  }
0xb0: {  	_ =	task.clear_ibuf [dreg:s6], $0x4FFFF;
	_ =	strace $0x90000046  }
0xb1: {  	s29 =	simm.s32 $0x9;
	_ =	strace $0x80000048  }
0xb2: {  	_ =	swait.ge [sflag:s29], $0x1  }
0xb3: {  	[sflag:s29] =	ssyncadd.s32 $0xFFFFFFFF  }
0xb4: {  	_ =	strace $0x90000048  }
0xb5: {  	_ =	sfence  }
0xb6: {  	s30 =	sld [smem:$0x0];
	_ =	sdelay $0x2  }
0xb7: {  	s31 =	sshll.u32 s1, $0xD;
	s1 =	sshrl.u32 s1, $0x2  }
0xb8: {  	s3 =	sand.u32 $0x4000, s31;
	s1 =	sadd.s32 s1, s30  }
0xb9: {  	s0 =	sor.u32 s3, s0;
	s1 =	sshll.u32 s1, $0x11  }
0xba: {  	s0 =	sor.u32 s1, s0  }
0xbb: {  	s0 =	sadd.s32 $0x8F2B, s0  }
0xbc: {  	[sflag:s0] =	ssyncadd.remote.s32 $0x1  }
0xbd: {  	_ =	sfence.sel $0xFFFF  }
0xbe: {  	[dreg:$0x0] =	wrdreg $0xFFFFFFFF;
	(pc) =	sbr.abs _section_cstart, $3  }
0xbf: {  	[dreg:$0x1] =	wrdreg $0xFFFFFFFF  }
0xc0: {  	_ =	task.clear_ibuf [dreg:s6], $0x2FFFF;
	_ =	strace $0x9FFFFFFF  }
0xc1: {  	(tm) =	ssettm $0x7FFFFFFF  }
tec
execute0_lowered:
.L_overlay_start_1:
0x0: {  	(tag) =	ssettag $0x1  }
0x1: {  	s5 =	rddreg [dreg:$0x0]  }
0x2: {  	s0 =	rddreg [dreg:$0x1];
	s3 =	srdreg.scid  }
0x3: {  	s1 =	stileid.u32;
	s2 =	simm.s32 $0x0;
	s17 =	simm.s32 $0x4180  }
0x4: {  	s18 =	simm.s32 $0x10;
	s19 =	simm.s32 $0x4200;
	s20 =	simm.s32 $0x0  }
0x5: {  	s8 =	sand.u32 $0x1, s3;
	s26 =	sshll.u32 s1, $0x1;
	[smem:$0x7FF] =	sst s2  }
0x6: {  	s3 =	sadd.s32 $0x73A00, s5;
	s11 =	sadd.s32 $0x11A00, s5;
	s13 =	smul.u32 $0x4E20, s1  }
0x7: {  	s10 =	sadd.s32 $0x1B800, s5;
	s9 =	sadd.s32 $0xC1E00, s5;
	s30 =	smul.u32 $0x4E200, s1  }
0x8: {  	s4 =	sor.u32 s8, s26;
	s28 =	ssub.s32 $0x2, s8;
	s15 =	smul.u32 $0x2710, s8  }
0x9: {  	_ =	strace $0x80000047;
	s6 =	smul.u32 $0x2710, s4;
	s29 =	sshrl.u32 s28, $0x1  }
0xa: {  	s16 =	smul.u32 $0x27100, s8;
	s4 =	sadd.s32 $0x9AC00, s5;
	s14 =	ssub.s32 s28, s29  }
0xb: {  	s13 =	sadd.s32 s15, s13;
	s15 =	simm.s32 $0x1;
	s7 =	sadd.s32 $0x2700, s6  }
0xc: {  	s8 =	smax.u32 s14, $0x1;
	s31 =	sshrl.u32 s13, $0x3;
	s13 =	simm.s32 $0x80  }
0xd: {  	s14 =	simm.s32 $0x100;
	s12 =	sshrl.u32 s7, $0x3;
	s7 =	sshll.u32 s7, $0x4  }
0xe: {  	s5 =	sadd.s32 s11, s12;
	s6 =	sadd.s32 s10, s12;
	s7 =	sadd.s32 s9, s7  }
0xf: {  	s9 =	sadd.s32 s30, s9;
	s10 =	sadd.s32 s31, s10;
	s11 =	sadd.s32 s31, s11  }
0x10: {  	s12 =	simm.s32 $0x2;
	s9 =	sadd.s32 s16, s9;
	s16 =	simm.s32 $0x4100  }
.LBB2_1:
0x11: {  	s21 =	sadd.s32 $0x0, s11  }
0x12: {  	[tilespmem:s2], [sflag:$0x2] =	stream.linear.gather [hbm4b:s21+s2], $0x80, $0x38;
	[tilespmem:$0x4A00] =	vst v63  }
0x13: {  	_ =	swait.ge [sflag:s12], $0x80  }
0x14: {  	[sflag:s12] =	ssyncset.done $0x0  }
0x15: {  	s31 =	sadd.s32 $0x0, s10;
	[sflag:s12] =	ssyncadd.s32 $0xFFFFFF80  }
0x16: {  	[tilespmem:s13], [sflag:$0x2] =	stream.linear.gather [hbm4b:s31+s2], $0x80, $0x38;
	[tilespmem:$0x4A00] =	vst v63  }
0x17: {  	_ =	swait.ge [sflag:s12], $0x80  }
0x18: {  	[sflag:s12] =	ssyncset.done $0x0  }
0x19: {  	[sflag:s12] =	ssyncadd.s32 $0xFFFFFF80  }
0x1a: {  	[tilespmem:s14], [sflag:$0x1] =	stream.indirect.gather [hbm4b:s3+s13], $0x80, s2, s13, $0xb8;
	[tilespmem:$0x4A00] =	vst v63  }
0x1b: {  	_ =	swait.ge [sflag:s15], $0x4000  }
0x1c: {  	[sflag:s15] =	ssyncset.done $0x0  }
0x1d: {  	[sflag:s15] =	ssyncadd.s32 $0xFFFFC000  }
0x1e: {  	[tilespmem:s14], [sflag:$0x1] =	stream.indirect.gather.add.f32 [hbm:s4], $0x80, s13, s13, $0xb8;
	[tilespmem:$0x4A00] =	vst v63  }
0x1f: {  	_ =	swait.ge [sflag:s15], $0x4000  }
0x20: {  	[sflag:s15] =	ssyncset.done $0x0  }
0x21: {  	[sflag:s15] =	ssyncadd.s32 $0xFFFFC000  }
0x22: {  	[hbm4b:s9+s2] =	stream.linear.scatter [tilespmem:s14], [sflag:$0x2], $0x4000, $0x38;
	[tilespmem:$0x4A00] =	vst v63  }
0x23: {  	s22 =	simm.s32 $0x10;
	_ =	swait.ge [sflag:s12], $0x4000  }
0x24: {  	s23 =	simm.s32 $0x20;
	s21 =	sadd.s32 $0x800, s9;
	[sflag:s12] =	ssyncset.done $0x0  }
.LBB2_2:
0x25: {  	s24 =	sadd.s32 s22, s11  }
0x26: {  	[sflag:s12] =	ssyncadd.s32 $0xFFFFC000;
	s25 =	smov.u32 s23;
	s26 =	sadd.s32 $0x10, s23  }
0x27: {  	[tilespmem:s2], [sflag:$0x2] =	stream.linear.gather [hbm4b:s24+s2], $0x80, $0x38;
	[tilespmem:$0x4A00] =	vst v63  }
0x28: {  	p0 =	sne.s32 s23, $0x4D0;
	_ =	swait.ge [sflag:s12], $0x80  }
0x29: {  	[sflag:s12] =	ssyncset.done $0x0  }
0x2a: {  	s23 =	sadd.s32 s22, s10;
	s22 =	smov.u32 s25;
	[sflag:s12] =	ssyncadd.s32 $0xFFFFFF80  }
0x2b: {  	[tilespmem:s13], [sflag:$0x2] =	stream.linear.gather [hbm4b:s23+s2], $0x80, $0x38;
	[tilespmem:$0x4A00] =	vst v63  }
0x2c: {  	_ =	swait.ge [sflag:s12], $0x80  }
0x2d: {  	[sflag:s12] =	ssyncset.done $0x0  }
0x2e: {  	[sflag:s12] =	ssyncadd.s32 $0xFFFFFF80  }
0x2f: {  	[tilespmem:s14], [sflag:$0x1] =	stream.indirect.gather [hbm4b:s3+s13], $0x80, s2, s13, $0xb8;
	[tilespmem:$0x4A00] =	vst v63  }
0x30: {  	_ =	swait.ge [sflag:s15], $0x4000  }
0x31: {  	[sflag:s15] =	ssyncset.done $0x0  }
0x32: {  	[sflag:s15] =	ssyncadd.s32 $0xFFFFC000  }
0x33: {  	[tilespmem:s14], [sflag:$0x1] =	stream.indirect.gather.add.f32 [hbm:s4], $0x80, s13, s13, $0xb8;
	[tilespmem:$0x4A00] =	vst v63  }
0x34: {  	_ =	swait.ge [sflag:s15], $0x4000  }
.Ltmp0:
0x35: {  	[sflag:s15] =	ssyncset.done $0x0;
	(pc) =	sbr.rel @p0 .LBB2_2-.Ltmp0, $4  }
0x36: {  	[sflag:s15] =	ssyncadd.s32 $0xFFFFC000  }
0x37: {  	[hbm4b:s21+s2] =	stream.linear.scatter [tilespmem:s14], [sflag:$0x2], $0x4000, $0x38;
	[tilespmem:$0x4A00] =	vst v63  }
0x38: {  	_ =	swait.ge [sflag:s12], $0x4000  }
0x39: {  	s23 =	smov.u32 s26;
	s21 =	sadd.s32 $0x800, s21;
	[sflag:s12] =	ssyncset.done $0x0  }
0x3a: {  	s23 =	sadd.s32 s22, s11;
	[sflag:s12] =	ssyncadd.s32 $0xFFFFC000  }
0x3b: {  	[tilespmem:s2], [sflag:$0x2] =	stream.linear.gather [hbm4b:s23+s2], $0x80, $0x38;
	[tilespmem:$0x4A00] =	vst v63  }
0x3c: {  	_ =	swait.ge [sflag:s12], $0x80  }
0x3d: {  	[sflag:s12] =	ssyncset.done $0x0  }
0x3e: {  	s31 =	sadd.s32 s22, s10;
	[sflag:s12] =	ssyncadd.s32 $0xFFFFFF80  }
0x3f: {  	[tilespmem:s13], [sflag:$0x2] =	stream.linear.gather [hbm4b:s31+s2], $0x80, $0x38;
	[tilespmem:$0x4A00] =	vst v63  }
0x40: {  	_ =	swait.ge [sflag:s12], $0x80  }
0x41: {  	[sflag:s12] =	ssyncset.done $0x0  }
0x42: {  	[sflag:s12] =	ssyncadd.s32 $0xFFFFFF80  }
0x43: {  	[tilespmem:s14], [sflag:$0x1] =	stream.indirect.gather [hbm4b:s3+s13], $0x80, s2, s13, $0xb8;
	[tilespmem:$0x4A00] =	vst v63  }
0x44: {  	_ =	swait.ge [sflag:s15], $0x4000  }
0x45: {  	[sflag:s15] =	ssyncset.done $0x0  }
0x46: {  	[sflag:s15] =	ssyncadd.s32 $0xFFFFC000  }
0x47: {  	[tilespmem:s14], [sflag:$0x1] =	stream.indirect.gather.add.f32 [hbm:s4], $0x80, s13, s13, $0xb8;
	[tilespmem:$0x4A00] =	vst v63  }
0x48: {  	_ =	swait.ge [sflag:s15], $0x4000  }
0x49: {  	[sflag:s15] =	ssyncset.done $0x0  }
0x4a: {  	[sflag:s15] =	ssyncadd.s32 $0xFFFFC000  }
0x4b: {  	[hbm4b:s21+s2] =	stream.linear.scatter [tilespmem:s14], [sflag:$0x2], $0x4000, $0x38;
	[tilespmem:$0x4A00] =	vst v63  }
0x4c: {  	_ =	swait.ge [sflag:s12], $0x4000  }
0x4d: {  	[sflag:s12] =	ssyncset.done $0x0  }
0x4e: {  	[sflag:s12] =	ssyncadd.s32 $0xFFFFC000  }
0x4f: {  	[tilespmem:s16], [sflag:$0x2] =	stream.linear.gather [hbm4b:s5+s2], $0x10, $0x38;
	[tilespmem:$0x4A00] =	vst v63  }
0x50: {  	_ =	swait.ge [sflag:s12], $0x10  }
0x51: {  	[sflag:s12] =	ssyncset.done $0x0  }
0x52: {  	[sflag:s12] =	ssyncadd.s32 $0xFFFFFFF0  }
0x53: {  	[tilespmem:s17], [sflag:$0x2] =	stream.linear.gather [hbm4b:s6+s2], $0x10, $0x38;
	[tilespmem:$0x4A00] =	vst v63  }
0x54: {  	_ =	swait.ge [sflag:s12], $0x10  }
0x55: {  	[sflag:s12] =	ssyncset.done $0x0  }
0x56: {  	[sflag:s12] =	ssyncadd.s32 $0xFFFFFFF0  }
0x57: {  	[tilespmem:s19], [sflag:$0x1] =	stream.indirect.gather [hbm4b:s3+s18], $0x80, s16, s18, $0xb8;
	[tilespmem:$0x4A00] =	vst v63  }
0x58: {  	_ =	swait.ge [sflag:s15], $0x800  }
0x59: {  	[sflag:s15] =	ssyncset.done $0x0  }
0x5a: {  	[sflag:s15] =	ssyncadd.s32 $0xFFFFF800  }
0x5b: {  	[tilespmem:s19], [sflag:$0x1] =	stream.indirect.gather.add.f32 [hbm:s4], $0x80, s17, s18, $0xb8;
	[tilespmem:$0x4A00] =	vst v63  }
0x5c: {  	s20 =	sadd.s32 $0x1, s20;
	_ =	swait.ge [sflag:s15], $0x800  }
0x5d: {  	p0 =	sne.s32 s20, s8;
	[sflag:s15] =	ssyncset.done $0x0  }
.Ltmp1:
0x5e: {  	[sflag:s15] =	ssyncadd.s32 $0xFFFFF800;
	(pc) =	sbr.rel @p0 .LBB2_1-.Ltmp1, $4  }
0x5f: {  	[hbm4b:s7+s2] =	stream.linear.scatter [tilespmem:s19], [sflag:$0x2], $0x800, $0x38;
	[tilespmem:$0x4A00] =	vst v63  }
0x60: {  	_ =	swait.ge [sflag:s12], $0x800  }
0x61: {  	[sflag:s12] =	ssyncset.done $0x0  }
0x62: {  	[sflag:s12] =	ssyncadd.s32 $0xFFFFF800  }
0x63: {  	_ =	sfence.sel $0x180000  }
0x64: {  	[bflag:$0x0] =	sbarrier.arrive $0xFFFF  }
0x65: {  	p0 =	sne.s32 s1, $0x0;
	_ =	strace $0x90000047  }
0x66: {  	s0 =	sadd.s32 @!p0 $0x100000, s0;
	[bflag:$0x2] =	sbarrier.arrive $0xFFFF  }
0x67: {  	[sflag:s0] =	ssyncadd.tile.s32 @!p0 $0x1;
	_ =	shalt  }
.Lfunc_end2:
_tile_overlayer_lowered:
.L_overlay_start_2:
0x68: {  	(tag) =	ssettag $0x2  }
0x69: {  	s0 =	rddreg [dreg:$0x0];
	s2 =	stileid.u32  }
0x6a: {  	s1 =	rddreg [dreg:$0x1];
	p0 =	sne.s32 s2, $0x0  }
0x6b: {  	s3 =	rddreg [dreg:$0x2];
	[bflag:$0x3] =	sbarrier.arrive $0xFFFF;
	s2 =	simm.s32 @!p0 $0x1C02  }
0x6c: {  	[timem:s3], [sflag:s2] =	dma.local @!p0 [hbm:s0], s1  }
0x6d: {  	s0 =	simm.s32 @!p0 $0x2  }
0x6e: {  	_ =	swait.ge @!p0 [sflag:s0], s1  }
0x6f: {  	s1 =	ssub.s32 @!p0 $0x0, s1;
	[sflag:s0] =	ssyncset.done @!p0 $0x0  }
0x70: {  	[sflag:s0] =	ssyncadd.s32 @!p0 s1  }
0x71: {  	[bflag:$0x3] =	sbarrier.arrive $0xFFFF  }
0x72: {  	_ =	shalt  }

// kernel: kernel.33.cloned.1.call-start
scs
__scs_entry_jumppad:
0x0: {  	(pc) =	sbr.rel $0x88, $3  }
0x1: {  	(tag) =	ssettag $0x0;
	lr =	simm.s32 $0x1  }
0x2: {  	[smem:$0x3F51] =	sst lr;
	_ =	strace $0xD0000000  }
0x3: {  	_ = 	snop  }
0x4: {  	_ = 	snop  }
0x5: {  	_ = 	snop  }
0x6: {  	_ = 	snop  }
0x7: {  	_ = 	snop  }
__scs_overlays_trampoline_lowered:
0x8: {  	[smem:$0x3F60] =	sst s0  }
0x9: {  	[smem:$0x3F61] =	sst s1  }
0xa: {  	[smem:$0x3F62] =	sst s2  }
0xb: {  	[smem:$0x3F63] =	sst s3  }
0xc: {  	[smem:$0x3F64] =	sst s4  }
0xd: {  	[smem:$0x3F65] =	sst s5  }
0xe: {  	[smem:$0x3F66] =	sst s6  }
0xf: {  	[smem:$0x3F67] =	sst s7  }
0x10: {  	[smem:$0x3F68] =	sst s8  }
0x11: {  	[smem:$0x3F69] =	sst s9;
	s0 =	simm.s32 @!p0 $0x0  }
0x12: {  	s1 =	sld [smem:$0x3F4F];
	s0 =	simm.s32 @p0 $0x1  }
0x13: {  	[smem:$0x3F6A] =	sst s0;
	s0 =	simm.s32 @!p1 $0x0  }
0x14: {  	s2 =	sld [smem:$0x3F4E];
	s0 =	simm.s32 @p1 $0x1  }
0x15: {  	[smem:$0x3F6B] =	sst s0;
	s0 =	simm.s32 @!p2 $0x0  }
0x16: {  	s3 =	sld [smem:$0x3FDB];
	s0 =	simm.s32 @p2 $0x1  }
0x17: {  	s4 =	simm.s32 $0x1BF5;
	[smem:$0x3F6D] =	sst s0  }
0x18: {  	s0 =	sld [smem:$0x3F50];
	_ =	swait.ge [sflag:s4], $0x0  }
0x19: {  	s7 =	sld [smem:$0x3F51]  }
0x1a: {  	s8 =	sadd.s32 $0xFFFFE003, lr  }
0x1b: {  	s9 =	sadd.s32 $0xFFFFFEF7, lr;
	s5 =	simm.s32 $0xFFFFFFFF;
	p2 =	slt.u32 s8, $0xFFFFF086  }
0x1c: {  	p1 =	slt.u32 s9, $0xF7A;
	s5 =	simm.s32 @!p2 $0x0  }
0x1d: {  	s5 =	simm.s32 @p1 $0x1;
	p0 =	seq.s32 s7, s2  }
0x1e: {  	s7 =	smul.u32 @!p0 $0xF7A, s2;
	p2 =	seq.s32 @!p0 s5, $0x0  }
0x1f: {  	s9 =	smul.u32 $0xF7A, s1;
	s8 =	simm.s32 @!p0 $0x1BF5;
	p2 =	por !p2, p0  }
0x20: {  	[sflag:s8] =	ssyncset.s32 @!p0 $0xFFFFF086;
	s6 =	sadd.s32 @!p0 s3, s7;
	s7 =	simm.s32 @!p0 $0x108  }
0x21: {  	s3 =	sadd.s32 s3, s9;
	s6 =	sadd.s32 @!p0 $0x88, s6;
	s7 =	simm.s32 @p2 $0x1082  }
0x22: {  	[simem:s7], [sflag:s8] =	dma.local @!p0 [hbm:s6], $0xF7A  }
0x23: {  	s9 =	sor.u32 $0xD0000000, s2;
	s6 =	simm.s32 $0x108;
	_ =	swait.ge @!p0 [sflag:s8], $0x0  }
0x24: {  	s3 =	sadd.s32 $0x88, s3;
	s6 =	simm.s32 @!p1 $0x1082;
	[sflag:s4] =	ssyncset.s32 $0xFFFFF086  }
0x25: {  	[simem:s6], [sflag:s4] =	dma.local [hbm:s3], $0xF7A  }
0x26: {  	[smem:$0x3F51] =	sst s1;
	(tag) =	ssettag s2;
	_ =	strace s9  }
0x27: {  	s1 =	sld [smem:$0x3F61]  }
0x28: {  	s2 =	sld [smem:$0x3F62]  }
0x29: {  	s4 =	sld [smem:$0x3F64]  }
0x2a: {  	p0 =	seq.s32 s5, $0x0;
	s5 =	sld [smem:$0x3F65]  }
0x2b: {  	s6 =	sld [smem:$0x3F66]  }
0x2c: {  	s7 =	sld [smem:$0x3F67]  }
0x2d: {  	s3 =	simm.s32 $0x108;
	s8 =	sld [smem:$0x3F68]  }
0x2e: {  	s3 =	simm.s32 @!p0 $0x1082;
	s9 =	sld [smem:$0x3F69]  }
0x2f: {  	lr =	sadd.s32 s0, s3;
	s0 =	sld [smem:$0x3F60]  }
0x30: {  	s3 =	sld [smem:$0x3F63]  }
0x31: {  	[smem:$0x3F6C] =	sst s10  }
0x32: {  	s10 =	sld [smem:$0x3F6A];
	_ =	sdelay $0x3  }
0x33: {  	p0 =	seq.s32 s10, $0x1;
	s10 =	sld [smem:$0x3F6C];
	_ =	sdelay $0x3  }
0x34: {  	[smem:$0x3F6C] =	sst s10  }
0x35: {  	s10 =	sld [smem:$0x3F6B];
	_ =	sdelay $0x3  }
0x36: {  	p1 =	seq.s32 s10, $0x1;
	s10 =	sld [smem:$0x3F6C];
	_ =	sdelay $0x3  }
0x37: {  	[smem:$0x3F6C] =	sst s10  }
0x38: {  	s10 =	sld [smem:$0x3F6D]  }
0x39: {  	_ = 	snop;
	(pc) =	sbr.ind lr, $3  }
0x3a: {  	_ = 	snop  }
0x3b: {  	_ = 	snop  }
0x3c: {  	p2 =	seq.s32 s10, $0x1;
	s10 =	sld [smem:$0x3F6C]  }
0x3d: {  	_ =	shalt  }
0x3e: {  	_ =	shalt  }
0x3f: {  	_ =	shalt  }
0x40: {  	_ =	shalt  }
0x41: {  	_ =	shalt  }
0x42: {  	_ =	shalt  }
0x43: {  	_ =	shalt  }
0x44: {  	_ =	shalt  }
0x45: {  	_ =	shalt  }
0x46: {  	_ =	shalt  }
0x47: {  	_ =	shalt  }
0x48: {  	_ =	shalt  }
0x49: {  	_ =	shalt  }
0x4a: {  	_ =	shalt  }
0x4b: {  	_ =	shalt  }
0x4c: {  	_ =	shalt  }
0x4d: {  	_ =	shalt  }
0x4e: {  	_ =	shalt  }
0x4f: {  	_ =	shalt  }
0x50: {  	_ =	shalt  }
0x51: {  	_ =	shalt  }
0x52: {  	_ =	shalt  }
0x53: {  	_ =	shalt  }
0x54: {  	_ =	shalt  }
0x55: {  	_ =	shalt  }
0x56: {  	_ =	shalt  }
0x57: {  	_ =	shalt  }
0x58: {  	_ =	shalt  }
0x59: {  	_ =	shalt  }
0x5a: {  	_ =	shalt  }
0x5b: {  	_ =	shalt  }
0x5c: {  	_ =	shalt  }
0x5d: {  	_ =	shalt  }
0x5e: {  	_ =	shalt  }
0x5f: {  	_ =	shalt  }
0x60: {  	_ =	shalt  }
0x61: {  	_ =	shalt  }
0x62: {  	_ =	shalt  }
0x63: {  	_ =	shalt  }
0x64: {  	_ =	shalt  }
0x65: {  	_ =	shalt  }
0x66: {  	_ =	shalt  }
0x67: {  	_ =	shalt  }
0x68: {  	_ =	shalt  }
0x69: {  	_ =	shalt  }
0x6a: {  	_ =	shalt  }
0x6b: {  	_ =	shalt  }
0x6c: {  	_ =	shalt  }
0x6d: {  	_ =	shalt  }
0x6e: {  	_ =	shalt  }
0x6f: {  	_ =	shalt  }
0x70: {  	_ =	shalt  }
0x71: {  	_ =	shalt  }
0x72: {  	_ =	shalt  }
0x73: {  	_ =	shalt  }
0x74: {  	_ =	shalt  }
0x75: {  	_ =	shalt  }
0x76: {  	_ =	shalt  }
0x77: {  	_ =	shalt  }
0x78: {  	_ =	shalt  }
0x79: {  	_ =	shalt  }
0x7a: {  	_ =	shalt  }
0x7b: {  	_ =	shalt  }
0x7c: {  	_ =	shalt  }
0x7d: {  	_ =	shalt  }
0x7e: {  	_ =	shalt  }
0x7f: {  	_ =	shalt  }
0x80: {  	_ =	shalt  }
0x81: {  	_ =	shalt  }
0x82: {  	_ =	shalt  }
0x83: {  	_ =	shalt  }
0x84: {  	_ =	shalt  }
0x85: {  	_ =	shalt  }
0x86: {  	_ =	shalt  }
0x87: {  	_ =	shalt  }
.Lfunc_end0:
.L_simem_size_0:
called_computation.1_lowered:
.L_overlay_start_0:
0x88: {  	s2 =	sld [smem:$0x3FD9]  }
0x89: {  	s3 =	sld [smem:$0x3FFE];
	_ =	sdelay $0x1  }
0x8a: {  	s1 =	srdreg.scid  }
0x8b: {  	s0 =	sand.u32 $0x1, s1  }
0x8c: {  	s16 =	sshll.u32 s0, $0xA;
	s2 =	sadd.s32 s3, s2  }
0x8d: {  	s2 =	sadd.s32 s2, s16  }
0x8e: {  	[smem:$0x3F78] =	sst s2  }
0x8f: {  	_ = 	snop  }
0x90: {  	(tm) =	ssettm $0x1  }
0x91: {  	s17 =	sld [smem:$0x3FFB];
	_ =	sdelay $0x3  }
0x92: {  	_ =	strace s17  }
0x93: {  	s2 =	sld [smem:$0x3FFC];
	_ =	sdelay $0x3  }
0x94: {  	_ =	strace s2  }
0x95: {  	s2 =	sld [smem:$0x3FFD];
	_ =	sdelay $0x3  }
0x96: {  	_ =	strace s2  }
0x97: {  	_ =	strace $0x8FFFFFFF  }
0x98: {  	s18 =	sld [smem:$0x3FDB];
	_ =	sdelay $0x1  }
0x99: {  	s19 =	simm.s32 $_scs_section_size  }
0x9a: {  	s4 =	simm.s32 $_size__tile_overlayer_lowered;
	s5 =	simm.s32 $_tile_overlayer_lowered  }
0x9b: {  	s22 =	simm.s32 $0x1BFF;
	s21 =	sshll.u32 s5, $0x1;
	s2 =	sadd.s32 s19, s18  }
0x9c: {  	s6 =	simm.s32 $0x0;
	s20 =	sshll.u32 s4, $0x1;
	s4 =	sadd.s32 s21, s2  }
0x9d: {  	[timem:s6], [sflag:s22] =	dma.local [hbm:s4], s20  }
0x9e: {  	_ =	swait.ge [sflag:s22], s20  }
0x9f: {  	s3 =	ssub.s32 $0x0, s20;
	[sflag:s22] =	ssyncset.done $0x0  }
0xa0: {  	[sflag:s22] =	ssyncadd.s32 s3;
	_ =	sdelay $0x1  }
0xa1: {  	s23 =	simm.s32 $0x1B8B  }
0xa2: {  	_ =	swait.ge [sflag:s23], $0x1  }
0xa3: {  	[sflag:s23] =	ssyncset.done $0x0  }
0xa4: {  	s25 =	simm.s32 $0x1B8E;
	s24 =	sld [smem:$0x3FFE];
	[sflag:s23] =	ssyncadd.s32 $0xFFFFFFFF  }
0xa5: {  	s26 =	simm.s32 $execute0_lowered;
	[smem:$0x3FD2] =	sst s25  }
0xa6: {  	s4 =	sshll.u32 s26, $0x1;
	_ =	strace $0x80000049;
	[dreg:$0x1] =	wrdreg $0xFFFFFFFF  }
0xa7: {  	s28 =	simm.s32 $_size_execute0_lowered;
	s2 =	sadd.s32 s2, s4;
	[dreg:$0x0] =	wrdreg $0x0  }
0xa8: {  	s4 =	sshll.u32 s28, $0x1;
	[dreg:$0x2] =	wrdreg s2  }
0xa9: {  	[dreg:$0x3] =	wrdreg s4  }
0xaa: {  	[dreg:$0x4] =	wrdreg $0xC0  }
0xab: {  	_ =	task [dreg:s6], $0x5FFFF  }
0xac: {  	[dreg:$0x1] =	wrdreg $0xFFFFFFFF  }
0xad: {  	[dreg:$0x0] =	wrdreg $0x60  }
0xae: {  	[dreg:$0x2] =	wrdreg s24  }
0xaf: {  	[dreg:$0x3] =	wrdreg $0x49000  }
0xb0: {  	[dreg:$0x4] =	wrdreg $0x9  }
0xb1: {  	_ =	task.clear_ibuf [dreg:s6], $0x5FFFF;
	_ =	strace $0x90000049  }
0xb2: {  	s29 =	simm.s32 $0x9;
	_ =	strace $0x8000004B  }
0xb3: {  	_ =	swait.ge [sflag:s29], $0x1  }
0xb4: {  	[sflag:s29] =	ssyncadd.s32 $0xFFFFFFFF  }
0xb5: {  	_ =	strace $0x9000004B  }
0xb6: {  	_ =	sfence  }
0xb7: {  	s30 =	sld [smem:$0x0];
	_ =	sdelay $0x2  }
0xb8: {  	s31 =	sshll.u32 s1, $0xD;
	s1 =	sshrl.u32 s1, $0x2  }
0xb9: {  	s3 =	sand.u32 $0x4000, s31;
	s1 =	sadd.s32 s1, s30  }
0xba: {  	s0 =	sor.u32 s3, s0;
	s1 =	sshll.u32 s1, $0x11  }
0xbb: {  	s0 =	sor.u32 s1, s0  }
0xbc: {  	s0 =	sadd.s32 $0x8F2B, s0  }
0xbd: {  	[sflag:s0] =	ssyncadd.remote.s32 $0x1  }
0xbe: {  	_ =	sfence.sel $0xFFFF  }
0xbf: {  	[dreg:$0x0] =	wrdreg $0xFFFFFFFF;
	(pc) =	sbr.abs _section_cstart, $3  }
0xc0: {  	[dreg:$0x1] =	wrdreg $0xFFFFFFFF  }
0xc1: {  	_ =	task.clear_ibuf [dreg:s6], $0x2FFFF;
	_ =	strace $0x9FFFFFFF  }
0xc2: {  	(tm) =	ssettm $0x7FFFFFFF  }
0xc3: {  	_ =	shalt  }
tec
execute0_lowered:
.L_overlay_start_1:
0x0: {  	(tag) =	ssettag $0x1  }
0x1: {  	s6 =	rddreg [dreg:$0x0]  }
0x2: {  	s2 =	rddreg [dreg:$0x1]  }
0x3: {  	s0 =	rddreg [dreg:$0x2];
	s3 =	simm.s32 $0x0  }
0x4: {  	s1 =	stileid.u32;
	s4 =	srdreg.scid;
	s21 =	simm.s32 $0x0  }
0x5: {  	[smem:$0x7FF] =	sst s3;
	s9 =	smul.u32 $0x2700, s1;
	s11 =	sadd.s32 $0xA85E00, s6  }
0x6: {  	s13 =	sadd.s32 $0x1B800, s6;
	s10 =	sand.u32 $0x1, s4;
	s8 =	smul.u32 $0x4E000, s1  }
0x7: {  	s7 =	sshll.u32 s1, $0x1;
	s12 =	sadd.s32 $0x9AC00, s6;
	s20 =	smul.u32 $0x4E20, s1  }
0x8: {  	s26 =	sshll.u32 s1, $0x6;
	s16 =	sadd.s32 $0x138000, s2;
	s29 =	smul.u32 $0x4E200, s1  }
0x9: {  	p0 =	sne.s32 s1, $0xF;
	_ =	strace $0x8000004A;
	s17 =	smul.u32 $0x27100, s10  }
0xa: {  	s4 =	ssub.s32 $0x2, s10;
	s7 =	sor.u32 s10, s7;
	s18 =	smul.u32 $0x138800, s10  }
0xb: {  	s10 =	smul.u32 $0x2710, s10;
	s16 =	sshrl.u32 @!p0 s16, $0x3;
	s5 =	sadd.s32 s9, s6  }
0xc: {  	s14 =	sshrl.u32 s4, $0x1;
	s7 =	smul.u32 $0x2710, s7;
	s25 =	sshrl.u32 s8, $0x2  }
0xd: {  	s6 =	sadd.s32 $0x9AA00, s6;
	s31 =	sadd.s32 s29, s11;
	s14 =	ssub.s32 s4, s14  }
0xe: {  	s15 =	sadd.s32 s25, s2;
	s4 =	sadd.s32 $0x73A00, s5;
	s5 =	sor.u32 $0x1C01, s26  }
0xf: {  	s9 =	sadd.s32 s9, s17;
	s18 =	sshrl.u32 s18, $0x3;
	s30 =	sadd.s32 s10, s20  }
0x10: {  	s20 =	simm.s32 $0x10;
	s7 =	sadd.s32 $0x2700, s7;
	s9 =	sadd.s32 s12, s9  }
0x11: {  	s12 =	sadd.s32 s12, s18;
	s18 =	sshrl.u32 s30, $0x3;
	s28 =	sshrl.u32 s7, $0x3  }
0x12: {  	s19 =	sshll.u32 s7, $0x4;
	s10 =	sadd.s32 $0x27000, s12;
	s12 =	sadd.s32 s17, s31  }
0x13: {  	s17 =	simm.s32 $0x80;
	s7 =	sadd.s32 s13, s28;
	s8 =	sadd.s32 s11, s19  }
0x14: {  	s11 =	smax.u32 s14, $0x1;
	s13 =	sadd.s32 s18, s13;
	s14 =	sshrl.u32 s15, $0x3  }
0x15: {  	s15 =	simm.s32 $0x1;
	s18 =	simm.s32 $0x4080;
	s19 =	simm.s32 $0x4100  }
.LBB2_1:
0x16: {  	[spmem:s14], [sflag:s5] =	dma.local [hbm:s4], $0x2700  }
0x17: {  	_ =	swait.ge [sflag:s15], $0x2700  }
0x18: {  	[sflag:s15] =	ssyncset.done $0x0  }
0x19: {  	s22 =	simm.s32 @!p0 $0x1;
	[sflag:s15] =	ssyncadd.s32 $0xFFFFD900  }
0x1a: {  	[spmem:s16], [sflag:s5] =	dma.local @!p0 [hbm:s6], $0x100  }
0x1b: {  	_ =	swait.ge @!p0 [sflag:s22], $0x100  }
0x1c: {  	[sflag:s22] =	ssyncset.done @!p0 $0x0  }
0x1d: {  	[sflag:s22] =	ssyncadd.s32 @!p0 $0xFFFFFF00  }
0x1e: {  	s31 =	sadd.s32 $0x0, s13;
	[bflag:$0x0] =	sbarrier.arrive $0xFFFF  }
0x1f: {  	[tilespmem:s3], [sflag:$0x1] =	stream.linear.gather [hbm4b:s31+s3], $0x80, $0x38;
	[tilespmem:$0x18180] =	vst v63  }
0x20: {  	_ =	swait.ge [sflag:s15], $0x80  }
0x21: {  	[sflag:s15] =	ssyncset.done $0x0  }
0x22: {  	[sflag:s15] =	ssyncadd.s32 $0xFFFFFF80  }
0x23: {  	[tilespmem:s17], [sflag:$0x1] =	stream.linear.gather [hbm4b:s12+s3], $0x4000, $0x38;
	[tilespmem:$0x18180] =	vst v63  }
0x24: {  	_ =	swait.ge [sflag:s15], $0x4000  }
0x25: {  	[sflag:s15] =	ssyncset.done $0x0  }
0x26: {  	[sflag:s15] =	ssyncadd.s32 $0xFFFFC000  }
0x27: {  	[spmem:s2] =	stream.indirect.scatter.add.f32 [tilespmem:s17], [sflag:$0x1], $0x80, s3, s17, $0xb8;
	[tilespmem:$0x18180] =	vst v63  }
0x28: {  	s23 =	simm.s32 $0x10;
	_ =	swait.ge [sflag:s15], $0x4000  }
0x29: {  	s24 =	simm.s32 $0x20;
	s22 =	sadd.s32 $0x800, s12;
	[sflag:s15] =	ssyncset.done $0x0  }
.LBB2_2:
0x2a: {  	s25 =	sadd.s32 s23, s13  }
0x2b: {  	[sflag:s15] =	ssyncadd.s32 $0xFFFFC000;
	s23 =	smov.u32 s24;
	s26 =	sadd.s32 $0x10, s24  }
0x2c: {  	[tilespmem:s3], [sflag:$0x1] =	stream.linear.gather [hbm4b:s25+s3], $0x80, $0x38;
	[tilespmem:$0x18180] =	vst v63  }
0x2d: {  	p1 =	sne.s32 s24, $0x4D0;
	_ =	swait.ge [sflag:s15], $0x80  }
0x2e: {  	[sflag:s15] =	ssyncset.done $0x0  }
0x2f: {  	[sflag:s15] =	ssyncadd.s32 $0xFFFFFF80  }
0x30: {  	[tilespmem:s17], [sflag:$0x1] =	stream.linear.gather [hbm4b:s22+s3], $0x4000, $0x38;
	[tilespmem:$0x18180] =	vst v63  }
0x31: {  	_ =	swait.ge [sflag:s15], $0x4000  }
.Ltmp0:
0x32: {  	[sflag:s15] =	ssyncset.done $0x0;
	(pc) =	sbr.rel @p1 .LBB2_2-.Ltmp0, $4  }
0x33: {  	[sflag:s15] =	ssyncadd.s32 $0xFFFFC000  }
0x34: {  	[spmem:s2] =	stream.indirect.scatter.add.f32 [tilespmem:s17], [sflag:$0x1], $0x80, s3, s17, $0xb8;
	[tilespmem:$0x18180] =	vst v63  }
0x35: {  	_ =	swait.ge [sflag:s15], $0x4000  }
0x36: {  	s24 =	smov.u32 s26;
	s22 =	sadd.s32 $0x800, s22;
	[sflag:s15] =	ssyncset.done $0x0  }
0x37: {  	s23 =	sadd.s32 s23, s13;
	[sflag:s15] =	ssyncadd.s32 $0xFFFFC000  }
0x38: {  	[tilespmem:s3], [sflag:$0x1] =	stream.linear.gather [hbm4b:s23+s3], $0x80, $0x38;
	[tilespmem:$0x18180] =	vst v63  }
0x39: {  	_ =	swait.ge [sflag:s15], $0x80  }
0x3a: {  	[sflag:s15] =	ssyncset.done $0x0  }
0x3b: {  	[sflag:s15] =	ssyncadd.s32 $0xFFFFFF80  }
0x3c: {  	[tilespmem:s17], [sflag:$0x1] =	stream.linear.gather [hbm4b:s22+s3], $0x4000, $0x38;
	[tilespmem:$0x18180] =	vst v63  }
0x3d: {  	_ =	swait.ge [sflag:s15], $0x4000  }
0x3e: {  	[sflag:s15] =	ssyncset.done $0x0  }
0x3f: {  	[sflag:s15] =	ssyncadd.s32 $0xFFFFC000  }
0x40: {  	[spmem:s2] =	stream.indirect.scatter.add.f32 [tilespmem:s17], [sflag:$0x1], $0x80, s3, s17, $0xb8;
	[tilespmem:$0x18180] =	vst v63  }
0x41: {  	_ =	swait.ge [sflag:s15], $0x4000  }
0x42: {  	[sflag:s15] =	ssyncset.done $0x0  }
0x43: {  	[sflag:s15] =	ssyncadd.s32 $0xFFFFC000  }
0x44: {  	[tilespmem:s18], [sflag:$0x1] =	stream.linear.gather [hbm4b:s7+s3], $0x10, $0x38;
	[tilespmem:$0x18180] =	vst v63  }
0x45: {  	_ =	swait.ge [sflag:s15], $0x10  }
0x46: {  	[sflag:s15] =	ssyncset.done $0x0  }
0x47: {  	[sflag:s15] =	ssyncadd.s32 $0xFFFFFFF0  }
0x48: {  	[tilespmem:s19], [sflag:$0x1] =	stream.linear.gather [hbm4b:s8+s3], $0x800, $0x38;
	[tilespmem:$0x18180] =	vst v63  }
0x49: {  	_ =	swait.ge [sflag:s15], $0x800  }
0x4a: {  	[sflag:s15] =	ssyncset.done $0x0  }
0x4b: {  	[sflag:s15] =	ssyncadd.s32 $0xFFFFF800  }
0x4c: {  	[spmem:s2] =	stream.indirect.scatter.add.f32 [tilespmem:s19], [sflag:$0x1], $0x80, s18, s20, $0xb8;
	[tilespmem:$0x18180] =	vst v63  }
0x4d: {  	_ =	swait.ge [sflag:s15], $0x800  }
0x4e: {  	[sflag:s15] =	ssyncset.done $0x0  }
0x4f: {  	[sflag:s15] =	ssyncadd.s32 $0xFFFFF800  }
0x50: {  	[bflag:$0x0] =	sbarrier.arrive $0xFFFF  }
0x51: {  	[hbm:s9], [sflag:s5] =	dma.local [spmem:s14], $0x2700  }
0x52: {  	s21 =	sadd.s32 $0x1, s21;
	_ =	swait.ge [sflag:s15], $0x2700  }
0x53: {  	p1 =	sne.s32 s21, s11;
	[sflag:s15] =	ssyncset.done $0x0  }
.Ltmp1:
0x54: {  	s22 =	simm.s32 @!p0 $0x1;
	[sflag:s15] =	ssyncadd.s32 $0xFFFFD900;
	(pc) =	sbr.rel @p1 .LBB2_1-.Ltmp1, $4  }
0x55: {  	[hbm:s10], [sflag:s5] =	dma.local @!p0 [spmem:s16], $0x100  }
0x56: {  	_ =	swait.ge @!p0 [sflag:s22], $0x100  }
0x57: {  	[sflag:s22] =	ssyncset.done @!p0 $0x0  }
0x58: {  	[sflag:s22] =	ssyncadd.s32 @!p0 $0xFFFFFF00  }
0x59: {  	_ =	sfence.sel $0x180000  }
0x5a: {  	[bflag:$0x0] =	sbarrier.arrive $0xFFFF  }
0x5b: {  	p0 =	sne.s32 s1, $0x0;
	_ =	strace $0x9000004A  }
0x5c: {  	s0 =	sadd.s32 @!p0 $0x100000, s0;
	[bflag:$0x2] =	sbarrier.arrive $0xFFFF  }
0x5d: {  	[sflag:s0] =	ssyncadd.tile.s32 @!p0 $0x1;
	_ =	shalt  }
.Lfunc_end2:
_tile_overlayer_lowered:
.L_overlay_start_2:
0x5e: {  	(tag) =	ssettag $0x2  }
0x5f: {  	s0 =	rddreg [dreg:$0x0];
	s2 =	stileid.u32  }
0x60: {  	s1 =	rddreg [dreg:$0x1];
	p0 =	sne.s32 s2, $0x0  }
0x61: {  	s3 =	rddreg [dreg:$0x2];
	[bflag:$0x3] =	sbarrier.arrive $0xFFFF;
	s2 =	simm.s32 @!p0 $0x1C01  }
0x62: {  	[timem:s3], [sflag:s2] =	dma.local @!p0 [hbm:s0], s1  }
0x63: {  	s0 =	simm.s32 @!p0 $0x1  }
0x64: {  	_ =	swait.ge @!p0 [sflag:s0], s1  }
0x65: {  	s1 =	ssub.s32 @!p0 $0x0, s1;
	[sflag:s0] =	ssyncset.done @!p0 $0x0  }
0x66: {  	[sflag:s0] =	ssyncadd.s32 @!p0 s1  }
0x67: {  	[bflag:$0x3] =	sbarrier.arrive $0xFFFF  }
0x68: {  	_ =	shalt  }

// kernel: kernel.36.cloned.1.call-start
scs
__scs_entry_jumppad:
0x0: {  	(pc) =	sbr.rel $0x88, $3  }
0x1: {  	(tag) =	ssettag $0x0;
	lr =	simm.s32 $0x1  }
0x2: {  	[smem:$0x3F51] =	sst lr;
	_ =	strace $0xD0000000  }
0x3: {  	_ = 	snop  }
0x4: {  	_ = 	snop  }
0x5: {  	_ = 	snop  }
0x6: {  	_ = 	snop  }
0x7: {  	_ = 	snop  }
__scs_overlays_trampoline_lowered:
0x8: {  	[smem:$0x3F60] =	sst s0  }
0x9: {  	[smem:$0x3F61] =	sst s1  }
0xa: {  	[smem:$0x3F62] =	sst s2  }
0xb: {  	[smem:$0x3F63] =	sst s3  }
0xc: {  	[smem:$0x3F64] =	sst s4  }
0xd: {  	[smem:$0x3F65] =	sst s5  }
0xe: {  	[smem:$0x3F66] =	sst s6  }
0xf: {  	[smem:$0x3F67] =	sst s7  }
0x10: {  	[smem:$0x3F68] =	sst s8  }
0x11: {  	[smem:$0x3F69] =	sst s9;
	s0 =	simm.s32 @!p0 $0x0  }
0x12: {  	s1 =	sld [smem:$0x3F4F];
	s0 =	simm.s32 @p0 $0x1  }
0x13: {  	[smem:$0x3F6A] =	sst s0;
	s0 =	simm.s32 @!p1 $0x0  }
0x14: {  	s2 =	sld [smem:$0x3F4E];
	s0 =	simm.s32 @p1 $0x1  }
0x15: {  	[smem:$0x3F6B] =	sst s0;
	s0 =	simm.s32 @!p2 $0x0  }
0x16: {  	s3 =	sld [smem:$0x3FDB];
	s0 =	simm.s32 @p2 $0x1  }
0x17: {  	s4 =	simm.s32 $0x1BF5;
	[smem:$0x3F6D] =	sst s0  }
0x18: {  	s0 =	sld [smem:$0x3F50];
	_ =	swait.ge [sflag:s4], $0x0  }
0x19: {  	s7 =	sld [smem:$0x3F51]  }
0x1a: {  	s8 =	sadd.s32 $0xFFFFE003, lr  }
0x1b: {  	s9 =	sadd.s32 $0xFFFFFEF7, lr;
	s5 =	simm.s32 $0xFFFFFFFF;
	p2 =	slt.u32 s8, $0xFFFFF086  }
0x1c: {  	p1 =	slt.u32 s9, $0xF7A;
	s5 =	simm.s32 @!p2 $0x0  }
0x1d: {  	s5 =	simm.s32 @p1 $0x1;
	p0 =	seq.s32 s7, s2  }
0x1e: {  	s7 =	smul.u32 @!p0 $0xF7A, s2;
	p2 =	seq.s32 @!p0 s5, $0x0  }
0x1f: {  	s9 =	smul.u32 $0xF7A, s1;
	s8 =	simm.s32 @!p0 $0x1BF5;
	p2 =	por !p2, p0  }
0x20: {  	[sflag:s8] =	ssyncset.s32 @!p0 $0xFFFFF086;
	s6 =	sadd.s32 @!p0 s3, s7;
	s7 =	simm.s32 @!p0 $0x108  }
0x21: {  	s3 =	sadd.s32 s3, s9;
	s6 =	sadd.s32 @!p0 $0x88, s6;
	s7 =	simm.s32 @p2 $0x1082  }
0x22: {  	[simem:s7], [sflag:s8] =	dma.local @!p0 [hbm:s6], $0xF7A  }
0x23: {  	s9 =	sor.u32 $0xD0000000, s2;
	s6 =	simm.s32 $0x108;
	_ =	swait.ge @!p0 [sflag:s8], $0x0  }
0x24: {  	s3 =	sadd.s32 $0x88, s3;
	s6 =	simm.s32 @!p1 $0x1082;
	[sflag:s4] =	ssyncset.s32 $0xFFFFF086  }
0x25: {  	[simem:s6], [sflag:s4] =	dma.local [hbm:s3], $0xF7A  }
0x26: {  	[smem:$0x3F51] =	sst s1;
	(tag) =	ssettag s2;
	_ =	strace s9  }
0x27: {  	s1 =	sld [smem:$0x3F61]  }
0x28: {  	s2 =	sld [smem:$0x3F62]  }
0x29: {  	s4 =	sld [smem:$0x3F64]  }
0x2a: {  	p0 =	seq.s32 s5, $0x0;
	s5 =	sld [smem:$0x3F65]  }
0x2b: {  	s6 =	sld [smem:$0x3F66]  }
0x2c: {  	s7 =	sld [smem:$0x3F67]  }
0x2d: {  	s3 =	simm.s32 $0x108;
	s8 =	sld [smem:$0x3F68]  }
0x2e: {  	s3 =	simm.s32 @!p0 $0x1082;
	s9 =	sld [smem:$0x3F69]  }
0x2f: {  	lr =	sadd.s32 s0, s3;
	s0 =	sld [smem:$0x3F60]  }
0x30: {  	s3 =	sld [smem:$0x3F63]  }
0x31: {  	[smem:$0x3F6C] =	sst s10  }
0x32: {  	s10 =	sld [smem:$0x3F6A];
	_ =	sdelay $0x3  }
0x33: {  	p0 =	seq.s32 s10, $0x1;
	s10 =	sld [smem:$0x3F6C];
	_ =	sdelay $0x3  }
0x34: {  	[smem:$0x3F6C] =	sst s10  }
0x35: {  	s10 =	sld [smem:$0x3F6B];
	_ =	sdelay $0x3  }
0x36: {  	p1 =	seq.s32 s10, $0x1;
	s10 =	sld [smem:$0x3F6C];
	_ =	sdelay $0x3  }
0x37: {  	[smem:$0x3F6C] =	sst s10  }
0x38: {  	s10 =	sld [smem:$0x3F6D]  }
0x39: {  	_ = 	snop;
	(pc) =	sbr.ind lr, $3  }
0x3a: {  	_ = 	snop  }
0x3b: {  	_ = 	snop  }
0x3c: {  	p2 =	seq.s32 s10, $0x1;
	s10 =	sld [smem:$0x3F6C]  }
0x3d: {  	_ =	shalt  }
0x3e: {  	_ =	shalt  }
0x3f: {  	_ =	shalt  }
0x40: {  	_ =	shalt  }
0x41: {  	_ =	shalt  }
0x42: {  	_ =	shalt  }
0x43: {  	_ =	shalt  }
0x44: {  	_ =	shalt  }
0x45: {  	_ =	shalt  }
0x46: {  	_ =	shalt  }
0x47: {  	_ =	shalt  }
0x48: {  	_ =	shalt  }
0x49: {  	_ =	shalt  }
0x4a: {  	_ =	shalt  }
0x4b: {  	_ =	shalt  }
0x4c: {  	_ =	shalt  }
0x4d: {  	_ =	shalt  }
0x4e: {  	_ =	shalt  }
0x4f: {  	_ =	shalt  }
0x50: {  	_ =	shalt  }
0x51: {  	_ =	shalt  }
0x52: {  	_ =	shalt  }
0x53: {  	_ =	shalt  }
0x54: {  	_ =	shalt  }
0x55: {  	_ =	shalt  }
0x56: {  	_ =	shalt  }
0x57: {  	_ =	shalt  }
0x58: {  	_ =	shalt  }
0x59: {  	_ =	shalt  }
0x5a: {  	_ =	shalt  }
0x5b: {  	_ =	shalt  }
0x5c: {  	_ =	shalt  }
0x5d: {  	_ =	shalt  }
0x5e: {  	_ =	shalt  }
0x5f: {  	_ =	shalt  }
0x60: {  	_ =	shalt  }
0x61: {  	_ =	shalt  }
0x62: {  	_ =	shalt  }
0x63: {  	_ =	shalt  }
0x64: {  	_ =	shalt  }
0x65: {  	_ =	shalt  }
0x66: {  	_ =	shalt  }
0x67: {  	_ =	shalt  }
0x68: {  	_ =	shalt  }
0x69: {  	_ =	shalt  }
0x6a: {  	_ =	shalt  }
0x6b: {  	_ =	shalt  }
0x6c: {  	_ =	shalt  }
0x6d: {  	_ =	shalt  }
0x6e: {  	_ =	shalt  }
0x6f: {  	_ =	shalt  }
0x70: {  	_ =	shalt  }
0x71: {  	_ =	shalt  }
0x72: {  	_ =	shalt  }
0x73: {  	_ =	shalt  }
0x74: {  	_ =	shalt  }
0x75: {  	_ =	shalt  }
0x76: {  	_ =	shalt  }
0x77: {  	_ =	shalt  }
0x78: {  	_ =	shalt  }
0x79: {  	_ =	shalt  }
0x7a: {  	_ =	shalt  }
0x7b: {  	_ =	shalt  }
0x7c: {  	_ =	shalt  }
0x7d: {  	_ =	shalt  }
0x7e: {  	_ =	shalt  }
0x7f: {  	_ =	shalt  }
0x80: {  	_ =	shalt  }
0x81: {  	_ =	shalt  }
0x82: {  	_ =	shalt  }
0x83: {  	_ =	shalt  }
0x84: {  	_ =	shalt  }
0x85: {  	_ =	shalt  }
0x86: {  	_ =	shalt  }
0x87: {  	_ =	shalt  }
.Lfunc_end0:
.L_simem_size_0:
called_computation.2_lowered:
.L_overlay_start_0:
0x88: {  	s2 =	sld [smem:$0x3FD9]  }
0x89: {  	s3 =	sld [smem:$0x3FFE];
	_ =	sdelay $0x1  }
0x8a: {  	s1 =	srdreg.scid  }
0x8b: {  	s0 =	sand.u32 $0x1, s1  }
0x8c: {  	s16 =	sshll.u32 s0, $0xA;
	s2 =	sadd.s32 s3, s2  }
0x8d: {  	s2 =	sadd.s32 s2, s16  }
0x8e: {  	[smem:$0x3F78] =	sst s2  }
0x8f: {  	_ = 	snop  }
0x90: {  	(tm) =	ssettm $0x1  }
0x91: {  	s17 =	sld [smem:$0x3FFB];
	_ =	sdelay $0x3  }
0x92: {  	_ =	strace s17  }
0x93: {  	s2 =	sld [smem:$0x3FFC];
	_ =	sdelay $0x3  }
0x94: {  	_ =	strace s2  }
0x95: {  	s2 =	sld [smem:$0x3FFD];
	_ =	sdelay $0x3  }
0x96: {  	_ =	strace s2  }
0x97: {  	_ =	strace $0x8FFFFFFF  }
0x98: {  	s18 =	sld [smem:$0x3FDB];
	_ =	sdelay $0x1  }
0x99: {  	s19 =	simm.s32 $_scs_section_size  }
0x9a: {  	s4 =	simm.s32 $_size__tile_overlayer_lowered;
	s5 =	simm.s32 $_tile_overlayer_lowered  }
0x9b: {  	s22 =	simm.s32 $0x1BFF;
	s21 =	sshll.u32 s5, $0x1;
	s2 =	sadd.s32 s19, s18  }
0x9c: {  	s6 =	simm.s32 $0x0;
	s20 =	sshll.u32 s4, $0x1;
	s4 =	sadd.s32 s21, s2  }
0x9d: {  	[timem:s6], [sflag:s22] =	dma.local [hbm:s4], s20  }
0x9e: {  	_ =	swait.ge [sflag:s22], s20  }
0x9f: {  	s3 =	ssub.s32 $0x0, s20;
	[sflag:s22] =	ssyncset.done $0x0  }
0xa0: {  	[sflag:s22] =	ssyncadd.s32 s3;
	_ =	sdelay $0x1  }
0xa1: {  	s23 =	simm.s32 $0x1B8B  }
0xa2: {  	_ =	swait.ge [sflag:s23], $0x1  }
0xa3: {  	[sflag:s23] =	ssyncset.done $0x0  }
0xa4: {  	s25 =	simm.s32 $0x1B8E;
	s24 =	sld [smem:$0x3FFE];
	[sflag:s23] =	ssyncadd.s32 $0xFFFFFFFF  }
0xa5: {  	s26 =	simm.s32 $execute0_lowered;
	[smem:$0x3FD2] =	sst s25  }
0xa6: {  	s4 =	sshll.u32 s26, $0x1;
	_ =	strace $0x8000004C;
	[dreg:$0x1] =	wrdreg $0xFFFFFFFF  }
0xa7: {  	s28 =	simm.s32 $_size_execute0_lowered;
	s2 =	sadd.s32 s2, s4;
	[dreg:$0x0] =	wrdreg $0x0  }
0xa8: {  	s4 =	sshll.u32 s28, $0x1;
	[dreg:$0x2] =	wrdreg s2  }
0xa9: {  	[dreg:$0x3] =	wrdreg s4  }
0xaa: {  	[dreg:$0x4] =	wrdreg $0xC0  }
0xab: {  	_ =	task [dreg:s6], $0x5FFFF  }
0xac: {  	[dreg:$0x1] =	wrdreg $0xFFFFFFFF  }
0xad: {  	[dreg:$0x0] =	wrdreg $0x60  }
0xae: {  	[dreg:$0x2] =	wrdreg s24  }
0xaf: {  	[dreg:$0x3] =	wrdreg $0x9  }
0xb0: {  	_ =	task.clear_ibuf [dreg:s6], $0x4FFFF;
	_ =	strace $0x9000004C  }
0xb1: {  	s29 =	simm.s32 $0x9;
	_ =	strace $0x8000004E  }
0xb2: {  	_ =	swait.ge [sflag:s29], $0x1  }
0xb3: {  	[sflag:s29] =	ssyncadd.s32 $0xFFFFFFFF  }
0xb4: {  	_ =	strace $0x9000004E  }
0xb5: {  	_ =	sfence  }
0xb6: {  	s30 =	sld [smem:$0x0];
	_ =	sdelay $0x2  }
0xb7: {  	s31 =	sshll.u32 s1, $0xD;
	s1 =	sshrl.u32 s1, $0x2  }
0xb8: {  	s3 =	sand.u32 $0x4000, s31;
	s1 =	sadd.s32 s1, s30  }
0xb9: {  	s0 =	sor.u32 s3, s0;
	s1 =	sshll.u32 s1, $0x11  }
0xba: {  	s0 =	sor.u32 s1, s0  }
0xbb: {  	s0 =	sadd.s32 $0x8F2B, s0  }
0xbc: {  	[sflag:s0] =	ssyncadd.remote.s32 $0x1  }
0xbd: {  	_ =	sfence.sel $0xFFFF  }
0xbe: {  	[dreg:$0x0] =	wrdreg $0xFFFFFFFF;
	(pc) =	sbr.abs _section_cstart, $3  }
0xbf: {  	[dreg:$0x1] =	wrdreg $0xFFFFFFFF  }
0xc0: {  	_ =	task.clear_ibuf [dreg:s6], $0x2FFFF;
	_ =	strace $0x9FFFFFFF  }
0xc1: {  	(tm) =	ssettm $0x7FFFFFFF  }
tec
execute0_lowered:
.L_overlay_start_1:
0x0: {  	(tag) =	ssettag $0x1  }
0x1: {  	s5 =	rddreg [dreg:$0x0]  }
0x2: {  	s0 =	rddreg [dreg:$0x1];
	s3 =	srdreg.scid  }
0x3: {  	s1 =	stileid.u32;
	s2 =	simm.s32 $0x0;
	s17 =	simm.s32 $0x4180  }
0x4: {  	s18 =	simm.s32 $0x10;
	s19 =	simm.s32 $0x4200;
	s20 =	simm.s32 $0x0  }
0x5: {  	s8 =	sand.u32 $0x1, s3;
	s26 =	sshll.u32 s1, $0x1;
	[smem:$0x7FF] =	sst s2  }
0x6: {  	s3 =	sadd.s32 $0x9AC00, s5;
	s11 =	sadd.s32 $0x11A00, s5;
	s13 =	smul.u32 $0x4E20, s1  }
0x7: {  	s10 =	sadd.s32 $0x1B800, s5;
	s9 =	sadd.s32 $0xE9000, s5;
	s30 =	smul.u32 $0x4E200, s1  }
0x8: {  	s4 =	sor.u32 s8, s26;
	s28 =	ssub.s32 $0x2, s8;
	s15 =	smul.u32 $0x2710, s8  }
0x9: {  	_ =	strace $0x8000004D;
	s6 =	smul.u32 $0x2710, s4;
	s29 =	sshrl.u32 s28, $0x1  }
0xa: {  	s16 =	smul.u32 $0x27100, s8;
	s4 =	sadd.s32 $0xC1E00, s5;
	s14 =	ssub.s32 s28, s29  }
0xb: {  	s13 =	sadd.s32 s15, s13;
	s15 =	simm.s32 $0x1;
	s7 =	sadd.s32 $0x2700, s6  }
0xc: {  	s8 =	smax.u32 s14, $0x1;
	s31 =	sshrl.u32 s13, $0x3;
	s13 =	simm.s32 $0x80  }
0xd: {  	s14 =	simm.s32 $0x100;
	s12 =	sshrl.u32 s7, $0x3;
	s7 =	sshll.u32 s7, $0x4  }
0xe: {  	s5 =	sadd.s32 s11, s12;
	s6 =	sadd.s32 s10, s12;
	s7 =	sadd.s32 s9, s7  }
0xf: {  	s9 =	sadd.s32 s30, s9;
	s10 =	sadd.s32 s31, s10;
	s11 =	sadd.s32 s31, s11  }
0x10: {  	s12 =	simm.s32 $0x2;
	s9 =	sadd.s32 s16, s9;
	s16 =	simm.s32 $0x4100  }
.LBB2_1:
0x11: {  	s21 =	sadd.s32 $0x0, s11  }
0x12: {  	[tilespmem:s2], [sflag:$0x2] =	stream.linear.gather [hbm4b:s21+s2], $0x80, $0x38;
	[tilespmem:$0x4A00] =	vst v63  }
0x13: {  	_ =	swait.ge [sflag:s12], $0x80  }
0x14: {  	[sflag:s12] =	ssyncset.done $0x0  }
0x15: {  	s31 =	sadd.s32 $0x0, s10;
	[sflag:s12] =	ssyncadd.s32 $0xFFFFFF80  }
0x16: {  	[tilespmem:s13], [sflag:$0x2] =	stream.linear.gather [hbm4b:s31+s2], $0x80, $0x38;
	[tilespmem:$0x4A00] =	vst v63  }
0x17: {  	_ =	swait.ge [sflag:s12], $0x80  }
0x18: {  	[sflag:s12] =	ssyncset.done $0x0  }
0x19: {  	[sflag:s12] =	ssyncadd.s32 $0xFFFFFF80  }
0x1a: {  	[tilespmem:s14], [sflag:$0x1] =	stream.indirect.gather [hbm4b:s3+s13], $0x80, s2, s13, $0xb8;
	[tilespmem:$0x4A00] =	vst v63  }
0x1b: {  	_ =	swait.ge [sflag:s15], $0x4000  }
0x1c: {  	[sflag:s15] =	ssyncset.done $0x0  }
0x1d: {  	[sflag:s15] =	ssyncadd.s32 $0xFFFFC000  }
0x1e: {  	[tilespmem:s14], [sflag:$0x1] =	stream.indirect.gather.add.f32 [hbm:s4], $0x80, s13, s13, $0xb8;
	[tilespmem:$0x4A00] =	vst v63  }
0x1f: {  	_ =	swait.ge [sflag:s15], $0x4000  }
0x20: {  	[sflag:s15] =	ssyncset.done $0x0  }
0x21: {  	[sflag:s15] =	ssyncadd.s32 $0xFFFFC000  }
0x22: {  	[hbm4b:s9+s2] =	stream.linear.scatter [tilespmem:s14], [sflag:$0x2], $0x4000, $0x38;
	[tilespmem:$0x4A00] =	vst v63  }
0x23: {  	s22 =	simm.s32 $0x10;
	_ =	swait.ge [sflag:s12], $0x4000  }
0x24: {  	s23 =	simm.s32 $0x20;
	s21 =	sadd.s32 $0x800, s9;
	[sflag:s12] =	ssyncset.done $0x0  }
.LBB2_2:
0x25: {  	s24 =	sadd.s32 s22, s11  }
0x26: {  	[sflag:s12] =	ssyncadd.s32 $0xFFFFC000;
	s25 =	smov.u32 s23;
	s26 =	sadd.s32 $0x10, s23  }
0x27: {  	[tilespmem:s2], [sflag:$0x2] =	stream.linear.gather [hbm4b:s24+s2], $0x80, $0x38;
	[tilespmem:$0x4A00] =	vst v63  }
0x28: {  	p0 =	sne.s32 s23, $0x4D0;
	_ =	swait.ge [sflag:s12], $0x80  }
0x29: {  	[sflag:s12] =	ssyncset.done $0x0  }
0x2a: {  	s23 =	sadd.s32 s22, s10;
	s22 =	smov.u32 s25;
	[sflag:s12] =	ssyncadd.s32 $0xFFFFFF80  }
0x2b: {  	[tilespmem:s13], [sflag:$0x2] =	stream.linear.gather [hbm4b:s23+s2], $0x80, $0x38;
	[tilespmem:$0x4A00] =	vst v63  }
0x2c: {  	_ =	swait.ge [sflag:s12], $0x80  }
0x2d: {  	[sflag:s12] =	ssyncset.done $0x0  }
0x2e: {  	[sflag:s12] =	ssyncadd.s32 $0xFFFFFF80  }
0x2f: {  	[tilespmem:s14], [sflag:$0x1] =	stream.indirect.gather [hbm4b:s3+s13], $0x80, s2, s13, $0xb8;
	[tilespmem:$0x4A00] =	vst v63  }
0x30: {  	_ =	swait.ge [sflag:s15], $0x4000  }
0x31: {  	[sflag:s15] =	ssyncset.done $0x0  }
0x32: {  	[sflag:s15] =	ssyncadd.s32 $0xFFFFC000  }
0x33: {  	[tilespmem:s14], [sflag:$0x1] =	stream.indirect.gather.add.f32 [hbm:s4], $0x80, s13, s13, $0xb8;
	[tilespmem:$0x4A00] =	vst v63  }
0x34: {  	_ =	swait.ge [sflag:s15], $0x4000  }
.Ltmp0:
0x35: {  	[sflag:s15] =	ssyncset.done $0x0;
	(pc) =	sbr.rel @p0 .LBB2_2-.Ltmp0, $4  }
0x36: {  	[sflag:s15] =	ssyncadd.s32 $0xFFFFC000  }
0x37: {  	[hbm4b:s21+s2] =	stream.linear.scatter [tilespmem:s14], [sflag:$0x2], $0x4000, $0x38;
	[tilespmem:$0x4A00] =	vst v63  }
0x38: {  	_ =	swait.ge [sflag:s12], $0x4000  }
0x39: {  	s23 =	smov.u32 s26;
	s21 =	sadd.s32 $0x800, s21;
	[sflag:s12] =	ssyncset.done $0x0  }
0x3a: {  	s23 =	sadd.s32 s22, s11;
	[sflag:s12] =	ssyncadd.s32 $0xFFFFC000  }
0x3b: {  	[tilespmem:s2], [sflag:$0x2] =	stream.linear.gather [hbm4b:s23+s2], $0x80, $0x38;
	[tilespmem:$0x4A00] =	vst v63  }
0x3c: {  	_ =	swait.ge [sflag:s12], $0x80  }
0x3d: {  	[sflag:s12] =	ssyncset.done $0x0  }
0x3e: {  	s31 =	sadd.s32 s22, s10;
	[sflag:s12] =	ssyncadd.s32 $0xFFFFFF80  }
0x3f: {  	[tilespmem:s13], [sflag:$0x2] =	stream.linear.gather [hbm4b:s31+s2], $0x80, $0x38;
	[tilespmem:$0x4A00] =	vst v63  }
0x40: {  	_ =	swait.ge [sflag:s12], $0x80  }
0x41: {  	[sflag:s12] =	ssyncset.done $0x0  }
0x42: {  	[sflag:s12] =	ssyncadd.s32 $0xFFFFFF80  }
0x43: {  	[tilespmem:s14], [sflag:$0x1] =	stream.indirect.gather [hbm4b:s3+s13], $0x80, s2, s13, $0xb8;
	[tilespmem:$0x4A00] =	vst v63  }
0x44: {  	_ =	swait.ge [sflag:s15], $0x4000  }
0x45: {  	[sflag:s15] =	ssyncset.done $0x0  }
0x46: {  	[sflag:s15] =	ssyncadd.s32 $0xFFFFC000  }
0x47: {  	[tilespmem:s14], [sflag:$0x1] =	stream.indirect.gather.add.f32 [hbm:s4], $0x80, s13, s13, $0xb8;
	[tilespmem:$0x4A00] =	vst v63  }
0x48: {  	_ =	swait.ge [sflag:s15], $0x4000  }
0x49: {  	[sflag:s15] =	ssyncset.done $0x0  }
0x4a: {  	[sflag:s15] =	ssyncadd.s32 $0xFFFFC000  }
0x4b: {  	[hbm4b:s21+s2] =	stream.linear.scatter [tilespmem:s14], [sflag:$0x2], $0x4000, $0x38;
	[tilespmem:$0x4A00] =	vst v63  }
0x4c: {  	_ =	swait.ge [sflag:s12], $0x4000  }
0x4d: {  	[sflag:s12] =	ssyncset.done $0x0  }
0x4e: {  	[sflag:s12] =	ssyncadd.s32 $0xFFFFC000  }
0x4f: {  	[tilespmem:s16], [sflag:$0x2] =	stream.linear.gather [hbm4b:s5+s2], $0x10, $0x38;
	[tilespmem:$0x4A00] =	vst v63  }
0x50: {  	_ =	swait.ge [sflag:s12], $0x10  }
0x51: {  	[sflag:s12] =	ssyncset.done $0x0  }
0x52: {  	[sflag:s12] =	ssyncadd.s32 $0xFFFFFFF0  }
0x53: {  	[tilespmem:s17], [sflag:$0x2] =	stream.linear.gather [hbm4b:s6+s2], $0x10, $0x38;
	[tilespmem:$0x4A00] =	vst v63  }
0x54: {  	_ =	swait.ge [sflag:s12], $0x10  }
0x55: {  	[sflag:s12] =	ssyncset.done $0x0  }
0x56: {  	[sflag:s12] =	ssyncadd.s32 $0xFFFFFFF0  }
0x57: {  	[tilespmem:s19], [sflag:$0x1] =	stream.indirect.gather [hbm4b:s3+s18], $0x80, s16, s18, $0xb8;
	[tilespmem:$0x4A00] =	vst v63  }
0x58: {  	_ =	swait.ge [sflag:s15], $0x800  }
0x59: {  	[sflag:s15] =	ssyncset.done $0x0  }
0x5a: {  	[sflag:s15] =	ssyncadd.s32 $0xFFFFF800  }
0x5b: {  	[tilespmem:s19], [sflag:$0x1] =	stream.indirect.gather.add.f32 [hbm:s4], $0x80, s17, s18, $0xb8;
	[tilespmem:$0x4A00] =	vst v63  }
0x5c: {  	s20 =	sadd.s32 $0x1, s20;
	_ =	swait.ge [sflag:s15], $0x800  }
0x5d: {  	p0 =	sne.s32 s20, s8;
	[sflag:s15] =	ssyncset.done $0x0  }
.Ltmp1:
0x5e: {  	[sflag:s15] =	ssyncadd.s32 $0xFFFFF800;
	(pc) =	sbr.rel @p0 .LBB2_1-.Ltmp1, $4  }
0x5f: {  	[hbm4b:s7+s2] =	stream.linear.scatter [tilespmem:s19], [sflag:$0x2], $0x800, $0x38;
	[tilespmem:$0x4A00] =	vst v63  }
0x60: {  	_ =	swait.ge [sflag:s12], $0x800  }
0x61: {  	[sflag:s12] =	ssyncset.done $0x0  }
0x62: {  	[sflag:s12] =	ssyncadd.s32 $0xFFFFF800  }
0x63: {  	_ =	sfence.sel $0x180000  }
0x64: {  	[bflag:$0x0] =	sbarrier.arrive $0xFFFF  }
0x65: {  	p0 =	sne.s32 s1, $0x0;
	_ =	strace $0x9000004D  }
0x66: {  	s0 =	sadd.s32 @!p0 $0x100000, s0;
	[bflag:$0x2] =	sbarrier.arrive $0xFFFF  }
0x67: {  	[sflag:s0] =	ssyncadd.tile.s32 @!p0 $0x1;
	_ =	shalt  }
.Lfunc_end2:
_tile_overlayer_lowered:
.L_overlay_start_2:
0x68: {  	(tag) =	ssettag $0x2  }
0x69: {  	s0 =	rddreg [dreg:$0x0];
	s2 =	stileid.u32  }
0x6a: {  	s1 =	rddreg [dreg:$0x1];
	p0 =	sne.s32 s2, $0x0  }
0x6b: {  	s3 =	rddreg [dreg:$0x2];
	[bflag:$0x3] =	sbarrier.arrive $0xFFFF;
	s2 =	simm.s32 @!p0 $0x1C02  }
0x6c: {  	[timem:s3], [sflag:s2] =	dma.local @!p0 [hbm:s0], s1  }
0x6d: {  	s0 =	simm.s32 @!p0 $0x2  }
0x6e: {  	_ =	swait.ge @!p0 [sflag:s0], s1  }
0x6f: {  	s1 =	ssub.s32 @!p0 $0x0, s1;
	[sflag:s0] =	ssyncset.done @!p0 $0x0  }
0x70: {  	[sflag:s0] =	ssyncadd.s32 @!p0 s1  }
0x71: {  	[bflag:$0x3] =	sbarrier.arrive $0xFFFF  }
0x72: {  	_ =	shalt  }

// kernel: kernel.39.cloned.1.call-start
scs
__scs_entry_jumppad:
0x0: {  	(pc) =	sbr.rel $0x88, $3  }
0x1: {  	(tag) =	ssettag $0x0;
	lr =	simm.s32 $0x1  }
0x2: {  	[smem:$0x3F51] =	sst lr;
	_ =	strace $0xD0000000  }
0x3: {  	_ = 	snop  }
0x4: {  	_ = 	snop  }
0x5: {  	_ = 	snop  }
0x6: {  	_ = 	snop  }
0x7: {  	_ = 	snop  }
__scs_overlays_trampoline_lowered:
0x8: {  	[smem:$0x3F60] =	sst s0  }
0x9: {  	[smem:$0x3F61] =	sst s1  }
0xa: {  	[smem:$0x3F62] =	sst s2  }
0xb: {  	[smem:$0x3F63] =	sst s3  }
0xc: {  	[smem:$0x3F64] =	sst s4  }
0xd: {  	[smem:$0x3F65] =	sst s5  }
0xe: {  	[smem:$0x3F66] =	sst s6  }
0xf: {  	[smem:$0x3F67] =	sst s7  }
0x10: {  	[smem:$0x3F68] =	sst s8  }
0x11: {  	[smem:$0x3F69] =	sst s9;
	s0 =	simm.s32 @!p0 $0x0  }
0x12: {  	s1 =	sld [smem:$0x3F4F];
	s0 =	simm.s32 @p0 $0x1  }
0x13: {  	[smem:$0x3F6A] =	sst s0;
	s0 =	simm.s32 @!p1 $0x0  }
0x14: {  	s2 =	sld [smem:$0x3F4E];
	s0 =	simm.s32 @p1 $0x1  }
0x15: {  	[smem:$0x3F6B] =	sst s0;
	s0 =	simm.s32 @!p2 $0x0  }
0x16: {  	s3 =	sld [smem:$0x3FDB];
	s0 =	simm.s32 @p2 $0x1  }
0x17: {  	s4 =	simm.s32 $0x1BF5;
	[smem:$0x3F6D] =	sst s0  }
0x18: {  	s0 =	sld [smem:$0x3F50];
	_ =	swait.ge [sflag:s4], $0x0  }
0x19: {  	s7 =	sld [smem:$0x3F51]  }
0x1a: {  	s8 =	sadd.s32 $0xFFFFE003, lr  }
0x1b: {  	s9 =	sadd.s32 $0xFFFFFEF7, lr;
	s5 =	simm.s32 $0xFFFFFFFF;
	p2 =	slt.u32 s8, $0xFFFFF086  }
0x1c: {  	p1 =	slt.u32 s9, $0xF7A;
	s5 =	simm.s32 @!p2 $0x0  }
0x1d: {  	s5 =	simm.s32 @p1 $0x1;
	p0 =	seq.s32 s7, s2  }
0x1e: {  	s7 =	smul.u32 @!p0 $0xF7A, s2;
	p2 =	seq.s32 @!p0 s5, $0x0  }
0x1f: {  	s9 =	smul.u32 $0xF7A, s1;
	s8 =	simm.s32 @!p0 $0x1BF5;
	p2 =	por !p2, p0  }
0x20: {  	[sflag:s8] =	ssyncset.s32 @!p0 $0xFFFFF086;
	s6 =	sadd.s32 @!p0 s3, s7;
	s7 =	simm.s32 @!p0 $0x108  }
0x21: {  	s3 =	sadd.s32 s3, s9;
	s6 =	sadd.s32 @!p0 $0x88, s6;
	s7 =	simm.s32 @p2 $0x1082  }
0x22: {  	[simem:s7], [sflag:s8] =	dma.local @!p0 [hbm:s6], $0xF7A  }
0x23: {  	s9 =	sor.u32 $0xD0000000, s2;
	s6 =	simm.s32 $0x108;
	_ =	swait.ge @!p0 [sflag:s8], $0x0  }
0x24: {  	s3 =	sadd.s32 $0x88, s3;
	s6 =	simm.s32 @!p1 $0x1082;
	[sflag:s4] =	ssyncset.s32 $0xFFFFF086  }
0x25: {  	[simem:s6], [sflag:s4] =	dma.local [hbm:s3], $0xF7A  }
0x26: {  	[smem:$0x3F51] =	sst s1;
	(tag) =	ssettag s2;
	_ =	strace s9  }
0x27: {  	s1 =	sld [smem:$0x3F61]  }
0x28: {  	s2 =	sld [smem:$0x3F62]  }
0x29: {  	s4 =	sld [smem:$0x3F64]  }
0x2a: {  	p0 =	seq.s32 s5, $0x0;
	s5 =	sld [smem:$0x3F65]  }
0x2b: {  	s6 =	sld [smem:$0x3F66]  }
0x2c: {  	s7 =	sld [smem:$0x3F67]  }
0x2d: {  	s3 =	simm.s32 $0x108;
	s8 =	sld [smem:$0x3F68]  }
0x2e: {  	s3 =	simm.s32 @!p0 $0x1082;
	s9 =	sld [smem:$0x3F69]  }
0x2f: {  	lr =	sadd.s32 s0, s3;
	s0 =	sld [smem:$0x3F60]  }
0x30: {  	s3 =	sld [smem:$0x3F63]  }
0x31: {  	[smem:$0x3F6C] =	sst s10  }
0x32: {  	s10 =	sld [smem:$0x3F6A];
	_ =	sdelay $0x3  }
0x33: {  	p0 =	seq.s32 s10, $0x1;
	s10 =	sld [smem:$0x3F6C];
	_ =	sdelay $0x3  }
0x34: {  	[smem:$0x3F6C] =	sst s10  }
0x35: {  	s10 =	sld [smem:$0x3F6B];
	_ =	sdelay $0x3  }
0x36: {  	p1 =	seq.s32 s10, $0x1;
	s10 =	sld [smem:$0x3F6C];
	_ =	sdelay $0x3  }
0x37: {  	[smem:$0x3F6C] =	sst s10  }
0x38: {  	s10 =	sld [smem:$0x3F6D]  }
0x39: {  	_ = 	snop;
	(pc) =	sbr.ind lr, $3  }
0x3a: {  	_ = 	snop  }
0x3b: {  	_ = 	snop  }
0x3c: {  	p2 =	seq.s32 s10, $0x1;
	s10 =	sld [smem:$0x3F6C]  }
0x3d: {  	_ =	shalt  }
0x3e: {  	_ =	shalt  }
0x3f: {  	_ =	shalt  }
0x40: {  	_ =	shalt  }
0x41: {  	_ =	shalt  }
0x42: {  	_ =	shalt  }
0x43: {  	_ =	shalt  }
0x44: {  	_ =	shalt  }
0x45: {  	_ =	shalt  }
0x46: {  	_ =	shalt  }
0x47: {  	_ =	shalt  }
0x48: {  	_ =	shalt  }
0x49: {  	_ =	shalt  }
0x4a: {  	_ =	shalt  }
0x4b: {  	_ =	shalt  }
0x4c: {  	_ =	shalt  }
0x4d: {  	_ =	shalt  }
0x4e: {  	_ =	shalt  }
0x4f: {  	_ =	shalt  }
0x50: {  	_ =	shalt  }
0x51: {  	_ =	shalt  }
0x52: {  	_ =	shalt  }
0x53: {  	_ =	shalt  }
0x54: {  	_ =	shalt  }
0x55: {  	_ =	shalt  }
0x56: {  	_ =	shalt  }
0x57: {  	_ =	shalt  }
0x58: {  	_ =	shalt  }
0x59: {  	_ =	shalt  }
0x5a: {  	_ =	shalt  }
0x5b: {  	_ =	shalt  }
0x5c: {  	_ =	shalt  }
0x5d: {  	_ =	shalt  }
0x5e: {  	_ =	shalt  }
0x5f: {  	_ =	shalt  }
0x60: {  	_ =	shalt  }
0x61: {  	_ =	shalt  }
0x62: {  	_ =	shalt  }
0x63: {  	_ =	shalt  }
0x64: {  	_ =	shalt  }
0x65: {  	_ =	shalt  }
0x66: {  	_ =	shalt  }
0x67: {  	_ =	shalt  }
0x68: {  	_ =	shalt  }
0x69: {  	_ =	shalt  }
0x6a: {  	_ =	shalt  }
0x6b: {  	_ =	shalt  }
0x6c: {  	_ =	shalt  }
0x6d: {  	_ =	shalt  }
0x6e: {  	_ =	shalt  }
0x6f: {  	_ =	shalt  }
0x70: {  	_ =	shalt  }
0x71: {  	_ =	shalt  }
0x72: {  	_ =	shalt  }
0x73: {  	_ =	shalt  }
0x74: {  	_ =	shalt  }
0x75: {  	_ =	shalt  }
0x76: {  	_ =	shalt  }
0x77: {  	_ =	shalt  }
0x78: {  	_ =	shalt  }
0x79: {  	_ =	shalt  }
0x7a: {  	_ =	shalt  }
0x7b: {  	_ =	shalt  }
0x7c: {  	_ =	shalt  }
0x7d: {  	_ =	shalt  }
0x7e: {  	_ =	shalt  }
0x7f: {  	_ =	shalt  }
0x80: {  	_ =	shalt  }
0x81: {  	_ =	shalt  }
0x82: {  	_ =	shalt  }
0x83: {  	_ =	shalt  }
0x84: {  	_ =	shalt  }
0x85: {  	_ =	shalt  }
0x86: {  	_ =	shalt  }
0x87: {  	_ =	shalt  }
.Lfunc_end0:
.L_simem_size_0:
called_computation.3_lowered:
.L_overlay_start_0:
0x88: {  	s2 =	sld [smem:$0x3FD9]  }
0x89: {  	s3 =	sld [smem:$0x3FFE];
	_ =	sdelay $0x1  }
0x8a: {  	s1 =	srdreg.scid  }
0x8b: {  	s0 =	sand.u32 $0x1, s1  }
0x8c: {  	s16 =	sshll.u32 s0, $0xA;
	s2 =	sadd.s32 s3, s2  }
0x8d: {  	s2 =	sadd.s32 s2, s16  }
0x8e: {  	[smem:$0x3F78] =	sst s2  }
0x8f: {  	_ = 	snop  }
0x90: {  	(tm) =	ssettm $0x1  }
0x91: {  	s17 =	sld [smem:$0x3FFB];
	_ =	sdelay $0x3  }
0x92: {  	_ =	strace s17  }
0x93: {  	s2 =	sld [smem:$0x3FFC];
	_ =	sdelay $0x3  }
0x94: {  	_ =	strace s2  }
0x95: {  	s2 =	sld [smem:$0x3FFD];
	_ =	sdelay $0x3  }
0x96: {  	_ =	strace s2  }
0x97: {  	_ =	strace $0x8FFFFFFF  }
0x98: {  	s18 =	sld [smem:$0x3FDB];
	_ =	sdelay $0x1  }
0x99: {  	s19 =	simm.s32 $_scs_section_size  }
0x9a: {  	s4 =	simm.s32 $_size__tile_overlayer_lowered;
	s5 =	simm.s32 $_tile_overlayer_lowered  }
0x9b: {  	s22 =	simm.s32 $0x1BFF;
	s21 =	sshll.u32 s5, $0x1;
	s2 =	sadd.s32 s19, s18  }
0x9c: {  	s6 =	simm.s32 $0x0;
	s20 =	sshll.u32 s4, $0x1;
	s4 =	sadd.s32 s21, s2  }
0x9d: {  	[timem:s6], [sflag:s22] =	dma.local [hbm:s4], s20  }
0x9e: {  	_ =	swait.ge [sflag:s22], s20  }
0x9f: {  	s3 =	ssub.s32 $0x0, s20;
	[sflag:s22] =	ssyncset.done $0x0  }
0xa0: {  	[sflag:s22] =	ssyncadd.s32 s3;
	_ =	sdelay $0x1  }
0xa1: {  	s23 =	simm.s32 $0x1B8B  }
0xa2: {  	_ =	swait.ge [sflag:s23], $0x1  }
0xa3: {  	[sflag:s23] =	ssyncset.done $0x0  }
0xa4: {  	s25 =	simm.s32 $0x1B8E;
	s24 =	sld [smem:$0x3FFE];
	[sflag:s23] =	ssyncadd.s32 $0xFFFFFFFF  }
0xa5: {  	s26 =	simm.s32 $execute0_lowered;
	[smem:$0x3FD2] =	sst s25  }
0xa6: {  	s4 =	sshll.u32 s26, $0x1;
	_ =	strace $0x8000004F;
	[dreg:$0x1] =	wrdreg $0xFFFFFFFF  }
0xa7: {  	s28 =	simm.s32 $_size_execute0_lowered;
	s2 =	sadd.s32 s2, s4;
	[dreg:$0x0] =	wrdreg $0x0  }
0xa8: {  	s4 =	sshll.u32 s28, $0x1;
	[dreg:$0x2] =	wrdreg s2  }
0xa9: {  	[dreg:$0x3] =	wrdreg s4  }
0xaa: {  	[dreg:$0x4] =	wrdreg $0xC0  }
0xab: {  	_ =	task [dreg:s6], $0x5FFFF  }
0xac: {  	[dreg:$0x1] =	wrdreg $0xFFFFFFFF  }
0xad: {  	[dreg:$0x0] =	wrdreg $0x60  }
0xae: {  	[dreg:$0x2] =	wrdreg s24  }
0xaf: {  	[dreg:$0x3] =	wrdreg $0x49000  }
0xb0: {  	[dreg:$0x4] =	wrdreg $0x9  }
0xb1: {  	_ =	task.clear_ibuf [dreg:s6], $0x5FFFF;
	_ =	strace $0x9000004F  }
0xb2: {  	s29 =	simm.s32 $0x9;
	_ =	strace $0x80000051  }
0xb3: {  	_ =	swait.ge [sflag:s29], $0x1  }
0xb4: {  	[sflag:s29] =	ssyncadd.s32 $0xFFFFFFFF  }
0xb5: {  	_ =	strace $0x90000051  }
0xb6: {  	_ =	sfence  }
0xb7: {  	s30 =	sld [smem:$0x0];
	_ =	sdelay $0x2  }
0xb8: {  	s31 =	sshll.u32 s1, $0xD;
	s1 =	sshrl.u32 s1, $0x2  }
0xb9: {  	s3 =	sand.u32 $0x4000, s31;
	s1 =	sadd.s32 s1, s30  }
0xba: {  	s0 =	sor.u32 s3, s0;
	s1 =	sshll.u32 s1, $0x11  }
0xbb: {  	s0 =	sor.u32 s1, s0  }
0xbc: {  	s0 =	sadd.s32 $0x8F2B, s0  }
0xbd: {  	[sflag:s0] =	ssyncadd.remote.s32 $0x1  }
0xbe: {  	_ =	sfence.sel $0xFFFF  }
0xbf: {  	[dreg:$0x0] =	wrdreg $0xFFFFFFFF;
	(pc) =	sbr.abs _section_cstart, $3  }
0xc0: {  	[dreg:$0x1] =	wrdreg $0xFFFFFFFF  }
0xc1: {  	_ =	task.clear_ibuf [dreg:s6], $0x2FFFF;
	_ =	strace $0x9FFFFFFF  }
0xc2: {  	(tm) =	ssettm $0x7FFFFFFF  }
0xc3: {  	_ =	shalt  }
tec
execute0_lowered:
.L_overlay_start_1:
0x0: {  	(tag) =	ssettag $0x1  }
0x1: {  	s6 =	rddreg [dreg:$0x0]  }
0x2: {  	s2 =	rddreg [dreg:$0x1]  }
0x3: {  	s0 =	rddreg [dreg:$0x2];
	s3 =	simm.s32 $0x0  }
0x4: {  	s1 =	stileid.u32;
	s4 =	srdreg.scid;
	s21 =	simm.s32 $0x0  }
0x5: {  	[smem:$0x7FF] =	sst s3;
	s9 =	smul.u32 $0x2700, s1;
	s11 =	sadd.s32 $0xF67E00, s6  }
0x6: {  	s13 =	sadd.s32 $0x1B800, s6;
	s10 =	sand.u32 $0x1, s4;
	s8 =	smul.u32 $0x4E000, s1  }
0x7: {  	s7 =	sshll.u32 s1, $0x1;
	s12 =	sadd.s32 $0x9AC00, s6;
	s20 =	smul.u32 $0x4E20, s1  }
0x8: {  	s26 =	sshll.u32 s1, $0x6;
	s16 =	sadd.s32 $0x138000, s2;
	s29 =	smul.u32 $0x4E200, s1  }
0x9: {  	p0 =	sne.s32 s1, $0xF;
	_ =	strace $0x80000050;
	s17 =	smul.u32 $0x27100, s10  }
0xa: {  	s4 =	ssub.s32 $0x2, s10;
	s7 =	sor.u32 s10, s7;
	s18 =	smul.u32 $0x138800, s10  }
0xb: {  	s10 =	smul.u32 $0x2710, s10;
	s16 =	sshrl.u32 @!p0 s16, $0x3;
	s5 =	sadd.s32 s9, s6  }
0xc: {  	s14 =	sshrl.u32 s4, $0x1;
	s7 =	smul.u32 $0x2710, s7;
	s25 =	sshrl.u32 s8, $0x2  }
0xd: {  	s6 =	sadd.s32 $0x9AA00, s6;
	s31 =	sadd.s32 s29, s11;
	s14 =	ssub.s32 s4, s14  }
0xe: {  	s15 =	sadd.s32 s25, s2;
	s4 =	sadd.s32 $0x73A00, s5;
	s5 =	sor.u32 $0x1C01, s26  }
0xf: {  	s9 =	sadd.s32 s9, s17;
	s18 =	sshrl.u32 s18, $0x3;
	s30 =	sadd.s32 s10, s20  }
0x10: {  	s20 =	simm.s32 $0x10;
	s7 =	sadd.s32 $0x2700, s7;
	s9 =	sadd.s32 s12, s9  }
0x11: {  	s12 =	sadd.s32 s12, s18;
	s18 =	sshrl.u32 s30, $0x3;
	s28 =	sshrl.u32 s7, $0x3  }
0x12: {  	s19 =	sshll.u32 s7, $0x4;
	s10 =	sadd.s32 $0x27000, s12;
	s12 =	sadd.s32 s17, s31  }
0x13: {  	s17 =	simm.s32 $0x80;
	s7 =	sadd.s32 s13, s28;
	s8 =	sadd.s32 s11, s19  }
0x14: {  	s11 =	smax.u32 s14, $0x1;
	s13 =	sadd.s32 s18, s13;
	s14 =	sshrl.u32 s15, $0x3  }
0x15: {  	s15 =	simm.s32 $0x1;
	s18 =	simm.s32 $0x4080;
	s19 =	simm.s32 $0x4100  }
.LBB2_1:
0x16: {  	[spmem:s14], [sflag:s5] =	dma.local [hbm:s4], $0x2700  }
0x17: {  	_ =	swait.ge [sflag:s15], $0x2700  }
0x18: {  	[sflag:s15] =	ssyncset.done $0x0  }
0x19: {  	s22 =	simm.s32 @!p0 $0x1;
	[sflag:s15] =	ssyncadd.s32 $0xFFFFD900  }
0x1a: {  	[spmem:s16], [sflag:s5] =	dma.local @!p0 [hbm:s6], $0x100  }
0x1b: {  	_ =	swait.ge @!p0 [sflag:s22], $0x100  }
0x1c: {  	[sflag:s22] =	ssyncset.done @!p0 $0x0  }
0x1d: {  	[sflag:s22] =	ssyncadd.s32 @!p0 $0xFFFFFF00  }
0x1e: {  	s31 =	sadd.s32 $0x0, s13;
	[bflag:$0x0] =	sbarrier.arrive $0xFFFF  }
0x1f: {  	[tilespmem:s3], [sflag:$0x1] =	stream.linear.gather [hbm4b:s31+s3], $0x80, $0x38;
	[tilespmem:$0x18180] =	vst v63  }
0x20: {  	_ =	swait.ge [sflag:s15], $0x80  }
0x21: {  	[sflag:s15] =	ssyncset.done $0x0  }
0x22: {  	[sflag:s15] =	ssyncadd.s32 $0xFFFFFF80  }
0x23: {  	[tilespmem:s17], [sflag:$0x1] =	stream.linear.gather [hbm4b:s12+s3], $0x4000, $0x38;
	[tilespmem:$0x18180] =	vst v63  }
0x24: {  	_ =	swait.ge [sflag:s15], $0x4000  }
0x25: {  	[sflag:s15] =	ssyncset.done $0x0  }
0x26: {  	[sflag:s15] =	ssyncadd.s32 $0xFFFFC000  }
0x27: {  	[spmem:s2] =	stream.indirect.scatter.add.f32 [tilespmem:s17], [sflag:$0x1], $0x80, s3, s17, $0xb8;
	[tilespmem:$0x18180] =	vst v63  }
0x28: {  	s23 =	simm.s32 $0x10;
	_ =	swait.ge [sflag:s15], $0x4000  }
0x29: {  	s24 =	simm.s32 $0x20;
	s22 =	sadd.s32 $0x800, s12;
	[sflag:s15] =	ssyncset.done $0x0  }
.LBB2_2:
0x2a: {  	s25 =	sadd.s32 s23, s13  }
0x2b: {  	[sflag:s15] =	ssyncadd.s32 $0xFFFFC000;
	s23 =	smov.u32 s24;
	s26 =	sadd.s32 $0x10, s24  }
0x2c: {  	[tilespmem:s3], [sflag:$0x1] =	stream.linear.gather [hbm4b:s25+s3], $0x80, $0x38;
	[tilespmem:$0x18180] =	vst v63  }
0x2d: {  	p1 =	sne.s32 s24, $0x4D0;
	_ =	swait.ge [sflag:s15], $0x80  }
0x2e: {  	[sflag:s15] =	ssyncset.done $0x0  }
0x2f: {  	[sflag:s15] =	ssyncadd.s32 $0xFFFFFF80  }
0x30: {  	[tilespmem:s17], [sflag:$0x1] =	stream.linear.gather [hbm4b:s22+s3], $0x4000, $0x38;
	[tilespmem:$0x18180] =	vst v63  }
0x31: {  	_ =	swait.ge [sflag:s15], $0x4000  }
.Ltmp0:
0x32: {  	[sflag:s15] =	ssyncset.done $0x0;
	(pc) =	sbr.rel @p1 .LBB2_2-.Ltmp0, $4  }
0x33: {  	[sflag:s15] =	ssyncadd.s32 $0xFFFFC000  }
0x34: {  	[spmem:s2] =	stream.indirect.scatter.add.f32 [tilespmem:s17], [sflag:$0x1], $0x80, s3, s17, $0xb8;
	[tilespmem:$0x18180] =	vst v63  }
0x35: {  	_ =	swait.ge [sflag:s15], $0x4000  }
0x36: {  	s24 =	smov.u32 s26;
	s22 =	sadd.s32 $0x800, s22;
	[sflag:s15] =	ssyncset.done $0x0  }
0x37: {  	s23 =	sadd.s32 s23, s13;
	[sflag:s15] =	ssyncadd.s32 $0xFFFFC000  }
0x38: {  	[tilespmem:s3], [sflag:$0x1] =	stream.linear.gather [hbm4b:s23+s3], $0x80, $0x38;
	[tilespmem:$0x18180] =	vst v63  }
0x39: {  	_ =	swait.ge [sflag:s15], $0x80  }
0x3a: {  	[sflag:s15] =	ssyncset.done $0x0  }
0x3b: {  	[sflag:s15] =	ssyncadd.s32 $0xFFFFFF80  }
0x3c: {  	[tilespmem:s17], [sflag:$0x1] =	stream.linear.gather [hbm4b:s22+s3], $0x4000, $0x38;
	[tilespmem:$0x18180] =	vst v63  }
0x3d: {  	_ =	swait.ge [sflag:s15], $0x4000  }
0x3e: {  	[sflag:s15] =	ssyncset.done $0x0  }
0x3f: {  	[sflag:s15] =	ssyncadd.s32 $0xFFFFC000  }
0x40: {  	[spmem:s2] =	stream.indirect.scatter.add.f32 [tilespmem:s17], [sflag:$0x1], $0x80, s3, s17, $0xb8;
	[tilespmem:$0x18180] =	vst v63  }
0x41: {  	_ =	swait.ge [sflag:s15], $0x4000  }
0x42: {  	[sflag:s15] =	ssyncset.done $0x0  }
0x43: {  	[sflag:s15] =	ssyncadd.s32 $0xFFFFC000  }
0x44: {  	[tilespmem:s18], [sflag:$0x1] =	stream.linear.gather [hbm4b:s7+s3], $0x10, $0x38;
	[tilespmem:$0x18180] =	vst v63  }
0x45: {  	_ =	swait.ge [sflag:s15], $0x10  }
0x46: {  	[sflag:s15] =	ssyncset.done $0x0  }
0x47: {  	[sflag:s15] =	ssyncadd.s32 $0xFFFFFFF0  }
0x48: {  	[tilespmem:s19], [sflag:$0x1] =	stream.linear.gather [hbm4b:s8+s3], $0x800, $0x38;
	[tilespmem:$0x18180] =	vst v63  }
0x49: {  	_ =	swait.ge [sflag:s15], $0x800  }
0x4a: {  	[sflag:s15] =	ssyncset.done $0x0  }
0x4b: {  	[sflag:s15] =	ssyncadd.s32 $0xFFFFF800  }
0x4c: {  	[spmem:s2] =	stream.indirect.scatter.add.f32 [tilespmem:s19], [sflag:$0x1], $0x80, s18, s20, $0xb8;
	[tilespmem:$0x18180] =	vst v63  }
0x4d: {  	_ =	swait.ge [sflag:s15], $0x800  }
0x4e: {  	[sflag:s15] =	ssyncset.done $0x0  }
0x4f: {  	[sflag:s15] =	ssyncadd.s32 $0xFFFFF800  }
0x50: {  	[bflag:$0x0] =	sbarrier.arrive $0xFFFF  }
0x51: {  	[hbm:s9], [sflag:s5] =	dma.local [spmem:s14], $0x2700  }
0x52: {  	s21 =	sadd.s32 $0x1, s21;
	_ =	swait.ge [sflag:s15], $0x2700  }
0x53: {  	p1 =	sne.s32 s21, s11;
	[sflag:s15] =	ssyncset.done $0x0  }
.Ltmp1:
0x54: {  	s22 =	simm.s32 @!p0 $0x1;
	[sflag:s15] =	ssyncadd.s32 $0xFFFFD900;
	(pc) =	sbr.rel @p1 .LBB2_1-.Ltmp1, $4  }
0x55: {  	[hbm:s10], [sflag:s5] =	dma.local @!p0 [spmem:s16], $0x100  }
0x56: {  	_ =	swait.ge @!p0 [sflag:s22], $0x100  }
0x57: {  	[sflag:s22] =	ssyncset.done @!p0 $0x0  }
0x58: {  	[sflag:s22] =	ssyncadd.s32 @!p0 $0xFFFFFF00  }
0x59: {  	_ =	sfence.sel $0x180000  }
0x5a: {  	[bflag:$0x0] =	sbarrier.arrive $0xFFFF  }
0x5b: {  	p0 =	sne.s32 s1, $0x0;
	_ =	strace $0x90000050  }
0x5c: {  	s0 =	sadd.s32 @!p0 $0x100000, s0;
	[bflag:$0x2] =	sbarrier.arrive $0xFFFF  }
0x5d: {  	[sflag:s0] =	ssyncadd.tile.s32 @!p0 $0x1;
	_ =	shalt  }
.Lfunc_end2:
_tile_overlayer_lowered:
.L_overlay_start_2:
0x5e: {  	(tag) =	ssettag $0x2  }
0x5f: {  	s0 =	rddreg [dreg:$0x0];
	s2 =	stileid.u32  }
0x60: {  	s1 =	rddreg [dreg:$0x1];
	p0 =	sne.s32 s2, $0x0  }
0x61: {  	s3 =	rddreg [dreg:$0x2];
	[bflag:$0x3] =	sbarrier.arrive $0xFFFF;
	s2 =	simm.s32 @!p0 $0x1C01  }
0x62: {  	[timem:s3], [sflag:s2] =	dma.local @!p0 [hbm:s0], s1  }
0x63: {  	s0 =	simm.s32 @!p0 $0x1  }
0x64: {  	_ =	swait.ge @!p0 [sflag:s0], s1  }
0x65: {  	s1 =	ssub.s32 @!p0 $0x0, s1;
	[sflag:s0] =	ssyncset.done @!p0 $0x0  }
0x66: {  	[sflag:s0] =	ssyncadd.s32 @!p0 s1  }
0x67: {  	[bflag:$0x3] =	sbarrier.arrive $0xFFFF  }
0x68: {  	_ =	shalt  }

// kernel: kernel.42.cloned.1.call-start
scs
__scs_entry_jumppad:
0x0: {  	(pc) =	sbr.rel $0x88, $3  }
0x1: {  	(tag) =	ssettag $0x0;
	lr =	simm.s32 $0x1  }
0x2: {  	[smem:$0x3F51] =	sst lr;
	_ =	strace $0xD0000000  }
0x3: {  	_ = 	snop  }
0x4: {  	_ = 	snop  }
0x5: {  	_ = 	snop  }
0x6: {  	_ = 	snop  }
0x7: {  	_ = 	snop  }
__scs_overlays_trampoline_lowered:
0x8: {  	[smem:$0x3F60] =	sst s0  }
0x9: {  	[smem:$0x3F61] =	sst s1  }
0xa: {  	[smem:$0x3F62] =	sst s2  }
0xb: {  	[smem:$0x3F63] =	sst s3  }
0xc: {  	[smem:$0x3F64] =	sst s4  }
0xd: {  	[smem:$0x3F65] =	sst s5  }
0xe: {  	[smem:$0x3F66] =	sst s6  }
0xf: {  	[smem:$0x3F67] =	sst s7  }
0x10: {  	[smem:$0x3F68] =	sst s8  }
0x11: {  	[smem:$0x3F69] =	sst s9;
	s0 =	simm.s32 @!p0 $0x0  }
0x12: {  	s1 =	sld [smem:$0x3F4F];
	s0 =	simm.s32 @p0 $0x1  }
0x13: {  	[smem:$0x3F6A] =	sst s0;
	s0 =	simm.s32 @!p1 $0x0  }
0x14: {  	s2 =	sld [smem:$0x3F4E];
	s0 =	simm.s32 @p1 $0x1  }
0x15: {  	[smem:$0x3F6B] =	sst s0;
	s0 =	simm.s32 @!p2 $0x0  }
0x16: {  	s3 =	sld [smem:$0x3FDB];
	s0 =	simm.s32 @p2 $0x1  }
0x17: {  	s4 =	simm.s32 $0x1BF5;
	[smem:$0x3F6D] =	sst s0  }
0x18: {  	s0 =	sld [smem:$0x3F50];
	_ =	swait.ge [sflag:s4], $0x0  }
0x19: {  	s7 =	sld [smem:$0x3F51]  }
0x1a: {  	s8 =	sadd.s32 $0xFFFFE003, lr  }
0x1b: {  	s9 =	sadd.s32 $0xFFFFFEF7, lr;
	s5 =	simm.s32 $0xFFFFFFFF;
	p2 =	slt.u32 s8, $0xFFFFF086  }
0x1c: {  	p1 =	slt.u32 s9, $0xF7A;
	s5 =	simm.s32 @!p2 $0x0  }
0x1d: {  	s5 =	simm.s32 @p1 $0x1;
	p0 =	seq.s32 s7, s2  }
0x1e: {  	s7 =	smul.u32 @!p0 $0xF7A, s2;
	p2 =	seq.s32 @!p0 s5, $0x0  }
0x1f: {  	s9 =	smul.u32 $0xF7A, s1;
	s8 =	simm.s32 @!p0 $0x1BF5;
	p2 =	por !p2, p0  }
0x20: {  	[sflag:s8] =	ssyncset.s32 @!p0 $0xFFFFF086;
	s6 =	sadd.s32 @!p0 s3, s7;
	s7 =	simm.s32 @!p0 $0x108  }
0x21: {  	s3 =	sadd.s32 s3, s9;
	s6 =	sadd.s32 @!p0 $0x88, s6;
	s7 =	simm.s32 @p2 $0x1082  }
0x22: {  	[simem:s7], [sflag:s8] =	dma.local @!p0 [hbm:s6], $0xF7A  }
0x23: {  	s9 =	sor.u32 $0xD0000000, s2;
	s6 =	simm.s32 $0x108;
	_ =	swait.ge @!p0 [sflag:s8], $0x0  }
0x24: {  	s3 =	sadd.s32 $0x88, s3;
	s6 =	simm.s32 @!p1 $0x1082;
	[sflag:s4] =	ssyncset.s32 $0xFFFFF086  }
0x25: {  	[simem:s6], [sflag:s4] =	dma.local [hbm:s3], $0xF7A  }
0x26: {  	[smem:$0x3F51] =	sst s1;
	(tag) =	ssettag s2;
	_ =	strace s9  }
0x27: {  	s1 =	sld [smem:$0x3F61]  }
0x28: {  	s2 =	sld [smem:$0x3F62]  }
0x29: {  	s4 =	sld [smem:$0x3F64]  }
0x2a: {  	p0 =	seq.s32 s5, $0x0;
	s5 =	sld [smem:$0x3F65]  }
0x2b: {  	s6 =	sld [smem:$0x3F66]  }
0x2c: {  	s7 =	sld [smem:$0x3F67]  }
0x2d: {  	s3 =	simm.s32 $0x108;
	s8 =	sld [smem:$0x3F68]  }
0x2e: {  	s3 =	simm.s32 @!p0 $0x1082;
	s9 =	sld [smem:$0x3F69]  }
0x2f: {  	lr =	sadd.s32 s0, s3;
	s0 =	sld [smem:$0x3F60]  }
0x30: {  	s3 =	sld [smem:$0x3F63]  }
0x31: {  	[smem:$0x3F6C] =	sst s10  }
0x32: {  	s10 =	sld [smem:$0x3F6A];
	_ =	sdelay $0x3  }
0x33: {  	p0 =	seq.s32 s10, $0x1;
	s10 =	sld [smem:$0x3F6C];
	_ =	sdelay $0x3  }
0x34: {  	[smem:$0x3F6C] =	sst s10  }
0x35: {  	s10 =	sld [smem:$0x3F6B];
	_ =	sdelay $0x3  }
0x36: {  	p1 =	seq.s32 s10, $0x1;
	s10 =	sld [smem:$0x3F6C];
	_ =	sdelay $0x3  }
0x37: {  	[smem:$0x3F6C] =	sst s10  }
0x38: {  	s10 =	sld [smem:$0x3F6D]  }
0x39: {  	_ = 	snop;
	(pc) =	sbr.ind lr, $3  }
0x3a: {  	_ = 	snop  }
0x3b: {  	_ = 	snop  }
0x3c: {  	p2 =	seq.s32 s10, $0x1;
	s10 =	sld [smem:$0x3F6C]  }
0x3d: {  	_ =	shalt  }
0x3e: {  	_ =	shalt  }
0x3f: {  	_ =	shalt  }
0x40: {  	_ =	shalt  }
0x41: {  	_ =	shalt  }
0x42: {  	_ =	shalt  }
0x43: {  	_ =	shalt  }
0x44: {  	_ =	shalt  }
0x45: {  	_ =	shalt  }
0x46: {  	_ =	shalt  }
0x47: {  	_ =	shalt  }
0x48: {  	_ =	shalt  }
0x49: {  	_ =	shalt  }
0x4a: {  	_ =	shalt  }
0x4b: {  	_ =	shalt  }
0x4c: {  	_ =	shalt  }
0x4d: {  	_ =	shalt  }
0x4e: {  	_ =	shalt  }
0x4f: {  	_ =	shalt  }
0x50: {  	_ =	shalt  }
0x51: {  	_ =	shalt  }
0x52: {  	_ =	shalt  }
0x53: {  	_ =	shalt  }
0x54: {  	_ =	shalt  }
0x55: {  	_ =	shalt  }
0x56: {  	_ =	shalt  }
0x57: {  	_ =	shalt  }
0x58: {  	_ =	shalt  }
0x59: {  	_ =	shalt  }
0x5a: {  	_ =	shalt  }
0x5b: {  	_ =	shalt  }
0x5c: {  	_ =	shalt  }
0x5d: {  	_ =	shalt  }
0x5e: {  	_ =	shalt  }
0x5f: {  	_ =	shalt  }
0x60: {  	_ =	shalt  }
0x61: {  	_ =	shalt  }
0x62: {  	_ =	shalt  }
0x63: {  	_ =	shalt  }
0x64: {  	_ =	shalt  }
0x65: {  	_ =	shalt  }
0x66: {  	_ =	shalt  }
0x67: {  	_ =	shalt  }
0x68: {  	_ =	shalt  }
0x69: {  	_ =	shalt  }
0x6a: {  	_ =	shalt  }
0x6b: {  	_ =	shalt  }
0x6c: {  	_ =	shalt  }
0x6d: {  	_ =	shalt  }
0x6e: {  	_ =	shalt  }
0x6f: {  	_ =	shalt  }
0x70: {  	_ =	shalt  }
0x71: {  	_ =	shalt  }
0x72: {  	_ =	shalt  }
0x73: {  	_ =	shalt  }
0x74: {  	_ =	shalt  }
0x75: {  	_ =	shalt  }
0x76: {  	_ =	shalt  }
0x77: {  	_ =	shalt  }
0x78: {  	_ =	shalt  }
0x79: {  	_ =	shalt  }
0x7a: {  	_ =	shalt  }
0x7b: {  	_ =	shalt  }
0x7c: {  	_ =	shalt  }
0x7d: {  	_ =	shalt  }
0x7e: {  	_ =	shalt  }
0x7f: {  	_ =	shalt  }
0x80: {  	_ =	shalt  }
0x81: {  	_ =	shalt  }
0x82: {  	_ =	shalt  }
0x83: {  	_ =	shalt  }
0x84: {  	_ =	shalt  }
0x85: {  	_ =	shalt  }
0x86: {  	_ =	shalt  }
0x87: {  	_ =	shalt  }
.Lfunc_end0:
.L_simem_size_0:
called_computation.4_lowered:
.L_overlay_start_0:
0x88: {  	s2 =	sld [smem:$0x3FD9]  }
0x89: {  	s3 =	sld [smem:$0x3FFE];
	_ =	sdelay $0x1  }
0x8a: {  	s1 =	srdreg.scid  }
0x8b: {  	s0 =	sand.u32 $0x1, s1  }
0x8c: {  	s16 =	sshll.u32 s0, $0xA;
	s2 =	sadd.s32 s3, s2  }
0x8d: {  	s2 =	sadd.s32 s2, s16  }
0x8e: {  	[smem:$0x3F78] =	sst s2  }
0x8f: {  	_ = 	snop  }
0x90: {  	(tm) =	ssettm $0x1  }
0x91: {  	s17 =	sld [smem:$0x3FFB];
	_ =	sdelay $0x3  }
0x92: {  	_ =	strace s17  }
0x93: {  	s2 =	sld [smem:$0x3FFC];
	_ =	sdelay $0x3  }
0x94: {  	_ =	strace s2  }
0x95: {  	s2 =	sld [smem:$0x3FFD];
	_ =	sdelay $0x3  }
0x96: {  	_ =	strace s2  }
0x97: {  	_ =	strace $0x8FFFFFFF  }
0x98: {  	s18 =	sld [smem:$0x3FDB];
	_ =	sdelay $0x1  }
0x99: {  	s19 =	simm.s32 $_scs_section_size  }
0x9a: {  	s4 =	simm.s32 $_size__tile_overlayer_lowered;
	s5 =	simm.s32 $_tile_overlayer_lowered  }
0x9b: {  	s22 =	simm.s32 $0x1BFF;
	s21 =	sshll.u32 s5, $0x1;
	s2 =	sadd.s32 s19, s18  }
0x9c: {  	s6 =	simm.s32 $0x0;
	s20 =	sshll.u32 s4, $0x1;
	s4 =	sadd.s32 s21, s2  }
0x9d: {  	[timem:s6], [sflag:s22] =	dma.local [hbm:s4], s20  }
0x9e: {  	_ =	swait.ge [sflag:s22], s20  }
0x9f: {  	s3 =	ssub.s32 $0x0, s20;
	[sflag:s22] =	ssyncset.done $0x0  }
0xa0: {  	[sflag:s22] =	ssyncadd.s32 s3;
	_ =	sdelay $0x1  }
0xa1: {  	s23 =	simm.s32 $0x1B8B  }
0xa2: {  	_ =	swait.ge [sflag:s23], $0x1  }
0xa3: {  	[sflag:s23] =	ssyncset.done $0x0  }
0xa4: {  	s25 =	simm.s32 $0x1B8E;
	s24 =	sld [smem:$0x3FFE];
	[sflag:s23] =	ssyncadd.s32 $0xFFFFFFFF  }
0xa5: {  	s26 =	simm.s32 $execute0_lowered;
	[smem:$0x3FD2] =	sst s25  }
0xa6: {  	s4 =	sshll.u32 s26, $0x1;
	_ =	strace $0x80000052;
	[dreg:$0x1] =	wrdreg $0xFFFFFFFF  }
0xa7: {  	s28 =	simm.s32 $_size_execute0_lowered;
	s2 =	sadd.s32 s2, s4;
	[dreg:$0x0] =	wrdreg $0x0  }
0xa8: {  	s4 =	sshll.u32 s28, $0x1;
	[dreg:$0x2] =	wrdreg s2  }
0xa9: {  	[dreg:$0x3] =	wrdreg s4  }
0xaa: {  	[dreg:$0x4] =	wrdreg $0xC0  }
0xab: {  	_ =	task [dreg:s6], $0x5FFFF  }
0xac: {  	[dreg:$0x1] =	wrdreg $0xFFFFFFFF  }
0xad: {  	[dreg:$0x0] =	wrdreg $0x60  }
0xae: {  	[dreg:$0x2] =	wrdreg s24  }
0xaf: {  	[dreg:$0x3] =	wrdreg $0x9  }
0xb0: {  	_ =	task.clear_ibuf [dreg:s6], $0x4FFFF;
	_ =	strace $0x90000052  }
0xb1: {  	s29 =	simm.s32 $0x9;
	_ =	strace $0x80000054  }
0xb2: {  	_ =	swait.ge [sflag:s29], $0x1  }
0xb3: {  	[sflag:s29] =	ssyncadd.s32 $0xFFFFFFFF  }
0xb4: {  	_ =	strace $0x90000054  }
0xb5: {  	_ =	sfence  }
0xb6: {  	s30 =	sld [smem:$0x0];
	_ =	sdelay $0x2  }
0xb7: {  	s31 =	sshll.u32 s1, $0xD;
	s1 =	sshrl.u32 s1, $0x2  }
0xb8: {  	s3 =	sand.u32 $0x4000, s31;
	s1 =	sadd.s32 s1, s30  }
0xb9: {  	s0 =	sor.u32 s3, s0;
	s1 =	sshll.u32 s1, $0x11  }
0xba: {  	s0 =	sor.u32 s1, s0  }
0xbb: {  	s0 =	sadd.s32 $0x8F2B, s0  }
0xbc: {  	[sflag:s0] =	ssyncadd.remote.s32 $0x1  }
0xbd: {  	_ =	sfence.sel $0xFFFF  }
0xbe: {  	[dreg:$0x0] =	wrdreg $0xFFFFFFFF;
	(pc) =	sbr.abs _section_cstart, $3  }
0xbf: {  	[dreg:$0x1] =	wrdreg $0xFFFFFFFF  }
0xc0: {  	_ =	task.clear_ibuf [dreg:s6], $0x2FFFF;
	_ =	strace $0x9FFFFFFF  }
0xc1: {  	(tm) =	ssettm $0x7FFFFFFF  }
tec
execute0_lowered:
.L_overlay_start_1:
0x0: {  	(tag) =	ssettag $0x1  }
0x1: {  	s5 =	rddreg [dreg:$0x0]  }
0x2: {  	s0 =	rddreg [dreg:$0x1];
	s3 =	srdreg.scid  }
0x3: {  	s1 =	stileid.u32;
	s2 =	simm.s32 $0x0;
	s17 =	simm.s32 $0x4180  }
0x4: {  	s18 =	simm.s32 $0x10;
	s19 =	simm.s32 $0x4200;
	s20 =	simm.s32 $0x0  }
0x5: {  	s8 =	sand.u32 $0x1, s3;
	s26 =	sshll.u32 s1, $0x1;
	[smem:$0x7FF] =	sst s2  }
0x6: {  	s3 =	sadd.s32 $0x9AC00, s5;
	s11 =	sadd.s32 $0x11A00, s5;
	s13 =	smul.u32 $0x4E20, s1  }
0x7: {  	s10 =	sadd.s32 $0x1B800, s5;
	s9 =	sadd.s32 $0xE9000, s5;
	s30 =	smul.u32 $0x4E200, s1  }
0x8: {  	s4 =	sor.u32 s8, s26;
	s28 =	ssub.s32 $0x2, s8;
	s15 =	smul.u32 $0x2710, s8  }
0x9: {  	_ =	strace $0x80000053;
	s6 =	smul.u32 $0x2710, s4;
	s29 =	sshrl.u32 s28, $0x1  }
0xa: {  	s16 =	smul.u32 $0x27100, s8;
	s4 =	sadd.s32 $0xC1E00, s5;
	s14 =	ssub.s32 s28, s29  }
0xb: {  	s13 =	sadd.s32 s15, s13;
	s15 =	simm.s32 $0x1;
	s7 =	sadd.s32 $0x2700, s6  }
0xc: {  	s8 =	smax.u32 s14, $0x1;
	s31 =	sshrl.u32 s13, $0x3;
	s13 =	simm.s32 $0x80  }
0xd: {  	s14 =	simm.s32 $0x100;
	s12 =	sshrl.u32 s7, $0x3;
	s7 =	sshll.u32 s7, $0x4  }
0xe: {  	s5 =	sadd.s32 s11, s12;
	s6 =	sadd.s32 s10, s12;
	s7 =	sadd.s32 s9, s7  }
0xf: {  	s9 =	sadd.s32 s30, s9;
	s10 =	sadd.s32 s31, s10;
	s11 =	sadd.s32 s31, s11  }
0x10: {  	s12 =	simm.s32 $0x2;
	s9 =	sadd.s32 s16, s9;
	s16 =	simm.s32 $0x4100  }
.LBB2_1:
0x11: {  	s21 =	sadd.s32 $0x0, s11  }
0x12: {  	[tilespmem:s2], [sflag:$0x2] =	stream.linear.gather [hbm4b:s21+s2], $0x80, $0x38;
	[tilespmem:$0x4A00] =	vst v63  }
0x13: {  	_ =	swait.ge [sflag:s12], $0x80  }
0x14: {  	[sflag:s12] =	ssyncset.done $0x0  }
0x15: {  	s31 =	sadd.s32 $0x0, s10;
	[sflag:s12] =	ssyncadd.s32 $0xFFFFFF80  }
0x16: {  	[tilespmem:s13], [sflag:$0x2] =	stream.linear.gather [hbm4b:s31+s2], $0x80, $0x38;
	[tilespmem:$0x4A00] =	vst v63  }
0x17: {  	_ =	swait.ge [sflag:s12], $0x80  }
0x18: {  	[sflag:s12] =	ssyncset.done $0x0  }
0x19: {  	[sflag:s12] =	ssyncadd.s32 $0xFFFFFF80  }
0x1a: {  	[tilespmem:s14], [sflag:$0x1] =	stream.indirect.gather [hbm4b:s3+s13], $0x80, s2, s13, $0xb8;
	[tilespmem:$0x4A00] =	vst v63  }
0x1b: {  	_ =	swait.ge [sflag:s15], $0x4000  }
0x1c: {  	[sflag:s15] =	ssyncset.done $0x0  }
0x1d: {  	[sflag:s15] =	ssyncadd.s32 $0xFFFFC000  }
0x1e: {  	[tilespmem:s14], [sflag:$0x1] =	stream.indirect.gather.add.f32 [hbm:s4], $0x80, s13, s13, $0xb8;
	[tilespmem:$0x4A00] =	vst v63  }
0x1f: {  	_ =	swait.ge [sflag:s15], $0x4000  }
0x20: {  	[sflag:s15] =	ssyncset.done $0x0  }
0x21: {  	[sflag:s15] =	ssyncadd.s32 $0xFFFFC000  }
0x22: {  	[hbm4b:s9+s2] =	stream.linear.scatter [tilespmem:s14], [sflag:$0x2], $0x4000, $0x38;
	[tilespmem:$0x4A00] =	vst v63  }
0x23: {  	s22 =	simm.s32 $0x10;
	_ =	swait.ge [sflag:s12], $0x4000  }
0x24: {  	s23 =	simm.s32 $0x20;
	s21 =	sadd.s32 $0x800, s9;
	[sflag:s12] =	ssyncset.done $0x0  }
.LBB2_2:
0x25: {  	s24 =	sadd.s32 s22, s11  }
0x26: {  	[sflag:s12] =	ssyncadd.s32 $0xFFFFC000;
	s25 =	smov.u32 s23;
	s26 =	sadd.s32 $0x10, s23  }
0x27: {  	[tilespmem:s2], [sflag:$0x2] =	stream.linear.gather [hbm4b:s24+s2], $0x80, $0x38;
	[tilespmem:$0x4A00] =	vst v63  }
0x28: {  	p0 =	sne.s32 s23, $0x4D0;
	_ =	swait.ge [sflag:s12], $0x80  }
0x29: {  	[sflag:s12] =	ssyncset.done $0x0  }
0x2a: {  	s23 =	sadd.s32 s22, s10;
	s22 =	smov.u32 s25;
	[sflag:s12] =	ssyncadd.s32 $0xFFFFFF80  }
0x2b: {  	[tilespmem:s13], [sflag:$0x2] =	stream.linear.gather [hbm4b:s23+s2], $0x80, $0x38;
	[tilespmem:$0x4A00] =	vst v63  }
0x2c: {  	_ =	swait.ge [sflag:s12], $0x80  }
0x2d: {  	[sflag:s12] =	ssyncset.done $0x0  }
0x2e: {  	[sflag:s12] =	ssyncadd.s32 $0xFFFFFF80  }
0x2f: {  	[tilespmem:s14], [sflag:$0x1] =	stream.indirect.gather [hbm4b:s3+s13], $0x80, s2, s13, $0xb8;
	[tilespmem:$0x4A00] =	vst v63  }
0x30: {  	_ =	swait.ge [sflag:s15], $0x4000  }
0x31: {  	[sflag:s15] =	ssyncset.done $0x0  }
0x32: {  	[sflag:s15] =	ssyncadd.s32 $0xFFFFC000  }
0x33: {  	[tilespmem:s14], [sflag:$0x1] =	stream.indirect.gather.add.f32 [hbm:s4], $0x80, s13, s13, $0xb8;
	[tilespmem:$0x4A00] =	vst v63  }
0x34: {  	_ =	swait.ge [sflag:s15], $0x4000  }
.Ltmp0:
0x35: {  	[sflag:s15] =	ssyncset.done $0x0;
	(pc) =	sbr.rel @p0 .LBB2_2-.Ltmp0, $4  }
0x36: {  	[sflag:s15] =	ssyncadd.s32 $0xFFFFC000  }
0x37: {  	[hbm4b:s21+s2] =	stream.linear.scatter [tilespmem:s14], [sflag:$0x2], $0x4000, $0x38;
	[tilespmem:$0x4A00] =	vst v63  }
0x38: {  	_ =	swait.ge [sflag:s12], $0x4000  }
0x39: {  	s23 =	smov.u32 s26;
	s21 =	sadd.s32 $0x800, s21;
	[sflag:s12] =	ssyncset.done $0x0  }
0x3a: {  	s23 =	sadd.s32 s22, s11;
	[sflag:s12] =	ssyncadd.s32 $0xFFFFC000  }
0x3b: {  	[tilespmem:s2], [sflag:$0x2] =	stream.linear.gather [hbm4b:s23+s2], $0x80, $0x38;
	[tilespmem:$0x4A00] =	vst v63  }
0x3c: {  	_ =	swait.ge [sflag:s12], $0x80  }
0x3d: {  	[sflag:s12] =	ssyncset.done $0x0  }
0x3e: {  	s31 =	sadd.s32 s22, s10;
	[sflag:s12] =	ssyncadd.s32 $0xFFFFFF80  }
0x3f: {  	[tilespmem:s13], [sflag:$0x2] =	stream.linear.gather [hbm4b:s31+s2], $0x80, $0x38;
	[tilespmem:$0x4A00] =	vst v63  }
0x40: {  	_ =	swait.ge [sflag:s12], $0x80  }
0x41: {  	[sflag:s12] =	ssyncset.done $0x0  }
0x42: {  	[sflag:s12] =	ssyncadd.s32 $0xFFFFFF80  }
0x43: {  	[tilespmem:s14], [sflag:$0x1] =	stream.indirect.gather [hbm4b:s3+s13], $0x80, s2, s13, $0xb8;
	[tilespmem:$0x4A00] =	vst v63  }
0x44: {  	_ =	swait.ge [sflag:s15], $0x4000  }
0x45: {  	[sflag:s15] =	ssyncset.done $0x0  }
0x46: {  	[sflag:s15] =	ssyncadd.s32 $0xFFFFC000  }
0x47: {  	[tilespmem:s14], [sflag:$0x1] =	stream.indirect.gather.add.f32 [hbm:s4], $0x80, s13, s13, $0xb8;
	[tilespmem:$0x4A00] =	vst v63  }
0x48: {  	_ =	swait.ge [sflag:s15], $0x4000  }
0x49: {  	[sflag:s15] =	ssyncset.done $0x0  }
0x4a: {  	[sflag:s15] =	ssyncadd.s32 $0xFFFFC000  }
0x4b: {  	[hbm4b:s21+s2] =	stream.linear.scatter [tilespmem:s14], [sflag:$0x2], $0x4000, $0x38;
	[tilespmem:$0x4A00] =	vst v63  }
0x4c: {  	_ =	swait.ge [sflag:s12], $0x4000  }
0x4d: {  	[sflag:s12] =	ssyncset.done $0x0  }
0x4e: {  	[sflag:s12] =	ssyncadd.s32 $0xFFFFC000  }
0x4f: {  	[tilespmem:s16], [sflag:$0x2] =	stream.linear.gather [hbm4b:s5+s2], $0x10, $0x38;
	[tilespmem:$0x4A00] =	vst v63  }
0x50: {  	_ =	swait.ge [sflag:s12], $0x10  }
0x51: {  	[sflag:s12] =	ssyncset.done $0x0  }
0x52: {  	[sflag:s12] =	ssyncadd.s32 $0xFFFFFFF0  }
0x53: {  	[tilespmem:s17], [sflag:$0x2] =	stream.linear.gather [hbm4b:s6+s2], $0x10, $0x38;
	[tilespmem:$0x4A00] =	vst v63  }
0x54: {  	_ =	swait.ge [sflag:s12], $0x10  }
0x55: {  	[sflag:s12] =	ssyncset.done $0x0  }
0x56: {  	[sflag:s12] =	ssyncadd.s32 $0xFFFFFFF0  }
0x57: {  	[tilespmem:s19], [sflag:$0x1] =	stream.indirect.gather [hbm4b:s3+s18], $0x80, s16, s18, $0xb8;
	[tilespmem:$0x4A00] =	vst v63  }
0x58: {  	_ =	swait.ge [sflag:s15], $0x800  }
0x59: {  	[sflag:s15] =	ssyncset.done $0x0  }
0x5a: {  	[sflag:s15] =	ssyncadd.s32 $0xFFFFF800  }
0x5b: {  	[tilespmem:s19], [sflag:$0x1] =	stream.indirect.gather.add.f32 [hbm:s4], $0x80, s17, s18, $0xb8;
	[tilespmem:$0x4A00] =	vst v63  }
0x5c: {  	s20 =	sadd.s32 $0x1, s20;
	_ =	swait.ge [sflag:s15], $0x800  }
0x5d: {  	p0 =	sne.s32 s20, s8;
	[sflag:s15] =	ssyncset.done $0x0  }
.Ltmp1:
0x5e: {  	[sflag:s15] =	ssyncadd.s32 $0xFFFFF800;
	(pc) =	sbr.rel @p0 .LBB2_1-.Ltmp1, $4  }
0x5f: {  	[hbm4b:s7+s2] =	stream.linear.scatter [tilespmem:s19], [sflag:$0x2], $0x800, $0x38;
	[tilespmem:$0x4A00] =	vst v63  }
0x60: {  	_ =	swait.ge [sflag:s12], $0x800  }
0x61: {  	[sflag:s12] =	ssyncset.done $0x0  }
0x62: {  	[sflag:s12] =	ssyncadd.s32 $0xFFFFF800  }
0x63: {  	_ =	sfence.sel $0x180000  }
0x64: {  	[bflag:$0x0] =	sbarrier.arrive $0xFFFF  }
0x65: {  	p0 =	sne.s32 s1, $0x0;
	_ =	strace $0x90000053  }
0x66: {  	s0 =	sadd.s32 @!p0 $0x100000, s0;
	[bflag:$0x2] =	sbarrier.arrive $0xFFFF  }
0x67: {  	[sflag:s0] =	ssyncadd.tile.s32 @!p0 $0x1;
	_ =	shalt  }
.Lfunc_end2:
_tile_overlayer_lowered:
.L_overlay_start_2:
0x68: {  	(tag) =	ssettag $0x2  }
0x69: {  	s0 =	rddreg [dreg:$0x0];
	s2 =	stileid.u32  }
0x6a: {  	s1 =	rddreg [dreg:$0x1];
	p0 =	sne.s32 s2, $0x0  }
0x6b: {  	s3 =	rddreg [dreg:$0x2];
	[bflag:$0x3] =	sbarrier.arrive $0xFFFF;
	s2 =	simm.s32 @!p0 $0x1C02  }
0x6c: {  	[timem:s3], [sflag:s2] =	dma.local @!p0 [hbm:s0], s1  }
0x6d: {  	s0 =	simm.s32 @!p0 $0x2  }
0x6e: {  	_ =	swait.ge @!p0 [sflag:s0], s1  }
0x6f: {  	s1 =	ssub.s32 @!p0 $0x0, s1;
	[sflag:s0] =	ssyncset.done @!p0 $0x0  }
0x70: {  	[sflag:s0] =	ssyncadd.s32 @!p0 s1  }
0x71: {  	[bflag:$0x3] =	sbarrier.arrive $0xFFFF  }
0x72: {  	_ =	shalt  }

// kernel: kernel.45.cloned.1.call-start
scs
__scs_entry_jumppad:
0x0: {  	(pc) =	sbr.rel $0x88, $3  }
0x1: {  	(tag) =	ssettag $0x0;
	lr =	simm.s32 $0x1  }
0x2: {  	[smem:$0x3F51] =	sst lr;
	_ =	strace $0xD0000000  }
0x3: {  	_ = 	snop  }
0x4: {  	_ = 	snop  }
0x5: {  	_ = 	snop  }
0x6: {  	_ = 	snop  }
0x7: {  	_ = 	snop  }
__scs_overlays_trampoline_lowered:
0x8: {  	[smem:$0x3F60] =	sst s0  }
0x9: {  	[smem:$0x3F61] =	sst s1  }
0xa: {  	[smem:$0x3F62] =	sst s2  }
0xb: {  	[smem:$0x3F63] =	sst s3  }
0xc: {  	[smem:$0x3F64] =	sst s4  }
0xd: {  	[smem:$0x3F65] =	sst s5  }
0xe: {  	[smem:$0x3F66] =	sst s6  }
0xf: {  	[smem:$0x3F67] =	sst s7  }
0x10: {  	[smem:$0x3F68] =	sst s8  }
0x11: {  	[smem:$0x3F69] =	sst s9;
	s0 =	simm.s32 @!p0 $0x0  }
0x12: {  	s1 =	sld [smem:$0x3F4F];
	s0 =	simm.s32 @p0 $0x1  }
0x13: {  	[smem:$0x3F6A] =	sst s0;
	s0 =	simm.s32 @!p1 $0x0  }
0x14: {  	s2 =	sld [smem:$0x3F4E];
	s0 =	simm.s32 @p1 $0x1  }
0x15: {  	[smem:$0x3F6B] =	sst s0;
	s0 =	simm.s32 @!p2 $0x0  }
0x16: {  	s3 =	sld [smem:$0x3FDB];
	s0 =	simm.s32 @p2 $0x1  }
0x17: {  	s4 =	simm.s32 $0x1BF5;
	[smem:$0x3F6D] =	sst s0  }
0x18: {  	s0 =	sld [smem:$0x3F50];
	_ =	swait.ge [sflag:s4], $0x0  }
0x19: {  	s7 =	sld [smem:$0x3F51]  }
0x1a: {  	s8 =	sadd.s32 $0xFFFFE003, lr  }
0x1b: {  	s9 =	sadd.s32 $0xFFFFFEF7, lr;
	s5 =	simm.s32 $0xFFFFFFFF;
	p2 =	slt.u32 s8, $0xFFFFF086  }
0x1c: {  	p1 =	slt.u32 s9, $0xF7A;
	s5 =	simm.s32 @!p2 $0x0  }
0x1d: {  	s5 =	simm.s32 @p1 $0x1;
	p0 =	seq.s32 s7, s2  }
0x1e: {  	s7 =	smul.u32 @!p0 $0xF7A, s2;
	p2 =	seq.s32 @!p0 s5, $0x0  }
0x1f: {  	s9 =	smul.u32 $0xF7A, s1;
	s8 =	simm.s32 @!p0 $0x1BF5;
	p2 =	por !p2, p0  }
0x20: {  	[sflag:s8] =	ssyncset.s32 @!p0 $0xFFFFF086;
	s6 =	sadd.s32 @!p0 s3, s7;
	s7 =	simm.s32 @!p0 $0x108  }
0x21: {  	s3 =	sadd.s32 s3, s9;
	s6 =	sadd.s32 @!p0 $0x88, s6;
	s7 =	simm.s32 @p2 $0x1082  }
0x22: {  	[simem:s7], [sflag:s8] =	dma.local @!p0 [hbm:s6], $0xF7A  }
0x23: {  	s9 =	sor.u32 $0xD0000000, s2;
	s6 =	simm.s32 $0x108;
	_ =	swait.ge @!p0 [sflag:s8], $0x0  }
0x24: {  	s3 =	sadd.s32 $0x88, s3;
	s6 =	simm.s32 @!p1 $0x1082;
	[sflag:s4] =	ssyncset.s32 $0xFFFFF086  }
0x25: {  	[simem:s6], [sflag:s4] =	dma.local [hbm:s3], $0xF7A  }
0x26: {  	[smem:$0x3F51] =	sst s1;
	(tag) =	ssettag s2;
	_ =	strace s9  }
0x27: {  	s1 =	sld [smem:$0x3F61]  }
0x28: {  	s2 =	sld [smem:$0x3F62]  }
0x29: {  	s4 =	sld [smem:$0x3F64]  }
0x2a: {  	p0 =	seq.s32 s5, $0x0;
	s5 =	sld [smem:$0x3F65]  }
0x2b: {  	s6 =	sld [smem:$0x3F66]  }
0x2c: {  	s7 =	sld [smem:$0x3F67]  }
0x2d: {  	s3 =	simm.s32 $0x108;
	s8 =	sld [smem:$0x3F68]  }
0x2e: {  	s3 =	simm.s32 @!p0 $0x1082;
	s9 =	sld [smem:$0x3F69]  }
0x2f: {  	lr =	sadd.s32 s0, s3;
	s0 =	sld [smem:$0x3F60]  }
0x30: {  	s3 =	sld [smem:$0x3F63]  }
0x31: {  	[smem:$0x3F6C] =	sst s10  }
0x32: {  	s10 =	sld [smem:$0x3F6A];
	_ =	sdelay $0x3  }
0x33: {  	p0 =	seq.s32 s10, $0x1;
	s10 =	sld [smem:$0x3F6C];
	_ =	sdelay $0x3  }
0x34: {  	[smem:$0x3F6C] =	sst s10  }
0x35: {  	s10 =	sld [smem:$0x3F6B];
	_ =	sdelay $0x3  }
0x36: {  	p1 =	seq.s32 s10, $0x1;
	s10 =	sld [smem:$0x3F6C];
	_ =	sdelay $0x3  }
0x37: {  	[smem:$0x3F6C] =	sst s10  }
0x38: {  	s10 =	sld [smem:$0x3F6D]  }
0x39: {  	_ = 	snop;
	(pc) =	sbr.ind lr, $3  }
0x3a: {  	_ = 	snop  }
0x3b: {  	_ = 	snop  }
0x3c: {  	p2 =	seq.s32 s10, $0x1;
	s10 =	sld [smem:$0x3F6C]  }
0x3d: {  	_ =	shalt  }
0x3e: {  	_ =	shalt  }
0x3f: {  	_ =	shalt  }
0x40: {  	_ =	shalt  }
0x41: {  	_ =	shalt  }
0x42: {  	_ =	shalt  }
0x43: {  	_ =	shalt  }
0x44: {  	_ =	shalt  }
0x45: {  	_ =	shalt  }
0x46: {  	_ =	shalt  }
0x47: {  	_ =	shalt  }
0x48: {  	_ =	shalt  }
0x49: {  	_ =	shalt  }
0x4a: {  	_ =	shalt  }
0x4b: {  	_ =	shalt  }
0x4c: {  	_ =	shalt  }
0x4d: {  	_ =	shalt  }
0x4e: {  	_ =	shalt  }
0x4f: {  	_ =	shalt  }
0x50: {  	_ =	shalt  }
0x51: {  	_ =	shalt  }
0x52: {  	_ =	shalt  }
0x53: {  	_ =	shalt  }
0x54: {  	_ =	shalt  }
0x55: {  	_ =	shalt  }
0x56: {  	_ =	shalt  }
0x57: {  	_ =	shalt  }
0x58: {  	_ =	shalt  }
0x59: {  	_ =	shalt  }
0x5a: {  	_ =	shalt  }
0x5b: {  	_ =	shalt  }
0x5c: {  	_ =	shalt  }
0x5d: {  	_ =	shalt  }
0x5e: {  	_ =	shalt  }
0x5f: {  	_ =	shalt  }
0x60: {  	_ =	shalt  }
0x61: {  	_ =	shalt  }
0x62: {  	_ =	shalt  }
0x63: {  	_ =	shalt  }
0x64: {  	_ =	shalt  }
0x65: {  	_ =	shalt  }
0x66: {  	_ =	shalt  }
0x67: {  	_ =	shalt  }
0x68: {  	_ =	shalt  }
0x69: {  	_ =	shalt  }
0x6a: {  	_ =	shalt  }
0x6b: {  	_ =	shalt  }
0x6c: {  	_ =	shalt  }
0x6d: {  	_ =	shalt  }
0x6e: {  	_ =	shalt  }
0x6f: {  	_ =	shalt  }
0x70: {  	_ =	shalt  }
0x71: {  	_ =	shalt  }
0x72: {  	_ =	shalt  }
0x73: {  	_ =	shalt  }
0x74: {  	_ =	shalt  }
0x75: {  	_ =	shalt  }
0x76: {  	_ =	shalt  }
0x77: {  	_ =	shalt  }
0x78: {  	_ =	shalt  }
0x79: {  	_ =	shalt  }
0x7a: {  	_ =	shalt  }
0x7b: {  	_ =	shalt  }
0x7c: {  	_ =	shalt  }
0x7d: {  	_ =	shalt  }
0x7e: {  	_ =	shalt  }
0x7f: {  	_ =	shalt  }
0x80: {  	_ =	shalt  }
0x81: {  	_ =	shalt  }
0x82: {  	_ =	shalt  }
0x83: {  	_ =	shalt  }
0x84: {  	_ =	shalt  }
0x85: {  	_ =	shalt  }
0x86: {  	_ =	shalt  }
0x87: {  	_ =	shalt  }
.Lfunc_end0:
.L_simem_size_0:
called_computation.5_lowered:
.L_overlay_start_0:
0x88: {  	s2 =	sld [smem:$0x3FD9]  }
0x89: {  	s3 =	sld [smem:$0x3FFE];
	_ =	sdelay $0x1  }
0x8a: {  	s1 =	srdreg.scid  }
0x8b: {  	s0 =	sand.u32 $0x1, s1  }
0x8c: {  	s16 =	sshll.u32 s0, $0xA;
	s2 =	sadd.s32 s3, s2  }
0x8d: {  	s2 =	sadd.s32 s2, s16  }
0x8e: {  	[smem:$0x3F78] =	sst s2  }
0x8f: {  	_ = 	snop  }
0x90: {  	(tm) =	ssettm $0x1  }
0x91: {  	s17 =	sld [smem:$0x3FFB];
	_ =	sdelay $0x3  }
0x92: {  	_ =	strace s17  }
0x93: {  	s2 =	sld [smem:$0x3FFC];
	_ =	sdelay $0x3  }
0x94: {  	_ =	strace s2  }
0x95: {  	s2 =	sld [smem:$0x3FFD];
	_ =	sdelay $0x3  }
0x96: {  	_ =	strace s2  }
0x97: {  	_ =	strace $0x8FFFFFFF  }
0x98: {  	s18 =	sld [smem:$0x3FDB];
	_ =	sdelay $0x1  }
0x99: {  	s19 =	simm.s32 $_scs_section_size  }
0x9a: {  	s4 =	simm.s32 $_size__tile_overlayer_lowered;
	s5 =	simm.s32 $_tile_overlayer_lowered  }
0x9b: {  	s22 =	simm.s32 $0x1BFF;
	s21 =	sshll.u32 s5, $0x1;
	s2 =	sadd.s32 s19, s18  }
0x9c: {  	s6 =	simm.s32 $0x0;
	s20 =	sshll.u32 s4, $0x1;
	s4 =	sadd.s32 s21, s2  }
0x9d: {  	[timem:s6], [sflag:s22] =	dma.local [hbm:s4], s20  }
0x9e: {  	_ =	swait.ge [sflag:s22], s20  }
0x9f: {  	s3 =	ssub.s32 $0x0, s20;
	[sflag:s22] =	ssyncset.done $0x0  }
0xa0: {  	[sflag:s22] =	ssyncadd.s32 s3;
	_ =	sdelay $0x1  }
0xa1: {  	s23 =	simm.s32 $0x1B8B  }
0xa2: {  	_ =	swait.ge [sflag:s23], $0x1  }
0xa3: {  	[sflag:s23] =	ssyncset.done $0x0  }
0xa4: {  	s25 =	simm.s32 $0x1B8E;
	s24 =	sld [smem:$0x3FFE];
	[sflag:s23] =	ssyncadd.s32 $0xFFFFFFFF  }
0xa5: {  	s26 =	simm.s32 $execute0_lowered;
	[smem:$0x3FD2] =	sst s25  }
0xa6: {  	s4 =	sshll.u32 s26, $0x1;
	_ =	strace $0x80000055;
	[dreg:$0x1] =	wrdreg $0xFFFFFFFF  }
0xa7: {  	s28 =	simm.s32 $_size_execute0_lowered;
	s2 =	sadd.s32 s2, s4;
	[dreg:$0x0] =	wrdreg $0x0  }
0xa8: {  	s4 =	sshll.u32 s28, $0x1;
	[dreg:$0x2] =	wrdreg s2  }
0xa9: {  	[dreg:$0x3] =	wrdreg s4  }
0xaa: {  	[dreg:$0x4] =	wrdreg $0xC0  }
0xab: {  	_ =	task [dreg:s6], $0x5FFFF  }
0xac: {  	[dreg:$0x1] =	wrdreg $0xFFFFFFFF  }
0xad: {  	[dreg:$0x0] =	wrdreg $0x60  }
0xae: {  	[dreg:$0x2] =	wrdreg s24  }
0xaf: {  	[dreg:$0x3] =	wrdreg $0x49000  }
0xb0: {  	[dreg:$0x4] =	wrdreg $0x9  }
0xb1: {  	_ =	task.clear_ibuf [dreg:s6], $0x5FFFF;
	_ =	strace $0x90000055  }
0xb2: {  	s29 =	simm.s32 $0x9;
	_ =	strace $0x80000057  }
0xb3: {  	_ =	swait.ge [sflag:s29], $0x1  }
0xb4: {  	[sflag:s29] =	ssyncadd.s32 $0xFFFFFFFF  }
0xb5: {  	_ =	strace $0x90000057  }
0xb6: {  	_ =	sfence  }
0xb7: {  	s30 =	sld [smem:$0x0];
	_ =	sdelay $0x2  }
0xb8: {  	s31 =	sshll.u32 s1, $0xD;
	s1 =	sshrl.u32 s1, $0x2  }
0xb9: {  	s3 =	sand.u32 $0x4000, s31;
	s1 =	sadd.s32 s1, s30  }
0xba: {  	s0 =	sor.u32 s3, s0;
	s1 =	sshll.u32 s1, $0x11  }
0xbb: {  	s0 =	sor.u32 s1, s0  }
0xbc: {  	s0 =	sadd.s32 $0x8F2B, s0  }
0xbd: {  	[sflag:s0] =	ssyncadd.remote.s32 $0x1  }
0xbe: {  	_ =	sfence.sel $0xFFFF  }
0xbf: {  	[dreg:$0x0] =	wrdreg $0xFFFFFFFF;
	(pc) =	sbr.abs _section_cstart, $3  }
0xc0: {  	[dreg:$0x1] =	wrdreg $0xFFFFFFFF  }
0xc1: {  	_ =	task.clear_ibuf [dreg:s6], $0x2FFFF;
	_ =	strace $0x9FFFFFFF  }
0xc2: {  	(tm) =	ssettm $0x7FFFFFFF  }
0xc3: {  	_ =	shalt  }
tec
execute0_lowered:
.L_overlay_start_1:
0x0: {  	(tag) =	ssettag $0x1  }
0x1: {  	s6 =	rddreg [dreg:$0x0]  }
0x2: {  	s2 =	rddreg [dreg:$0x1]  }
0x3: {  	s0 =	rddreg [dreg:$0x2];
	s3 =	simm.s32 $0x0  }
0x4: {  	s1 =	stileid.u32;
	s4 =	srdreg.scid;
	s21 =	simm.s32 $0x0  }
0x5: {  	[smem:$0x7FF] =	sst s3;
	s9 =	smul.u32 $0x2700, s1;
	s11 =	sadd.s32 $0x5CB000, s6  }
0x6: {  	s13 =	sadd.s32 $0x1B800, s6;
	s10 =	sand.u32 $0x1, s4;
	s8 =	smul.u32 $0x4E000, s1  }
0x7: {  	s7 =	sshll.u32 s1, $0x1;
	s12 =	sadd.s32 $0x9AC00, s6;
	s20 =	smul.u32 $0x4E20, s1  }
0x8: {  	s26 =	sshll.u32 s1, $0x6;
	s16 =	sadd.s32 $0x138000, s2;
	s29 =	smul.u32 $0x4E200, s1  }
0x9: {  	p0 =	sne.s32 s1, $0xF;
	_ =	strace $0x80000056;
	s17 =	smul.u32 $0x27100, s10  }
0xa: {  	s4 =	ssub.s32 $0x2, s10;
	s7 =	sor.u32 s10, s7;
	s18 =	smul.u32 $0x138800, s10  }
0xb: {  	s10 =	smul.u32 $0x2710, s10;
	s16 =	sshrl.u32 @!p0 s16, $0x3;
	s5 =	sadd.s32 s9, s6  }
0xc: {  	s14 =	sshrl.u32 s4, $0x1;
	s7 =	smul.u32 $0x2710, s7;
	s25 =	sshrl.u32 s8, $0x2  }
0xd: {  	s6 =	sadd.s32 $0x9AA00, s6;
	s31 =	sadd.s32 s29, s11;
	s14 =	ssub.s32 s4, s14  }
0xe: {  	s15 =	sadd.s32 s25, s2;
	s4 =	sadd.s32 $0x73A00, s5;
	s5 =	sor.u32 $0x1C01, s26  }
0xf: {  	s9 =	sadd.s32 s9, s17;
	s18 =	sshrl.u32 s18, $0x3;
	s30 =	sadd.s32 s10, s20  }
0x10: {  	s20 =	simm.s32 $0x10;
	s7 =	sadd.s32 $0x2700, s7;
	s9 =	sadd.s32 s12, s9  }
0x11: {  	s12 =	sadd.s32 s12, s18;
	s18 =	sshrl.u32 s30, $0x3;
	s28 =	sshrl.u32 s7, $0x3  }
0x12: {  	s19 =	sshll.u32 s7, $0x4;
	s10 =	sadd.s32 $0x27000, s12;
	s12 =	sadd.s32 s17, s31  }
0x13: {  	s17 =	simm.s32 $0x80;
	s7 =	sadd.s32 s13, s28;
	s8 =	sadd.s32 s11, s19  }
0x14: {  	s11 =	smax.u32 s14, $0x1;
	s13 =	sadd.s32 s18, s13;
	s14 =	sshrl.u32 s15, $0x3  }
0x15: {  	s15 =	simm.s32 $0x1;
	s18 =	simm.s32 $0x4080;
	s19 =	simm.s32 $0x4100  }
.LBB2_1:
0x16: {  	[spmem:s14], [sflag:s5] =	dma.local [hbm:s4], $0x2700  }
0x17: {  	_ =	swait.ge [sflag:s15], $0x2700  }
0x18: {  	[sflag:s15] =	ssyncset.done $0x0  }
0x19: {  	s22 =	simm.s32 @!p0 $0x1;
	[sflag:s15] =	ssyncadd.s32 $0xFFFFD900  }
0x1a: {  	[spmem:s16], [sflag:s5] =	dma.local @!p0 [hbm:s6], $0x100  }
0x1b: {  	_ =	swait.ge @!p0 [sflag:s22], $0x100  }
0x1c: {  	[sflag:s22] =	ssyncset.done @!p0 $0x0  }
0x1d: {  	[sflag:s22] =	ssyncadd.s32 @!p0 $0xFFFFFF00  }
0x1e: {  	s31 =	sadd.s32 $0x0, s13;
	[bflag:$0x0] =	sbarrier.arrive $0xFFFF  }
0x1f: {  	[tilespmem:s3], [sflag:$0x1] =	stream.linear.gather [hbm4b:s31+s3], $0x80, $0x38;
	[tilespmem:$0x18180] =	vst v63  }
0x20: {  	_ =	swait.ge [sflag:s15], $0x80  }
0x21: {  	[sflag:s15] =	ssyncset.done $0x0  }
0x22: {  	[sflag:s15] =	ssyncadd.s32 $0xFFFFFF80  }
0x23: {  	[tilespmem:s17], [sflag:$0x1] =	stream.linear.gather [hbm4b:s12+s3], $0x4000, $0x38;
	[tilespmem:$0x18180] =	vst v63  }
0x24: {  	_ =	swait.ge [sflag:s15], $0x4000  }
0x25: {  	[sflag:s15] =	ssyncset.done $0x0  }
0x26: {  	[sflag:s15] =	ssyncadd.s32 $0xFFFFC000  }
0x27: {  	[spmem:s2] =	stream.indirect.scatter.add.f32 [tilespmem:s17], [sflag:$0x1], $0x80, s3, s17, $0xb8;
	[tilespmem:$0x18180] =	vst v63  }
0x28: {  	s23 =	simm.s32 $0x10;
	_ =	swait.ge [sflag:s15], $0x4000  }
0x29: {  	s24 =	simm.s32 $0x20;
	s22 =	sadd.s32 $0x800, s12;
	[sflag:s15] =	ssyncset.done $0x0  }
.LBB2_2:
0x2a: {  	s25 =	sadd.s32 s23, s13  }
0x2b: {  	[sflag:s15] =	ssyncadd.s32 $0xFFFFC000;
	s23 =	smov.u32 s24;
	s26 =	sadd.s32 $0x10, s24  }
0x2c: {  	[tilespmem:s3], [sflag:$0x1] =	stream.linear.gather [hbm4b:s25+s3], $0x80, $0x38;
	[tilespmem:$0x18180] =	vst v63  }
0x2d: {  	p1 =	sne.s32 s24, $0x4D0;
	_ =	swait.ge [sflag:s15], $0x80  }
0x2e: {  	[sflag:s15] =	ssyncset.done $0x0  }
0x2f: {  	[sflag:s15] =	ssyncadd.s32 $0xFFFFFF80  }
0x30: {  	[tilespmem:s17], [sflag:$0x1] =	stream.linear.gather [hbm4b:s22+s3], $0x4000, $0x38;
	[tilespmem:$0x18180] =	vst v63  }
0x31: {  	_ =	swait.ge [sflag:s15], $0x4000  }
.Ltmp0:
0x32: {  	[sflag:s15] =	ssyncset.done $0x0;
	(pc) =	sbr.rel @p1 .LBB2_2-.Ltmp0, $4  }
0x33: {  	[sflag:s15] =	ssyncadd.s32 $0xFFFFC000  }
0x34: {  	[spmem:s2] =	stream.indirect.scatter.add.f32 [tilespmem:s17], [sflag:$0x1], $0x80, s3, s17, $0xb8;
	[tilespmem:$0x18180] =	vst v63  }
0x35: {  	_ =	swait.ge [sflag:s15], $0x4000  }
0x36: {  	s24 =	smov.u32 s26;
	s22 =	sadd.s32 $0x800, s22;
	[sflag:s15] =	ssyncset.done $0x0  }
0x37: {  	s23 =	sadd.s32 s23, s13;
	[sflag:s15] =	ssyncadd.s32 $0xFFFFC000  }
0x38: {  	[tilespmem:s3], [sflag:$0x1] =	stream.linear.gather [hbm4b:s23+s3], $0x80, $0x38;
	[tilespmem:$0x18180] =	vst v63  }
0x39: {  	_ =	swait.ge [sflag:s15], $0x80  }
0x3a: {  	[sflag:s15] =	ssyncset.done $0x0  }
0x3b: {  	[sflag:s15] =	ssyncadd.s32 $0xFFFFFF80  }
0x3c: {  	[tilespmem:s17], [sflag:$0x1] =	stream.linear.gather [hbm4b:s22+s3], $0x4000, $0x38;
	[tilespmem:$0x18180] =	vst v63  }
0x3d: {  	_ =	swait.ge [sflag:s15], $0x4000  }
0x3e: {  	[sflag:s15] =	ssyncset.done $0x0  }
0x3f: {  	[sflag:s15] =	ssyncadd.s32 $0xFFFFC000  }
0x40: {  	[spmem:s2] =	stream.indirect.scatter.add.f32 [tilespmem:s17], [sflag:$0x1], $0x80, s3, s17, $0xb8;
	[tilespmem:$0x18180] =	vst v63  }
0x41: {  	_ =	swait.ge [sflag:s15], $0x4000  }
0x42: {  	[sflag:s15] =	ssyncset.done $0x0  }
0x43: {  	[sflag:s15] =	ssyncadd.s32 $0xFFFFC000  }
0x44: {  	[tilespmem:s18], [sflag:$0x1] =	stream.linear.gather [hbm4b:s7+s3], $0x10, $0x38;
	[tilespmem:$0x18180] =	vst v63  }
0x45: {  	_ =	swait.ge [sflag:s15], $0x10  }
0x46: {  	[sflag:s15] =	ssyncset.done $0x0  }
0x47: {  	[sflag:s15] =	ssyncadd.s32 $0xFFFFFFF0  }
0x48: {  	[tilespmem:s19], [sflag:$0x1] =	stream.linear.gather [hbm4b:s8+s3], $0x800, $0x38;
	[tilespmem:$0x18180] =	vst v63  }
0x49: {  	_ =	swait.ge [sflag:s15], $0x800  }
0x4a: {  	[sflag:s15] =	ssyncset.done $0x0  }
0x4b: {  	[sflag:s15] =	ssyncadd.s32 $0xFFFFF800  }
0x4c: {  	[spmem:s2] =	stream.indirect.scatter.add.f32 [tilespmem:s19], [sflag:$0x1], $0x80, s18, s20, $0xb8;
	[tilespmem:$0x18180] =	vst v63  }
0x4d: {  	_ =	swait.ge [sflag:s15], $0x800  }
0x4e: {  	[sflag:s15] =	ssyncset.done $0x0  }
0x4f: {  	[sflag:s15] =	ssyncadd.s32 $0xFFFFF800  }
0x50: {  	[bflag:$0x0] =	sbarrier.arrive $0xFFFF  }
0x51: {  	[hbm:s9], [sflag:s5] =	dma.local [spmem:s14], $0x2700  }
0x52: {  	s21 =	sadd.s32 $0x1, s21;
	_ =	swait.ge [sflag:s15], $0x2700  }
0x53: {  	p1 =	sne.s32 s21, s11;
	[sflag:s15] =	ssyncset.done $0x0  }
.Ltmp1:
0x54: {  	s22 =	simm.s32 @!p0 $0x1;
	[sflag:s15] =	ssyncadd.s32 $0xFFFFD900;
	(pc) =	sbr.rel @p1 .LBB2_1-.Ltmp1, $4  }
0x55: {  	[hbm:s10], [sflag:s5] =	dma.local @!p0 [spmem:s16], $0x100  }
0x56: {  	_ =	swait.ge @!p0 [sflag:s22], $0x100  }
0x57: {  	[sflag:s22] =	ssyncset.done @!p0 $0x0  }
0x58: {  	[sflag:s22] =	ssyncadd.s32 @!p0 $0xFFFFFF00  }
0x59: {  	_ =	sfence.sel $0x180000  }
0x5a: {  	[bflag:$0x0] =	sbarrier.arrive $0xFFFF  }
0x5b: {  	p0 =	sne.s32 s1, $0x0;
	_ =	strace $0x90000056  }
0x5c: {  	s0 =	sadd.s32 @!p0 $0x100000, s0;
	[bflag:$0x2] =	sbarrier.arrive $0xFFFF  }
0x5d: {  	[sflag:s0] =	ssyncadd.tile.s32 @!p0 $0x1;
	_ =	shalt  }
.Lfunc_end2:
_tile_overlayer_lowered:
.L_overlay_start_2:
0x5e: {  	(tag) =	ssettag $0x2  }
0x5f: {  	s0 =	rddreg [dreg:$0x0];
	s2 =	stileid.u32  }
0x60: {  	s1 =	rddreg [dreg:$0x1];
	p0 =	sne.s32 s2, $0x0  }
0x61: {  	s3 =	rddreg [dreg:$0x2];
	[bflag:$0x3] =	sbarrier.arrive $0xFFFF;
	s2 =	simm.s32 @!p0 $0x1C01  }
0x62: {  	[timem:s3], [sflag:s2] =	dma.local @!p0 [hbm:s0], s1  }
0x63: {  	s0 =	simm.s32 @!p0 $0x1  }
0x64: {  	_ =	swait.ge @!p0 [sflag:s0], s1  }
0x65: {  	s1 =	ssub.s32 @!p0 $0x0, s1;
	[sflag:s0] =	ssyncset.done @!p0 $0x0  }
0x66: {  	[sflag:s0] =	ssyncadd.s32 @!p0 s1  }
0x67: {  	[bflag:$0x3] =	sbarrier.arrive $0xFFFF  }
0x68: {  	_ =	shalt  }

// kernel: kernel.48.cloned.1.call-start
scs
__scs_entry_jumppad:
0x0: {  	(pc) =	sbr.rel $0x88, $3  }
0x1: {  	(tag) =	ssettag $0x0;
	lr =	simm.s32 $0x1  }
0x2: {  	[smem:$0x3F51] =	sst lr;
	_ =	strace $0xD0000000  }
0x3: {  	_ = 	snop  }
0x4: {  	_ = 	snop  }
0x5: {  	_ = 	snop  }
0x6: {  	_ = 	snop  }
0x7: {  	_ = 	snop  }
__scs_overlays_trampoline_lowered:
0x8: {  	[smem:$0x3F60] =	sst s0  }
0x9: {  	[smem:$0x3F61] =	sst s1  }
0xa: {  	[smem:$0x3F62] =	sst s2  }
0xb: {  	[smem:$0x3F63] =	sst s3  }
0xc: {  	[smem:$0x3F64] =	sst s4  }
0xd: {  	[smem:$0x3F65] =	sst s5  }
0xe: {  	[smem:$0x3F66] =	sst s6  }
0xf: {  	[smem:$0x3F67] =	sst s7  }
0x10: {  	[smem:$0x3F68] =	sst s8  }
0x11: {  	[smem:$0x3F69] =	sst s9;
	s0 =	simm.s32 @!p0 $0x0  }
0x12: {  	s1 =	sld [smem:$0x3F4F];
	s0 =	simm.s32 @p0 $0x1  }
0x13: {  	[smem:$0x3F6A] =	sst s0;
	s0 =	simm.s32 @!p1 $0x0  }
0x14: {  	s2 =	sld [smem:$0x3F4E];
	s0 =	simm.s32 @p1 $0x1  }
0x15: {  	[smem:$0x3F6B] =	sst s0;
	s0 =	simm.s32 @!p2 $0x0  }
0x16: {  	s3 =	sld [smem:$0x3FDB];
	s0 =	simm.s32 @p2 $0x1  }
0x17: {  	s4 =	simm.s32 $0x1BF5;
	[smem:$0x3F6D] =	sst s0  }
0x18: {  	s0 =	sld [smem:$0x3F50];
	_ =	swait.ge [sflag:s4], $0x0  }
0x19: {  	s7 =	sld [smem:$0x3F51]  }
0x1a: {  	s8 =	sadd.s32 $0xFFFFE003, lr  }
0x1b: {  	s9 =	sadd.s32 $0xFFFFFEF7, lr;
	s5 =	simm.s32 $0xFFFFFFFF;
	p2 =	slt.u32 s8, $0xFFFFF086  }
0x1c: {  	p1 =	slt.u32 s9, $0xF7A;
	s5 =	simm.s32 @!p2 $0x0  }
0x1d: {  	s5 =	simm.s32 @p1 $0x1;
	p0 =	seq.s32 s7, s2  }
0x1e: {  	s7 =	smul.u32 @!p0 $0xF7A, s2;
	p2 =	seq.s32 @!p0 s5, $0x0  }
0x1f: {  	s9 =	smul.u32 $0xF7A, s1;
	s8 =	simm.s32 @!p0 $0x1BF5;
	p2 =	por !p2, p0  }
0x20: {  	[sflag:s8] =	ssyncset.s32 @!p0 $0xFFFFF086;
	s6 =	sadd.s32 @!p0 s3, s7;
	s7 =	simm.s32 @!p0 $0x108  }
0x21: {  	s3 =	sadd.s32 s3, s9;
	s6 =	sadd.s32 @!p0 $0x88, s6;
	s7 =	simm.s32 @p2 $0x1082  }
0x22: {  	[simem:s7], [sflag:s8] =	dma.local @!p0 [hbm:s6], $0xF7A  }
0x23: {  	s9 =	sor.u32 $0xD0000000, s2;
	s6 =	simm.s32 $0x108;
	_ =	swait.ge @!p0 [sflag:s8], $0x0  }
0x24: {  	s3 =	sadd.s32 $0x88, s3;
	s6 =	simm.s32 @!p1 $0x1082;
	[sflag:s4] =	ssyncset.s32 $0xFFFFF086  }
0x25: {  	[simem:s6], [sflag:s4] =	dma.local [hbm:s3], $0xF7A  }
0x26: {  	[smem:$0x3F51] =	sst s1;
	(tag) =	ssettag s2;
	_ =	strace s9  }
0x27: {  	s1 =	sld [smem:$0x3F61]  }
0x28: {  	s2 =	sld [smem:$0x3F62]  }
0x29: {  	s4 =	sld [smem:$0x3F64]  }
0x2a: {  	p0 =	seq.s32 s5, $0x0;
	s5 =	sld [smem:$0x3F65]  }
0x2b: {  	s6 =	sld [smem:$0x3F66]  }
0x2c: {  	s7 =	sld [smem:$0x3F67]  }
0x2d: {  	s3 =	simm.s32 $0x108;
	s8 =	sld [smem:$0x3F68]  }
0x2e: {  	s3 =	simm.s32 @!p0 $0x1082;
	s9 =	sld [smem:$0x3F69]  }
0x2f: {  	lr =	sadd.s32 s0, s3;
	s0 =	sld [smem:$0x3F60]  }
0x30: {  	s3 =	sld [smem:$0x3F63]  }
0x31: {  	[smem:$0x3F6C] =	sst s10  }
0x32: {  	s10 =	sld [smem:$0x3F6A];
	_ =	sdelay $0x3  }
0x33: {  	p0 =	seq.s32 s10, $0x1;
	s10 =	sld [smem:$0x3F6C];
	_ =	sdelay $0x3  }
0x34: {  	[smem:$0x3F6C] =	sst s10  }
0x35: {  	s10 =	sld [smem:$0x3F6B];
	_ =	sdelay $0x3  }
0x36: {  	p1 =	seq.s32 s10, $0x1;
	s10 =	sld [smem:$0x3F6C];
	_ =	sdelay $0x3  }
0x37: {  	[smem:$0x3F6C] =	sst s10  }
0x38: {  	s10 =	sld [smem:$0x3F6D]  }
0x39: {  	_ = 	snop;
	(pc) =	sbr.ind lr, $3  }
0x3a: {  	_ = 	snop  }
0x3b: {  	_ = 	snop  }
0x3c: {  	p2 =	seq.s32 s10, $0x1;
	s10 =	sld [smem:$0x3F6C]  }
0x3d: {  	_ =	shalt  }
0x3e: {  	_ =	shalt  }
0x3f: {  	_ =	shalt  }
0x40: {  	_ =	shalt  }
0x41: {  	_ =	shalt  }
0x42: {  	_ =	shalt  }
0x43: {  	_ =	shalt  }
0x44: {  	_ =	shalt  }
0x45: {  	_ =	shalt  }
0x46: {  	_ =	shalt  }
0x47: {  	_ =	shalt  }
0x48: {  	_ =	shalt  }
0x49: {  	_ =	shalt  }
0x4a: {  	_ =	shalt  }
0x4b: {  	_ =	shalt  }
0x4c: {  	_ =	shalt  }
0x4d: {  	_ =	shalt  }
0x4e: {  	_ =	shalt  }
0x4f: {  	_ =	shalt  }
0x50: {  	_ =	shalt  }
0x51: {  	_ =	shalt  }
0x52: {  	_ =	shalt  }
0x53: {  	_ =	shalt  }
0x54: {  	_ =	shalt  }
0x55: {  	_ =	shalt  }
0x56: {  	_ =	shalt  }
0x57: {  	_ =	shalt  }
0x58: {  	_ =	shalt  }
0x59: {  	_ =	shalt  }
0x5a: {  	_ =	shalt  }
0x5b: {  	_ =	shalt  }
0x5c: {  	_ =	shalt  }
0x5d: {  	_ =	shalt  }
0x5e: {  	_ =	shalt  }
0x5f: {  	_ =	shalt  }
0x60: {  	_ =	shalt  }
0x61: {  	_ =	shalt  }
0x62: {  	_ =	shalt  }
0x63: {  	_ =	shalt  }
0x64: {  	_ =	shalt  }
0x65: {  	_ =	shalt  }
0x66: {  	_ =	shalt  }
0x67: {  	_ =	shalt  }
0x68: {  	_ =	shalt  }
0x69: {  	_ =	shalt  }
0x6a: {  	_ =	shalt  }
0x6b: {  	_ =	shalt  }
0x6c: {  	_ =	shalt  }
0x6d: {  	_ =	shalt  }
0x6e: {  	_ =	shalt  }
0x6f: {  	_ =	shalt  }
0x70: {  	_ =	shalt  }
0x71: {  	_ =	shalt  }
0x72: {  	_ =	shalt  }
0x73: {  	_ =	shalt  }
0x74: {  	_ =	shalt  }
0x75: {  	_ =	shalt  }
0x76: {  	_ =	shalt  }
0x77: {  	_ =	shalt  }
0x78: {  	_ =	shalt  }
0x79: {  	_ =	shalt  }
0x7a: {  	_ =	shalt  }
0x7b: {  	_ =	shalt  }
0x7c: {  	_ =	shalt  }
0x7d: {  	_ =	shalt  }
0x7e: {  	_ =	shalt  }
0x7f: {  	_ =	shalt  }
0x80: {  	_ =	shalt  }
0x81: {  	_ =	shalt  }
0x82: {  	_ =	shalt  }
0x83: {  	_ =	shalt  }
0x84: {  	_ =	shalt  }
0x85: {  	_ =	shalt  }
0x86: {  	_ =	shalt  }
0x87: {  	_ =	shalt  }
.Lfunc_end0:
.L_simem_size_0:
called_computation.6_lowered:
.L_overlay_start_0:
0x88: {  	s2 =	sld [smem:$0x3FD9]  }
0x89: {  	s3 =	sld [smem:$0x3FFE];
	_ =	sdelay $0x1  }
0x8a: {  	s1 =	srdreg.scid  }
0x8b: {  	s0 =	sand.u32 $0x1, s1  }
0x8c: {  	s16 =	sshll.u32 s0, $0xA;
	s2 =	sadd.s32 s3, s2  }
0x8d: {  	s2 =	sadd.s32 s2, s16  }
0x8e: {  	[smem:$0x3F78] =	sst s2  }
0x8f: {  	_ = 	snop  }
0x90: {  	(tm) =	ssettm $0x1  }
0x91: {  	s17 =	sld [smem:$0x3FFB];
	_ =	sdelay $0x3  }
0x92: {  	_ =	strace s17  }
0x93: {  	s2 =	sld [smem:$0x3FFC];
	_ =	sdelay $0x3  }
0x94: {  	_ =	strace s2  }
0x95: {  	s2 =	sld [smem:$0x3FFD];
	_ =	sdelay $0x3  }
0x96: {  	_ =	strace s2  }
0x97: {  	_ =	strace $0x8FFFFFFF  }
0x98: {  	s18 =	sld [smem:$0x3FDB];
	_ =	sdelay $0x1  }
0x99: {  	s19 =	simm.s32 $_scs_section_size  }
0x9a: {  	s4 =	simm.s32 $_size__tile_overlayer_lowered;
	s5 =	simm.s32 $_tile_overlayer_lowered  }
0x9b: {  	s22 =	simm.s32 $0x1BFF;
	s21 =	sshll.u32 s5, $0x1;
	s2 =	sadd.s32 s19, s18  }
0x9c: {  	s6 =	simm.s32 $0x0;
	s20 =	sshll.u32 s4, $0x1;
	s4 =	sadd.s32 s21, s2  }
0x9d: {  	[timem:s6], [sflag:s22] =	dma.local [hbm:s4], s20  }
0x9e: {  	_ =	swait.ge [sflag:s22], s20  }
0x9f: {  	s3 =	ssub.s32 $0x0, s20;
	[sflag:s22] =	ssyncset.done $0x0  }
0xa0: {  	[sflag:s22] =	ssyncadd.s32 s3;
	_ =	sdelay $0x1  }
0xa1: {  	s23 =	simm.s32 $0x1B8B  }
0xa2: {  	_ =	swait.ge [sflag:s23], $0x1  }
0xa3: {  	[sflag:s23] =	ssyncset.done $0x0  }
0xa4: {  	s25 =	simm.s32 $0x1B8E;
	s24 =	sld [smem:$0x3FFE];
	[sflag:s23] =	ssyncadd.s32 $0xFFFFFFFF  }
0xa5: {  	s26 =	simm.s32 $execute0_lowered;
	[smem:$0x3FD2] =	sst s25  }
0xa6: {  	s4 =	sshll.u32 s26, $0x1;
	_ =	strace $0x80000058;
	[dreg:$0x1] =	wrdreg $0xFFFFFFFF  }
0xa7: {  	s28 =	simm.s32 $_size_execute0_lowered;
	s2 =	sadd.s32 s2, s4;
	[dreg:$0x0] =	wrdreg $0x0  }
0xa8: {  	s4 =	sshll.u32 s28, $0x1;
	[dreg:$0x2] =	wrdreg s2  }
0xa9: {  	[dreg:$0x3] =	wrdreg s4  }
0xaa: {  	[dreg:$0x4] =	wrdreg $0xC0  }
0xab: {  	_ =	task [dreg:s6], $0x5FFFF  }
0xac: {  	[dreg:$0x1] =	wrdreg $0xFFFFFFFF  }
0xad: {  	[dreg:$0x0] =	wrdreg $0x60  }
0xae: {  	[dreg:$0x2] =	wrdreg s24  }
0xaf: {  	[dreg:$0x3] =	wrdreg $0x9  }
0xb0: {  	_ =	task.clear_ibuf [dreg:s6], $0x4FFFF;
	_ =	strace $0x90000058  }
0xb1: {  	s29 =	simm.s32 $0x9;
	_ =	strace $0x8000005A  }
0xb2: {  	_ =	swait.ge [sflag:s29], $0x1  }
0xb3: {  	[sflag:s29] =	ssyncadd.s32 $0xFFFFFFFF  }
0xb4: {  	_ =	strace $0x9000005A  }
0xb5: {  	_ =	sfence  }
0xb6: {  	s30 =	sld [smem:$0x0];
	_ =	sdelay $0x2  }
0xb7: {  	s31 =	sshll.u32 s1, $0xD;
	s1 =	sshrl.u32 s1, $0x2  }
0xb8: {  	s3 =	sand.u32 $0x4000, s31;
	s1 =	sadd.s32 s1, s30  }
0xb9: {  	s0 =	sor.u32 s3, s0;
	s1 =	sshll.u32 s1, $0x11  }
0xba: {  	s0 =	sor.u32 s1, s0  }
0xbb: {  	s0 =	sadd.s32 $0x8F2B, s0  }
0xbc: {  	[sflag:s0] =	ssyncadd.remote.s32 $0x1  }
0xbd: {  	_ =	sfence.sel $0xFFFF  }
0xbe: {  	[dreg:$0x0] =	wrdreg $0xFFFFFFFF;
	(pc) =	sbr.abs _section_cstart, $3  }
0xbf: {  	[dreg:$0x1] =	wrdreg $0xFFFFFFFF  }
0xc0: {  	_ =	task.clear_ibuf [dreg:s6], $0x2FFFF;
	_ =	strace $0x9FFFFFFF  }
0xc1: {  	(tm) =	ssettm $0x7FFFFFFF  }
tec
execute0_lowered:
.L_overlay_start_1:
0x0: {  	(tag) =	ssettag $0x1  }
0x1: {  	s5 =	rddreg [dreg:$0x0]  }
0x2: {  	s0 =	rddreg [dreg:$0x1];
	s3 =	srdreg.scid  }
0x3: {  	s1 =	stileid.u32;
	s2 =	simm.s32 $0x0;
	s17 =	simm.s32 $0x4180  }
0x4: {  	s18 =	simm.s32 $0x10;
	s19 =	simm.s32 $0x4200;
	s20 =	simm.s32 $0x0  }
0x5: {  	s8 =	sand.u32 $0x1, s3;
	s26 =	sshll.u32 s1, $0x1;
	[smem:$0x7FF] =	sst s2  }
0x6: {  	s3 =	sadd.s32 $0x9AC00, s5;
	s11 =	sadd.s32 $0x11A00, s5;
	s13 =	smul.u32 $0x4E20, s1  }
0x7: {  	s10 =	sadd.s32 $0x1B800, s5;
	s9 =	sadd.s32 $0xE9000, s5;
	s30 =	smul.u32 $0x4E200, s1  }
0x8: {  	s4 =	sor.u32 s8, s26;
	s28 =	ssub.s32 $0x2, s8;
	s15 =	smul.u32 $0x2710, s8  }
0x9: {  	_ =	strace $0x80000059;
	s6 =	smul.u32 $0x2710, s4;
	s29 =	sshrl.u32 s28, $0x1  }
0xa: {  	s16 =	smul.u32 $0x27100, s8;
	s4 =	sadd.s32 $0xC1E00, s5;
	s14 =	ssub.s32 s28, s29  }
0xb: {  	s13 =	sadd.s32 s15, s13;
	s15 =	simm.s32 $0x1;
	s7 =	sadd.s32 $0x2700, s6  }
0xc: {  	s8 =	smax.u32 s14, $0x1;
	s31 =	sshrl.u32 s13, $0x3;
	s13 =	simm.s32 $0x80  }
0xd: {  	s14 =	simm.s32 $0x100;
	s12 =	sshrl.u32 s7, $0x3;
	s7 =	sshll.u32 s7, $0x4  }
0xe: {  	s5 =	sadd.s32 s11, s12;
	s6 =	sadd.s32 s10, s12;
	s7 =	sadd.s32 s9, s7  }
0xf: {  	s9 =	sadd.s32 s30, s9;
	s10 =	sadd.s32 s31, s10;
	s11 =	sadd.s32 s31, s11  }
0x10: {  	s12 =	simm.s32 $0x2;
	s9 =	sadd.s32 s16, s9;
	s16 =	simm.s32 $0x4100  }
.LBB2_1:
0x11: {  	s21 =	sadd.s32 $0x0, s11  }
0x12: {  	[tilespmem:s2], [sflag:$0x2] =	stream.linear.gather [hbm4b:s21+s2], $0x80, $0x38;
	[tilespmem:$0x4A00] =	vst v63  }
0x13: {  	_ =	swait.ge [sflag:s12], $0x80  }
0x14: {  	[sflag:s12] =	ssyncset.done $0x0  }
0x15: {  	s31 =	sadd.s32 $0x0, s10;
	[sflag:s12] =	ssyncadd.s32 $0xFFFFFF80  }
0x16: {  	[tilespmem:s13], [sflag:$0x2] =	stream.linear.gather [hbm4b:s31+s2], $0x80, $0x38;
	[tilespmem:$0x4A00] =	vst v63  }
0x17: {  	_ =	swait.ge [sflag:s12], $0x80  }
0x18: {  	[sflag:s12] =	ssyncset.done $0x0  }
0x19: {  	[sflag:s12] =	ssyncadd.s32 $0xFFFFFF80  }
0x1a: {  	[tilespmem:s14], [sflag:$0x1] =	stream.indirect.gather [hbm4b:s3+s13], $0x80, s2, s13, $0xb8;
	[tilespmem:$0x4A00] =	vst v63  }
0x1b: {  	_ =	swait.ge [sflag:s15], $0x4000  }
0x1c: {  	[sflag:s15] =	ssyncset.done $0x0  }
0x1d: {  	[sflag:s15] =	ssyncadd.s32 $0xFFFFC000  }
0x1e: {  	[tilespmem:s14], [sflag:$0x1] =	stream.indirect.gather.add.f32 [hbm:s4], $0x80, s13, s13, $0xb8;
	[tilespmem:$0x4A00] =	vst v63  }
0x1f: {  	_ =	swait.ge [sflag:s15], $0x4000  }
0x20: {  	[sflag:s15] =	ssyncset.done $0x0  }
0x21: {  	[sflag:s15] =	ssyncadd.s32 $0xFFFFC000  }
0x22: {  	[hbm4b:s9+s2] =	stream.linear.scatter [tilespmem:s14], [sflag:$0x2], $0x4000, $0x38;
	[tilespmem:$0x4A00] =	vst v63  }
0x23: {  	s22 =	simm.s32 $0x10;
	_ =	swait.ge [sflag:s12], $0x4000  }
0x24: {  	s23 =	simm.s32 $0x20;
	s21 =	sadd.s32 $0x800, s9;
	[sflag:s12] =	ssyncset.done $0x0  }
.LBB2_2:
0x25: {  	s24 =	sadd.s32 s22, s11  }
0x26: {  	[sflag:s12] =	ssyncadd.s32 $0xFFFFC000;
	s25 =	smov.u32 s23;
	s26 =	sadd.s32 $0x10, s23  }
0x27: {  	[tilespmem:s2], [sflag:$0x2] =	stream.linear.gather [hbm4b:s24+s2], $0x80, $0x38;
	[tilespmem:$0x4A00] =	vst v63  }
0x28: {  	p0 =	sne.s32 s23, $0x4D0;
	_ =	swait.ge [sflag:s12], $0x80  }
0x29: {  	[sflag:s12] =	ssyncset.done $0x0  }
0x2a: {  	s23 =	sadd.s32 s22, s10;
	s22 =	smov.u32 s25;
	[sflag:s12] =	ssyncadd.s32 $0xFFFFFF80  }
0x2b: {  	[tilespmem:s13], [sflag:$0x2] =	stream.linear.gather [hbm4b:s23+s2], $0x80, $0x38;
	[tilespmem:$0x4A00] =	vst v63  }
0x2c: {  	_ =	swait.ge [sflag:s12], $0x80  }
0x2d: {  	[sflag:s12] =	ssyncset.done $0x0  }
0x2e: {  	[sflag:s12] =	ssyncadd.s32 $0xFFFFFF80  }
0x2f: {  	[tilespmem:s14], [sflag:$0x1] =	stream.indirect.gather [hbm4b:s3+s13], $0x80, s2, s13, $0xb8;
	[tilespmem:$0x4A00] =	vst v63  }
0x30: {  	_ =	swait.ge [sflag:s15], $0x4000  }
0x31: {  	[sflag:s15] =	ssyncset.done $0x0  }
0x32: {  	[sflag:s15] =	ssyncadd.s32 $0xFFFFC000  }
0x33: {  	[tilespmem:s14], [sflag:$0x1] =	stream.indirect.gather.add.f32 [hbm:s4], $0x80, s13, s13, $0xb8;
	[tilespmem:$0x4A00] =	vst v63  }
0x34: {  	_ =	swait.ge [sflag:s15], $0x4000  }
.Ltmp0:
0x35: {  	[sflag:s15] =	ssyncset.done $0x0;
	(pc) =	sbr.rel @p0 .LBB2_2-.Ltmp0, $4  }
0x36: {  	[sflag:s15] =	ssyncadd.s32 $0xFFFFC000  }
0x37: {  	[hbm4b:s21+s2] =	stream.linear.scatter [tilespmem:s14], [sflag:$0x2], $0x4000, $0x38;
	[tilespmem:$0x4A00] =	vst v63  }
0x38: {  	_ =	swait.ge [sflag:s12], $0x4000  }
0x39: {  	s23 =	smov.u32 s26;
	s21 =	sadd.s32 $0x800, s21;
	[sflag:s12] =	ssyncset.done $0x0  }
0x3a: {  	s23 =	sadd.s32 s22, s11;
	[sflag:s12] =	ssyncadd.s32 $0xFFFFC000  }
0x3b: {  	[tilespmem:s2], [sflag:$0x2] =	stream.linear.gather [hbm4b:s23+s2], $0x80, $0x38;
	[tilespmem:$0x4A00] =	vst v63  }
0x3c: {  	_ =	swait.ge [sflag:s12], $0x80  }
0x3d: {  	[sflag:s12] =	ssyncset.done $0x0  }
0x3e: {  	s31 =	sadd.s32 s22, s10;
	[sflag:s12] =	ssyncadd.s32 $0xFFFFFF80  }
0x3f: {  	[tilespmem:s13], [sflag:$0x2] =	stream.linear.gather [hbm4b:s31+s2], $0x80, $0x38;
	[tilespmem:$0x4A00] =	vst v63  }
0x40: {  	_ =	swait.ge [sflag:s12], $0x80  }
0x41: {  	[sflag:s12] =	ssyncset.done $0x0  }
0x42: {  	[sflag:s12] =	ssyncadd.s32 $0xFFFFFF80  }
0x43: {  	[tilespmem:s14], [sflag:$0x1] =	stream.indirect.gather [hbm4b:s3+s13], $0x80, s2, s13, $0xb8;
	[tilespmem:$0x4A00] =	vst v63  }
0x44: {  	_ =	swait.ge [sflag:s15], $0x4000  }
0x45: {  	[sflag:s15] =	ssyncset.done $0x0  }
0x46: {  	[sflag:s15] =	ssyncadd.s32 $0xFFFFC000  }
0x47: {  	[tilespmem:s14], [sflag:$0x1] =	stream.indirect.gather.add.f32 [hbm:s4], $0x80, s13, s13, $0xb8;
	[tilespmem:$0x4A00] =	vst v63  }
0x48: {  	_ =	swait.ge [sflag:s15], $0x4000  }
0x49: {  	[sflag:s15] =	ssyncset.done $0x0  }
0x4a: {  	[sflag:s15] =	ssyncadd.s32 $0xFFFFC000  }
0x4b: {  	[hbm4b:s21+s2] =	stream.linear.scatter [tilespmem:s14], [sflag:$0x2], $0x4000, $0x38;
	[tilespmem:$0x4A00] =	vst v63  }
0x4c: {  	_ =	swait.ge [sflag:s12], $0x4000  }
0x4d: {  	[sflag:s12] =	ssyncset.done $0x0  }
0x4e: {  	[sflag:s12] =	ssyncadd.s32 $0xFFFFC000  }
0x4f: {  	[tilespmem:s16], [sflag:$0x2] =	stream.linear.gather [hbm4b:s5+s2], $0x10, $0x38;
	[tilespmem:$0x4A00] =	vst v63  }
0x50: {  	_ =	swait.ge [sflag:s12], $0x10  }
0x51: {  	[sflag:s12] =	ssyncset.done $0x0  }
0x52: {  	[sflag:s12] =	ssyncadd.s32 $0xFFFFFFF0  }
0x53: {  	[tilespmem:s17], [sflag:$0x2] =	stream.linear.gather [hbm4b:s6+s2], $0x10, $0x38;
	[tilespmem:$0x4A00] =	vst v63  }
0x54: {  	_ =	swait.ge [sflag:s12], $0x10  }
0x55: {  	[sflag:s12] =	ssyncset.done $0x0  }
0x56: {  	[sflag:s12] =	ssyncadd.s32 $0xFFFFFFF0  }
0x57: {  	[tilespmem:s19], [sflag:$0x1] =	stream.indirect.gather [hbm4b:s3+s18], $0x80, s16, s18, $0xb8;
	[tilespmem:$0x4A00] =	vst v63  }
0x58: {  	_ =	swait.ge [sflag:s15], $0x800  }
0x59: {  	[sflag:s15] =	ssyncset.done $0x0  }
0x5a: {  	[sflag:s15] =	ssyncadd.s32 $0xFFFFF800  }
0x5b: {  	[tilespmem:s19], [sflag:$0x1] =	stream.indirect.gather.add.f32 [hbm:s4], $0x80, s17, s18, $0xb8;
	[tilespmem:$0x4A00] =	vst v63  }
0x5c: {  	s20 =	sadd.s32 $0x1, s20;
	_ =	swait.ge [sflag:s15], $0x800  }
0x5d: {  	p0 =	sne.s32 s20, s8;
	[sflag:s15] =	ssyncset.done $0x0  }
.Ltmp1:
0x5e: {  	[sflag:s15] =	ssyncadd.s32 $0xFFFFF800;
	(pc) =	sbr.rel @p0 .LBB2_1-.Ltmp1, $4  }
0x5f: {  	[hbm4b:s7+s2] =	stream.linear.scatter [tilespmem:s19], [sflag:$0x2], $0x800, $0x38;
	[tilespmem:$0x4A00] =	vst v63  }
0x60: {  	_ =	swait.ge [sflag:s12], $0x800  }
0x61: {  	[sflag:s12] =	ssyncset.done $0x0  }
0x62: {  	[sflag:s12] =	ssyncadd.s32 $0xFFFFF800  }
0x63: {  	_ =	sfence.sel $0x180000  }
0x64: {  	[bflag:$0x0] =	sbarrier.arrive $0xFFFF  }
0x65: {  	p0 =	sne.s32 s1, $0x0;
	_ =	strace $0x90000059  }
0x66: {  	s0 =	sadd.s32 @!p0 $0x100000, s0;
	[bflag:$0x2] =	sbarrier.arrive $0xFFFF  }
0x67: {  	[sflag:s0] =	ssyncadd.tile.s32 @!p0 $0x1;
	_ =	shalt  }
.Lfunc_end2:
_tile_overlayer_lowered:
.L_overlay_start_2:
0x68: {  	(tag) =	ssettag $0x2  }
0x69: {  	s0 =	rddreg [dreg:$0x0];
	s2 =	stileid.u32  }
0x6a: {  	s1 =	rddreg [dreg:$0x1];
	p0 =	sne.s32 s2, $0x0  }
0x6b: {  	s3 =	rddreg [dreg:$0x2];
	[bflag:$0x3] =	sbarrier.arrive $0xFFFF;
	s2 =	simm.s32 @!p0 $0x1C02  }
0x6c: {  	[timem:s3], [sflag:s2] =	dma.local @!p0 [hbm:s0], s1  }
0x6d: {  	s0 =	simm.s32 @!p0 $0x2  }
0x6e: {  	_ =	swait.ge @!p0 [sflag:s0], s1  }
0x6f: {  	s1 =	ssub.s32 @!p0 $0x0, s1;
	[sflag:s0] =	ssyncset.done @!p0 $0x0  }
0x70: {  	[sflag:s0] =	ssyncadd.s32 @!p0 s1  }
0x71: {  	[bflag:$0x3] =	sbarrier.arrive $0xFFFF  }
0x72: {  	_ =	shalt  }

// kernel: kernel.51.cloned.1.call-start
scs
__scs_entry_jumppad:
0x0: {  	(pc) =	sbr.rel $0x88, $3  }
0x1: {  	(tag) =	ssettag $0x0;
	lr =	simm.s32 $0x1  }
0x2: {  	[smem:$0x3F51] =	sst lr;
	_ =	strace $0xD0000000  }
0x3: {  	_ = 	snop  }
0x4: {  	_ = 	snop  }
0x5: {  	_ = 	snop  }
0x6: {  	_ = 	snop  }
0x7: {  	_ = 	snop  }
__scs_overlays_trampoline_lowered:
0x8: {  	[smem:$0x3F60] =	sst s0  }
0x9: {  	[smem:$0x3F61] =	sst s1  }
0xa: {  	[smem:$0x3F62] =	sst s2  }
0xb: {  	[smem:$0x3F63] =	sst s3  }
0xc: {  	[smem:$0x3F64] =	sst s4  }
0xd: {  	[smem:$0x3F65] =	sst s5  }
0xe: {  	[smem:$0x3F66] =	sst s6  }
0xf: {  	[smem:$0x3F67] =	sst s7  }
0x10: {  	[smem:$0x3F68] =	sst s8  }
0x11: {  	[smem:$0x3F69] =	sst s9;
	s0 =	simm.s32 @!p0 $0x0  }
0x12: {  	s1 =	sld [smem:$0x3F4F];
	s0 =	simm.s32 @p0 $0x1  }
0x13: {  	[smem:$0x3F6A] =	sst s0;
	s0 =	simm.s32 @!p1 $0x0  }
0x14: {  	s2 =	sld [smem:$0x3F4E];
	s0 =	simm.s32 @p1 $0x1  }
0x15: {  	[smem:$0x3F6B] =	sst s0;
	s0 =	simm.s32 @!p2 $0x0  }
0x16: {  	s3 =	sld [smem:$0x3FDB];
	s0 =	simm.s32 @p2 $0x1  }
0x17: {  	s4 =	simm.s32 $0x1BF5;
	[smem:$0x3F6D] =	sst s0  }
0x18: {  	s0 =	sld [smem:$0x3F50];
	_ =	swait.ge [sflag:s4], $0x0  }
0x19: {  	s7 =	sld [smem:$0x3F51]  }
0x1a: {  	s8 =	sadd.s32 $0xFFFFE003, lr  }
0x1b: {  	s9 =	sadd.s32 $0xFFFFFEF7, lr;
	s5 =	simm.s32 $0xFFFFFFFF;
	p2 =	slt.u32 s8, $0xFFFFF086  }
0x1c: {  	p1 =	slt.u32 s9, $0xF7A;
	s5 =	simm.s32 @!p2 $0x0  }
0x1d: {  	s5 =	simm.s32 @p1 $0x1;
	p0 =	seq.s32 s7, s2  }
0x1e: {  	s7 =	smul.u32 @!p0 $0xF7A, s2;
	p2 =	seq.s32 @!p0 s5, $0x0  }
0x1f: {  	s9 =	smul.u32 $0xF7A, s1;
	s8 =	simm.s32 @!p0 $0x1BF5;
	p2 =	por !p2, p0  }
0x20: {  	[sflag:s8] =	ssyncset.s32 @!p0 $0xFFFFF086;
	s6 =	sadd.s32 @!p0 s3, s7;
	s7 =	simm.s32 @!p0 $0x108  }
0x21: {  	s3 =	sadd.s32 s3, s9;
	s6 =	sadd.s32 @!p0 $0x88, s6;
	s7 =	simm.s32 @p2 $0x1082  }
0x22: {  	[simem:s7], [sflag:s8] =	dma.local @!p0 [hbm:s6], $0xF7A  }
0x23: {  	s9 =	sor.u32 $0xD0000000, s2;
	s6 =	simm.s32 $0x108;
	_ =	swait.ge @!p0 [sflag:s8], $0x0  }
0x24: {  	s3 =	sadd.s32 $0x88, s3;
	s6 =	simm.s32 @!p1 $0x1082;
	[sflag:s4] =	ssyncset.s32 $0xFFFFF086  }
0x25: {  	[simem:s6], [sflag:s4] =	dma.local [hbm:s3], $0xF7A  }
0x26: {  	[smem:$0x3F51] =	sst s1;
	(tag) =	ssettag s2;
	_ =	strace s9  }
0x27: {  	s1 =	sld [smem:$0x3F61]  }
0x28: {  	s2 =	sld [smem:$0x3F62]  }
0x29: {  	s4 =	sld [smem:$0x3F64]  }
0x2a: {  	p0 =	seq.s32 s5, $0x0;
	s5 =	sld [smem:$0x3F65]  }
0x2b: {  	s6 =	sld [smem:$0x3F66]  }
0x2c: {  	s7 =	sld [smem:$0x3F67]  }
0x2d: {  	s3 =	simm.s32 $0x108;
	s8 =	sld [smem:$0x3F68]  }
0x2e: {  	s3 =	simm.s32 @!p0 $0x1082;
	s9 =	sld [smem:$0x3F69]  }
0x2f: {  	lr =	sadd.s32 s0, s3;
	s0 =	sld [smem:$0x3F60]  }
0x30: {  	s3 =	sld [smem:$0x3F63]  }
0x31: {  	[smem:$0x3F6C] =	sst s10  }
0x32: {  	s10 =	sld [smem:$0x3F6A];
	_ =	sdelay $0x3  }
0x33: {  	p0 =	seq.s32 s10, $0x1;
	s10 =	sld [smem:$0x3F6C];
	_ =	sdelay $0x3  }
0x34: {  	[smem:$0x3F6C] =	sst s10  }
0x35: {  	s10 =	sld [smem:$0x3F6B];
	_ =	sdelay $0x3  }
0x36: {  	p1 =	seq.s32 s10, $0x1;
	s10 =	sld [smem:$0x3F6C];
	_ =	sdelay $0x3  }
0x37: {  	[smem:$0x3F6C] =	sst s10  }
0x38: {  	s10 =	sld [smem:$0x3F6D]  }
0x39: {  	_ = 	snop;
	(pc) =	sbr.ind lr, $3  }
0x3a: {  	_ = 	snop  }
0x3b: {  	_ = 	snop  }
0x3c: {  	p2 =	seq.s32 s10, $0x1;
	s10 =	sld [smem:$0x3F6C]  }
0x3d: {  	_ =	shalt  }
0x3e: {  	_ =	shalt  }
0x3f: {  	_ =	shalt  }
0x40: {  	_ =	shalt  }
0x41: {  	_ =	shalt  }
0x42: {  	_ =	shalt  }
0x43: {  	_ =	shalt  }
0x44: {  	_ =	shalt  }
0x45: {  	_ =	shalt  }
0x46: {  	_ =	shalt  }
0x47: {  	_ =	shalt  }
0x48: {  	_ =	shalt  }
0x49: {  	_ =	shalt  }
0x4a: {  	_ =	shalt  }
0x4b: {  	_ =	shalt  }
0x4c: {  	_ =	shalt  }
0x4d: {  	_ =	shalt  }
0x4e: {  	_ =	shalt  }
0x4f: {  	_ =	shalt  }
0x50: {  	_ =	shalt  }
0x51: {  	_ =	shalt  }
0x52: {  	_ =	shalt  }
0x53: {  	_ =	shalt  }
0x54: {  	_ =	shalt  }
0x55: {  	_ =	shalt  }
0x56: {  	_ =	shalt  }
0x57: {  	_ =	shalt  }
0x58: {  	_ =	shalt  }
0x59: {  	_ =	shalt  }
0x5a: {  	_ =	shalt  }
0x5b: {  	_ =	shalt  }
0x5c: {  	_ =	shalt  }
0x5d: {  	_ =	shalt  }
0x5e: {  	_ =	shalt  }
0x5f: {  	_ =	shalt  }
0x60: {  	_ =	shalt  }
0x61: {  	_ =	shalt  }
0x62: {  	_ =	shalt  }
0x63: {  	_ =	shalt  }
0x64: {  	_ =	shalt  }
0x65: {  	_ =	shalt  }
0x66: {  	_ =	shalt  }
0x67: {  	_ =	shalt  }
0x68: {  	_ =	shalt  }
0x69: {  	_ =	shalt  }
0x6a: {  	_ =	shalt  }
0x6b: {  	_ =	shalt  }
0x6c: {  	_ =	shalt  }
0x6d: {  	_ =	shalt  }
0x6e: {  	_ =	shalt  }
0x6f: {  	_ =	shalt  }
0x70: {  	_ =	shalt  }
0x71: {  	_ =	shalt  }
0x72: {  	_ =	shalt  }
0x73: {  	_ =	shalt  }
0x74: {  	_ =	shalt  }
0x75: {  	_ =	shalt  }
0x76: {  	_ =	shalt  }
0x77: {  	_ =	shalt  }
0x78: {  	_ =	shalt  }
0x79: {  	_ =	shalt  }
0x7a: {  	_ =	shalt  }
0x7b: {  	_ =	shalt  }
0x7c: {  	_ =	shalt  }
0x7d: {  	_ =	shalt  }
0x7e: {  	_ =	shalt  }
0x7f: {  	_ =	shalt  }
0x80: {  	_ =	shalt  }
0x81: {  	_ =	shalt  }
0x82: {  	_ =	shalt  }
0x83: {  	_ =	shalt  }
0x84: {  	_ =	shalt  }
0x85: {  	_ =	shalt  }
0x86: {  	_ =	shalt  }
0x87: {  	_ =	shalt  }
.Lfunc_end0:
.L_simem_size_0:
called_computation.7_lowered:
.L_overlay_start_0:
0x88: {  	s2 =	sld [smem:$0x3FD9]  }
0x89: {  	s3 =	sld [smem:$0x3FFE];
	_ =	sdelay $0x1  }
0x8a: {  	s1 =	srdreg.scid  }
0x8b: {  	s0 =	sand.u32 $0x1, s1  }
0x8c: {  	s16 =	sshll.u32 s0, $0xA;
	s2 =	sadd.s32 s3, s2  }
0x8d: {  	s2 =	sadd.s32 s2, s16  }
0x8e: {  	[smem:$0x3F78] =	sst s2  }
0x8f: {  	_ = 	snop  }
0x90: {  	(tm) =	ssettm $0x1  }
0x91: {  	s17 =	sld [smem:$0x3FFB];
	_ =	sdelay $0x3  }
0x92: {  	_ =	strace s17  }
0x93: {  	s2 =	sld [smem:$0x3FFC];
	_ =	sdelay $0x3  }
0x94: {  	_ =	strace s2  }
0x95: {  	s2 =	sld [smem:$0x3FFD];
	_ =	sdelay $0x3  }
0x96: {  	_ =	strace s2  }
0x97: {  	_ =	strace $0x8FFFFFFF  }
0x98: {  	s18 =	sld [smem:$0x3FDB];
	_ =	sdelay $0x1  }
0x99: {  	s19 =	simm.s32 $_scs_section_size  }
0x9a: {  	s4 =	simm.s32 $_size__tile_overlayer_lowered;
	s5 =	simm.s32 $_tile_overlayer_lowered  }
0x9b: {  	s22 =	simm.s32 $0x1BFF;
	s21 =	sshll.u32 s5, $0x1;
	s2 =	sadd.s32 s19, s18  }
0x9c: {  	s6 =	simm.s32 $0x0;
	s20 =	sshll.u32 s4, $0x1;
	s4 =	sadd.s32 s21, s2  }
0x9d: {  	[timem:s6], [sflag:s22] =	dma.local [hbm:s4], s20  }
0x9e: {  	_ =	swait.ge [sflag:s22], s20  }
0x9f: {  	s3 =	ssub.s32 $0x0, s20;
	[sflag:s22] =	ssyncset.done $0x0  }
0xa0: {  	[sflag:s22] =	ssyncadd.s32 s3;
	_ =	sdelay $0x1  }
0xa1: {  	s23 =	simm.s32 $0x1B8B  }
0xa2: {  	_ =	swait.ge [sflag:s23], $0x1  }
0xa3: {  	[sflag:s23] =	ssyncset.done $0x0  }
0xa4: {  	s25 =	simm.s32 $0x1B8E;
	s24 =	sld [smem:$0x3FFE];
	[sflag:s23] =	ssyncadd.s32 $0xFFFFFFFF  }
0xa5: {  	s26 =	simm.s32 $execute0_lowered;
	[smem:$0x3FD2] =	sst s25  }
0xa6: {  	s4 =	sshll.u32 s26, $0x1;
	_ =	strace $0x8000005B;
	[dreg:$0x1] =	wrdreg $0xFFFFFFFF  }
0xa7: {  	s28 =	simm.s32 $_size_execute0_lowered;
	s2 =	sadd.s32 s2, s4;
	[dreg:$0x0] =	wrdreg $0x0  }
0xa8: {  	s4 =	sshll.u32 s28, $0x1;
	[dreg:$0x2] =	wrdreg s2  }
0xa9: {  	[dreg:$0x3] =	wrdreg s4  }
0xaa: {  	[dreg:$0x4] =	wrdreg $0xC0  }
0xab: {  	_ =	task [dreg:s6], $0x5FFFF  }
0xac: {  	[dreg:$0x1] =	wrdreg $0xFFFFFFFF  }
0xad: {  	[dreg:$0x0] =	wrdreg $0x60  }
0xae: {  	[dreg:$0x2] =	wrdreg s24  }
0xaf: {  	[dreg:$0x3] =	wrdreg $0x49000  }
0xb0: {  	[dreg:$0x4] =	wrdreg $0x9  }
0xb1: {  	_ =	task.clear_ibuf [dreg:s6], $0x5FFFF;
	_ =	strace $0x9000005B  }
0xb2: {  	s29 =	simm.s32 $0x9;
	_ =	strace $0x8000005D  }
0xb3: {  	_ =	swait.ge [sflag:s29], $0x1  }
0xb4: {  	[sflag:s29] =	ssyncadd.s32 $0xFFFFFFFF  }
0xb5: {  	_ =	strace $0x9000005D  }
0xb6: {  	_ =	sfence  }
0xb7: {  	s30 =	sld [smem:$0x0];
	_ =	sdelay $0x2  }
0xb8: {  	s31 =	sshll.u32 s1, $0xD;
	s1 =	sshrl.u32 s1, $0x2  }
0xb9: {  	s3 =	sand.u32 $0x4000, s31;
	s1 =	sadd.s32 s1, s30  }
0xba: {  	s0 =	sor.u32 s3, s0;
	s1 =	sshll.u32 s1, $0x11  }
0xbb: {  	s0 =	sor.u32 s1, s0  }
0xbc: {  	s0 =	sadd.s32 $0x8F2B, s0  }
0xbd: {  	[sflag:s0] =	ssyncadd.remote.s32 $0x1  }
0xbe: {  	_ =	sfence.sel $0xFFFF  }
0xbf: {  	[dreg:$0x0] =	wrdreg $0xFFFFFFFF;
	(pc) =	sbr.abs _section_cstart, $3  }
0xc0: {  	[dreg:$0x1] =	wrdreg $0xFFFFFFFF  }
0xc1: {  	_ =	task.clear_ibuf [dreg:s6], $0x2FFFF;
	_ =	strace $0x9FFFFFFF  }
0xc2: {  	(tm) =	ssettm $0x7FFFFFFF  }
0xc3: {  	_ =	shalt  }
tec
execute0_lowered:
.L_overlay_start_1:
0x0: {  	(tag) =	ssettag $0x1  }
0x1: {  	s6 =	rddreg [dreg:$0x0]  }
0x2: {  	s2 =	rddreg [dreg:$0x1]  }
0x3: {  	s0 =	rddreg [dreg:$0x2];
	s3 =	simm.s32 $0x0  }
0x4: {  	s1 =	stileid.u32;
	s4 =	srdreg.scid;
	s21 =	simm.s32 $0x0  }
0x5: {  	[smem:$0x7FF] =	sst s3;
	s9 =	smul.u32 $0x2700, s1;
	s11 =	sadd.s32 $0xAAD000, s6  }
0x6: {  	s13 =	sadd.s32 $0x1B800, s6;
	s10 =	sand.u32 $0x1, s4;
	s8 =	smul.u32 $0x4E000, s1  }
0x7: {  	s7 =	sshll.u32 s1, $0x1;
	s12 =	sadd.s32 $0x9AC00, s6;
	s20 =	smul.u32 $0x4E20, s1  }
0x8: {  	s26 =	sshll.u32 s1, $0x6;
	s16 =	sadd.s32 $0x138000, s2;
	s29 =	smul.u32 $0x4E200, s1  }
0x9: {  	p0 =	sne.s32 s1, $0xF;
	_ =	strace $0x8000005C;
	s17 =	smul.u32 $0x27100, s10  }
0xa: {  	s4 =	ssub.s32 $0x2, s10;
	s7 =	sor.u32 s10, s7;
	s18 =	smul.u32 $0x138800, s10  }
0xb: {  	s10 =	smul.u32 $0x2710, s10;
	s16 =	sshrl.u32 @!p0 s16, $0x3;
	s5 =	sadd.s32 s9, s6  }
0xc: {  	s14 =	sshrl.u32 s4, $0x1;
	s7 =	smul.u32 $0x2710, s7;
	s25 =	sshrl.u32 s8, $0x2  }
0xd: {  	s6 =	sadd.s32 $0x9AA00, s6;
	s31 =	sadd.s32 s29, s11;
	s14 =	ssub.s32 s4, s14  }
0xe: {  	s15 =	sadd.s32 s25, s2;
	s4 =	sadd.s32 $0x73A00, s5;
	s5 =	sor.u32 $0x1C01, s26  }
0xf: {  	s9 =	sadd.s32 s9, s17;
	s18 =	sshrl.u32 s18, $0x3;
	s30 =	sadd.s32 s10, s20  }
0x10: {  	s20 =	simm.s32 $0x10;
	s7 =	sadd.s32 $0x2700, s7;
	s9 =	sadd.s32 s12, s9  }
0x11: {  	s12 =	sadd.s32 s12, s18;
	s18 =	sshrl.u32 s30, $0x3;
	s28 =	sshrl.u32 s7, $0x3  }
0x12: {  	s19 =	sshll.u32 s7, $0x4;
	s10 =	sadd.s32 $0x27000, s12;
	s12 =	sadd.s32 s17, s31  }
0x13: {  	s17 =	simm.s32 $0x80;
	s7 =	sadd.s32 s13, s28;
	s8 =	sadd.s32 s11, s19  }
0x14: {  	s11 =	smax.u32 s14, $0x1;
	s13 =	sadd.s32 s18, s13;
	s14 =	sshrl.u32 s15, $0x3  }
0x15: {  	s15 =	simm.s32 $0x1;
	s18 =	simm.s32 $0x4080;
	s19 =	simm.s32 $0x4100  }
.LBB2_1:
0x16: {  	[spmem:s14], [sflag:s5] =	dma.local [hbm:s4], $0x2700  }
0x17: {  	_ =	swait.ge [sflag:s15], $0x2700  }
0x18: {  	[sflag:s15] =	ssyncset.done $0x0  }
0x19: {  	s22 =	simm.s32 @!p0 $0x1;
	[sflag:s15] =	ssyncadd.s32 $0xFFFFD900  }
0x1a: {  	[spmem:s16], [sflag:s5] =	dma.local @!p0 [hbm:s6], $0x100  }
0x1b: {  	_ =	swait.ge @!p0 [sflag:s22], $0x100  }
0x1c: {  	[sflag:s22] =	ssyncset.done @!p0 $0x0  }
0x1d: {  	[sflag:s22] =	ssyncadd.s32 @!p0 $0xFFFFFF00  }
0x1e: {  	s31 =	sadd.s32 $0x0, s13;
	[bflag:$0x0] =	sbarrier.arrive $0xFFFF  }
0x1f: {  	[tilespmem:s3], [sflag:$0x1] =	stream.linear.gather [hbm4b:s31+s3], $0x80, $0x38;
	[tilespmem:$0x18180] =	vst v63  }
0x20: {  	_ =	swait.ge [sflag:s15], $0x80  }
0x21: {  	[sflag:s15] =	ssyncset.done $0x0  }
0x22: {  	[sflag:s15] =	ssyncadd.s32 $0xFFFFFF80  }
0x23: {  	[tilespmem:s17], [sflag:$0x1] =	stream.linear.gather [hbm4b:s12+s3], $0x4000, $0x38;
	[tilespmem:$0x18180] =	vst v63  }
0x24: {  	_ =	swait.ge [sflag:s15], $0x4000  }
0x25: {  	[sflag:s15] =	ssyncset.done $0x0  }
0x26: {  	[sflag:s15] =	ssyncadd.s32 $0xFFFFC000  }
0x27: {  	[spmem:s2] =	stream.indirect.scatter.add.f32 [tilespmem:s17], [sflag:$0x1], $0x80, s3, s17, $0xb8;
	[tilespmem:$0x18180] =	vst v63  }
0x28: {  	s23 =	simm.s32 $0x10;
	_ =	swait.ge [sflag:s15], $0x4000  }
0x29: {  	s24 =	simm.s32 $0x20;
	s22 =	sadd.s32 $0x800, s12;
	[sflag:s15] =	ssyncset.done $0x0  }
.LBB2_2:
0x2a: {  	s25 =	sadd.s32 s23, s13  }
0x2b: {  	[sflag:s15] =	ssyncadd.s32 $0xFFFFC000;
	s23 =	smov.u32 s24;
	s26 =	sadd.s32 $0x10, s24  }
0x2c: {  	[tilespmem:s3], [sflag:$0x1] =	stream.linear.gather [hbm4b:s25+s3], $0x80, $0x38;
	[tilespmem:$0x18180] =	vst v63  }
0x2d: {  	p1 =	sne.s32 s24, $0x4D0;
	_ =	swait.ge [sflag:s15], $0x80  }
0x2e: {  	[sflag:s15] =	ssyncset.done $0x0  }
0x2f: {  	[sflag:s15] =	ssyncadd.s32 $0xFFFFFF80  }
0x30: {  	[tilespmem:s17], [sflag:$0x1] =	stream.linear.gather [hbm4b:s22+s3], $0x4000, $0x38;
	[tilespmem:$0x18180] =	vst v63  }
0x31: {  	_ =	swait.ge [sflag:s15], $0x4000  }
.Ltmp0:
0x32: {  	[sflag:s15] =	ssyncset.done $0x0;
	(pc) =	sbr.rel @p1 .LBB2_2-.Ltmp0, $4  }
0x33: {  	[sflag:s15] =	ssyncadd.s32 $0xFFFFC000  }
0x34: {  	[spmem:s2] =	stream.indirect.scatter.add.f32 [tilespmem:s17], [sflag:$0x1], $0x80, s3, s17, $0xb8;
	[tilespmem:$0x18180] =	vst v63  }
0x35: {  	_ =	swait.ge [sflag:s15], $0x4000  }
0x36: {  	s24 =	smov.u32 s26;
	s22 =	sadd.s32 $0x800, s22;
	[sflag:s15] =	ssyncset.done $0x0  }
0x37: {  	s23 =	sadd.s32 s23, s13;
	[sflag:s15] =	ssyncadd.s32 $0xFFFFC000  }
0x38: {  	[tilespmem:s3], [sflag:$0x1] =	stream.linear.gather [hbm4b:s23+s3], $0x80, $0x38;
	[tilespmem:$0x18180] =	vst v63  }
0x39: {  	_ =	swait.ge [sflag:s15], $0x80  }
0x3a: {  	[sflag:s15] =	ssyncset.done $0x0  }
0x3b: {  	[sflag:s15] =	ssyncadd.s32 $0xFFFFFF80  }
0x3c: {  	[tilespmem:s17], [sflag:$0x1] =	stream.linear.gather [hbm4b:s22+s3], $0x4000, $0x38;
	[tilespmem:$0x18180] =	vst v63  }
0x3d: {  	_ =	swait.ge [sflag:s15], $0x4000  }
0x3e: {  	[sflag:s15] =	ssyncset.done $0x0  }
0x3f: {  	[sflag:s15] =	ssyncadd.s32 $0xFFFFC000  }
0x40: {  	[spmem:s2] =	stream.indirect.scatter.add.f32 [tilespmem:s17], [sflag:$0x1], $0x80, s3, s17, $0xb8;
	[tilespmem:$0x18180] =	vst v63  }
0x41: {  	_ =	swait.ge [sflag:s15], $0x4000  }
0x42: {  	[sflag:s15] =	ssyncset.done $0x0  }
0x43: {  	[sflag:s15] =	ssyncadd.s32 $0xFFFFC000  }
0x44: {  	[tilespmem:s18], [sflag:$0x1] =	stream.linear.gather [hbm4b:s7+s3], $0x10, $0x38;
	[tilespmem:$0x18180] =	vst v63  }
0x45: {  	_ =	swait.ge [sflag:s15], $0x10  }
0x46: {  	[sflag:s15] =	ssyncset.done $0x0  }
0x47: {  	[sflag:s15] =	ssyncadd.s32 $0xFFFFFFF0  }
0x48: {  	[tilespmem:s19], [sflag:$0x1] =	stream.linear.gather [hbm4b:s8+s3], $0x800, $0x38;
	[tilespmem:$0x18180] =	vst v63  }
0x49: {  	_ =	swait.ge [sflag:s15], $0x800  }
0x4a: {  	[sflag:s15] =	ssyncset.done $0x0  }
0x4b: {  	[sflag:s15] =	ssyncadd.s32 $0xFFFFF800  }
0x4c: {  	[spmem:s2] =	stream.indirect.scatter.add.f32 [tilespmem:s19], [sflag:$0x1], $0x80, s18, s20, $0xb8;
	[tilespmem:$0x18180] =	vst v63  }
0x4d: {  	_ =	swait.ge [sflag:s15], $0x800  }
0x4e: {  	[sflag:s15] =	ssyncset.done $0x0  }
0x4f: {  	[sflag:s15] =	ssyncadd.s32 $0xFFFFF800  }
0x50: {  	[bflag:$0x0] =	sbarrier.arrive $0xFFFF  }
0x51: {  	[hbm:s9], [sflag:s5] =	dma.local [spmem:s14], $0x2700  }
0x52: {  	s21 =	sadd.s32 $0x1, s21;
	_ =	swait.ge [sflag:s15], $0x2700  }
0x53: {  	p1 =	sne.s32 s21, s11;
	[sflag:s15] =	ssyncset.done $0x0  }
.Ltmp1:
0x54: {  	s22 =	simm.s32 @!p0 $0x1;
	[sflag:s15] =	ssyncadd.s32 $0xFFFFD900;
	(pc) =	sbr.rel @p1 .LBB2_1-.Ltmp1, $4  }
0x55: {  	[hbm:s10], [sflag:s5] =	dma.local @!p0 [spmem:s16], $0x100  }
0x56: {  	_ =	swait.ge @!p0 [sflag:s22], $0x100  }
0x57: {  	[sflag:s22] =	ssyncset.done @!p0 $0x0  }
0x58: {  	[sflag:s22] =	ssyncadd.s32 @!p0 $0xFFFFFF00  }
0x59: {  	_ =	sfence.sel $0x180000  }
0x5a: {  	[bflag:$0x0] =	sbarrier.arrive $0xFFFF  }
0x5b: {  	p0 =	sne.s32 s1, $0x0;
	_ =	strace $0x9000005C  }
0x5c: {  	s0 =	sadd.s32 @!p0 $0x100000, s0;
	[bflag:$0x2] =	sbarrier.arrive $0xFFFF  }
0x5d: {  	[sflag:s0] =	ssyncadd.tile.s32 @!p0 $0x1;
	_ =	shalt  }
.Lfunc_end2:
_tile_overlayer_lowered:
.L_overlay_start_2:
0x5e: {  	(tag) =	ssettag $0x2  }
0x5f: {  	s0 =	rddreg [dreg:$0x0];
	s2 =	stileid.u32  }
0x60: {  	s1 =	rddreg [dreg:$0x1];
	p0 =	sne.s32 s2, $0x0  }
0x61: {  	s3 =	rddreg [dreg:$0x2];
	[bflag:$0x3] =	sbarrier.arrive $0xFFFF;
	s2 =	simm.s32 @!p0 $0x1C01  }
0x62: {  	[timem:s3], [sflag:s2] =	dma.local @!p0 [hbm:s0], s1  }
0x63: {  	s0 =	simm.s32 @!p0 $0x1  }
0x64: {  	_ =	swait.ge @!p0 [sflag:s0], s1  }
0x65: {  	s1 =	ssub.s32 @!p0 $0x0, s1;
	[sflag:s0] =	ssyncset.done @!p0 $0x0  }
0x66: {  	[sflag:s0] =	ssyncadd.s32 @!p0 s1  }
0x67: {  	[bflag:$0x3] =	sbarrier.arrive $0xFFFF  }
0x68: {  	_ =	shalt  }

// kernel: kernel.54.cloned.1.call-start
scs
__scs_entry_jumppad:
0x0: {  	(pc) =	sbr.rel $0x88, $3  }
0x1: {  	(tag) =	ssettag $0x0;
	lr =	simm.s32 $0x1  }
0x2: {  	[smem:$0x3F51] =	sst lr;
	_ =	strace $0xD0000000  }
0x3: {  	_ = 	snop  }
0x4: {  	_ = 	snop  }
0x5: {  	_ = 	snop  }
0x6: {  	_ = 	snop  }
0x7: {  	_ = 	snop  }
__scs_overlays_trampoline_lowered:
0x8: {  	[smem:$0x3F60] =	sst s0  }
0x9: {  	[smem:$0x3F61] =	sst s1  }
0xa: {  	[smem:$0x3F62] =	sst s2  }
0xb: {  	[smem:$0x3F63] =	sst s3  }
0xc: {  	[smem:$0x3F64] =	sst s4  }
0xd: {  	[smem:$0x3F65] =	sst s5  }
0xe: {  	[smem:$0x3F66] =	sst s6  }
0xf: {  	[smem:$0x3F67] =	sst s7  }
0x10: {  	[smem:$0x3F68] =	sst s8  }
0x11: {  	[smem:$0x3F69] =	sst s9;
	s0 =	simm.s32 @!p0 $0x0  }
0x12: {  	s1 =	sld [smem:$0x3F4F];
	s0 =	simm.s32 @p0 $0x1  }
0x13: {  	[smem:$0x3F6A] =	sst s0;
	s0 =	simm.s32 @!p1 $0x0  }
0x14: {  	s2 =	sld [smem:$0x3F4E];
	s0 =	simm.s32 @p1 $0x1  }
0x15: {  	[smem:$0x3F6B] =	sst s0;
	s0 =	simm.s32 @!p2 $0x0  }
0x16: {  	s3 =	sld [smem:$0x3FDB];
	s0 =	simm.s32 @p2 $0x1  }
0x17: {  	s4 =	simm.s32 $0x1BF5;
	[smem:$0x3F6D] =	sst s0  }
0x18: {  	s0 =	sld [smem:$0x3F50];
	_ =	swait.ge [sflag:s4], $0x0  }
0x19: {  	s7 =	sld [smem:$0x3F51]  }
0x1a: {  	s8 =	sadd.s32 $0xFFFFE003, lr  }
0x1b: {  	s9 =	sadd.s32 $0xFFFFFEF7, lr;
	s5 =	simm.s32 $0xFFFFFFFF;
	p2 =	slt.u32 s8, $0xFFFFF086  }
0x1c: {  	p1 =	slt.u32 s9, $0xF7A;
	s5 =	simm.s32 @!p2 $0x0  }
0x1d: {  	s5 =	simm.s32 @p1 $0x1;
	p0 =	seq.s32 s7, s2  }
0x1e: {  	s7 =	smul.u32 @!p0 $0xF7A, s2;
	p2 =	seq.s32 @!p0 s5, $0x0  }
0x1f: {  	s9 =	smul.u32 $0xF7A, s1;
	s8 =	simm.s32 @!p0 $0x1BF5;
	p2 =	por !p2, p0  }
0x20: {  	[sflag:s8] =	ssyncset.s32 @!p0 $0xFFFFF086;
	s6 =	sadd.s32 @!p0 s3, s7;
	s7 =	simm.s32 @!p0 $0x108  }
0x21: {  	s3 =	sadd.s32 s3, s9;
	s6 =	sadd.s32 @!p0 $0x88, s6;
	s7 =	simm.s32 @p2 $0x1082  }
0x22: {  	[simem:s7], [sflag:s8] =	dma.local @!p0 [hbm:s6], $0xF7A  }
0x23: {  	s9 =	sor.u32 $0xD0000000, s2;
	s6 =	simm.s32 $0x108;
	_ =	swait.ge @!p0 [sflag:s8], $0x0  }
0x24: {  	s3 =	sadd.s32 $0x88, s3;
	s6 =	simm.s32 @!p1 $0x1082;
	[sflag:s4] =	ssyncset.s32 $0xFFFFF086  }
0x25: {  	[simem:s6], [sflag:s4] =	dma.local [hbm:s3], $0xF7A  }
0x26: {  	[smem:$0x3F51] =	sst s1;
	(tag) =	ssettag s2;
	_ =	strace s9  }
0x27: {  	s1 =	sld [smem:$0x3F61]  }
0x28: {  	s2 =	sld [smem:$0x3F62]  }
0x29: {  	s4 =	sld [smem:$0x3F64]  }
0x2a: {  	p0 =	seq.s32 s5, $0x0;
	s5 =	sld [smem:$0x3F65]  }
0x2b: {  	s6 =	sld [smem:$0x3F66]  }
0x2c: {  	s7 =	sld [smem:$0x3F67]  }
0x2d: {  	s3 =	simm.s32 $0x108;
	s8 =	sld [smem:$0x3F68]  }
0x2e: {  	s3 =	simm.s32 @!p0 $0x1082;
	s9 =	sld [smem:$0x3F69]  }
0x2f: {  	lr =	sadd.s32 s0, s3;
	s0 =	sld [smem:$0x3F60]  }
0x30: {  	s3 =	sld [smem:$0x3F63]  }
0x31: {  	[smem:$0x3F6C] =	sst s10  }
0x32: {  	s10 =	sld [smem:$0x3F6A];
	_ =	sdelay $0x3  }
0x33: {  	p0 =	seq.s32 s10, $0x1;
	s10 =	sld [smem:$0x3F6C];
	_ =	sdelay $0x3  }
0x34: {  	[smem:$0x3F6C] =	sst s10  }
0x35: {  	s10 =	sld [smem:$0x3F6B];
	_ =	sdelay $0x3  }
0x36: {  	p1 =	seq.s32 s10, $0x1;
	s10 =	sld [smem:$0x3F6C];
	_ =	sdelay $0x3  }
0x37: {  	[smem:$0x3F6C] =	sst s10  }
0x38: {  	s10 =	sld [smem:$0x3F6D]  }
0x39: {  	_ = 	snop;
	(pc) =	sbr.ind lr, $3  }
0x3a: {  	_ = 	snop  }
0x3b: {  	_ = 	snop  }
0x3c: {  	p2 =	seq.s32 s10, $0x1;
	s10 =	sld [smem:$0x3F6C]  }
0x3d: {  	_ =	shalt  }
0x3e: {  	_ =	shalt  }
0x3f: {  	_ =	shalt  }
0x40: {  	_ =	shalt  }
0x41: {  	_ =	shalt  }
0x42: {  	_ =	shalt  }
0x43: {  	_ =	shalt  }
0x44: {  	_ =	shalt  }
0x45: {  	_ =	shalt  }
0x46: {  	_ =	shalt  }
0x47: {  	_ =	shalt  }
0x48: {  	_ =	shalt  }
0x49: {  	_ =	shalt  }
0x4a: {  	_ =	shalt  }
0x4b: {  	_ =	shalt  }
0x4c: {  	_ =	shalt  }
0x4d: {  	_ =	shalt  }
0x4e: {  	_ =	shalt  }
0x4f: {  	_ =	shalt  }
0x50: {  	_ =	shalt  }
0x51: {  	_ =	shalt  }
0x52: {  	_ =	shalt  }
0x53: {  	_ =	shalt  }
0x54: {  	_ =	shalt  }
0x55: {  	_ =	shalt  }
0x56: {  	_ =	shalt  }
0x57: {  	_ =	shalt  }
0x58: {  	_ =	shalt  }
0x59: {  	_ =	shalt  }
0x5a: {  	_ =	shalt  }
0x5b: {  	_ =	shalt  }
0x5c: {  	_ =	shalt  }
0x5d: {  	_ =	shalt  }
0x5e: {  	_ =	shalt  }
0x5f: {  	_ =	shalt  }
0x60: {  	_ =	shalt  }
0x61: {  	_ =	shalt  }
0x62: {  	_ =	shalt  }
0x63: {  	_ =	shalt  }
0x64: {  	_ =	shalt  }
0x65: {  	_ =	shalt  }
0x66: {  	_ =	shalt  }
0x67: {  	_ =	shalt  }
0x68: {  	_ =	shalt  }
0x69: {  	_ =	shalt  }
0x6a: {  	_ =	shalt  }
0x6b: {  	_ =	shalt  }
0x6c: {  	_ =	shalt  }
0x6d: {  	_ =	shalt  }
0x6e: {  	_ =	shalt  }
0x6f: {  	_ =	shalt  }
0x70: {  	_ =	shalt  }
0x71: {  	_ =	shalt  }
0x72: {  	_ =	shalt  }
0x73: {  	_ =	shalt  }
0x74: {  	_ =	shalt  }
0x75: {  	_ =	shalt  }
0x76: {  	_ =	shalt  }
0x77: {  	_ =	shalt  }
0x78: {  	_ =	shalt  }
0x79: {  	_ =	shalt  }
0x7a: {  	_ =	shalt  }
0x7b: {  	_ =	shalt  }
0x7c: {  	_ =	shalt  }
0x7d: {  	_ =	shalt  }
0x7e: {  	_ =	shalt  }
0x7f: {  	_ =	shalt  }
0x80: {  	_ =	shalt  }
0x81: {  	_ =	shalt  }
0x82: {  	_ =	shalt  }
0x83: {  	_ =	shalt  }
0x84: {  	_ =	shalt  }
0x85: {  	_ =	shalt  }
0x86: {  	_ =	shalt  }
0x87: {  	_ =	shalt  }
.Lfunc_end0:
.L_simem_size_0:
called_computation.8_lowered:
.L_overlay_start_0:
0x88: {  	s2 =	sld [smem:$0x3FD9]  }
0x89: {  	s3 =	sld [smem:$0x3FFE];
	_ =	sdelay $0x1  }
0x8a: {  	s1 =	srdreg.scid  }
0x8b: {  	s0 =	sand.u32 $0x1, s1  }
0x8c: {  	s16 =	sshll.u32 s0, $0xA;
	s2 =	sadd.s32 s3, s2  }
0x8d: {  	s2 =	sadd.s32 s2, s16  }
0x8e: {  	[smem:$0x3F78] =	sst s2  }
0x8f: {  	_ = 	snop  }
0x90: {  	(tm) =	ssettm $0x1  }
0x91: {  	s17 =	sld [smem:$0x3FFB];
	_ =	sdelay $0x3  }
0x92: {  	_ =	strace s17  }
0x93: {  	s2 =	sld [smem:$0x3FFC];
	_ =	sdelay $0x3  }
0x94: {  	_ =	strace s2  }
0x95: {  	s2 =	sld [smem:$0x3FFD];
	_ =	sdelay $0x3  }
0x96: {  	_ =	strace s2  }
0x97: {  	_ =	strace $0x8FFFFFFF  }
0x98: {  	s18 =	sld [smem:$0x3FDB];
	_ =	sdelay $0x1  }
0x99: {  	s19 =	simm.s32 $_scs_section_size  }
0x9a: {  	s4 =	simm.s32 $_size__tile_overlayer_lowered;
	s5 =	simm.s32 $_tile_overlayer_lowered  }
0x9b: {  	s22 =	simm.s32 $0x1BFF;
	s21 =	sshll.u32 s5, $0x1;
	s2 =	sadd.s32 s19, s18  }
0x9c: {  	s6 =	simm.s32 $0x0;
	s20 =	sshll.u32 s4, $0x1;
	s4 =	sadd.s32 s21, s2  }
0x9d: {  	[timem:s6], [sflag:s22] =	dma.local [hbm:s4], s20  }
0x9e: {  	_ =	swait.ge [sflag:s22], s20  }
0x9f: {  	s3 =	ssub.s32 $0x0, s20;
	[sflag:s22] =	ssyncset.done $0x0  }
0xa0: {  	[sflag:s22] =	ssyncadd.s32 s3;
	_ =	sdelay $0x1  }
0xa1: {  	s23 =	simm.s32 $0x1B8B  }
0xa2: {  	_ =	swait.ge [sflag:s23], $0x1  }
0xa3: {  	[sflag:s23] =	ssyncset.done $0x0  }
0xa4: {  	s25 =	simm.s32 $0x1B8E;
	s24 =	sld [smem:$0x3FFE];
	[sflag:s23] =	ssyncadd.s32 $0xFFFFFFFF  }
0xa5: {  	s26 =	simm.s32 $execute0_lowered;
	[smem:$0x3FD2] =	sst s25  }
0xa6: {  	s4 =	sshll.u32 s26, $0x1;
	_ =	strace $0x8000005E;
	[dreg:$0x1] =	wrdreg $0xFFFFFFFF  }
0xa7: {  	s28 =	simm.s32 $_size_execute0_lowered;
	s2 =	sadd.s32 s2, s4;
	[dreg:$0x0] =	wrdreg $0x0  }
0xa8: {  	s4 =	sshll.u32 s28, $0x1;
	[dreg:$0x2] =	wrdreg s2  }
0xa9: {  	[dreg:$0x3] =	wrdreg s4  }
0xaa: {  	[dreg:$0x4] =	wrdreg $0xC0  }
0xab: {  	_ =	task [dreg:s6], $0x5FFFF  }
0xac: {  	[dreg:$0x1] =	wrdreg $0xFFFFFFFF  }
0xad: {  	[dreg:$0x0] =	wrdreg $0x60  }
0xae: {  	[dreg:$0x2] =	wrdreg s24  }
0xaf: {  	[dreg:$0x3] =	wrdreg $0x9  }
0xb0: {  	_ =	task.clear_ibuf [dreg:s6], $0x4FFFF;
	_ =	strace $0x9000005E  }
0xb1: {  	s29 =	simm.s32 $0x9;
	_ =	strace $0x80000060  }
0xb2: {  	_ =	swait.ge [sflag:s29], $0x1  }
0xb3: {  	[sflag:s29] =	ssyncadd.s32 $0xFFFFFFFF  }
0xb4: {  	_ =	strace $0x90000060  }
0xb5: {  	_ =	sfence  }
0xb6: {  	s30 =	sld [smem:$0x0];
	_ =	sdelay $0x2  }
0xb7: {  	s31 =	sshll.u32 s1, $0xD;
	s1 =	sshrl.u32 s1, $0x2  }
0xb8: {  	s3 =	sand.u32 $0x4000, s31;
	s1 =	sadd.s32 s1, s30  }
0xb9: {  	s0 =	sor.u32 s3, s0;
	s1 =	sshll.u32 s1, $0x11  }
0xba: {  	s0 =	sor.u32 s1, s0  }
0xbb: {  	s0 =	sadd.s32 $0x8F2B, s0  }
0xbc: {  	[sflag:s0] =	ssyncadd.remote.s32 $0x1  }
0xbd: {  	_ =	sfence.sel $0xFFFF  }
0xbe: {  	[dreg:$0x0] =	wrdreg $0xFFFFFFFF;
	(pc) =	sbr.abs _section_cstart, $3  }
0xbf: {  	[dreg:$0x1] =	wrdreg $0xFFFFFFFF  }
0xc0: {  	_ =	task.clear_ibuf [dreg:s6], $0x2FFFF;
	_ =	strace $0x9FFFFFFF  }
0xc1: {  	(tm) =	ssettm $0x7FFFFFFF  }
tec
execute0_lowered:
.L_overlay_start_1:
0x0: {  	(tag) =	ssettag $0x1  }
0x1: {  	s5 =	rddreg [dreg:$0x0]  }
0x2: {  	s0 =	rddreg [dreg:$0x1];
	s3 =	srdreg.scid  }
0x3: {  	s1 =	stileid.u32;
	s2 =	simm.s32 $0x0;
	s17 =	simm.s32 $0x4180  }
0x4: {  	s18 =	simm.s32 $0x10;
	s19 =	simm.s32 $0x4200;
	s20 =	simm.s32 $0x0  }
0x5: {  	s8 =	sand.u32 $0x1, s3;
	s26 =	sshll.u32 s1, $0x1;
	[smem:$0x7FF] =	sst s2  }
0x6: {  	s3 =	sadd.s32 $0x9AC00, s5;
	s11 =	sadd.s32 $0x11A00, s5;
	s13 =	smul.u32 $0x4E20, s1  }
0x7: {  	s10 =	sadd.s32 $0x1B800, s5;
	s9 =	sadd.s32 $0xE9000, s5;
	s30 =	smul.u32 $0x4E200, s1  }
0x8: {  	s4 =	sor.u32 s8, s26;
	s28 =	ssub.s32 $0x2, s8;
	s15 =	smul.u32 $0x2710, s8  }
0x9: {  	_ =	strace $0x8000005F;
	s6 =	smul.u32 $0x2710, s4;
	s29 =	sshrl.u32 s28, $0x1  }
0xa: {  	s16 =	smul.u32 $0x27100, s8;
	s4 =	sadd.s32 $0xC1E00, s5;
	s14 =	ssub.s32 s28, s29  }
0xb: {  	s13 =	sadd.s32 s15, s13;
	s15 =	simm.s32 $0x1;
	s7 =	sadd.s32 $0x2700, s6  }
0xc: {  	s8 =	smax.u32 s14, $0x1;
	s31 =	sshrl.u32 s13, $0x3;
	s13 =	simm.s32 $0x80  }
0xd: {  	s14 =	simm.s32 $0x100;
	s12 =	sshrl.u32 s7, $0x3;
	s7 =	sshll.u32 s7, $0x4  }
0xe: {  	s5 =	sadd.s32 s11, s12;
	s6 =	sadd.s32 s10, s12;
	s7 =	sadd.s32 s9, s7  }
0xf: {  	s9 =	sadd.s32 s30, s9;
	s10 =	sadd.s32 s31, s10;
	s11 =	sadd.s32 s31, s11  }
0x10: {  	s12 =	simm.s32 $0x2;
	s9 =	sadd.s32 s16, s9;
	s16 =	simm.s32 $0x4100  }
.LBB2_1:
0x11: {  	s21 =	sadd.s32 $0x0, s11  }
0x12: {  	[tilespmem:s2], [sflag:$0x2] =	stream.linear.gather [hbm4b:s21+s2], $0x80, $0x38;
	[tilespmem:$0x4A00] =	vst v63  }
0x13: {  	_ =	swait.ge [sflag:s12], $0x80  }
0x14: {  	[sflag:s12] =	ssyncset.done $0x0  }
0x15: {  	s31 =	sadd.s32 $0x0, s10;
	[sflag:s12] =	ssyncadd.s32 $0xFFFFFF80  }
0x16: {  	[tilespmem:s13], [sflag:$0x2] =	stream.linear.gather [hbm4b:s31+s2], $0x80, $0x38;
	[tilespmem:$0x4A00] =	vst v63  }
0x17: {  	_ =	swait.ge [sflag:s12], $0x80  }
0x18: {  	[sflag:s12] =	ssyncset.done $0x0  }
0x19: {  	[sflag:s12] =	ssyncadd.s32 $0xFFFFFF80  }
0x1a: {  	[tilespmem:s14], [sflag:$0x1] =	stream.indirect.gather [hbm4b:s3+s13], $0x80, s2, s13, $0xb8;
	[tilespmem:$0x4A00] =	vst v63  }
0x1b: {  	_ =	swait.ge [sflag:s15], $0x4000  }
0x1c: {  	[sflag:s15] =	ssyncset.done $0x0  }
0x1d: {  	[sflag:s15] =	ssyncadd.s32 $0xFFFFC000  }
0x1e: {  	[tilespmem:s14], [sflag:$0x1] =	stream.indirect.gather.add.f32 [hbm:s4], $0x80, s13, s13, $0xb8;
	[tilespmem:$0x4A00] =	vst v63  }
0x1f: {  	_ =	swait.ge [sflag:s15], $0x4000  }
0x20: {  	[sflag:s15] =	ssyncset.done $0x0  }
0x21: {  	[sflag:s15] =	ssyncadd.s32 $0xFFFFC000  }
0x22: {  	[hbm4b:s9+s2] =	stream.linear.scatter [tilespmem:s14], [sflag:$0x2], $0x4000, $0x38;
	[tilespmem:$0x4A00] =	vst v63  }
0x23: {  	s22 =	simm.s32 $0x10;
	_ =	swait.ge [sflag:s12], $0x4000  }
0x24: {  	s23 =	simm.s32 $0x20;
	s21 =	sadd.s32 $0x800, s9;
	[sflag:s12] =	ssyncset.done $0x0  }
.LBB2_2:
0x25: {  	s24 =	sadd.s32 s22, s11  }
0x26: {  	[sflag:s12] =	ssyncadd.s32 $0xFFFFC000;
	s25 =	smov.u32 s23;
	s26 =	sadd.s32 $0x10, s23  }
0x27: {  	[tilespmem:s2], [sflag:$0x2] =	stream.linear.gather [hbm4b:s24+s2], $0x80, $0x38;
	[tilespmem:$0x4A00] =	vst v63  }
0x28: {  	p0 =	sne.s32 s23, $0x4D0;
	_ =	swait.ge [sflag:s12], $0x80  }
0x29: {  	[sflag:s12] =	ssyncset.done $0x0  }
0x2a: {  	s23 =	sadd.s32 s22, s10;
	s22 =	smov.u32 s25;
	[sflag:s12] =	ssyncadd.s32 $0xFFFFFF80  }
0x2b: {  	[tilespmem:s13], [sflag:$0x2] =	stream.linear.gather [hbm4b:s23+s2], $0x80, $0x38;
	[tilespmem:$0x4A00] =	vst v63  }
0x2c: {  	_ =	swait.ge [sflag:s12], $0x80  }
0x2d: {  	[sflag:s12] =	ssyncset.done $0x0  }
0x2e: {  	[sflag:s12] =	ssyncadd.s32 $0xFFFFFF80  }
0x2f: {  	[tilespmem:s14], [sflag:$0x1] =	stream.indirect.gather [hbm4b:s3+s13], $0x80, s2, s13, $0xb8;
	[tilespmem:$0x4A00] =	vst v63  }
0x30: {  	_ =	swait.ge [sflag:s15], $0x4000  }
0x31: {  	[sflag:s15] =	ssyncset.done $0x0  }
0x32: {  	[sflag:s15] =	ssyncadd.s32 $0xFFFFC000  }
0x33: {  	[tilespmem:s14], [sflag:$0x1] =	stream.indirect.gather.add.f32 [hbm:s4], $0x80, s13, s13, $0xb8;
	[tilespmem:$0x4A00] =	vst v63  }
0x34: {  	_ =	swait.ge [sflag:s15], $0x4000  }
.Ltmp0:
0x35: {  	[sflag:s15] =	ssyncset.done $0x0;
	(pc) =	sbr.rel @p0 .LBB2_2-.Ltmp0, $4  }
0x36: {  	[sflag:s15] =	ssyncadd.s32 $0xFFFFC000  }
0x37: {  	[hbm4b:s21+s2] =	stream.linear.scatter [tilespmem:s14], [sflag:$0x2], $0x4000, $0x38;
	[tilespmem:$0x4A00] =	vst v63  }
0x38: {  	_ =	swait.ge [sflag:s12], $0x4000  }
0x39: {  	s23 =	smov.u32 s26;
	s21 =	sadd.s32 $0x800, s21;
	[sflag:s12] =	ssyncset.done $0x0  }
0x3a: {  	s23 =	sadd.s32 s22, s11;
	[sflag:s12] =	ssyncadd.s32 $0xFFFFC000  }
0x3b: {  	[tilespmem:s2], [sflag:$0x2] =	stream.linear.gather [hbm4b:s23+s2], $0x80, $0x38;
	[tilespmem:$0x4A00] =	vst v63  }
0x3c: {  	_ =	swait.ge [sflag:s12], $0x80  }
0x3d: {  	[sflag:s12] =	ssyncset.done $0x0  }
0x3e: {  	s31 =	sadd.s32 s22, s10;
	[sflag:s12] =	ssyncadd.s32 $0xFFFFFF80  }
0x3f: {  	[tilespmem:s13], [sflag:$0x2] =	stream.linear.gather [hbm4b:s31+s2], $0x80, $0x38;
	[tilespmem:$0x4A00] =	vst v63  }
0x40: {  	_ =	swait.ge [sflag:s12], $0x80  }
0x41: {  	[sflag:s12] =	ssyncset.done $0x0  }
0x42: {  	[sflag:s12] =	ssyncadd.s32 $0xFFFFFF80  }
0x43: {  	[tilespmem:s14], [sflag:$0x1] =	stream.indirect.gather [hbm4b:s3+s13], $0x80, s2, s13, $0xb8;
	[tilespmem:$0x4A00] =	vst v63  }
0x44: {  	_ =	swait.ge [sflag:s15], $0x4000  }
0x45: {  	[sflag:s15] =	ssyncset.done $0x0  }
0x46: {  	[sflag:s15] =	ssyncadd.s32 $0xFFFFC000  }
0x47: {  	[tilespmem:s14], [sflag:$0x1] =	stream.indirect.gather.add.f32 [hbm:s4], $0x80, s13, s13, $0xb8;
	[tilespmem:$0x4A00] =	vst v63  }
0x48: {  	_ =	swait.ge [sflag:s15], $0x4000  }
0x49: {  	[sflag:s15] =	ssyncset.done $0x0  }
0x4a: {  	[sflag:s15] =	ssyncadd.s32 $0xFFFFC000  }
0x4b: {  	[hbm4b:s21+s2] =	stream.linear.scatter [tilespmem:s14], [sflag:$0x2], $0x4000, $0x38;
	[tilespmem:$0x4A00] =	vst v63  }
0x4c: {  	_ =	swait.ge [sflag:s12], $0x4000  }
0x4d: {  	[sflag:s12] =	ssyncset.done $0x0  }
0x4e: {  	[sflag:s12] =	ssyncadd.s32 $0xFFFFC000  }
0x4f: {  	[tilespmem:s16], [sflag:$0x2] =	stream.linear.gather [hbm4b:s5+s2], $0x10, $0x38;
	[tilespmem:$0x4A00] =	vst v63  }
0x50: {  	_ =	swait.ge [sflag:s12], $0x10  }
0x51: {  	[sflag:s12] =	ssyncset.done $0x0  }
0x52: {  	[sflag:s12] =	ssyncadd.s32 $0xFFFFFFF0  }
0x53: {  	[tilespmem:s17], [sflag:$0x2] =	stream.linear.gather [hbm4b:s6+s2], $0x10, $0x38;
	[tilespmem:$0x4A00] =	vst v63  }
0x54: {  	_ =	swait.ge [sflag:s12], $0x10  }
0x55: {  	[sflag:s12] =	ssyncset.done $0x0  }
0x56: {  	[sflag:s12] =	ssyncadd.s32 $0xFFFFFFF0  }
0x57: {  	[tilespmem:s19], [sflag:$0x1] =	stream.indirect.gather [hbm4b:s3+s18], $0x80, s16, s18, $0xb8;
	[tilespmem:$0x4A00] =	vst v63  }
0x58: {  	_ =	swait.ge [sflag:s15], $0x800  }
0x59: {  	[sflag:s15] =	ssyncset.done $0x0  }
0x5a: {  	[sflag:s15] =	ssyncadd.s32 $0xFFFFF800  }
0x5b: {  	[tilespmem:s19], [sflag:$0x1] =	stream.indirect.gather.add.f32 [hbm:s4], $0x80, s17, s18, $0xb8;
	[tilespmem:$0x4A00] =	vst v63  }
0x5c: {  	s20 =	sadd.s32 $0x1, s20;
	_ =	swait.ge [sflag:s15], $0x800  }
0x5d: {  	p0 =	sne.s32 s20, s8;
	[sflag:s15] =	ssyncset.done $0x0  }
.Ltmp1:
0x5e: {  	[sflag:s15] =	ssyncadd.s32 $0xFFFFF800;
	(pc) =	sbr.rel @p0 .LBB2_1-.Ltmp1, $4  }
0x5f: {  	[hbm4b:s7+s2] =	stream.linear.scatter [tilespmem:s19], [sflag:$0x2], $0x800, $0x38;
	[tilespmem:$0x4A00] =	vst v63  }
0x60: {  	_ =	swait.ge [sflag:s12], $0x800  }
0x61: {  	[sflag:s12] =	ssyncset.done $0x0  }
0x62: {  	[sflag:s12] =	ssyncadd.s32 $0xFFFFF800  }
0x63: {  	_ =	sfence.sel $0x180000  }
0x64: {  	[bflag:$0x0] =	sbarrier.arrive $0xFFFF  }
0x65: {  	p0 =	sne.s32 s1, $0x0;
	_ =	strace $0x9000005F  }
0x66: {  	s0 =	sadd.s32 @!p0 $0x100000, s0;
	[bflag:$0x2] =	sbarrier.arrive $0xFFFF  }
0x67: {  	[sflag:s0] =	ssyncadd.tile.s32 @!p0 $0x1;
	_ =	shalt  }
.Lfunc_end2:
_tile_overlayer_lowered:
.L_overlay_start_2:
0x68: {  	(tag) =	ssettag $0x2  }
0x69: {  	s0 =	rddreg [dreg:$0x0];
	s2 =	stileid.u32  }
0x6a: {  	s1 =	rddreg [dreg:$0x1];
	p0 =	sne.s32 s2, $0x0  }
0x6b: {  	s3 =	rddreg [dreg:$0x2];
	[bflag:$0x3] =	sbarrier.arrive $0xFFFF;
	s2 =	simm.s32 @!p0 $0x1C02  }
0x6c: {  	[timem:s3], [sflag:s2] =	dma.local @!p0 [hbm:s0], s1  }
0x6d: {  	s0 =	simm.s32 @!p0 $0x2  }
0x6e: {  	_ =	swait.ge @!p0 [sflag:s0], s1  }
0x6f: {  	s1 =	ssub.s32 @!p0 $0x0, s1;
	[sflag:s0] =	ssyncset.done @!p0 $0x0  }
0x70: {  	[sflag:s0] =	ssyncadd.s32 @!p0 s1  }
0x71: {  	[bflag:$0x3] =	sbarrier.arrive $0xFFFF  }
0x72: {  	_ =	shalt  }

// kernel: kernel.57.cloned.1.call-start
scs
__scs_entry_jumppad:
0x0: {  	(pc) =	sbr.rel $0x88, $3  }
0x1: {  	(tag) =	ssettag $0x0;
	lr =	simm.s32 $0x1  }
0x2: {  	[smem:$0x3F51] =	sst lr;
	_ =	strace $0xD0000000  }
0x3: {  	_ = 	snop  }
0x4: {  	_ = 	snop  }
0x5: {  	_ = 	snop  }
0x6: {  	_ = 	snop  }
0x7: {  	_ = 	snop  }
__scs_overlays_trampoline_lowered:
0x8: {  	[smem:$0x3F60] =	sst s0  }
0x9: {  	[smem:$0x3F61] =	sst s1  }
0xa: {  	[smem:$0x3F62] =	sst s2  }
0xb: {  	[smem:$0x3F63] =	sst s3  }
0xc: {  	[smem:$0x3F64] =	sst s4  }
0xd: {  	[smem:$0x3F65] =	sst s5  }
0xe: {  	[smem:$0x3F66] =	sst s6  }
0xf: {  	[smem:$0x3F67] =	sst s7  }
0x10: {  	[smem:$0x3F68] =	sst s8  }
0x11: {  	[smem:$0x3F69] =	sst s9;
	s0 =	simm.s32 @!p0 $0x0  }
0x12: {  	s1 =	sld [smem:$0x3F4F];
	s0 =	simm.s32 @p0 $0x1  }
0x13: {  	[smem:$0x3F6A] =	sst s0;
	s0 =	simm.s32 @!p1 $0x0  }
0x14: {  	s2 =	sld [smem:$0x3F4E];
	s0 =	simm.s32 @p1 $0x1  }
0x15: {  	[smem:$0x3F6B] =	sst s0;
	s0 =	simm.s32 @!p2 $0x0  }
0x16: {  	s3 =	sld [smem:$0x3FDB];
	s0 =	simm.s32 @p2 $0x1  }
0x17: {  	s4 =	simm.s32 $0x1BF5;
	[smem:$0x3F6D] =	sst s0  }
0x18: {  	s0 =	sld [smem:$0x3F50];
	_ =	swait.ge [sflag:s4], $0x0  }
0x19: {  	s7 =	sld [smem:$0x3F51]  }
0x1a: {  	s8 =	sadd.s32 $0xFFFFE003, lr  }
0x1b: {  	s9 =	sadd.s32 $0xFFFFFEF7, lr;
	s5 =	simm.s32 $0xFFFFFFFF;
	p2 =	slt.u32 s8, $0xFFFFF086  }
0x1c: {  	p1 =	slt.u32 s9, $0xF7A;
	s5 =	simm.s32 @!p2 $0x0  }
0x1d: {  	s5 =	simm.s32 @p1 $0x1;
	p0 =	seq.s32 s7, s2  }
0x1e: {  	s7 =	smul.u32 @!p0 $0xF7A, s2;
	p2 =	seq.s32 @!p0 s5, $0x0  }
0x1f: {  	s9 =	smul.u32 $0xF7A, s1;
	s8 =	simm.s32 @!p0 $0x1BF5;
	p2 =	por !p2, p0  }
0x20: {  	[sflag:s8] =	ssyncset.s32 @!p0 $0xFFFFF086;
	s6 =	sadd.s32 @!p0 s3, s7;
	s7 =	simm.s32 @!p0 $0x108  }
0x21: {  	s3 =	sadd.s32 s3, s9;
	s6 =	sadd.s32 @!p0 $0x88, s6;
	s7 =	simm.s32 @p2 $0x1082  }
0x22: {  	[simem:s7], [sflag:s8] =	dma.local @!p0 [hbm:s6], $0xF7A  }
0x23: {  	s9 =	sor.u32 $0xD0000000, s2;
	s6 =	simm.s32 $0x108;
	_ =	swait.ge @!p0 [sflag:s8], $0x0  }
0x24: {  	s3 =	sadd.s32 $0x88, s3;
	s6 =	simm.s32 @!p1 $0x1082;
	[sflag:s4] =	ssyncset.s32 $0xFFFFF086  }
0x25: {  	[simem:s6], [sflag:s4] =	dma.local [hbm:s3], $0xF7A  }
0x26: {  	[smem:$0x3F51] =	sst s1;
	(tag) =	ssettag s2;
	_ =	strace s9  }
0x27: {  	s1 =	sld [smem:$0x3F61]  }
0x28: {  	s2 =	sld [smem:$0x3F62]  }
0x29: {  	s4 =	sld [smem:$0x3F64]  }
0x2a: {  	p0 =	seq.s32 s5, $0x0;
	s5 =	sld [smem:$0x3F65]  }
0x2b: {  	s6 =	sld [smem:$0x3F66]  }
0x2c: {  	s7 =	sld [smem:$0x3F67]  }
0x2d: {  	s3 =	simm.s32 $0x108;
	s8 =	sld [smem:$0x3F68]  }
0x2e: {  	s3 =	simm.s32 @!p0 $0x1082;
	s9 =	sld [smem:$0x3F69]  }
0x2f: {  	lr =	sadd.s32 s0, s3;
	s0 =	sld [smem:$0x3F60]  }
0x30: {  	s3 =	sld [smem:$0x3F63]  }
0x31: {  	[smem:$0x3F6C] =	sst s10  }
0x32: {  	s10 =	sld [smem:$0x3F6A];
	_ =	sdelay $0x3  }
0x33: {  	p0 =	seq.s32 s10, $0x1;
	s10 =	sld [smem:$0x3F6C];
	_ =	sdelay $0x3  }
0x34: {  	[smem:$0x3F6C] =	sst s10  }
0x35: {  	s10 =	sld [smem:$0x3F6B];
	_ =	sdelay $0x3  }
0x36: {  	p1 =	seq.s32 s10, $0x1;
	s10 =	sld [smem:$0x3F6C];
	_ =	sdelay $0x3  }
0x37: {  	[smem:$0x3F6C] =	sst s10  }
0x38: {  	s10 =	sld [smem:$0x3F6D]  }
0x39: {  	_ = 	snop;
	(pc) =	sbr.ind lr, $3  }
0x3a: {  	_ = 	snop  }
0x3b: {  	_ = 	snop  }
0x3c: {  	p2 =	seq.s32 s10, $0x1;
	s10 =	sld [smem:$0x3F6C]  }
0x3d: {  	_ =	shalt  }
0x3e: {  	_ =	shalt  }
0x3f: {  	_ =	shalt  }
0x40: {  	_ =	shalt  }
0x41: {  	_ =	shalt  }
0x42: {  	_ =	shalt  }
0x43: {  	_ =	shalt  }
0x44: {  	_ =	shalt  }
0x45: {  	_ =	shalt  }
0x46: {  	_ =	shalt  }
0x47: {  	_ =	shalt  }
0x48: {  	_ =	shalt  }
0x49: {  	_ =	shalt  }
0x4a: {  	_ =	shalt  }
0x4b: {  	_ =	shalt  }
0x4c: {  	_ =	shalt  }
0x4d: {  	_ =	shalt  }
0x4e: {  	_ =	shalt  }
0x4f: {  	_ =	shalt  }
0x50: {  	_ =	shalt  }
0x51: {  	_ =	shalt  }
0x52: {  	_ =	shalt  }
0x53: {  	_ =	shalt  }
0x54: {  	_ =	shalt  }
0x55: {  	_ =	shalt  }
0x56: {  	_ =	shalt  }
0x57: {  	_ =	shalt  }
0x58: {  	_ =	shalt  }
0x59: {  	_ =	shalt  }
0x5a: {  	_ =	shalt  }
0x5b: {  	_ =	shalt  }
0x5c: {  	_ =	shalt  }
0x5d: {  	_ =	shalt  }
0x5e: {  	_ =	shalt  }
0x5f: {  	_ =	shalt  }
0x60: {  	_ =	shalt  }
0x61: {  	_ =	shalt  }
0x62: {  	_ =	shalt  }
0x63: {  	_ =	shalt  }
0x64: {  	_ =	shalt  }
0x65: {  	_ =	shalt  }
0x66: {  	_ =	shalt  }
0x67: {  	_ =	shalt  }
0x68: {  	_ =	shalt  }
0x69: {  	_ =	shalt  }
0x6a: {  	_ =	shalt  }
0x6b: {  	_ =	shalt  }
0x6c: {  	_ =	shalt  }
0x6d: {  	_ =	shalt  }
0x6e: {  	_ =	shalt  }
0x6f: {  	_ =	shalt  }
0x70: {  	_ =	shalt  }
0x71: {  	_ =	shalt  }
0x72: {  	_ =	shalt  }
0x73: {  	_ =	shalt  }
0x74: {  	_ =	shalt  }
0x75: {  	_ =	shalt  }
0x76: {  	_ =	shalt  }
0x77: {  	_ =	shalt  }
0x78: {  	_ =	shalt  }
0x79: {  	_ =	shalt  }
0x7a: {  	_ =	shalt  }
0x7b: {  	_ =	shalt  }
0x7c: {  	_ =	shalt  }
0x7d: {  	_ =	shalt  }
0x7e: {  	_ =	shalt  }
0x7f: {  	_ =	shalt  }
0x80: {  	_ =	shalt  }
0x81: {  	_ =	shalt  }
0x82: {  	_ =	shalt  }
0x83: {  	_ =	shalt  }
0x84: {  	_ =	shalt  }
0x85: {  	_ =	shalt  }
0x86: {  	_ =	shalt  }
0x87: {  	_ =	shalt  }
.Lfunc_end0:
.L_simem_size_0:
called_computation.9_lowered:
.L_overlay_start_0:
0x88: {  	s2 =	sld [smem:$0x3FD9]  }
0x89: {  	s3 =	sld [smem:$0x3FFE];
	_ =	sdelay $0x1  }
0x8a: {  	s1 =	srdreg.scid  }
0x8b: {  	s0 =	sand.u32 $0x1, s1  }
0x8c: {  	s16 =	sshll.u32 s0, $0xA;
	s2 =	sadd.s32 s3, s2  }
0x8d: {  	s2 =	sadd.s32 s2, s16  }
0x8e: {  	[smem:$0x3F78] =	sst s2  }
0x8f: {  	_ = 	snop  }
0x90: {  	(tm) =	ssettm $0x1  }
0x91: {  	s17 =	sld [smem:$0x3FFB];
	_ =	sdelay $0x3  }
0x92: {  	_ =	strace s17  }
0x93: {  	s2 =	sld [smem:$0x3FFC];
	_ =	sdelay $0x3  }
0x94: {  	_ =	strace s2  }
0x95: {  	s2 =	sld [smem:$0x3FFD];
	_ =	sdelay $0x3  }
0x96: {  	_ =	strace s2  }
0x97: {  	_ =	strace $0x8FFFFFFF  }
0x98: {  	s18 =	sld [smem:$0x3FDB];
	_ =	sdelay $0x1  }
0x99: {  	s19 =	simm.s32 $_scs_section_size  }
0x9a: {  	s4 =	simm.s32 $_size__tile_overlayer_lowered;
	s5 =	simm.s32 $_tile_overlayer_lowered  }
0x9b: {  	s22 =	simm.s32 $0x1BFF;
	s21 =	sshll.u32 s5, $0x1;
	s2 =	sadd.s32 s19, s18  }
0x9c: {  	s6 =	simm.s32 $0x0;
	s20 =	sshll.u32 s4, $0x1;
	s4 =	sadd.s32 s21, s2  }
0x9d: {  	[timem:s6], [sflag:s22] =	dma.local [hbm:s4], s20  }
0x9e: {  	_ =	swait.ge [sflag:s22], s20  }
0x9f: {  	s3 =	ssub.s32 $0x0, s20;
	[sflag:s22] =	ssyncset.done $0x0  }
0xa0: {  	[sflag:s22] =	ssyncadd.s32 s3;
	_ =	sdelay $0x1  }
0xa1: {  	s23 =	simm.s32 $0x1B8B  }
0xa2: {  	_ =	swait.ge [sflag:s23], $0x1  }
0xa3: {  	[sflag:s23] =	ssyncset.done $0x0  }
0xa4: {  	s25 =	simm.s32 $0x1B8E;
	s24 =	sld [smem:$0x3FFE];
	[sflag:s23] =	ssyncadd.s32 $0xFFFFFFFF  }
0xa5: {  	s26 =	simm.s32 $execute0_lowered;
	[smem:$0x3FD2] =	sst s25  }
0xa6: {  	s4 =	sshll.u32 s26, $0x1;
	_ =	strace $0x80000061;
	[dreg:$0x1] =	wrdreg $0xFFFFFFFF  }
0xa7: {  	s28 =	simm.s32 $_size_execute0_lowered;
	s2 =	sadd.s32 s2, s4;
	[dreg:$0x0] =	wrdreg $0x0  }
0xa8: {  	s4 =	sshll.u32 s28, $0x1;
	[dreg:$0x2] =	wrdreg s2  }
0xa9: {  	[dreg:$0x3] =	wrdreg s4  }
0xaa: {  	[dreg:$0x4] =	wrdreg $0xC0  }
0xab: {  	_ =	task [dreg:s6], $0x5FFFF  }
0xac: {  	[dreg:$0x1] =	wrdreg $0xFFFFFFFF  }
0xad: {  	[dreg:$0x0] =	wrdreg $0x60  }
0xae: {  	[dreg:$0x2] =	wrdreg s24  }
0xaf: {  	[dreg:$0x3] =	wrdreg $0x49000  }
0xb0: {  	[dreg:$0x4] =	wrdreg $0x9  }
0xb1: {  	_ =	task.clear_ibuf [dreg:s6], $0x5FFFF;
	_ =	strace $0x90000061  }
0xb2: {  	s29 =	simm.s32 $0x9;
	_ =	strace $0x80000063  }
0xb3: {  	_ =	swait.ge [sflag:s29], $0x1  }
0xb4: {  	[sflag:s29] =	ssyncadd.s32 $0xFFFFFFFF  }
0xb5: {  	_ =	strace $0x90000063  }
0xb6: {  	_ =	sfence  }
0xb7: {  	s30 =	sld [smem:$0x0];
	_ =	sdelay $0x2  }
0xb8: {  	s31 =	sshll.u32 s1, $0xD;
	s1 =	sshrl.u32 s1, $0x2  }
0xb9: {  	s3 =	sand.u32 $0x4000, s31;
	s1 =	sadd.s32 s1, s30  }
0xba: {  	s0 =	sor.u32 s3, s0;
	s1 =	sshll.u32 s1, $0x11  }
0xbb: {  	s0 =	sor.u32 s1, s0  }
0xbc: {  	s0 =	sadd.s32 $0x8F2B, s0  }
0xbd: {  	[sflag:s0] =	ssyncadd.remote.s32 $0x1  }
0xbe: {  	_ =	sfence.sel $0xFFFF  }
0xbf: {  	[dreg:$0x0] =	wrdreg $0xFFFFFFFF;
	(pc) =	sbr.abs _section_cstart, $3  }
0xc0: {  	[dreg:$0x1] =	wrdreg $0xFFFFFFFF  }
0xc1: {  	_ =	task.clear_ibuf [dreg:s6], $0x2FFFF;
	_ =	strace $0x9FFFFFFF  }
0xc2: {  	(tm) =	ssettm $0x7FFFFFFF  }
0xc3: {  	_ =	shalt  }
tec
execute0_lowered:
.L_overlay_start_1:
0x0: {  	(tag) =	ssettag $0x1  }
0x1: {  	s6 =	rddreg [dreg:$0x0]  }
0x2: {  	s2 =	rddreg [dreg:$0x1]  }
0x3: {  	s0 =	rddreg [dreg:$0x2];
	s3 =	simm.s32 $0x0  }
0x4: {  	s1 =	stileid.u32;
	s4 =	srdreg.scid;
	s21 =	simm.s32 $0x0  }
0x5: {  	[smem:$0x7FF] =	sst s3;
	s9 =	smul.u32 $0x2700, s1;
	s11 =	sadd.s32 $0x5CB000, s6  }
0x6: {  	s13 =	sadd.s32 $0x1B800, s6;
	s10 =	sand.u32 $0x1, s4;
	s8 =	smul.u32 $0x4E000, s1  }
0x7: {  	s7 =	sshll.u32 s1, $0x1;
	s12 =	sadd.s32 $0x9AC00, s6;
	s20 =	smul.u32 $0x4E20, s1  }
0x8: {  	s26 =	sshll.u32 s1, $0x6;
	s16 =	sadd.s32 $0x138000, s2;
	s29 =	smul.u32 $0x4E200, s1  }
0x9: {  	p0 =	sne.s32 s1, $0xF;
	_ =	strace $0x80000062;
	s17 =	smul.u32 $0x27100, s10  }
0xa: {  	s4 =	ssub.s32 $0x2, s10;
	s7 =	sor.u32 s10, s7;
	s18 =	smul.u32 $0x138800, s10  }
0xb: {  	s10 =	smul.u32 $0x2710, s10;
	s16 =	sshrl.u32 @!p0 s16, $0x3;
	s5 =	sadd.s32 s9, s6  }
0xc: {  	s14 =	sshrl.u32 s4, $0x1;
	s7 =	smul.u32 $0x2710, s7;
	s25 =	sshrl.u32 s8, $0x2  }
0xd: {  	s6 =	sadd.s32 $0x9AA00, s6;
	s31 =	sadd.s32 s29, s11;
	s14 =	ssub.s32 s4, s14  }
0xe: {  	s15 =	sadd.s32 s25, s2;
	s4 =	sadd.s32 $0x73A00, s5;
	s5 =	sor.u32 $0x1C01, s26  }
0xf: {  	s9 =	sadd.s32 s9, s17;
	s18 =	sshrl.u32 s18, $0x3;
	s30 =	sadd.s32 s10, s20  }
0x10: {  	s20 =	simm.s32 $0x10;
	s7 =	sadd.s32 $0x2700, s7;
	s9 =	sadd.s32 s12, s9  }
0x11: {  	s12 =	sadd.s32 s12, s18;
	s18 =	sshrl.u32 s30, $0x3;
	s28 =	sshrl.u32 s7, $0x3  }
0x12: {  	s19 =	sshll.u32 s7, $0x4;
	s10 =	sadd.s32 $0x27000, s12;
	s12 =	sadd.s32 s17, s31  }
0x13: {  	s17 =	simm.s32 $0x80;
	s7 =	sadd.s32 s13, s28;
	s8 =	sadd.s32 s11, s19  }
0x14: {  	s11 =	smax.u32 s14, $0x1;
	s13 =	sadd.s32 s18, s13;
	s14 =	sshrl.u32 s15, $0x3  }
0x15: {  	s15 =	simm.s32 $0x1;
	s18 =	simm.s32 $0x4080;
	s19 =	simm.s32 $0x4100  }
.LBB2_1:
0x16: {  	[spmem:s14], [sflag:s5] =	dma.local [hbm:s4], $0x2700  }
0x17: {  	_ =	swait.ge [sflag:s15], $0x2700  }
0x18: {  	[sflag:s15] =	ssyncset.done $0x0  }
0x19: {  	s22 =	simm.s32 @!p0 $0x1;
	[sflag:s15] =	ssyncadd.s32 $0xFFFFD900  }
0x1a: {  	[spmem:s16], [sflag:s5] =	dma.local @!p0 [hbm:s6], $0x100  }
0x1b: {  	_ =	swait.ge @!p0 [sflag:s22], $0x100  }
0x1c: {  	[sflag:s22] =	ssyncset.done @!p0 $0x0  }
0x1d: {  	[sflag:s22] =	ssyncadd.s32 @!p0 $0xFFFFFF00  }
0x1e: {  	s31 =	sadd.s32 $0x0, s13;
	[bflag:$0x0] =	sbarrier.arrive $0xFFFF  }
0x1f: {  	[tilespmem:s3], [sflag:$0x1] =	stream.linear.gather [hbm4b:s31+s3], $0x80, $0x38;
	[tilespmem:$0x18180] =	vst v63  }
0x20: {  	_ =	swait.ge [sflag:s15], $0x80  }
0x21: {  	[sflag:s15] =	ssyncset.done $0x0  }
0x22: {  	[sflag:s15] =	ssyncadd.s32 $0xFFFFFF80  }
0x23: {  	[tilespmem:s17], [sflag:$0x1] =	stream.linear.gather [hbm4b:s12+s3], $0x4000, $0x38;
	[tilespmem:$0x18180] =	vst v63  }
0x24: {  	_ =	swait.ge [sflag:s15], $0x4000  }
0x25: {  	[sflag:s15] =	ssyncset.done $0x0  }
0x26: {  	[sflag:s15] =	ssyncadd.s32 $0xFFFFC000  }
0x27: {  	[spmem:s2] =	stream.indirect.scatter.add.f32 [tilespmem:s17], [sflag:$0x1], $0x80, s3, s17, $0xb8;
	[tilespmem:$0x18180] =	vst v63  }
0x28: {  	s23 =	simm.s32 $0x10;
	_ =	swait.ge [sflag:s15], $0x4000  }
0x29: {  	s24 =	simm.s32 $0x20;
	s22 =	sadd.s32 $0x800, s12;
	[sflag:s15] =	ssyncset.done $0x0  }
.LBB2_2:
0x2a: {  	s25 =	sadd.s32 s23, s13  }
0x2b: {  	[sflag:s15] =	ssyncadd.s32 $0xFFFFC000;
	s23 =	smov.u32 s24;
	s26 =	sadd.s32 $0x10, s24  }
0x2c: {  	[tilespmem:s3], [sflag:$0x1] =	stream.linear.gather [hbm4b:s25+s3], $0x80, $0x38;
	[tilespmem:$0x18180] =	vst v63  }
0x2d: {  	p1 =	sne.s32 s24, $0x4D0;
	_ =	swait.ge [sflag:s15], $0x80  }
0x2e: {  	[sflag:s15] =	ssyncset.done $0x0  }
0x2f: {  	[sflag:s15] =	ssyncadd.s32 $0xFFFFFF80  }
0x30: {  	[tilespmem:s17], [sflag:$0x1] =	stream.linear.gather [hbm4b:s22+s3], $0x4000, $0x38;
	[tilespmem:$0x18180] =	vst v63  }
0x31: {  	_ =	swait.ge [sflag:s15], $0x4000  }
.Ltmp0:
0x32: {  	[sflag:s15] =	ssyncset.done $0x0;
	(pc) =	sbr.rel @p1 .LBB2_2-.Ltmp0, $4  }
0x33: {  	[sflag:s15] =	ssyncadd.s32 $0xFFFFC000  }
0x34: {  	[spmem:s2] =	stream.indirect.scatter.add.f32 [tilespmem:s17], [sflag:$0x1], $0x80, s3, s17, $0xb8;
	[tilespmem:$0x18180] =	vst v63  }
0x35: {  	_ =	swait.ge [sflag:s15], $0x4000  }
0x36: {  	s24 =	smov.u32 s26;
	s22 =	sadd.s32 $0x800, s22;
	[sflag:s15] =	ssyncset.done $0x0  }
0x37: {  	s23 =	sadd.s32 s23, s13;
	[sflag:s15] =	ssyncadd.s32 $0xFFFFC000  }
0x38: {  	[tilespmem:s3], [sflag:$0x1] =	stream.linear.gather [hbm4b:s23+s3], $0x80, $0x38;
	[tilespmem:$0x18180] =	vst v63  }
0x39: {  	_ =	swait.ge [sflag:s15], $0x80  }
0x3a: {  	[sflag:s15] =	ssyncset.done $0x0  }
0x3b: {  	[sflag:s15] =	ssyncadd.s32 $0xFFFFFF80  }
0x3c: {  	[tilespmem:s17], [sflag:$0x1] =	stream.linear.gather [hbm4b:s22+s3], $0x4000, $0x38;
	[tilespmem:$0x18180] =	vst v63  }
0x3d: {  	_ =	swait.ge [sflag:s15], $0x4000  }
0x3e: {  	[sflag:s15] =	ssyncset.done $0x0  }
0x3f: {  	[sflag:s15] =	ssyncadd.s32 $0xFFFFC000  }
0x40: {  	[spmem:s2] =	stream.indirect.scatter.add.f32 [tilespmem:s17], [sflag:$0x1], $0x80, s3, s17, $0xb8;
	[tilespmem:$0x18180] =	vst v63  }
0x41: {  	_ =	swait.ge [sflag:s15], $0x4000  }
0x42: {  	[sflag:s15] =	ssyncset.done $0x0  }
0x43: {  	[sflag:s15] =	ssyncadd.s32 $0xFFFFC000  }
0x44: {  	[tilespmem:s18], [sflag:$0x1] =	stream.linear.gather [hbm4b:s7+s3], $0x10, $0x38;
	[tilespmem:$0x18180] =	vst v63  }
0x45: {  	_ =	swait.ge [sflag:s15], $0x10  }
0x46: {  	[sflag:s15] =	ssyncset.done $0x0  }
0x47: {  	[sflag:s15] =	ssyncadd.s32 $0xFFFFFFF0  }
0x48: {  	[tilespmem:s19], [sflag:$0x1] =	stream.linear.gather [hbm4b:s8+s3], $0x800, $0x38;
	[tilespmem:$0x18180] =	vst v63  }
0x49: {  	_ =	swait.ge [sflag:s15], $0x800  }
0x4a: {  	[sflag:s15] =	ssyncset.done $0x0  }
0x4b: {  	[sflag:s15] =	ssyncadd.s32 $0xFFFFF800  }
0x4c: {  	[spmem:s2] =	stream.indirect.scatter.add.f32 [tilespmem:s19], [sflag:$0x1], $0x80, s18, s20, $0xb8;
	[tilespmem:$0x18180] =	vst v63  }
0x4d: {  	_ =	swait.ge [sflag:s15], $0x800  }
0x4e: {  	[sflag:s15] =	ssyncset.done $0x0  }
0x4f: {  	[sflag:s15] =	ssyncadd.s32 $0xFFFFF800  }
0x50: {  	[bflag:$0x0] =	sbarrier.arrive $0xFFFF  }
0x51: {  	[hbm:s9], [sflag:s5] =	dma.local [spmem:s14], $0x2700  }
0x52: {  	s21 =	sadd.s32 $0x1, s21;
	_ =	swait.ge [sflag:s15], $0x2700  }
0x53: {  	p1 =	sne.s32 s21, s11;
	[sflag:s15] =	ssyncset.done $0x0  }
.Ltmp1:
0x54: {  	s22 =	simm.s32 @!p0 $0x1;
	[sflag:s15] =	ssyncadd.s32 $0xFFFFD900;
	(pc) =	sbr.rel @p1 .LBB2_1-.Ltmp1, $4  }
0x55: {  	[hbm:s10], [sflag:s5] =	dma.local @!p0 [spmem:s16], $0x100  }
0x56: {  	_ =	swait.ge @!p0 [sflag:s22], $0x100  }
0x57: {  	[sflag:s22] =	ssyncset.done @!p0 $0x0  }
0x58: {  	[sflag:s22] =	ssyncadd.s32 @!p0 $0xFFFFFF00  }
0x59: {  	_ =	sfence.sel $0x180000  }
0x5a: {  	[bflag:$0x0] =	sbarrier.arrive $0xFFFF  }
0x5b: {  	p0 =	sne.s32 s1, $0x0;
	_ =	strace $0x90000062  }
0x5c: {  	s0 =	sadd.s32 @!p0 $0x100000, s0;
	[bflag:$0x2] =	sbarrier.arrive $0xFFFF  }
0x5d: {  	[sflag:s0] =	ssyncadd.tile.s32 @!p0 $0x1;
	_ =	shalt  }
.Lfunc_end2:
_tile_overlayer_lowered:
.L_overlay_start_2:
0x5e: {  	(tag) =	ssettag $0x2  }
0x5f: {  	s0 =	rddreg [dreg:$0x0];
	s2 =	stileid.u32  }
0x60: {  	s1 =	rddreg [dreg:$0x1];
	p0 =	sne.s32 s2, $0x0  }
0x61: {  	s3 =	rddreg [dreg:$0x2];
	[bflag:$0x3] =	sbarrier.arrive $0xFFFF;
	s2 =	simm.s32 @!p0 $0x1C01  }
0x62: {  	[timem:s3], [sflag:s2] =	dma.local @!p0 [hbm:s0], s1  }
0x63: {  	s0 =	simm.s32 @!p0 $0x1  }
0x64: {  	_ =	swait.ge @!p0 [sflag:s0], s1  }
0x65: {  	s1 =	ssub.s32 @!p0 $0x0, s1;
	[sflag:s0] =	ssyncset.done @!p0 $0x0  }
0x66: {  	[sflag:s0] =	ssyncadd.s32 @!p0 s1  }
0x67: {  	[bflag:$0x3] =	sbarrier.arrive $0xFFFF  }
0x68: {  	_ =	shalt  }

</sc_bundles>
